<compile_context>
chip_gen: v7x
topology: tpu7x:2x2x1
jax: 0.10.2.dev20260603
libtpu: 0.0.44.dev20260713+nightly
codegen_flags: <defaults>
</compile_context>

<pallas_src>
import functools

import jax
import jax.numpy as jnp
from jax import lax
from jax.experimental import pallas as pl
from jax.experimental.pallas import tpu as pltpu
from jax.experimental.pallas import tpu_sc as plsc

REP = 128
HID = 2 * REP
N_NODES = 10000
N_EDGES = 320000

NC = 2
NS = 16
NW = NC * NS

NSLICE = 5
E_SLICE = N_EDGES // NSLICE
EPS = E_SLICE // NW
G_CHUNK = 80
G_NCHUNK = EPS // G_CHUNK
S_CHUNK = 80
NSPLIT_A = 3

N_NODES_PAD = 10240
NPW = N_NODES_PAD // NS


@functools.cache
def _sc_mesh():
    return plsc.VectorSubcoreMesh(core_axis_name="c", subcore_axis_name="s")


@functools.cache
def _build_sc_gather():
    @functools.partial(
        pl.kernel,
        mesh=_sc_mesh(),
        out_type=(
            jax.ShapeDtypeStruct((E_SLICE, REP), jnp.float32),
            jax.ShapeDtypeStruct((E_SLICE, REP), jnp.float32),
        ),
        scratch_types=[
            pltpu.VMEM((G_NCHUNK, G_CHUNK), jnp.int32),
            pltpu.VMEM((G_NCHUNK, G_CHUNK), jnp.int32),
            pltpu.VMEM((2, G_CHUNK, REP), jnp.float32),
            pltpu.VMEM((2, G_CHUNK, REP), jnp.float32),
            pltpu.VMEM_SHARED((N_NODES_PAD, REP), jnp.float32),
            pltpu.SemaphoreType.DMA((2,)),
            pltpu.SemaphoreType.DMA((2,)),
            pltpu.SemaphoreType.DMA((2,)),
            pltpu.SemaphoreType.DMA((2,)),
        ],
    )
    def sc_gather(table, src_r, dst_r, gsrc, gdst,
                  idx_s, idx_d, rows_s, rows_d, tbl,
                  gsem_s, gsem_d, wsem_s, wsem_d):
        c = lax.axis_index("c")
        s = lax.axis_index("s")
        base = (c * NS + s) * EPS
        pltpu.sync_copy(table.at[pl.ds(s * NPW, NPW)], tbl.at[pl.ds(s * NPW, NPW)])
        pltpu.sync_copy(src_r.at[c, s], idx_s)
        pltpu.sync_copy(dst_r.at[c, s], idx_d)
        plsc.subcore_barrier()

        def start_gather(i, p):
            pltpu.async_copy(tbl.at[idx_s.at[i]], rows_s.at[p], gsem_s.at[p])
            pltpu.async_copy(tbl.at[idx_d.at[i]], rows_d.at[p], gsem_d.at[p])

        def wait_gather(i, p):
            pltpu.make_async_copy(tbl.at[idx_s.at[i]], rows_s.at[p],
                                  gsem_s.at[p]).wait()
            pltpu.make_async_copy(tbl.at[idx_d.at[i]], rows_d.at[p],
                                  gsem_d.at[p]).wait()

        def wait_write(i, p):
            off = base + i * G_CHUNK
            pltpu.make_async_copy(rows_s.at[p], gsrc.at[pl.ds(off, G_CHUNK)],
                                  wsem_s.at[p]).wait()
            pltpu.make_async_copy(rows_d.at[p], gdst.at[pl.ds(off, G_CHUNK)],
                                  wsem_d.at[p]).wait()

        start_gather(0, 0)

        def body(i, carry):
            p = i % 2

            @pl.when(i + 1 < G_NCHUNK)
            def _():
                @pl.when(i >= 1)
                def _():
                    wait_write(i - 1, 1 - p)
                start_gather(i + 1, 1 - p)

            wait_gather(i, p)
            off = base + i * G_CHUNK
            pltpu.async_copy(rows_s.at[p], gsrc.at[pl.ds(off, G_CHUNK)],
                             wsem_s.at[p])
            pltpu.async_copy(rows_d.at[p], gdst.at[pl.ds(off, G_CHUNK)],
                             wsem_d.at[p])
            return carry

        lax.fori_loop(0, G_NCHUNK, body, 0)
        wait_write(G_NCHUNK - 2, G_NCHUNK % 2)
        wait_write(G_NCHUNK - 1, (G_NCHUNK - 1) % 2)

    return sc_gather


@functools.cache
def _build_sc_scatter(s_nchunk):

    @functools.partial(
        pl.kernel,
        mesh=_sc_mesh(),
        out_type=jax.ShapeDtypeStruct((NC, N_NODES_PAD, REP), jnp.float32),
        scratch_types=[
            pltpu.VMEM((2, S_CHUNK), jnp.int32),
            pltpu.VMEM((2, S_CHUNK), jnp.int32),
            pltpu.VMEM((2, S_CHUNK, REP), jnp.float32),
            pltpu.VMEM_SHARED((N_NODES_PAD, REP), jnp.float32),
            pltpu.SemaphoreType.DMA((2,)),
            pltpu.SemaphoreType.DMA((2,)),
            pltpu.SemaphoreType.DMA((2,)),
            pltpu.SemaphoreType.DMA((2,)),
            pltpu.SemaphoreType.DMA((2,)),
        ],
    )
    def sc_scatter(eo_r, src_r, dst_r, zeros, out, idx_s, idx_d, rows, acc,
                   rsem, isem_s, isem_d, asem_s, asem_d):
        c = lax.axis_index("c")
        s = lax.axis_index("s")
        pltpu.sync_copy(zeros.at[pl.ds(s * NPW, NPW)], acc.at[pl.ds(s * NPW, NPW)])
        plsc.subcore_barrier()

        def start_chunk(i, p):
            pltpu.async_copy(src_r.at[c, s, i], idx_s.at[p], isem_s.at[p])
            pltpu.async_copy(dst_r.at[c, s, i], idx_d.at[p], isem_d.at[p])
            pltpu.async_copy(eo_r.at[c, s, i], rows.at[p], rsem.at[p])

        def wait_chunk(i, p):
            pltpu.make_async_copy(src_r.at[c, s, i], idx_s.at[p],
                                  isem_s.at[p]).wait()
            pltpu.make_async_copy(dst_r.at[c, s, i], idx_d.at[p],
                                  isem_d.at[p]).wait()
            pltpu.make_async_copy(eo_r.at[c, s, i], rows.at[p],
                                  rsem.at[p]).wait()

        def start_adds(p):
            pltpu.async_copy(rows.at[p], acc.at[idx_s.at[p]], asem_s.at[p],
                             add=True)
            pltpu.async_copy(rows.at[p], acc.at[idx_d.at[p]], asem_d.at[p],
                             add=True)

        def wait_adds(p):
            pltpu.make_async_copy(rows.at[p], acc.at[idx_s.at[p]],
                                  asem_s.at[p]).wait()
            pltpu.make_async_copy(rows.at[p], acc.at[idx_d.at[p]],
                                  asem_d.at[p]).wait()

        start_chunk(0, 0)

        def body(i, carry):
            p = i % 2

            @pl.when(i + 1 < s_nchunk)
            def _():
                @pl.when(i >= 1)
                def _():
                    wait_adds(1 - p)
                start_chunk(i + 1, 1 - p)

            wait_chunk(i, p)
            start_adds(p)
            return carry

        lax.fori_loop(0, s_nchunk, body, 0)
        wait_adds(s_nchunk % 2)
        wait_adds((s_nchunk - 1) % 2)
        plsc.subcore_barrier()
        pltpu.sync_copy(acc.at[pl.ds(s * NPW, NPW)],
                        out.at[c].at[pl.ds(s * NPW, NPW)])

    return sc_scatter


def _edge_math(ea, gs, gd, w1a, w1b, w1c, b1, w2, b2, out):
    f32 = jnp.float32
    bf = jnp.bfloat16
    h = (jnp.dot(ea[...].astype(bf), w1a[...], preferred_element_type=f32)
         + jnp.dot(gs[...].astype(bf), w1b[...], preferred_element_type=f32)
         + jnp.dot(gd[...].astype(bf), w1c[...], preferred_element_type=f32)
         + b1[...])
    h = jnp.maximum(h, 0.0).astype(bf)
    out[...] = jnp.dot(h, w2[...], preferred_element_type=f32) + b2[...]


def _edge_body_first(ea, gs, gd, w1a, w1b, w1c, b1, w2, b2, out):
    _edge_math(ea, gs, gd, w1a, w1b, w1c, b1, w2, b2, out)


def _edge_body_acc(prev, ea, gs, gd, w1a, w1b, w1c, b1, w2, b2, out):
    del prev
    _edge_math(ea, gs, gd, w1a, w1b, w1c, b1, w2, b2, out)


def _node_body(nr, p0, p1, p2, p3, w1a, w1b, b1, w2, b2, out):
    e2n = (p0[...][0] + p1[...][0]) + (p2[...][0] + p3[...][0])
    g = (jnp.dot(nr[...], w1a[...], preferred_element_type=jnp.float32)
         + jnp.dot(e2n, w1b[...], preferred_element_type=jnp.float32)
         + b1[...])
    g = jnp.maximum(g, 0.0)
    out[...] = jnp.dot(g, w2[...], preferred_element_type=jnp.float32) + b2[...]


_BE = 2000
NBLK = E_SLICE // _BE
_BN = 1000


def _full(shape):
    return pl.BlockSpec(shape, lambda i: (0, 0))


def _edge_mlp_slice(q_global, q_local, n_chain, eo_prev,
                    edge_attr, gs, gd, weights):
    out_shape = jax.ShapeDtypeStruct((n_chain * E_SLICE, REP), jnp.float32)
    row_a = pl.BlockSpec((_BE, REP), lambda i, q=q_global: (q * NBLK + i, 0))
    row_o = pl.BlockSpec((_BE, REP), lambda i, q=q_local: (q * NBLK + i, 0))
    row_l = pl.BlockSpec((_BE, REP), lambda i: (i, 0))
    wspecs = [_full((REP, HID)), _full((REP, HID)), _full((REP, HID)),
              _full((1, HID)), _full((HID, REP)), _full((1, REP))]
    if eo_prev is None:
        return pl.pallas_call(
            _edge_body_first,
            grid=(NBLK,),
            in_specs=[row_a, row_l, row_l] + wspecs,
            out_specs=row_o,
            out_shape=out_shape,
        )(edge_attr, gs, gd, *weights)
    return pl.pallas_call(
        _edge_body_acc,
        grid=(NBLK,),
        in_specs=[pl.BlockSpec(memory_space=pl.ANY), row_a, row_l, row_l]
        + wspecs,
        out_specs=row_o,
        out_shape=out_shape,
        input_output_aliases={0: 0},
    )(eo_prev, edge_attr, gs, gd, *weights)


def _node_mlp(node_rep, partials_a, partials_b, w1a, w1b, b1, w2, b2):
    row = pl.BlockSpec((_BN, REP), lambda i: (i, 0))
    p0 = pl.BlockSpec((1, _BN, REP), lambda i: (0, i, 0))
    p1 = pl.BlockSpec((1, _BN, REP), lambda i: (1, i, 0))
    return pl.pallas_call(
        _node_body,
        grid=(N_NODES // _BN,),
        in_specs=[row, p0, p1, p0, p1,
                  _full((REP, HID)), _full((REP, HID)),
                  _full((1, HID)), _full((HID, REP)), _full((1, REP))],
        out_specs=row,
        out_shape=jax.ShapeDtypeStruct((N_NODES, REP), jnp.float32),
    )(node_rep, partials_a, partials_a, partials_b, partials_b,
      w1a, w1b, b1, w2, b2)


def kernel(node_rep, edge_index, edge_attr, We1, be1, We2, be2, Wn1, bn1, Wn2, bn2):
    bf = jnp.bfloat16
    src = edge_index[0].astype(jnp.int32)
    dst = edge_index[1].astype(jnp.int32)
    src_g = src.reshape(NSLICE, NC, NS, G_NCHUNK, G_CHUNK)
    dst_g = dst.reshape(NSLICE, NC, NS, G_NCHUNK, G_CHUNK)

    node_pad = jnp.zeros((N_NODES_PAD, REP), jnp.float32).at[:N_NODES].set(node_rep)
    sc_gather = _build_sc_gather()
    gathered = [sc_gather(node_pad, src_g[q], dst_g[q]) for q in range(NSLICE)]

    weights = (We1[:REP].astype(bf), We1[REP:2 * REP].astype(bf),
               We1[2 * REP:].astype(bf), be1.reshape(1, HID),
               We2.astype(bf), be2.reshape(1, REP))
    eo_a = None
    for ql, q in enumerate(range(NSPLIT_A)):
        eo_a = _edge_mlp_slice(q, ql, NSPLIT_A, eo_a, edge_attr,
                               *gathered[q], weights)
    eo_b = None
    for ql, q in enumerate(range(NSPLIT_A, NSLICE)):
        eo_b = _edge_mlp_slice(q, ql, NSLICE - NSPLIT_A, eo_b, edge_attr,
                               *gathered[q], weights)

    zeros = jnp.zeros((N_NODES_PAD, REP), jnp.float32)
    n_edges_a = NSPLIT_A * E_SLICE
    nchunk_a = n_edges_a // NW // S_CHUNK
    nchunk_b = (N_EDGES - n_edges_a) // NW // S_CHUNK
    partials_a = _build_sc_scatter(nchunk_a)(
        eo_a.reshape(NC, NS, nchunk_a, S_CHUNK, REP),
        src[:n_edges_a].reshape(NC, NS, nchunk_a, S_CHUNK),
        dst[:n_edges_a].reshape(NC, NS, nchunk_a, S_CHUNK), zeros)
    partials_b = _build_sc_scatter(nchunk_b)(
        eo_b.reshape(NC, NS, nchunk_b, S_CHUNK, REP),
        src[n_edges_a:].reshape(NC, NS, nchunk_b, S_CHUNK),
        dst[n_edges_a:].reshape(NC, NS, nchunk_b, S_CHUNK), zeros)

    edge_out = jnp.concatenate([eo_a, eo_b], axis=0)
    node_out = _node_mlp(node_rep, partials_a, partials_b,
                         Wn1[:REP], Wn1[REP:],
                         bn1.reshape(1, HID), Wn2, bn2.reshape(1, REP))
    return node_out, edge_out

# --- scband reference (transcript-rebuilt; emitter-appended) ---
"""Pipeline reference for scband-edge-node-50869592655555 (READ-ONLY COPY).

The authoritative reference and input builder live on the scoring server;
editing this copy changes nothing except your own understanding.
"""

import jax, jax.numpy as jnp
import numpy as np

REP = 128
N_NODES = 10000
N_EDGES = 320000
HID = REP * 2


def setup_inputs(seed: int = 0) -> dict:
    key = jax.random.key(seed)
    ks = jax.random.split(key, 12)
    node_rep = jax.random.normal(ks[0], (N_NODES, REP), dtype=jnp.float32)
    edge_index = jax.random.randint(ks[1], (2, N_EDGES), 0, N_NODES, dtype=jnp.int64)
    edge_attr = jax.random.normal(ks[2], (N_EDGES, REP), dtype=jnp.float32)
    # edge_mlp_0: in = 3*REP (edge_attr ++ gathered endpoint node feats), hidden = 2*REP, out = REP
    We1 = jax.random.normal(ks[3], (3 * REP, HID), dtype=jnp.float32) * (1.0 / np.sqrt(3 * REP))
    be1 = jnp.zeros((HID,), dtype=jnp.float32)
    We2 = jax.random.normal(ks[4], (HID, REP), dtype=jnp.float32) * (1.0 / np.sqrt(HID))
    be2 = jnp.zeros((REP,), dtype=jnp.float32)
    # node_mlp: in = 2*REP (node_rep ++ edge2node), hidden = 2*REP, out = REP
    Wn1 = jax.random.normal(ks[5], (2 * REP, HID), dtype=jnp.float32) * (1.0 / np.sqrt(2 * REP))
    bn1 = jnp.zeros((HID,), dtype=jnp.float32)
    Wn2 = jax.random.normal(ks[6], (HID, REP), dtype=jnp.float32) * (1.0 / np.sqrt(HID))
    bn2 = jnp.zeros((REP,), dtype=jnp.float32)
    return {"node_rep": node_rep, "edge_index": edge_index, "edge_attr": edge_attr,
            "We1": We1, "be1": be1, "We2": We2, "be2": be2,
            "Wn1": Wn1, "bn1": bn1, "Wn2": Wn2, "bn2": bn2}


def reference(node_rep, edge_index, edge_attr, We1, be1, We2, be2, Wn1, bn1, Wn2, bn2):
    src = edge_index[0]
    dst = edge_index[1]
    # gather_from_ptensors(node_rep, G, edge): node features gathered onto each
    # edge subgraph (2 atoms) -> per-edge concatenation of both endpoint vectors
    node2edge = jnp.concatenate([jnp.take(node_rep, src, axis=0),
                                 jnp.take(node_rep, dst, axis=0)], axis=-1)
    # edge_mlp_0 on [edge_attr, node2edge] -> 3*REP input
    h = jnp.concatenate([edge_attr, node2edge], axis=-1)
    h = jax.nn.relu(h @ We1 + be1)
    edge_out = h @ We2 + be2
    # gather_from_ptensors(edge_out, G, node): each node sums features of all
    # incident edges (scatter-add to both endpoints)
    n = node_rep.shape[0]
    edge2node = jnp.zeros((n, edge_out.shape[1]), dtype=edge_out.dtype)
    edge2node = edge2node.at[src].add(edge_out)
    edge2node = edge2node.at[dst].add(edge_out)
    # node_mlp on [node_rep, edge2node] -> 2*REP input
    g = jnp.concatenate([node_rep, edge2node], axis=-1)
    g = jax.nn.relu(g @ Wn1 + bn1)
    node_out = g @ Wn2 + bn2
    return (node_out, edge_out)

if __name__ == "__main__":
    import jax
    _d = setup_inputs()
    print(jax.jit(kernel)(*tuple(_d.values())))

</pallas_src>

<mosaic_0001>
#map = affine_map<(d0, d1) -> (0, 0)>
#map1 = affine_map<(d0, d1) -> (0, 0, 0, 0)>
module attributes {stable_mosaic.version = 14 : i64} {
  func.func @sc_gather(%arg0: i32, %arg1: i32, %arg2: memref<10240x128xf32, #tpu.memory_space<hbm>>, %arg3: memref<2x16x25x80xi32, #tpu.memory_space<hbm>>, %arg4: memref<2x16x25x80xi32, #tpu.memory_space<hbm>>, %arg5: memref<64000x128xf32, #tpu.memory_space<hbm>>, %arg6: memref<64000x128xf32, #tpu.memory_space<hbm>>, %arg7: memref<25x80xi32, #tpu.memory_space<vmem>>, %arg8: memref<25x80xi32, #tpu.memory_space<vmem>>, %arg9: memref<2x80x128xf32, #tpu.memory_space<vmem>>, %arg10: memref<2x80x128xf32, #tpu.memory_space<vmem>>, %arg11: memref<10240x128xf32, #tpu.memory_space<vmem_shared>>, %arg12: memref<2x!tpu.dma_semaphore, #tpu.memory_space<semaphore_mem>>, %arg13: memref<2x!tpu.dma_semaphore, #tpu.memory_space<semaphore_mem>>, %arg14: memref<2x!tpu.dma_semaphore, #tpu.memory_space<semaphore_mem>>, %arg15: memref<2x!tpu.dma_semaphore, #tpu.memory_space<semaphore_mem>>) attributes {dimension_semantics = [#tpu.dimension_semantics<core_parallel>, #tpu.dimension_semantics<subcore_parallel>], iteration_bounds = array<i64: 2, 16>, scalar_prefetch = 0 : i64, scratch_operands = 9 : i64, tpu.core_type = #tpu.core_type<sc_vector_subcore>, window_params = [{transform_indices = #map}, {transform_indices = #map1}, {transform_indices = #map1}, {transform_indices = #map}, {transform_indices = #map}]} {
    %mul3A = arith.constant 16 : i32
    %mul3A_0 = arith.muli %arg0, %mul3A : i32
    %add3A = arith.addi %mul3A_0, %arg1 : i32
    %mul3A_1 = arith.constant 2000 : i32
    %mul3A_2 = arith.muli %add3A, %mul3A_1 : i32
    %mul3A_3 = arith.constant 640 : i32
    %mul3A_4 = arith.muli %arg1, %mul3A_3 : i32
    %mul3A_5 = arith.constant 640 : i32
    %mul3A_6 = arith.muli %arg1, %mul3A_5 : i32
    "tpu.region"() ({
      %run_scoped3A = tpu.sem_alloc : memref<!tpu.dma_semaphore, #tpu.memory_space<semaphore_mem>>
      %dma_start3A_108 = arith.constant 0 : i32
      %dma_start3A_109 = tpu.memref_slice %arg11[%mul3A_6, %dma_start3A_108] : memref<10240x128xf32, #tpu.memory_space<vmem_shared>> -> memref<640x128xf32, #tpu.memory_space<vmem_shared>>
      %dma_start3A_110 = arith.constant 0 : i32
      %dma_start3A_111 = tpu.memref_slice %arg2[%mul3A_4, %dma_start3A_110] : memref<10240x128xf32, #tpu.memory_space<hbm>> -> memref<640x128xf32, #tpu.memory_space<hbm>>
      tpu.enqueue_dma source(%dma_start3A_111 : memref<640x128xf32, #tpu.memory_space<hbm>>) target(%dma_start3A_109 : memref<640x128xf32, #tpu.memory_space<vmem_shared>>) target_semaphore(%run_scoped3A : memref<!tpu.dma_semaphore, #tpu.memory_space<semaphore_mem>>)
      %dma_wait3A_112 = arith.constant 0 : i32
      %dma_wait3A_113 = tpu.memref_slice %arg11[%mul3A_6, %dma_wait3A_112] : memref<10240x128xf32, #tpu.memory_space<vmem_shared>> -> memref<640x128xf32, #tpu.memory_space<vmem_shared>>
      %dma_wait3A_114 = arith.constant 0 : i32
      %dma_wait3A_115 = tpu.memref_slice %arg2[%mul3A_4, %dma_wait3A_114] : memref<10240x128xf32, #tpu.memory_space<hbm>> -> memref<640x128xf32, #tpu.memory_space<hbm>>
      tpu.wait_dma2 semaphore(%run_scoped3A : memref<!tpu.dma_semaphore, #tpu.memory_space<semaphore_mem>>) src(%dma_wait3A_115 : memref<640x128xf32, #tpu.memory_space<hbm>>) dst(%dma_wait3A_113 : memref<640x128xf32, #tpu.memory_space<vmem_shared>>)
      tpu.yield
    }) : () -> ()
    "tpu.region"() ({
      %run_scoped3A = tpu.sem_alloc : memref<!tpu.dma_semaphore, #tpu.memory_space<semaphore_mem>>
      %dma_start3A_108 = arith.constant 0 : i32
      %dma_start3A_109 = arith.constant 0 : i32
      %dma_start3A_110 = tpu.memref_slice %arg3[%arg0, %arg1, %dma_start3A_108, %dma_start3A_109] : memref<2x16x25x80xi32, #tpu.memory_space<hbm>> -> memref<1x1x25x80xi32, #tpu.memory_space<hbm>>
      %dma_start3A_111 = tpu.memref_squeeze %dma_start3A_110 : memref<1x1x25x80xi32, #tpu.memory_space<hbm>> -> memref<25x80xi32, #tpu.memory_space<hbm>>
      %dma_start3A_112 = arith.constant 0 : i32
      %dma_start3A_113 = arith.constant 0 : i32
      %dma_start3A_114 = tpu.memref_slice %arg3[%arg0, %arg1, %dma_start3A_112, %dma_start3A_113] : memref<2x16x25x80xi32, #tpu.memory_space<hbm>> -> memref<1x1x25x80xi32, #tpu.memory_space<hbm>>
      %dma_start3A_115 = tpu.memref_squeeze %dma_start3A_114 : memref<1x1x25x80xi32, #tpu.memory_space<hbm>> -> memref<25x80xi32, #tpu.memory_space<hbm>>
      tpu.enqueue_dma source(%dma_start3A_115 : memref<25x80xi32, #tpu.memory_space<hbm>>) target(%arg7 : memref<25x80xi32, #tpu.memory_space<vmem>>) target_semaphore(%run_scoped3A : memref<!tpu.dma_semaphore, #tpu.memory_space<semaphore_mem>>)
      %dma_wait3A_116 = arith.constant 0 : i32
      %dma_wait3A_117 = arith.constant 0 : i32
      %dma_wait3A_118 = tpu.memref_slice %arg3[%arg0, %arg1, %dma_wait3A_116, %dma_wait3A_117] : memref<2x16x25x80xi32, #tpu.memory_space<hbm>> -> memref<1x1x25x80xi32, #tpu.memory_space<hbm>>
      %dma_wait3A_119 = tpu.memref_squeeze %dma_wait3A_118 : memref<1x1x25x80xi32, #tpu.memory_space<hbm>> -> memref<25x80xi32, #tpu.memory_space<hbm>>
      %dma_wait3A_120 = arith.constant 0 : i32
      %dma_wait3A_121 = arith.constant 0 : i32
      %dma_wait3A_122 = tpu.memref_slice %arg3[%arg0, %arg1, %dma_wait3A_120, %dma_wait3A_121] : memref<2x16x25x80xi32, #tpu.memory_space<hbm>> -> memref<1x1x25x80xi32, #tpu.memory_space<hbm>>
      %dma_wait3A_123 = tpu.memref_squeeze %dma_wait3A_122 : memref<1x1x25x80xi32, #tpu.memory_space<hbm>> -> memref<25x80xi32, #tpu.memory_space<hbm>>
      tpu.wait_dma2 semaphore(%run_scoped3A : memref<!tpu.dma_semaphore, #tpu.memory_space<semaphore_mem>>) src(%dma_wait3A_123 : memref<25x80xi32, #tpu.memory_space<hbm>>) dst(%arg7 : memref<25x80xi32, #tpu.memory_space<vmem>>)
      tpu.yield
    }) : () -> ()
    "tpu.region"() ({
      %run_scoped3A = tpu.sem_alloc : memref<!tpu.dma_semaphore, #tpu.memory_space<semaphore_mem>>
      %dma_start3A_108 = arith.constant 0 : i32
      %dma_start3A_109 = arith.constant 0 : i32
      %dma_start3A_110 = tpu.memref_slice %arg4[%arg0, %arg1, %dma_start3A_108, %dma_start3A_109] : memref<2x16x25x80xi32, #tpu.memory_space<hbm>> -> memref<1x1x25x80xi32, #tpu.memory_space<hbm>>
      %dma_start3A_111 = tpu.memref_squeeze %dma_start3A_110 : memref<1x1x25x80xi32, #tpu.memory_space<hbm>> -> memref<25x80xi32, #tpu.memory_space<hbm>>
      %dma_start3A_112 = arith.constant 0 : i32
      %dma_start3A_113 = arith.constant 0 : i32
      %dma_start3A_114 = tpu.memref_slice %arg4[%arg0, %arg1, %dma_start3A_112, %dma_start3A_113] : memref<2x16x25x80xi32, #tpu.memory_space<hbm>> -> memref<1x1x25x80xi32, #tpu.memory_space<hbm>>
      %dma_start3A_115 = tpu.memref_squeeze %dma_start3A_114 : memref<1x1x25x80xi32, #tpu.memory_space<hbm>> -> memref<25x80xi32, #tpu.memory_space<hbm>>
      tpu.enqueue_dma source(%dma_start3A_115 : memref<25x80xi32, #tpu.memory_space<hbm>>) target(%arg8 : memref<25x80xi32, #tpu.memory_space<vmem>>) target_semaphore(%run_scoped3A : memref<!tpu.dma_semaphore, #tpu.memory_space<semaphore_mem>>)
      %dma_wait3A_116 = arith.constant 0 : i32
      %dma_wait3A_117 = arith.constant 0 : i32
      %dma_wait3A_118 = tpu.memref_slice %arg4[%arg0, %arg1, %dma_wait3A_116, %dma_wait3A_117] : memref<2x16x25x80xi32, #tpu.memory_space<hbm>> -> memref<1x1x25x80xi32, #tpu.memory_space<hbm>>
      %dma_wait3A_119 = tpu.memref_squeeze %dma_wait3A_118 : memref<1x1x25x80xi32, #tpu.memory_space<hbm>> -> memref<25x80xi32, #tpu.memory_space<hbm>>
      %dma_wait3A_120 = arith.constant 0 : i32
      %dma_wait3A_121 = arith.constant 0 : i32
      %dma_wait3A_122 = tpu.memref_slice %arg4[%arg0, %arg1, %dma_wait3A_120, %dma_wait3A_121] : memref<2x16x25x80xi32, #tpu.memory_space<hbm>> -> memref<1x1x25x80xi32, #tpu.memory_space<hbm>>
      %dma_wait3A_123 = tpu.memref_squeeze %dma_wait3A_122 : memref<1x1x25x80xi32, #tpu.memory_space<hbm>> -> memref<25x80xi32, #tpu.memory_space<hbm>>
      tpu.wait_dma2 semaphore(%run_scoped3A : memref<!tpu.dma_semaphore, #tpu.memory_space<semaphore_mem>>) src(%dma_wait3A_123 : memref<25x80xi32, #tpu.memory_space<hbm>>) dst(%arg8 : memref<25x80xi32, #tpu.memory_space<vmem>>)
      tpu.yield
    }) : () -> ()
    %barrier3A = arith.constant 0 : index
    tpu.barrier barrier_id(%barrier3A)
    %dma_start3A = arith.constant 0 : i32
    %dma_start3A_7 = arith.constant 0 : i32
    %dma_start3A_8 = arith.constant 0 : i32
    %dma_start3A_9 = arith.constant 0 : i32
    %dma_start3A_10 = arith.constant 0 : i32
    %dma_start3A_11 = tpu.memref_slice %arg9[%dma_start3A_7, %dma_start3A_9, %dma_start3A_10] : memref<2x80x128xf32, #tpu.memory_space<vmem>> -> memref<1x80x128xf32, #tpu.memory_space<vmem>>
    %dma_start3A_12 = tpu.memref_squeeze %dma_start3A_11 : memref<1x80x128xf32, #tpu.memory_space<vmem>> -> memref<80x128xf32, #tpu.memory_space<vmem>>
    %dma_start3A_13 = arith.constant 0 : i32
    %dma_start3A_14 = tpu.memref_slice %arg7[%dma_start3A, %dma_start3A_13] : memref<25x80xi32, #tpu.memory_space<vmem>> -> memref<1x80xi32, #tpu.memory_space<vmem>>
    %dma_start3A_15 = tpu.memref_squeeze %dma_start3A_14 : memref<1x80xi32, #tpu.memory_space<vmem>> -> memref<80xi32, #tpu.memory_space<vmem>>
    %dma_start3A_16 = arith.constant 0 : i32
    %dma_start3A_17 = arith.constant 0 : i32
    %dma_start3A_18 = tpu.memref_slice %arg11[%dma_start3A_16, %dma_start3A_17] : memref<10240x128xf32, #tpu.memory_space<vmem_shared>> -> memref<10240x128xf32, #tpu.memory_space<vmem_shared>>
    %dma_start3A_19 = tpu.memref_slice %arg12[%dma_start3A_8] : memref<2x!tpu.dma_semaphore, #tpu.memory_space<semaphore_mem>> -> memref<1x!tpu.dma_semaphore, #tpu.memory_space<semaphore_mem>>
    %dma_start3A_20 = tpu.memref_squeeze %dma_start3A_19 : memref<1x!tpu.dma_semaphore, #tpu.memory_space<semaphore_mem>> -> memref<!tpu.dma_semaphore, #tpu.memory_space<semaphore_mem>>
    tpu.enqueue_indirect_dma source(%dma_start3A_18 : memref<10240x128xf32, #tpu.memory_space<vmem_shared>>) target(%dma_start3A_12 : memref<80x128xf32, #tpu.memory_space<vmem>>) offsets(%dma_start3A_15 : memref<80xi32, #tpu.memory_space<vmem>>) semaphore(%dma_start3A_20 : memref<!tpu.dma_semaphore, #tpu.memory_space<semaphore_mem>>)
    %dma_start3A_21 = arith.constant 0 : i32
    %dma_start3A_22 = arith.constant 0 : i32
    %dma_start3A_23 = arith.constant 0 : i32
    %dma_start3A_24 = arith.constant 0 : i32
    %dma_start3A_25 = arith.constant 0 : i32
    %dma_start3A_26 = tpu.memref_slice %arg10[%dma_start3A_22, %dma_start3A_24, %dma_start3A_25] : memref<2x80x128xf32, #tpu.memory_space<vmem>> -> memref<1x80x128xf32, #tpu.memory_space<vmem>>
    %dma_start3A_27 = tpu.memref_squeeze %dma_start3A_26 : memref<1x80x128xf32, #tpu.memory_space<vmem>> -> memref<80x128xf32, #tpu.memory_space<vmem>>
    %dma_start3A_28 = arith.constant 0 : i32
    %dma_start3A_29 = tpu.memref_slice %arg8[%dma_start3A_21, %dma_start3A_28] : memref<25x80xi32, #tpu.memory_space<vmem>> -> memref<1x80xi32, #tpu.memory_space<vmem>>
    %dma_start3A_30 = tpu.memref_squeeze %dma_start3A_29 : memref<1x80xi32, #tpu.memory_space<vmem>> -> memref<80xi32, #tpu.memory_space<vmem>>
    %dma_start3A_31 = arith.constant 0 : i32
    %dma_start3A_32 = arith.constant 0 : i32
    %dma_start3A_33 = tpu.memref_slice %arg11[%dma_start3A_31, %dma_start3A_32] : memref<10240x128xf32, #tpu.memory_space<vmem_shared>> -> memref<10240x128xf32, #tpu.memory_space<vmem_shared>>
    %dma_start3A_34 = tpu.memref_slice %arg13[%dma_start3A_23] : memref<2x!tpu.dma_semaphore, #tpu.memory_space<semaphore_mem>> -> memref<1x!tpu.dma_semaphore, #tpu.memory_space<semaphore_mem>>
    %dma_start3A_35 = tpu.memref_squeeze %dma_start3A_34 : memref<1x!tpu.dma_semaphore, #tpu.memory_space<semaphore_mem>> -> memref<!tpu.dma_semaphore, #tpu.memory_space<semaphore_mem>>
    tpu.enqueue_indirect_dma source(%dma_start3A_33 : memref<10240x128xf32, #tpu.memory_space<vmem_shared>>) target(%dma_start3A_27 : memref<80x128xf32, #tpu.memory_space<vmem>>) offsets(%dma_start3A_30 : memref<80xi32, #tpu.memory_space<vmem>>) semaphore(%dma_start3A_35 : memref<!tpu.dma_semaphore, #tpu.memory_space<semaphore_mem>>)
    %scan3A = arith.constant 0 : i32
    %scan3A_36 = arith.constant 0 : i32
    %scan3A_37 = arith.constant 25 : i32
    %scan3A_38 = arith.addi %scan3A_36, %scan3A_37 : i32
    %scan3A_39 = arith.constant 1 : i32
    scf.for %scan3A_108 = %scan3A_36 to %scan3A_38 step %scan3A_39  : i32 {
      %jit3A = arith.constant 2 : i32
      %eq3A = arith.constant 0 : i32
      %eq3A_109 = arith.cmpi eq, %jit3A, %eq3A : i32
      %jit3A_110 = arith.constant 1 : i32
      %select_n3A = arith.select %eq3A_109, %jit3A_110, %jit3A : i32
      %rem3A = arith.remsi %scan3A_108, %select_n3A : i32
      %ne3A = arith.constant 0 : i32
      %ne3A_111 = arith.cmpi ne, %rem3A, %ne3A : i32
      %lt3A = arith.constant 0 : i32
      %lt3A_112 = arith.cmpi slt, %rem3A, %lt3A : i32
      %lt3A_113 = arith.constant 0 : i32
      %lt3A_114 = arith.cmpi slt, %select_n3A, %lt3A_113 : i32
      %ne3A_115 = arith.xori %lt3A_112, %lt3A_114 : i1
      %and3A = arith.andi %ne3A_115, %ne3A_111 : i1
      %add3A_116 = arith.addi %rem3A, %select_n3A : i32
      %select_n3A_117 = arith.select %and3A, %add3A_116, %rem3A : i32
      %add3A_118 = arith.constant 1 : i32
      %add3A_119 = arith.addi %scan3A_108, %add3A_118 : i32
      %lt3A_120 = arith.constant 25 : i32
      %lt3A_121 = arith.cmpi slt, %add3A_119, %lt3A_120 : i32
      %convert_element_type3A = arith.extui %lt3A_121 : i1 to i32
      %cond3A = arith.constant 0 : i32
      %cond3A_122 = arith.cmpi ne, %convert_element_type3A, %cond3A : i32
      scf.if %cond3A_122 {
        %ge3A = arith.constant 1 : i32
        %ge3A_178 = arith.cmpi sge, %scan3A_108, %ge3A : i32
        %convert_element_type3A_179 = arith.extui %ge3A_178 : i1 to i32
        %cond3A_180 = arith.constant 0 : i32
        %cond3A_181 = arith.cmpi ne, %convert_element_type3A_179, %cond3A_180 : i32
        scf.if %cond3A_181 {
          %sub3A_209 = arith.constant 1 : i32
          %sub3A_210 = arith.subi %scan3A_108, %sub3A_209 : i32
          %sub3A_211 = arith.constant 1 : i32
          %sub3A_212 = arith.subi %sub3A_211, %select_n3A_117 : i32
          %mul3A_213 = arith.constant 80 : i32
          %mul3A_214 = arith.muli %sub3A_210, %mul3A_213 : i32
          %add3A_215 = arith.addi %mul3A_2, %mul3A_214 : i32
          %dma_wait3A_216 = arith.constant 0 : i32
          %dma_wait3A_217 = arith.constant 0 : i32
          %dma_wait3A_218 = tpu.memref_slice %arg9[%sub3A_212, %dma_wait3A_216, %dma_wait3A_217] : memref<2x80x128xf32, #tpu.memory_space<vmem>> -> memref<1x80x128xf32, #tpu.memory_space<vmem>>
          %dma_wait3A_219 = tpu.memref_squeeze %dma_wait3A_218 : memref<1x80x128xf32, #tpu.memory_space<vmem>> -> memref<80x128xf32, #tpu.memory_space<vmem>>
          %dma_wait3A_220 = arith.constant 0 : i32
          %dma_wait3A_221 = tpu.memref_slice %arg5[%add3A_215, %dma_wait3A_220] : memref<64000x128xf32, #tpu.memory_space<hbm>> -> memref<80x128xf32, #tpu.memory_space<hbm>>
          %dma_wait3A_222 = tpu.memref_slice %arg14[%sub3A_212] : memref<2x!tpu.dma_semaphore, #tpu.memory_space<semaphore_mem>> -> memref<1x!tpu.dma_semaphore, #tpu.memory_space<semaphore_mem>>
          %dma_wait3A_223 = tpu.memref_squeeze %dma_wait3A_222 : memref<1x!tpu.dma_semaphore, #tpu.memory_space<semaphore_mem>> -> memref<!tpu.dma_semaphore, #tpu.memory_space<semaphore_mem>>
          %dma_wait3A_224 = arith.constant 0 : i32
          %dma_wait3A_225 = tpu.memref_slice %arg5[%add3A_215, %dma_wait3A_224] : memref<64000x128xf32, #tpu.memory_space<hbm>> -> memref<80x128xf32, #tpu.memory_space<hbm>>
          %dma_wait3A_226 = arith.constant 0 : i32
          %dma_wait3A_227 = arith.constant 0 : i32
          %dma_wait3A_228 = tpu.memref_slice %arg9[%sub3A_212, %dma_wait3A_226, %dma_wait3A_227] : memref<2x80x128xf32, #tpu.memory_space<vmem>> -> memref<1x80x128xf32, #tpu.memory_space<vmem>>
          %dma_wait3A_229 = tpu.memref_squeeze %dma_wait3A_228 : memref<1x80x128xf32, #tpu.memory_space<vmem>> -> memref<80x128xf32, #tpu.memory_space<vmem>>
          tpu.wait_dma2 semaphore(%dma_wait3A_223 : memref<!tpu.dma_semaphore, #tpu.memory_space<semaphore_mem>>) src(%dma_wait3A_229 : memref<80x128xf32, #tpu.memory_space<vmem>>) dst(%dma_wait3A_225 : memref<80x128xf32, #tpu.memory_space<hbm>>)
          %dma_wait3A_230 = arith.constant 0 : i32
          %dma_wait3A_231 = arith.constant 0 : i32
          %dma_wait3A_232 = tpu.memref_slice %arg10[%sub3A_212, %dma_wait3A_230, %dma_wait3A_231] : memref<2x80x128xf32, #tpu.memory_space<vmem>> -> memref<1x80x128xf32, #tpu.memory_space<vmem>>
          %dma_wait3A_233 = tpu.memref_squeeze %dma_wait3A_232 : memref<1x80x128xf32, #tpu.memory_space<vmem>> -> memref<80x128xf32, #tpu.memory_space<vmem>>
          %dma_wait3A_234 = arith.constant 0 : i32
          %dma_wait3A_235 = tpu.memref_slice %arg6[%add3A_215, %dma_wait3A_234] : memref<64000x128xf32, #tpu.memory_space<hbm>> -> memref<80x128xf32, #tpu.memory_space<hbm>>
          %dma_wait3A_236 = tpu.memref_slice %arg15[%sub3A_212] : memref<2x!tpu.dma_semaphore, #tpu.memory_space<semaphore_mem>> -> memref<1x!tpu.dma_semaphore, #tpu.memory_space<semaphore_mem>>
          %dma_wait3A_237 = tpu.memref_squeeze %dma_wait3A_236 : memref<1x!tpu.dma_semaphore, #tpu.memory_space<semaphore_mem>> -> memref<!tpu.dma_semaphore, #tpu.memory_space<semaphore_mem>>
          %dma_wait3A_238 = arith.constant 0 : i32
          %dma_wait3A_239 = tpu.memref_slice %arg6[%add3A_215, %dma_wait3A_238] : memref<64000x128xf32, #tpu.memory_space<hbm>> -> memref<80x128xf32, #tpu.memory_space<hbm>>
          %dma_wait3A_240 = arith.constant 0 : i32
          %dma_wait3A_241 = arith.constant 0 : i32
          %dma_wait3A_242 = tpu.memref_slice %arg10[%sub3A_212, %dma_wait3A_240, %dma_wait3A_241] : memref<2x80x128xf32, #tpu.memory_space<vmem>> -> memref<1x80x128xf32, #tpu.memory_space<vmem>>
          %dma_wait3A_243 = tpu.memref_squeeze %dma_wait3A_242 : memref<1x80x128xf32, #tpu.memory_space<vmem>> -> memref<80x128xf32, #tpu.memory_space<vmem>>
          tpu.wait_dma2 semaphore(%dma_wait3A_237 : memref<!tpu.dma_semaphore, #tpu.memory_space<semaphore_mem>>) src(%dma_wait3A_243 : memref<80x128xf32, #tpu.memory_space<vmem>>) dst(%dma_wait3A_239 : memref<80x128xf32, #tpu.memory_space<hbm>>)
        } else {
        }
        %add3A_182 = arith.constant 1 : i32
        %add3A_183 = arith.addi %scan3A_108, %add3A_182 : i32
        %sub3A = arith.constant 1 : i32
        %sub3A_184 = arith.subi %sub3A, %select_n3A_117 : i32
        %dma_start3A_185 = arith.constant 0 : i32
        %dma_start3A_186 = arith.constant 0 : i32
        %dma_start3A_187 = tpu.memref_slice %arg9[%sub3A_184, %dma_start3A_185, %dma_start3A_186] : memref<2x80x128xf32, #tpu.memory_space<vmem>> -> memref<1x80x128xf32, #tpu.memory_space<vmem>>
        %dma_start3A_188 = tpu.memref_squeeze %dma_start3A_187 : memref<1x80x128xf32, #tpu.memory_space<vmem>> -> memref<80x128xf32, #tpu.memory_space<vmem>>
        %dma_start3A_189 = arith.constant 0 : i32
        %dma_start3A_190 = tpu.memref_slice %arg7[%add3A_183, %dma_start3A_189] : memref<25x80xi32, #tpu.memory_space<vmem>> -> memref<1x80xi32, #tpu.memory_space<vmem>>
        %dma_start3A_191 = tpu.memref_squeeze %dma_start3A_190 : memref<1x80xi32, #tpu.memory_space<vmem>> -> memref<80xi32, #tpu.memory_space<vmem>>
        %dma_start3A_192 = arith.constant 0 : i32
        %dma_start3A_193 = arith.constant 0 : i32
        %dma_start3A_194 = tpu.memref_slice %arg11[%dma_start3A_192, %dma_start3A_193] : memref<10240x128xf32, #tpu.memory_space<vmem_shared>> -> memref<10240x128xf32, #tpu.memory_space<vmem_shared>>
        %dma_start3A_195 = tpu.memref_slice %arg12[%sub3A_184] : memref<2x!tpu.dma_semaphore, #tpu.memory_space<semaphore_mem>> -> memref<1x!tpu.dma_semaphore, #tpu.memory_space<semaphore_mem>>
        %dma_start3A_196 = tpu.memref_squeeze %dma_start3A_195 : memref<1x!tpu.dma_semaphore, #tpu.memory_space<semaphore_mem>> -> memref<!tpu.dma_semaphore, #tpu.memory_space<semaphore_mem>>
        tpu.enqueue_indirect_dma source(%dma_start3A_194 : memref<10240x128xf32, #tpu.memory_space<vmem_shared>>) target(%dma_start3A_188 : memref<80x128xf32, #tpu.memory_space<vmem>>) offsets(%dma_start3A_191 : memref<80xi32, #tpu.memory_space<vmem>>) semaphore(%dma_start3A_196 : memref<!tpu.dma_semaphore, #tpu.memory_space<semaphore_mem>>)
        %dma_start3A_197 = arith.constant 0 : i32
        %dma_start3A_198 = arith.constant 0 : i32
        %dma_start3A_199 = tpu.memref_slice %arg10[%sub3A_184, %dma_start3A_197, %dma_start3A_198] : memref<2x80x128xf32, #tpu.memory_space<vmem>> -> memref<1x80x128xf32, #tpu.memory_space<vmem>>
        %dma_start3A_200 = tpu.memref_squeeze %dma_start3A_199 : memref<1x80x128xf32, #tpu.memory_space<vmem>> -> memref<80x128xf32, #tpu.memory_space<vmem>>
        %dma_start3A_201 = arith.constant 0 : i32
        %dma_start3A_202 = tpu.memref_slice %arg8[%add3A_183, %dma_start3A_201] : memref<25x80xi32, #tpu.memory_space<vmem>> -> memref<1x80xi32, #tpu.memory_space<vmem>>
        %dma_start3A_203 = tpu.memref_squeeze %dma_start3A_202 : memref<1x80xi32, #tpu.memory_space<vmem>> -> memref<80xi32, #tpu.memory_space<vmem>>
        %dma_start3A_204 = arith.constant 0 : i32
        %dma_start3A_205 = arith.constant 0 : i32
        %dma_start3A_206 = tpu.memref_slice %arg11[%dma_start3A_204, %dma_start3A_205] : memref<10240x128xf32, #tpu.memory_space<vmem_shared>> -> memref<10240x128xf32, #tpu.memory_space<vmem_shared>>
        %dma_start3A_207 = tpu.memref_slice %arg13[%sub3A_184] : memref<2x!tpu.dma_semaphore, #tpu.memory_space<semaphore_mem>> -> memref<1x!tpu.dma_semaphore, #tpu.memory_space<semaphore_mem>>
        %dma_start3A_208 = tpu.memref_squeeze %dma_start3A_207 : memref<1x!tpu.dma_semaphore, #tpu.memory_space<semaphore_mem>> -> memref<!tpu.dma_semaphore, #tpu.memory_space<semaphore_mem>>
        tpu.enqueue_indirect_dma source(%dma_start3A_206 : memref<10240x128xf32, #tpu.memory_space<vmem_shared>>) target(%dma_start3A_200 : memref<80x128xf32, #tpu.memory_space<vmem>>) offsets(%dma_start3A_203 : memref<80xi32, #tpu.memory_space<vmem>>) semaphore(%dma_start3A_208 : memref<!tpu.dma_semaphore, #tpu.memory_space<semaphore_mem>>)
      } else {
      }
      %dma_wait3A_123 = arith.constant 0 : i32
      %dma_wait3A_124 = arith.constant 0 : i32
      %dma_wait3A_125 = tpu.memref_slice %arg9[%select_n3A_117, %dma_wait3A_123, %dma_wait3A_124] : memref<2x80x128xf32, #tpu.memory_space<vmem>> -> memref<1x80x128xf32, #tpu.memory_space<vmem>>
      %dma_wait3A_126 = tpu.memref_squeeze %dma_wait3A_125 : memref<1x80x128xf32, #tpu.memory_space<vmem>> -> memref<80x128xf32, #tpu.memory_space<vmem>>
      %dma_wait3A_127 = arith.constant 0 : i32
      %dma_wait3A_128 = tpu.memref_slice %arg7[%scan3A_108, %dma_wait3A_127] : memref<25x80xi32, #tpu.memory_space<vmem>> -> memref<1x80xi32, #tpu.memory_space<vmem>>
      %dma_wait3A_129 = tpu.memref_squeeze %dma_wait3A_128 : memref<1x80xi32, #tpu.memory_space<vmem>> -> memref<80xi32, #tpu.memory_space<vmem>>
      %dma_wait3A_130 = arith.constant 0 : i32
      %dma_wait3A_131 = arith.constant 0 : i32
      %dma_wait3A_132 = tpu.memref_slice %arg11[%dma_wait3A_130, %dma_wait3A_131] : memref<10240x128xf32, #tpu.memory_space<vmem_shared>> -> memref<10240x128xf32, #tpu.memory_space<vmem_shared>>
      %dma_wait3A_133 = tpu.memref_slice %arg12[%select_n3A_117] : memref<2x!tpu.dma_semaphore, #tpu.memory_space<semaphore_mem>> -> memref<1x!tpu.dma_semaphore, #tpu.memory_space<semaphore_mem>>
      %dma_wait3A_134 = tpu.memref_squeeze %dma_wait3A_133 : memref<1x!tpu.dma_semaphore, #tpu.memory_space<semaphore_mem>> -> memref<!tpu.dma_semaphore, #tpu.memory_space<semaphore_mem>>
      tpu.wait_indirect_dma semaphore(%dma_wait3A_134 : memref<!tpu.dma_semaphore, #tpu.memory_space<semaphore_mem>>) src(%dma_wait3A_132 : memref<10240x128xf32, #tpu.memory_space<vmem_shared>>) dst(%dma_wait3A_126 : memref<80x128xf32, #tpu.memory_space<vmem>>)
      %dma_wait3A_135 = arith.constant 0 : i32
      %dma_wait3A_136 = arith.constant 0 : i32
      %dma_wait3A_137 = tpu.memref_slice %arg10[%select_n3A_117, %dma_wait3A_135, %dma_wait3A_136] : memref<2x80x128xf32, #tpu.memory_space<vmem>> -> memref<1x80x128xf32, #tpu.memory_space<vmem>>
      %dma_wait3A_138 = tpu.memref_squeeze %dma_wait3A_137 : memref<1x80x128xf32, #tpu.memory_space<vmem>> -> memref<80x128xf32, #tpu.memory_space<vmem>>
      %dma_wait3A_139 = arith.constant 0 : i32
      %dma_wait3A_140 = tpu.memref_slice %arg8[%scan3A_108, %dma_wait3A_139] : memref<25x80xi32, #tpu.memory_space<vmem>> -> memref<1x80xi32, #tpu.memory_space<vmem>>
      %dma_wait3A_141 = tpu.memref_squeeze %dma_wait3A_140 : memref<1x80xi32, #tpu.memory_space<vmem>> -> memref<80xi32, #tpu.memory_space<vmem>>
      %dma_wait3A_142 = arith.constant 0 : i32
      %dma_wait3A_143 = arith.constant 0 : i32
      %dma_wait3A_144 = tpu.memref_slice %arg11[%dma_wait3A_142, %dma_wait3A_143] : memref<10240x128xf32, #tpu.memory_space<vmem_shared>> -> memref<10240x128xf32, #tpu.memory_space<vmem_shared>>
      %dma_wait3A_145 = tpu.memref_slice %arg13[%select_n3A_117] : memref<2x!tpu.dma_semaphore, #tpu.memory_space<semaphore_mem>> -> memref<1x!tpu.dma_semaphore, #tpu.memory_space<semaphore_mem>>
      %dma_wait3A_146 = tpu.memref_squeeze %dma_wait3A_145 : memref<1x!tpu.dma_semaphore, #tpu.memory_space<semaphore_mem>> -> memref<!tpu.dma_semaphore, #tpu.memory_space<semaphore_mem>>
      tpu.wait_indirect_dma semaphore(%dma_wait3A_146 : memref<!tpu.dma_semaphore, #tpu.memory_space<semaphore_mem>>) src(%dma_wait3A_144 : memref<10240x128xf32, #tpu.memory_space<vmem_shared>>) dst(%dma_wait3A_138 : memref<80x128xf32, #tpu.memory_space<vmem>>)
      %mul3A_147 = arith.constant 80 : i32
      %mul3A_148 = arith.muli %scan3A_108, %mul3A_147 : i32
      %add3A_149 = arith.addi %mul3A_2, %mul3A_148 : i32
      %dma_start3A_150 = arith.constant 0 : i32
      %dma_start3A_151 = arith.constant 0 : i32
      %dma_start3A_152 = tpu.memref_slice %arg9[%select_n3A_117, %dma_start3A_150, %dma_start3A_151] : memref<2x80x128xf32, #tpu.memory_space<vmem>> -> memref<1x80x128xf32, #tpu.memory_space<vmem>>
      %dma_start3A_153 = tpu.memref_squeeze %dma_start3A_152 : memref<1x80x128xf32, #tpu.memory_space<vmem>> -> memref<80x128xf32, #tpu.memory_space<vmem>>
      %dma_start3A_154 = arith.constant 0 : i32
      %dma_start3A_155 = tpu.memref_slice %arg5[%add3A_149, %dma_start3A_154] : memref<64000x128xf32, #tpu.memory_space<hbm>> -> memref<80x128xf32, #tpu.memory_space<hbm>>
      %dma_start3A_156 = tpu.memref_slice %arg14[%select_n3A_117] : memref<2x!tpu.dma_semaphore, #tpu.memory_space<semaphore_mem>> -> memref<1x!tpu.dma_semaphore, #tpu.memory_space<semaphore_mem>>
      %dma_start3A_157 = tpu.memref_squeeze %dma_start3A_156 : memref<1x!tpu.dma_semaphore, #tpu.memory_space<semaphore_mem>> -> memref<!tpu.dma_semaphore, #tpu.memory_space<semaphore_mem>>
      %dma_start3A_158 = arith.constant 0 : i32
      %dma_start3A_159 = tpu.memref_slice %arg5[%add3A_149, %dma_start3A_158] : memref<64000x128xf32, #tpu.memory_space<hbm>> -> memref<80x128xf32, #tpu.memory_space<hbm>>
      %dma_start3A_160 = arith.constant 0 : i32
      %dma_start3A_161 = arith.constant 0 : i32
      %dma_start3A_162 = tpu.memref_slice %arg9[%select_n3A_117, %dma_start3A_160, %dma_start3A_161] : memref<2x80x128xf32, #tpu.memory_space<vmem>> -> memref<1x80x128xf32, #tpu.memory_space<vmem>>
      %dma_start3A_163 = tpu.memref_squeeze %dma_start3A_162 : memref<1x80x128xf32, #tpu.memory_space<vmem>> -> memref<80x128xf32, #tpu.memory_space<vmem>>
      tpu.enqueue_dma source(%dma_start3A_163 : memref<80x128xf32, #tpu.memory_space<vmem>>) target(%dma_start3A_159 : memref<80x128xf32, #tpu.memory_space<hbm>>) target_semaphore(%dma_start3A_157 : memref<!tpu.dma_semaphore, #tpu.memory_space<semaphore_mem>>)
      %dma_start3A_164 = arith.constant 0 : i32
      %dma_start3A_165 = arith.constant 0 : i32
      %dma_start3A_166 = tpu.memref_slice %arg10[%select_n3A_117, %dma_start3A_164, %dma_start3A_165] : memref<2x80x128xf32, #tpu.memory_space<vmem>> -> memref<1x80x128xf32, #tpu.memory_space<vmem>>
      %dma_start3A_167 = tpu.memref_squeeze %dma_start3A_166 : memref<1x80x128xf32, #tpu.memory_space<vmem>> -> memref<80x128xf32, #tpu.memory_space<vmem>>
      %dma_start3A_168 = arith.constant 0 : i32
      %dma_start3A_169 = tpu.memref_slice %arg6[%add3A_149, %dma_start3A_168] : memref<64000x128xf32, #tpu.memory_space<hbm>> -> memref<80x128xf32, #tpu.memory_space<hbm>>
      %dma_start3A_170 = tpu.memref_slice %arg15[%select_n3A_117] : memref<2x!tpu.dma_semaphore, #tpu.memory_space<semaphore_mem>> -> memref<1x!tpu.dma_semaphore, #tpu.memory_space<semaphore_mem>>
      %dma_start3A_171 = tpu.memref_squeeze %dma_start3A_170 : memref<1x!tpu.dma_semaphore, #tpu.memory_space<semaphore_mem>> -> memref<!tpu.dma_semaphore, #tpu.memory_space<semaphore_mem>>
      %dma_start3A_172 = arith.constant 0 : i32
      %dma_start3A_173 = tpu.memref_slice %arg6[%add3A_149, %dma_start3A_172] : memref<64000x128xf32, #tpu.memory_space<hbm>> -> memref<80x128xf32, #tpu.memory_space<hbm>>
      %dma_start3A_174 = arith.constant 0 : i32
      %dma_start3A_175 = arith.constant 0 : i32
      %dma_start3A_176 = tpu.memref_slice %arg10[%select_n3A_117, %dma_start3A_174, %dma_start3A_175] : memref<2x80x128xf32, #tpu.memory_space<vmem>> -> memref<1x80x128xf32, #tpu.memory_space<vmem>>
      %dma_start3A_177 = tpu.memref_squeeze %dma_start3A_176 : memref<1x80x128xf32, #tpu.memory_space<vmem>> -> memref<80x128xf32, #tpu.memory_space<vmem>>
      tpu.enqueue_dma source(%dma_start3A_177 : memref<80x128xf32, #tpu.memory_space<vmem>>) target(%dma_start3A_173 : memref<80x128xf32, #tpu.memory_space<hbm>>) target_semaphore(%dma_start3A_171 : memref<!tpu.dma_semaphore, #tpu.memory_space<semaphore_mem>>)
    }
    %scan3A_40 = arith.constant 25 : i32
    %add3A_41 = arith.constant 1840 : i32
    %add3A_42 = arith.addi %mul3A_2, %add3A_41 : i32
    %dma_wait3A = arith.constant 1 : i32
    %dma_wait3A_43 = arith.constant 1 : i32
    %dma_wait3A_44 = arith.constant 0 : i32
    %dma_wait3A_45 = arith.constant 0 : i32
    %dma_wait3A_46 = tpu.memref_slice %arg9[%dma_wait3A, %dma_wait3A_44, %dma_wait3A_45] : memref<2x80x128xf32, #tpu.memory_space<vmem>> -> memref<1x80x128xf32, #tpu.memory_space<vmem>>
    %dma_wait3A_47 = tpu.memref_squeeze %dma_wait3A_46 : memref<1x80x128xf32, #tpu.memory_space<vmem>> -> memref<80x128xf32, #tpu.memory_space<vmem>>
    %dma_wait3A_48 = arith.constant 0 : i32
    %dma_wait3A_49 = tpu.memref_slice %arg5[%add3A_42, %dma_wait3A_48] : memref<64000x128xf32, #tpu.memory_space<hbm>> -> memref<80x128xf32, #tpu.memory_space<hbm>>
    %dma_wait3A_50 = tpu.memref_slice %arg14[%dma_wait3A_43] : memref<2x!tpu.dma_semaphore, #tpu.memory_space<semaphore_mem>> -> memref<1x!tpu.dma_semaphore, #tpu.memory_space<semaphore_mem>>
    %dma_wait3A_51 = tpu.memref_squeeze %dma_wait3A_50 : memref<1x!tpu.dma_semaphore, #tpu.memory_space<semaphore_mem>> -> memref<!tpu.dma_semaphore, #tpu.memory_space<semaphore_mem>>
    %dma_wait3A_52 = arith.constant 0 : i32
    %dma_wait3A_53 = tpu.memref_slice %arg5[%add3A_42, %dma_wait3A_52] : memref<64000x128xf32, #tpu.memory_space<hbm>> -> memref<80x128xf32, #tpu.memory_space<hbm>>
    %dma_wait3A_54 = arith.constant 0 : i32
    %dma_wait3A_55 = arith.constant 0 : i32
    %dma_wait3A_56 = tpu.memref_slice %arg9[%dma_wait3A, %dma_wait3A_54, %dma_wait3A_55] : memref<2x80x128xf32, #tpu.memory_space<vmem>> -> memref<1x80x128xf32, #tpu.memory_space<vmem>>
    %dma_wait3A_57 = tpu.memref_squeeze %dma_wait3A_56 : memref<1x80x128xf32, #tpu.memory_space<vmem>> -> memref<80x128xf32, #tpu.memory_space<vmem>>
    tpu.wait_dma2 semaphore(%dma_wait3A_51 : memref<!tpu.dma_semaphore, #tpu.memory_space<semaphore_mem>>) src(%dma_wait3A_57 : memref<80x128xf32, #tpu.memory_space<vmem>>) dst(%dma_wait3A_53 : memref<80x128xf32, #tpu.memory_space<hbm>>)
    %dma_wait3A_58 = arith.constant 1 : i32
    %dma_wait3A_59 = arith.constant 1 : i32
    %dma_wait3A_60 = arith.constant 0 : i32
    %dma_wait3A_61 = arith.constant 0 : i32
    %dma_wait3A_62 = tpu.memref_slice %arg10[%dma_wait3A_58, %dma_wait3A_60, %dma_wait3A_61] : memref<2x80x128xf32, #tpu.memory_space<vmem>> -> memref<1x80x128xf32, #tpu.memory_space<vmem>>
    %dma_wait3A_63 = tpu.memref_squeeze %dma_wait3A_62 : memref<1x80x128xf32, #tpu.memory_space<vmem>> -> memref<80x128xf32, #tpu.memory_space<vmem>>
    %dma_wait3A_64 = arith.constant 0 : i32
    %dma_wait3A_65 = tpu.memref_slice %arg6[%add3A_42, %dma_wait3A_64] : memref<64000x128xf32, #tpu.memory_space<hbm>> -> memref<80x128xf32, #tpu.memory_space<hbm>>
    %dma_wait3A_66 = tpu.memref_slice %arg15[%dma_wait3A_59] : memref<2x!tpu.dma_semaphore, #tpu.memory_space<semaphore_mem>> -> memref<1x!tpu.dma_semaphore, #tpu.memory_space<semaphore_mem>>
    %dma_wait3A_67 = tpu.memref_squeeze %dma_wait3A_66 : memref<1x!tpu.dma_semaphore, #tpu.memory_space<semaphore_mem>> -> memref<!tpu.dma_semaphore, #tpu.memory_space<semaphore_mem>>
    %dma_wait3A_68 = arith.constant 0 : i32
    %dma_wait3A_69 = tpu.memref_slice %arg6[%add3A_42, %dma_wait3A_68] : memref<64000x128xf32, #tpu.memory_space<hbm>> -> memref<80x128xf32, #tpu.memory_space<hbm>>
    %dma_wait3A_70 = arith.constant 0 : i32
    %dma_wait3A_71 = arith.constant 0 : i32
    %dma_wait3A_72 = tpu.memref_slice %arg10[%dma_wait3A_58, %dma_wait3A_70, %dma_wait3A_71] : memref<2x80x128xf32, #tpu.memory_space<vmem>> -> memref<1x80x128xf32, #tpu.memory_space<vmem>>
    %dma_wait3A_73 = tpu.memref_squeeze %dma_wait3A_72 : memref<1x80x128xf32, #tpu.memory_space<vmem>> -> memref<80x128xf32, #tpu.memory_space<vmem>>
    tpu.wait_dma2 semaphore(%dma_wait3A_67 : memref<!tpu.dma_semaphore, #tpu.memory_space<semaphore_mem>>) src(%dma_wait3A_73 : memref<80x128xf32, #tpu.memory_space<vmem>>) dst(%dma_wait3A_69 : memref<80x128xf32, #tpu.memory_space<hbm>>)
    %add3A_74 = arith.constant 1920 : i32
    %add3A_75 = arith.addi %mul3A_2, %add3A_74 : i32
    %dma_wait3A_76 = arith.constant 0 : i32
    %dma_wait3A_77 = arith.constant 0 : i32
    %dma_wait3A_78 = arith.constant 0 : i32
    %dma_wait3A_79 = arith.constant 0 : i32
    %dma_wait3A_80 = tpu.memref_slice %arg9[%dma_wait3A_76, %dma_wait3A_78, %dma_wait3A_79] : memref<2x80x128xf32, #tpu.memory_space<vmem>> -> memref<1x80x128xf32, #tpu.memory_space<vmem>>
    %dma_wait3A_81 = tpu.memref_squeeze %dma_wait3A_80 : memref<1x80x128xf32, #tpu.memory_space<vmem>> -> memref<80x128xf32, #tpu.memory_space<vmem>>
    %dma_wait3A_82 = arith.constant 0 : i32
    %dma_wait3A_83 = tpu.memref_slice %arg5[%add3A_75, %dma_wait3A_82] : memref<64000x128xf32, #tpu.memory_space<hbm>> -> memref<80x128xf32, #tpu.memory_space<hbm>>
    %dma_wait3A_84 = tpu.memref_slice %arg14[%dma_wait3A_77] : memref<2x!tpu.dma_semaphore, #tpu.memory_space<semaphore_mem>> -> memref<1x!tpu.dma_semaphore, #tpu.memory_space<semaphore_mem>>
    %dma_wait3A_85 = tpu.memref_squeeze %dma_wait3A_84 : memref<1x!tpu.dma_semaphore, #tpu.memory_space<semaphore_mem>> -> memref<!tpu.dma_semaphore, #tpu.memory_space<semaphore_mem>>
    %dma_wait3A_86 = arith.constant 0 : i32
    %dma_wait3A_87 = tpu.memref_slice %arg5[%add3A_75, %dma_wait3A_86] : memref<64000x128xf32, #tpu.memory_space<hbm>> -> memref<80x128xf32, #tpu.memory_space<hbm>>
    %dma_wait3A_88 = arith.constant 0 : i32
    %dma_wait3A_89 = arith.constant 0 : i32
    %dma_wait3A_90 = tpu.memref_slice %arg9[%dma_wait3A_76, %dma_wait3A_88, %dma_wait3A_89] : memref<2x80x128xf32, #tpu.memory_space<vmem>> -> memref<1x80x128xf32, #tpu.memory_space<vmem>>
    %dma_wait3A_91 = tpu.memref_squeeze %dma_wait3A_90 : memref<1x80x128xf32, #tpu.memory_space<vmem>> -> memref<80x128xf32, #tpu.memory_space<vmem>>
    tpu.wait_dma2 semaphore(%dma_wait3A_85 : memref<!tpu.dma_semaphore, #tpu.memory_space<semaphore_mem>>) src(%dma_wait3A_91 : memref<80x128xf32, #tpu.memory_space<vmem>>) dst(%dma_wait3A_87 : memref<80x128xf32, #tpu.memory_space<hbm>>)
    %dma_wait3A_92 = arith.constant 0 : i32
    %dma_wait3A_93 = arith.constant 0 : i32
    %dma_wait3A_94 = arith.constant 0 : i32
    %dma_wait3A_95 = arith.constant 0 : i32
    %dma_wait3A_96 = tpu.memref_slice %arg10[%dma_wait3A_92, %dma_wait3A_94, %dma_wait3A_95] : memref<2x80x128xf32, #tpu.memory_space<vmem>> -> memref<1x80x128xf32, #tpu.memory_space<vmem>>
    %dma_wait3A_97 = tpu.memref_squeeze %dma_wait3A_96 : memref<1x80x128xf32, #tpu.memory_space<vmem>> -> memref<80x128xf32, #tpu.memory_space<vmem>>
    %dma_wait3A_98 = arith.constant 0 : i32
    %dma_wait3A_99 = tpu.memref_slice %arg6[%add3A_75, %dma_wait3A_98] : memref<64000x128xf32, #tpu.memory_space<hbm>> -> memref<80x128xf32, #tpu.memory_space<hbm>>
    %dma_wait3A_100 = tpu.memref_slice %arg15[%dma_wait3A_93] : memref<2x!tpu.dma_semaphore, #tpu.memory_space<semaphore_mem>> -> memref<1x!tpu.dma_semaphore, #tpu.memory_space<semaphore_mem>>
    %dma_wait3A_101 = tpu.memref_squeeze %dma_wait3A_100 : memref<1x!tpu.dma_semaphore, #tpu.memory_space<semaphore_mem>> -> memref<!tpu.dma_semaphore, #tpu.memory_space<semaphore_mem>>
    %dma_wait3A_102 = arith.constant 0 : i32
    %dma_wait3A_103 = tpu.memref_slice %arg6[%add3A_75, %dma_wait3A_102] : memref<64000x128xf32, #tpu.memory_space<hbm>> -> memref<80x128xf32, #tpu.memory_space<hbm>>
    %dma_wait3A_104 = arith.constant 0 : i32
    %dma_wait3A_105 = arith.constant 0 : i32
    %dma_wait3A_106 = tpu.memref_slice %arg10[%dma_wait3A_92, %dma_wait3A_104, %dma_wait3A_105] : memref<2x80x128xf32, #tpu.memory_space<vmem>> -> memref<1x80x128xf32, #tpu.memory_space<vmem>>
    %dma_wait3A_107 = tpu.memref_squeeze %dma_wait3A_106 : memref<1x80x128xf32, #tpu.memory_space<vmem>> -> memref<80x128xf32, #tpu.memory_space<vmem>>
    tpu.wait_dma2 semaphore(%dma_wait3A_101 : memref<!tpu.dma_semaphore, #tpu.memory_space<semaphore_mem>>) src(%dma_wait3A_107 : memref<80x128xf32, #tpu.memory_space<vmem>>) dst(%dma_wait3A_103 : memref<80x128xf32, #tpu.memory_space<hbm>>)
    return
  }
}

#map = affine_map<(d0, d1) -> (0, 0)>
#map1 = affine_map<(d0, d1) -> (0, 0, 0, 0)>
module attributes {stable_mosaic.version = 14 : i64} {
  func.func @sc_gather(%arg0: i32, %arg1: i32, %arg2: memref<10240x128xf32, #tpu.memory_space<hbm>>, %arg3: memref<2x16x25x80xi32, #tpu.memory_space<hbm>>, %arg4: memref<2x16x25x80xi32, #tpu.memory_space<hbm>>, %arg5: memref<64000x128xf32, #tpu.memory_space<hbm>>, %arg6: memref<64000x128xf32, #tpu.memory_space<hbm>>, %arg7: memref<25x80xi32, #tpu.memory_space<vmem>>, %arg8: memref<25x80xi32, #tpu.memory_space<vmem>>, %arg9: memref<2x80x128xf32, #tpu.memory_space<vmem>>, %arg10: memref<2x80x128xf32, #tpu.memory_space<vmem>>, %arg11: memref<10240x128xf32, #tpu.memory_space<vmem_shared>>, %arg12: memref<2x!tpu.dma_semaphore, #tpu.memory_space<semaphore_mem>>, %arg13: memref<2x!tpu.dma_semaphore, #tpu.memory_space<semaphore_mem>>, %arg14: memref<2x!tpu.dma_semaphore, #tpu.memory_space<semaphore_mem>>, %arg15: memref<2x!tpu.dma_semaphore, #tpu.memory_space<semaphore_mem>>) attributes {dimension_semantics = [#tpu.dimension_semantics<core_parallel>, #tpu.dimension_semantics<subcore_parallel>], iteration_bounds = array<i64: 2, 16>, scalar_prefetch = 0 : i64, scratch_operands = 9 : i64, tpu.core_type = #tpu.core_type<sc_vector_subcore>, window_params = [{transform_indices = #map}, {transform_indices = #map1}, {transform_indices = #map1}, {transform_indices = #map}, {transform_indices = #map}]} {
    %mul3A = arith.constant 16 : i32
    %mul3A_0 = arith.muli %arg0, %mul3A : i32
    %add3A = arith.addi %mul3A_0, %arg1 : i32
    %mul3A_1 = arith.constant 2000 : i32
    %mul3A_2 = arith.muli %add3A, %mul3A_1 : i32
    %mul3A_3 = arith.constant 640 : i32
    %mul3A_4 = arith.muli %arg1, %mul3A_3 : i32
    %mul3A_5 = arith.constant 640 : i32
    %mul3A_6 = arith.muli %arg1, %mul3A_5 : i32
    "tpu.region"() ({
      %run_scoped3A = tpu.sem_alloc : memref<!tpu.dma_semaphore, #tpu.memory_space<semaphore_mem>>
      %dma_start3A_108 = arith.constant 0 : i32
      %dma_start3A_109 = tpu.memref_slice %arg11[%mul3A_6, %dma_start3A_108] : memref<10240x128xf32, #tpu.memory_space<vmem_shared>> -> memref<640x128xf32, #tpu.memory_space<vmem_shared>>
      %dma_start3A_110 = arith.constant 0 : i32
      %dma_start3A_111 = tpu.memref_slice %arg2[%mul3A_4, %dma_start3A_110] : memref<10240x128xf32, #tpu.memory_space<hbm>> -> memref<640x128xf32, #tpu.memory_space<hbm>>
      tpu.enqueue_dma source(%dma_start3A_111 : memref<640x128xf32, #tpu.memory_space<hbm>>) target(%dma_start3A_109 : memref<640x128xf32, #tpu.memory_space<vmem_shared>>) target_semaphore(%run_scoped3A : memref<!tpu.dma_semaphore, #tpu.memory_space<semaphore_mem>>)
      %dma_wait3A_112 = arith.constant 0 : i32
      %dma_wait3A_113 = tpu.memref_slice %arg11[%mul3A_6, %dma_wait3A_112] : memref<10240x128xf32, #tpu.memory_space<vmem_shared>> -> memref<640x128xf32, #tpu.memory_space<vmem_shared>>
      %dma_wait3A_114 = arith.constant 0 : i32
      %dma_wait3A_115 = tpu.memref_slice %arg2[%mul3A_4, %dma_wait3A_114] : memref<10240x128xf32, #tpu.memory_space<hbm>> -> memref<640x128xf32, #tpu.memory_space<hbm>>
      tpu.wait_dma2 semaphore(%run_scoped3A : memref<!tpu.dma_semaphore, #tpu.memory_space<semaphore_mem>>) src(%dma_wait3A_115 : memref<640x128xf32, #tpu.memory_space<hbm>>) dst(%dma_wait3A_113 : memref<640x128xf32, #tpu.memory_space<vmem_shared>>)
      tpu.yield
    }) : () -> ()
    "tpu.region"() ({
      %run_scoped3A = tpu.sem_alloc : memref<!tpu.dma_semaphore, #tpu.memory_space<semaphore_mem>>
      %dma_start3A_108 = arith.constant 0 : i32
      %dma_start3A_109 = arith.constant 0 : i32
      %dma_start3A_110 = tpu.memref_slice %arg3[%arg0, %arg1, %dma_start3A_108, %dma_start3A_109] : memref<2x16x25x80xi32, #tpu.memory_space<hbm>> -> memref<1x1x25x80xi32, #tpu.memory_space<hbm>>
      %dma_start3A_111 = tpu.memref_squeeze %dma_start3A_110 : memref<1x1x25x80xi32, #tpu.memory_space<hbm>> -> memref<25x80xi32, #tpu.memory_space<hbm>>
      %dma_start3A_112 = arith.constant 0 : i32
      %dma_start3A_113 = arith.constant 0 : i32
      %dma_start3A_114 = tpu.memref_slice %arg3[%arg0, %arg1, %dma_start3A_112, %dma_start3A_113] : memref<2x16x25x80xi32, #tpu.memory_space<hbm>> -> memref<1x1x25x80xi32, #tpu.memory_space<hbm>>
      %dma_start3A_115 = tpu.memref_squeeze %dma_start3A_114 : memref<1x1x25x80xi32, #tpu.memory_space<hbm>> -> memref<25x80xi32, #tpu.memory_space<hbm>>
      tpu.enqueue_dma source(%dma_start3A_115 : memref<25x80xi32, #tpu.memory_space<hbm>>) target(%arg7 : memref<25x80xi32, #tpu.memory_space<vmem>>) target_semaphore(%run_scoped3A : memref<!tpu.dma_semaphore, #tpu.memory_space<semaphore_mem>>)
      %dma_wait3A_116 = arith.constant 0 : i32
      %dma_wait3A_117 = arith.constant 0 : i32
      %dma_wait3A_118 = tpu.memref_slice %arg3[%arg0, %arg1, %dma_wait3A_116, %dma_wait3A_117] : memref<2x16x25x80xi32, #tpu.memory_space<hbm>> -> memref<1x1x25x80xi32, #tpu.memory_space<hbm>>
      %dma_wait3A_119 = tpu.memref_squeeze %dma_wait3A_118 : memref<1x1x25x80xi32, #tpu.memory_space<hbm>> -> memref<25x80xi32, #tpu.memory_space<hbm>>
      %dma_wait3A_120 = arith.constant 0 : i32
      %dma_wait3A_121 = arith.constant 0 : i32
      %dma_wait3A_122 = tpu.memref_slice %arg3[%arg0, %arg1, %dma_wait3A_120, %dma_wait3A_121] : memref<2x16x25x80xi32, #tpu.memory_space<hbm>> -> memref<1x1x25x80xi32, #tpu.memory_space<hbm>>
      %dma_wait3A_123 = tpu.memref_squeeze %dma_wait3A_122 : memref<1x1x25x80xi32, #tpu.memory_space<hbm>> -> memref<25x80xi32, #tpu.memory_space<hbm>>
      tpu.wait_dma2 semaphore(%run_scoped3A : memref<!tpu.dma_semaphore, #tpu.memory_space<semaphore_mem>>) src(%dma_wait3A_123 : memref<25x80xi32, #tpu.memory_space<hbm>>) dst(%arg7 : memref<25x80xi32, #tpu.memory_space<vmem>>)
      tpu.yield
    }) : () -> ()
    "tpu.region"() ({
      %run_scoped3A = tpu.sem_alloc : memref<!tpu.dma_semaphore, #tpu.memory_space<semaphore_mem>>
      %dma_start3A_108 = arith.constant 0 : i32
      %dma_start3A_109 = arith.constant 0 : i32
      %dma_start3A_110 = tpu.memref_slice %arg4[%arg0, %arg1, %dma_start3A_108, %dma_start3A_109] : memref<2x16x25x80xi32, #tpu.memory_space<hbm>> -> memref<1x1x25x80xi32, #tpu.memory_space<hbm>>
      %dma_start3A_111 = tpu.memref_squeeze %dma_start3A_110 : memref<1x1x25x80xi32, #tpu.memory_space<hbm>> -> memref<25x80xi32, #tpu.memory_space<hbm>>
      %dma_start3A_112 = arith.constant 0 : i32
      %dma_start3A_113 = arith.constant 0 : i32
      %dma_start3A_114 = tpu.memref_slice %arg4[%arg0, %arg1, %dma_start3A_112, %dma_start3A_113] : memref<2x16x25x80xi32, #tpu.memory_space<hbm>> -> memref<1x1x25x80xi32, #tpu.memory_space<hbm>>
      %dma_start3A_115 = tpu.memref_squeeze %dma_start3A_114 : memref<1x1x25x80xi32, #tpu.memory_space<hbm>> -> memref<25x80xi32, #tpu.memory_space<hbm>>
      tpu.enqueue_dma source(%dma_start3A_115 : memref<25x80xi32, #tpu.memory_space<hbm>>) target(%arg8 : memref<25x80xi32, #tpu.memory_space<vmem>>) target_semaphore(%run_scoped3A : memref<!tpu.dma_semaphore, #tpu.memory_space<semaphore_mem>>)
      %dma_wait3A_116 = arith.constant 0 : i32
      %dma_wait3A_117 = arith.constant 0 : i32
      %dma_wait3A_118 = tpu.memref_slice %arg4[%arg0, %arg1, %dma_wait3A_116, %dma_wait3A_117] : memref<2x16x25x80xi32, #tpu.memory_space<hbm>> -> memref<1x1x25x80xi32, #tpu.memory_space<hbm>>
      %dma_wait3A_119 = tpu.memref_squeeze %dma_wait3A_118 : memref<1x1x25x80xi32, #tpu.memory_space<hbm>> -> memref<25x80xi32, #tpu.memory_space<hbm>>
      %dma_wait3A_120 = arith.constant 0 : i32
      %dma_wait3A_121 = arith.constant 0 : i32
      %dma_wait3A_122 = tpu.memref_slice %arg4[%arg0, %arg1, %dma_wait3A_120, %dma_wait3A_121] : memref<2x16x25x80xi32, #tpu.memory_space<hbm>> -> memref<1x1x25x80xi32, #tpu.memory_space<hbm>>
      %dma_wait3A_123 = tpu.memref_squeeze %dma_wait3A_122 : memref<1x1x25x80xi32, #tpu.memory_space<hbm>> -> memref<25x80xi32, #tpu.memory_space<hbm>>
      tpu.wait_dma2 semaphore(%run_scoped3A : memref<!tpu.dma_semaphore, #tpu.memory_space<semaphore_mem>>) src(%dma_wait3A_123 : memref<25x80xi32, #tpu.memory_space<hbm>>) dst(%arg8 : memref<25x80xi32, #tpu.memory_space<vmem>>)
      tpu.yield
    }) : () -> ()
    %barrier3A = arith.constant 0 : index
    tpu.barrier barrier_id(%barrier3A)
    %dma_start3A = arith.constant 0 : i32
    %dma_start3A_7 = arith.constant 0 : i32
    %dma_start3A_8 = arith.constant 0 : i32
    %dma_start3A_9 = arith.constant 0 : i32
    %dma_start3A_10 = arith.constant 0 : i32
    %dma_start3A_11 = tpu.memref_slice %arg9[%dma_start3A_7, %dma_start3A_9, %dma_start3A_10] : memref<2x80x128xf32, #tpu.memory_space<vmem>> -> memref<1x80x128xf32, #tpu.memory_space<vmem>>
    %dma_start3A_12 = tpu.memref_squeeze %dma_start3A_11 : memref<1x80x128xf32, #tpu.memory_space<vmem>> -> memref<80x128xf32, #tpu.memory_space<vmem>>
    %dma_start3A_13 = arith.constant 0 : i32
    %dma_start3A_14 = tpu.memref_slice %arg7[%dma_start3A, %dma_start3A_13] : memref<25x80xi32, #tpu.memory_space<vmem>> -> memref<1x80xi32, #tpu.memory_space<vmem>>
    %dma_start3A_15 = tpu.memref_squeeze %dma_start3A_14 : memref<1x80xi32, #tpu.memory_space<vmem>> -> memref<80xi32, #tpu.memory_space<vmem>>
    %dma_start3A_16 = arith.constant 0 : i32
    %dma_start3A_17 = arith.constant 0 : i32
    %dma_start3A_18 = tpu.memref_slice %arg11[%dma_start3A_16, %dma_start3A_17] : memref<10240x128xf32, #tpu.memory_space<vmem_shared>> -> memref<10240x128xf32, #tpu.memory_space<vmem_shared>>
    %dma_start3A_19 = tpu.memref_slice %arg12[%dma_start3A_8] : memref<2x!tpu.dma_semaphore, #tpu.memory_space<semaphore_mem>> -> memref<1x!tpu.dma_semaphore, #tpu.memory_space<semaphore_mem>>
    %dma_start3A_20 = tpu.memref_squeeze %dma_start3A_19 : memref<1x!tpu.dma_semaphore, #tpu.memory_space<semaphore_mem>> -> memref<!tpu.dma_semaphore, #tpu.memory_space<semaphore_mem>>
    tpu.enqueue_indirect_dma source(%dma_start3A_18 : memref<10240x128xf32, #tpu.memory_space<vmem_shared>>) target(%dma_start3A_12 : memref<80x128xf32, #tpu.memory_space<vmem>>) offsets(%dma_start3A_15 : memref<80xi32, #tpu.memory_space<vmem>>) semaphore(%dma_start3A_20 : memref<!tpu.dma_semaphore, #tpu.memory_space<semaphore_mem>>)
    %dma_start3A_21 = arith.constant 0 : i32
    %dma_start3A_22 = arith.constant 0 : i32
    %dma_start3A_23 = arith.constant 0 : i32
    %dma_start3A_24 = arith.constant 0 : i32
    %dma_start3A_25 = arith.constant 0 : i32
    %dma_start3A_26 = tpu.memref_slice %arg10[%dma_start3A_22, %dma_start3A_24, %dma_start3A_25] : memref<2x80x128xf32, #tpu.memory_space<vmem>> -> memref<1x80x128xf32, #tpu.memory_space<vmem>>
    %dma_start3A_27 = tpu.memref_squeeze %dma_start3A_26 : memref<1x80x128xf32, #tpu.memory_space<vmem>> -> memref<80x128xf32, #tpu.memory_space<vmem>>
    %dma_start3A_28 = arith.constant 0 : i32
    %dma_start3A_29 = tpu.memref_slice %arg8[%dma_start3A_21, %dma_start3A_28] : memref<25x80xi32, #tpu.memory_space<vmem>> -> memref<1x80xi32, #tpu.memory_space<vmem>>
    %dma_start3A_30 = tpu.memref_squeeze %dma_start3A_29 : memref<1x80xi32, #tpu.memory_space<vmem>> -> memref<80xi32, #tpu.memory_space<vmem>>
    %dma_start3A_31 = arith.constant 0 : i32
    %dma_start3A_32 = arith.constant 0 : i32
    %dma_start3A_33 = tpu.memref_slice %arg11[%dma_start3A_31, %dma_start3A_32] : memref<10240x128xf32, #tpu.memory_space<vmem_shared>> -> memref<10240x128xf32, #tpu.memory_space<vmem_shared>>
    %dma_start3A_34 = tpu.memref_slice %arg13[%dma_start3A_23] : memref<2x!tpu.dma_semaphore, #tpu.memory_space<semaphore_mem>> -> memref<1x!tpu.dma_semaphore, #tpu.memory_space<semaphore_mem>>
    %dma_start3A_35 = tpu.memref_squeeze %dma_start3A_34 : memref<1x!tpu.dma_semaphore, #tpu.memory_space<semaphore_mem>> -> memref<!tpu.dma_semaphore, #tpu.memory_space<semaphore_mem>>
    tpu.enqueue_indirect_dma source(%dma_start3A_33 : memref<10240x128xf32, #tpu.memory_space<vmem_shared>>) target(%dma_start3A_27 : memref<80x128xf32, #tpu.memory_space<vmem>>) offsets(%dma_start3A_30 : memref<80xi32, #tpu.memory_space<vmem>>) semaphore(%dma_start3A_35 : memref<!tpu.dma_semaphore, #tpu.memory_space<semaphore_mem>>)
    %scan3A = arith.constant 0 : i32
    %scan3A_36 = arith.constant 0 : i32
    %scan3A_37 = arith.constant 25 : i32
    %scan3A_38 = arith.addi %scan3A_36, %scan3A_37 : i32
    %scan3A_39 = arith.constant 1 : i32
    scf.for %scan3A_108 = %scan3A_36 to %scan3A_38 step %scan3A_39  : i32 {
      %jit3A = arith.constant 2 : i32
      %eq3A = arith.constant 0 : i32
      %eq3A_109 = arith.cmpi eq, %jit3A, %eq3A : i32
      %jit3A_110 = arith.constant 1 : i32
      %select_n3A = arith.select %eq3A_109, %jit3A_110, %jit3A : i32
      %rem3A = arith.remsi %scan3A_108, %select_n3A : i32
      %ne3A = arith.constant 0 : i32
      %ne3A_111 = arith.cmpi ne, %rem3A, %ne3A : i32
      %lt3A = arith.constant 0 : i32
      %lt3A_112 = arith.cmpi slt, %rem3A, %lt3A : i32
      %lt3A_113 = arith.constant 0 : i32
      %lt3A_114 = arith.cmpi slt, %select_n3A, %lt3A_113 : i32
      %ne3A_115 = arith.xori %lt3A_112, %lt3A_114 : i1
      %and3A = arith.andi %ne3A_115, %ne3A_111 : i1
      %add3A_116 = arith.addi %rem3A, %select_n3A : i32
      %select_n3A_117 = arith.select %and3A, %add3A_116, %rem3A : i32
      %add3A_118 = arith.constant 1 : i32
      %add3A_119 = arith.addi %scan3A_108, %add3A_118 : i32
      %lt3A_120 = arith.constant 25 : i32
      %lt3A_121 = arith.cmpi slt, %add3A_119, %lt3A_120 : i32
      %convert_element_type3A = arith.extui %lt3A_121 : i1 to i32
      %cond3A = arith.constant 0 : i32
      %cond3A_122 = arith.cmpi ne, %convert_element_type3A, %cond3A : i32
      scf.if %cond3A_122 {
        %ge3A = arith.constant 1 : i32
        %ge3A_178 = arith.cmpi sge, %scan3A_108, %ge3A : i32
        %convert_element_type3A_179 = arith.extui %ge3A_178 : i1 to i32
        %cond3A_180 = arith.constant 0 : i32
        %cond3A_181 = arith.cmpi ne, %convert_element_type3A_179, %cond3A_180 : i32
        scf.if %cond3A_181 {
          %sub3A_209 = arith.constant 1 : i32
          %sub3A_210 = arith.subi %scan3A_108, %sub3A_209 : i32
          %sub3A_211 = arith.constant 1 : i32
          %sub3A_212 = arith.subi %sub3A_211, %select_n3A_117 : i32
          %mul3A_213 = arith.constant 80 : i32
          %mul3A_214 = arith.muli %sub3A_210, %mul3A_213 : i32
          %add3A_215 = arith.addi %mul3A_2, %mul3A_214 : i32
          %dma_wait3A_216 = arith.constant 0 : i32
          %dma_wait3A_217 = arith.constant 0 : i32
          %dma_wait3A_218 = tpu.memref_slice %arg9[%sub3A_212, %dma_wait3A_216, %dma_wait3A_217] : memref<2x80x128xf32, #tpu.memory_space<vmem>> -> memref<1x80x128xf32, #tpu.memory_space<vmem>>
          %dma_wait3A_219 = tpu.memref_squeeze %dma_wait3A_218 : memref<1x80x128xf32, #tpu.memory_space<vmem>> -> memref<80x128xf32, #tpu.memory_space<vmem>>
          %dma_wait3A_220 = arith.constant 0 : i32
          %dma_wait3A_221 = tpu.memref_slice %arg5[%add3A_215, %dma_wait3A_220] : memref<64000x128xf32, #tpu.memory_space<hbm>> -> memref<80x128xf32, #tpu.memory_space<hbm>>
          %dma_wait3A_222 = tpu.memref_slice %arg14[%sub3A_212] : memref<2x!tpu.dma_semaphore, #tpu.memory_space<semaphore_mem>> -> memref<1x!tpu.dma_semaphore, #tpu.memory_space<semaphore_mem>>
          %dma_wait3A_223 = tpu.memref_squeeze %dma_wait3A_222 : memref<1x!tpu.dma_semaphore, #tpu.memory_space<semaphore_mem>> -> memref<!tpu.dma_semaphore, #tpu.memory_space<semaphore_mem>>
          %dma_wait3A_224 = arith.constant 0 : i32
          %dma_wait3A_225 = tpu.memref_slice %arg5[%add3A_215, %dma_wait3A_224] : memref<64000x128xf32, #tpu.memory_space<hbm>> -> memref<80x128xf32, #tpu.memory_space<hbm>>
          %dma_wait3A_226 = arith.constant 0 : i32
          %dma_wait3A_227 = arith.constant 0 : i32
          %dma_wait3A_228 = tpu.memref_slice %arg9[%sub3A_212, %dma_wait3A_226, %dma_wait3A_227] : memref<2x80x128xf32, #tpu.memory_space<vmem>> -> memref<1x80x128xf32, #tpu.memory_space<vmem>>
          %dma_wait3A_229 = tpu.memref_squeeze %dma_wait3A_228 : memref<1x80x128xf32, #tpu.memory_space<vmem>> -> memref<80x128xf32, #tpu.memory_space<vmem>>
          tpu.wait_dma2 semaphore(%dma_wait3A_223 : memref<!tpu.dma_semaphore, #tpu.memory_space<semaphore_mem>>) src(%dma_wait3A_229 : memref<80x128xf32, #tpu.memory_space<vmem>>) dst(%dma_wait3A_225 : memref<80x128xf32, #tpu.memory_space<hbm>>)
          %dma_wait3A_230 = arith.constant 0 : i32
          %dma_wait3A_231 = arith.constant 0 : i32
          %dma_wait3A_232 = tpu.memref_slice %arg10[%sub3A_212, %dma_wait3A_230, %dma_wait3A_231] : memref<2x80x128xf32, #tpu.memory_space<vmem>> -> memref<1x80x128xf32, #tpu.memory_space<vmem>>
          %dma_wait3A_233 = tpu.memref_squeeze %dma_wait3A_232 : memref<1x80x128xf32, #tpu.memory_space<vmem>> -> memref<80x128xf32, #tpu.memory_space<vmem>>
          %dma_wait3A_234 = arith.constant 0 : i32
          %dma_wait3A_235 = tpu.memref_slice %arg6[%add3A_215, %dma_wait3A_234] : memref<64000x128xf32, #tpu.memory_space<hbm>> -> memref<80x128xf32, #tpu.memory_space<hbm>>
          %dma_wait3A_236 = tpu.memref_slice %arg15[%sub3A_212] : memref<2x!tpu.dma_semaphore, #tpu.memory_space<semaphore_mem>> -> memref<1x!tpu.dma_semaphore, #tpu.memory_space<semaphore_mem>>
          %dma_wait3A_237 = tpu.memref_squeeze %dma_wait3A_236 : memref<1x!tpu.dma_semaphore, #tpu.memory_space<semaphore_mem>> -> memref<!tpu.dma_semaphore, #tpu.memory_space<semaphore_mem>>
          %dma_wait3A_238 = arith.constant 0 : i32
          %dma_wait3A_239 = tpu.memref_slice %arg6[%add3A_215, %dma_wait3A_238] : memref<64000x128xf32, #tpu.memory_space<hbm>> -> memref<80x128xf32, #tpu.memory_space<hbm>>
          %dma_wait3A_240 = arith.constant 0 : i32
          %dma_wait3A_241 = arith.constant 0 : i32
          %dma_wait3A_242 = tpu.memref_slice %arg10[%sub3A_212, %dma_wait3A_240, %dma_wait3A_241] : memref<2x80x128xf32, #tpu.memory_space<vmem>> -> memref<1x80x128xf32, #tpu.memory_space<vmem>>
          %dma_wait3A_243 = tpu.memref_squeeze %dma_wait3A_242 : memref<1x80x128xf32, #tpu.memory_space<vmem>> -> memref<80x128xf32, #tpu.memory_space<vmem>>
          tpu.wait_dma2 semaphore(%dma_wait3A_237 : memref<!tpu.dma_semaphore, #tpu.memory_space<semaphore_mem>>) src(%dma_wait3A_243 : memref<80x128xf32, #tpu.memory_space<vmem>>) dst(%dma_wait3A_239 : memref<80x128xf32, #tpu.memory_space<hbm>>)
        } else {
        }
        %add3A_182 = arith.constant 1 : i32
        %add3A_183 = arith.addi %scan3A_108, %add3A_182 : i32
        %sub3A = arith.constant 1 : i32
        %sub3A_184 = arith.subi %sub3A, %select_n3A_117 : i32
        %dma_start3A_185 = arith.constant 0 : i32
        %dma_start3A_186 = arith.constant 0 : i32
        %dma_start3A_187 = tpu.memref_slice %arg9[%sub3A_184, %dma_start3A_185, %dma_start3A_186] : memref<2x80x128xf32, #tpu.memory_space<vmem>> -> memref<1x80x128xf32, #tpu.memory_space<vmem>>
        %dma_start3A_188 = tpu.memref_squeeze %dma_start3A_187 : memref<1x80x128xf32, #tpu.memory_space<vmem>> -> memref<80x128xf32, #tpu.memory_space<vmem>>
        %dma_start3A_189 = arith.constant 0 : i32
        %dma_start3A_190 = tpu.memref_slice %arg7[%add3A_183, %dma_start3A_189] : memref<25x80xi32, #tpu.memory_space<vmem>> -> memref<1x80xi32, #tpu.memory_space<vmem>>
        %dma_start3A_191 = tpu.memref_squeeze %dma_start3A_190 : memref<1x80xi32, #tpu.memory_space<vmem>> -> memref<80xi32, #tpu.memory_space<vmem>>
        %dma_start3A_192 = arith.constant 0 : i32
        %dma_start3A_193 = arith.constant 0 : i32
        %dma_start3A_194 = tpu.memref_slice %arg11[%dma_start3A_192, %dma_start3A_193] : memref<10240x128xf32, #tpu.memory_space<vmem_shared>> -> memref<10240x128xf32, #tpu.memory_space<vmem_shared>>
        %dma_start3A_195 = tpu.memref_slice %arg12[%sub3A_184] : memref<2x!tpu.dma_semaphore, #tpu.memory_space<semaphore_mem>> -> memref<1x!tpu.dma_semaphore, #tpu.memory_space<semaphore_mem>>
        %dma_start3A_196 = tpu.memref_squeeze %dma_start3A_195 : memref<1x!tpu.dma_semaphore, #tpu.memory_space<semaphore_mem>> -> memref<!tpu.dma_semaphore, #tpu.memory_space<semaphore_mem>>
        tpu.enqueue_indirect_dma source(%dma_start3A_194 : memref<10240x128xf32, #tpu.memory_space<vmem_shared>>) target(%dma_start3A_188 : memref<80x128xf32, #tpu.memory_space<vmem>>) offsets(%dma_start3A_191 : memref<80xi32, #tpu.memory_space<vmem>>) semaphore(%dma_start3A_196 : memref<!tpu.dma_semaphore, #tpu.memory_space<semaphore_mem>>)
        %dma_start3A_197 = arith.constant 0 : i32
        %dma_start3A_198 = arith.constant 0 : i32
        %dma_start3A_199 = tpu.memref_slice %arg10[%sub3A_184, %dma_start3A_197, %dma_start3A_198] : memref<2x80x128xf32, #tpu.memory_space<vmem>> -> memref<1x80x128xf32, #tpu.memory_space<vmem>>
        %dma_start3A_200 = tpu.memref_squeeze %dma_start3A_199 : memref<1x80x128xf32, #tpu.memory_space<vmem>> -> memref<80x128xf32, #tpu.memory_space<vmem>>
        %dma_start3A_201 = arith.constant 0 : i32
        %dma_start3A_202 = tpu.memref_slice %arg8[%add3A_183, %dma_start3A_201] : memref<25x80xi32, #tpu.memory_space<vmem>> -> memref<1x80xi32, #tpu.memory_space<vmem>>
        %dma_start3A_203 = tpu.memref_squeeze %dma_start3A_202 : memref<1x80xi32, #tpu.memory_space<vmem>> -> memref<80xi32, #tpu.memory_space<vmem>>
        %dma_start3A_204 = arith.constant 0 : i32
        %dma_start3A_205 = arith.constant 0 : i32
        %dma_start3A_206 = tpu.memref_slice %arg11[%dma_start3A_204, %dma_start3A_205] : memref<10240x128xf32, #tpu.memory_space<vmem_shared>> -> memref<10240x128xf32, #tpu.memory_space<vmem_shared>>
        %dma_start3A_207 = tpu.memref_slice %arg13[%sub3A_184] : memref<2x!tpu.dma_semaphore, #tpu.memory_space<semaphore_mem>> -> memref<1x!tpu.dma_semaphore, #tpu.memory_space<semaphore_mem>>
        %dma_start3A_208 = tpu.memref_squeeze %dma_start3A_207 : memref<1x!tpu.dma_semaphore, #tpu.memory_space<semaphore_mem>> -> memref<!tpu.dma_semaphore, #tpu.memory_space<semaphore_mem>>
        tpu.enqueue_indirect_dma source(%dma_start3A_206 : memref<10240x128xf32, #tpu.memory_space<vmem_shared>>) target(%dma_start3A_200 : memref<80x128xf32, #tpu.memory_space<vmem>>) offsets(%dma_start3A_203 : memref<80xi32, #tpu.memory_space<vmem>>) semaphore(%dma_start3A_208 : memref<!tpu.dma_semaphore, #tpu.memory_space<semaphore_mem>>)
      } else {
      }
      %dma_wait3A_123 = arith.constant 0 : i32
      %dma_wait3A_124 = arith.constant 0 : i32
      %dma_wait3A_125 = tpu.memref_slice %arg9[%select_n3A_117, %dma_wait3A_123, %dma_wait3A_124] : memref<2x80x128xf32, #tpu.memory_space<vmem>> -> memref<1x80x128xf32, #tpu.memory_space<vmem>>
      %dma_wait3A_126 = tpu.memref_squeeze %dma_wait3A_125 : memref<1x80x128xf32, #tpu.memory_space<vmem>> -> memref<80x128xf32, #tpu.memory_space<vmem>>
      %dma_wait3A_127 = arith.constant 0 : i32
      %dma_wait3A_128 = tpu.memref_slice %arg7[%scan3A_108, %dma_wait3A_127] : memref<25x80xi32, #tpu.memory_space<vmem>> -> memref<1x80xi32, #tpu.memory_space<vmem>>
      %dma_wait3A_129 = tpu.memref_squeeze %dma_wait3A_128 : memref<1x80xi32, #tpu.memory_space<vmem>> -> memref<80xi32, #tpu.memory_space<vmem>>
      %dma_wait3A_130 = arith.constant 0 : i32
      %dma_wait3A_131 = arith.constant 0 : i32
      %dma_wait3A_132 = tpu.memref_slice %arg11[%dma_wait3A_130, %dma_wait3A_131] : memref<10240x128xf32, #tpu.memory_space<vmem_shared>> -> memref<10240x128xf32, #tpu.memory_space<vmem_shared>>
      %dma_wait3A_133 = tpu.memref_slice %arg12[%select_n3A_117] : memref<2x!tpu.dma_semaphore, #tpu.memory_space<semaphore_mem>> -> memref<1x!tpu.dma_semaphore, #tpu.memory_space<semaphore_mem>>
      %dma_wait3A_134 = tpu.memref_squeeze %dma_wait3A_133 : memref<1x!tpu.dma_semaphore, #tpu.memory_space<semaphore_mem>> -> memref<!tpu.dma_semaphore, #tpu.memory_space<semaphore_mem>>
      tpu.wait_indirect_dma semaphore(%dma_wait3A_134 : memref<!tpu.dma_semaphore, #tpu.memory_space<semaphore_mem>>) src(%dma_wait3A_132 : memref<10240x128xf32, #tpu.memory_space<vmem_shared>>) dst(%dma_wait3A_126 : memref<80x128xf32, #tpu.memory_space<vmem>>)
      %dma_wait3A_135 = arith.constant 0 : i32
      %dma_wait3A_136 = arith.constant 0 : i32
      %dma_wait3A_137 = tpu.memref_slice %arg10[%select_n3A_117, %dma_wait3A_135, %dma_wait3A_136] : memref<2x80x128xf32, #tpu.memory_space<vmem>> -> memref<1x80x128xf32, #tpu.memory_space<vmem>>
      %dma_wait3A_138 = tpu.memref_squeeze %dma_wait3A_137 : memref<1x80x128xf32, #tpu.memory_space<vmem>> -> memref<80x128xf32, #tpu.memory_space<vmem>>
      %dma_wait3A_139 = arith.constant 0 : i32
      %dma_wait3A_140 = tpu.memref_slice %arg8[%scan3A_108, %dma_wait3A_139] : memref<25x80xi32, #tpu.memory_space<vmem>> -> memref<1x80xi32, #tpu.memory_space<vmem>>
      %dma_wait3A_141 = tpu.memref_squeeze %dma_wait3A_140 : memref<1x80xi32, #tpu.memory_space<vmem>> -> memref<80xi32, #tpu.memory_space<vmem>>
      %dma_wait3A_142 = arith.constant 0 : i32
      %dma_wait3A_143 = arith.constant 0 : i32
      %dma_wait3A_144 = tpu.memref_slice %arg11[%dma_wait3A_142, %dma_wait3A_143] : memref<10240x128xf32, #tpu.memory_space<vmem_shared>> -> memref<10240x128xf32, #tpu.memory_space<vmem_shared>>
      %dma_wait3A_145 = tpu.memref_slice %arg13[%select_n3A_117] : memref<2x!tpu.dma_semaphore, #tpu.memory_space<semaphore_mem>> -> memref<1x!tpu.dma_semaphore, #tpu.memory_space<semaphore_mem>>
      %dma_wait3A_146 = tpu.memref_squeeze %dma_wait3A_145 : memref<1x!tpu.dma_semaphore, #tpu.memory_space<semaphore_mem>> -> memref<!tpu.dma_semaphore, #tpu.memory_space<semaphore_mem>>
      tpu.wait_indirect_dma semaphore(%dma_wait3A_146 : memref<!tpu.dma_semaphore, #tpu.memory_space<semaphore_mem>>) src(%dma_wait3A_144 : memref<10240x128xf32, #tpu.memory_space<vmem_shared>>) dst(%dma_wait3A_138 : memref<80x128xf32, #tpu.memory_space<vmem>>)
      %mul3A_147 = arith.constant 80 : i32
      %mul3A_148 = arith.muli %scan3A_108, %mul3A_147 : i32
      %add3A_149 = arith.addi %mul3A_2, %mul3A_148 : i32
      %dma_start3A_150 = arith.constant 0 : i32
      %dma_start3A_151 = arith.constant 0 : i32
      %dma_start3A_152 = tpu.memref_slice %arg9[%select_n3A_117, %dma_start3A_150, %dma_start3A_151] : memref<2x80x128xf32, #tpu.memory_space<vmem>> -> memref<1x80x128xf32, #tpu.memory_space<vmem>>
      %dma_start3A_153 = tpu.memref_squeeze %dma_start3A_152 : memref<1x80x128xf32, #tpu.memory_space<vmem>> -> memref<80x128xf32, #tpu.memory_space<vmem>>
      %dma_start3A_154 = arith.constant 0 : i32
      %dma_start3A_155 = tpu.memref_slice %arg5[%add3A_149, %dma_start3A_154] : memref<64000x128xf32, #tpu.memory_space<hbm>> -> memref<80x128xf32, #tpu.memory_space<hbm>>
      %dma_start3A_156 = tpu.memref_slice %arg14[%select_n3A_117] : memref<2x!tpu.dma_semaphore, #tpu.memory_space<semaphore_mem>> -> memref<1x!tpu.dma_semaphore, #tpu.memory_space<semaphore_mem>>
      %dma_start3A_157 = tpu.memref_squeeze %dma_start3A_156 : memref<1x!tpu.dma_semaphore, #tpu.memory_space<semaphore_mem>> -> memref<!tpu.dma_semaphore, #tpu.memory_space<semaphore_mem>>
      %dma_start3A_158 = arith.constant 0 : i32
      %dma_start3A_159 = tpu.memref_slice %arg5[%add3A_149, %dma_start3A_158] : memref<64000x128xf32, #tpu.memory_space<hbm>> -> memref<80x128xf32, #tpu.memory_space<hbm>>
      %dma_start3A_160 = arith.constant 0 : i32
      %dma_start3A_161 = arith.constant 0 : i32
      %dma_start3A_162 = tpu.memref_slice %arg9[%select_n3A_117, %dma_start3A_160, %dma_start3A_161] : memref<2x80x128xf32, #tpu.memory_space<vmem>> -> memref<1x80x128xf32, #tpu.memory_space<vmem>>
      %dma_start3A_163 = tpu.memref_squeeze %dma_start3A_162 : memref<1x80x128xf32, #tpu.memory_space<vmem>> -> memref<80x128xf32, #tpu.memory_space<vmem>>
      tpu.enqueue_dma source(%dma_start3A_163 : memref<80x128xf32, #tpu.memory_space<vmem>>) target(%dma_start3A_159 : memref<80x128xf32, #tpu.memory_space<hbm>>) target_semaphore(%dma_start3A_157 : memref<!tpu.dma_semaphore, #tpu.memory_space<semaphore_mem>>)
      %dma_start3A_164 = arith.constant 0 : i32
      %dma_start3A_165 = arith.constant 0 : i32
      %dma_start3A_166 = tpu.memref_slice %arg10[%select_n3A_117, %dma_start3A_164, %dma_start3A_165] : memref<2x80x128xf32, #tpu.memory_space<vmem>> -> memref<1x80x128xf32, #tpu.memory_space<vmem>>
      %dma_start3A_167 = tpu.memref_squeeze %dma_start3A_166 : memref<1x80x128xf32, #tpu.memory_space<vmem>> -> memref<80x128xf32, #tpu.memory_space<vmem>>
      %dma_start3A_168 = arith.constant 0 : i32
      %dma_start3A_169 = tpu.memref_slice %arg6[%add3A_149, %dma_start3A_168] : memref<64000x128xf32, #tpu.memory_space<hbm>> -> memref<80x128xf32, #tpu.memory_space<hbm>>
      %dma_start3A_170 = tpu.memref_slice %arg15[%select_n3A_117] : memref<2x!tpu.dma_semaphore, #tpu.memory_space<semaphore_mem>> -> memref<1x!tpu.dma_semaphore, #tpu.memory_space<semaphore_mem>>
      %dma_start3A_171 = tpu.memref_squeeze %dma_start3A_170 : memref<1x!tpu.dma_semaphore, #tpu.memory_space<semaphore_mem>> -> memref<!tpu.dma_semaphore, #tpu.memory_space<semaphore_mem>>
      %dma_start3A_172 = arith.constant 0 : i32
      %dma_start3A_173 = tpu.memref_slice %arg6[%add3A_149, %dma_start3A_172] : memref<64000x128xf32, #tpu.memory_space<hbm>> -> memref<80x128xf32, #tpu.memory_space<hbm>>
      %dma_start3A_174 = arith.constant 0 : i32
      %dma_start3A_175 = arith.constant 0 : i32
      %dma_start3A_176 = tpu.memref_slice %arg10[%select_n3A_117, %dma_start3A_174, %dma_start3A_175] : memref<2x80x128xf32, #tpu.memory_space<vmem>> -> memref<1x80x128xf32, #tpu.memory_space<vmem>>
      %dma_start3A_177 = tpu.memref_squeeze %dma_start3A_176 : memref<1x80x128xf32, #tpu.memory_space<vmem>> -> memref<80x128xf32, #tpu.memory_space<vmem>>
      tpu.enqueue_dma source(%dma_start3A_177 : memref<80x128xf32, #tpu.memory_space<vmem>>) target(%dma_start3A_173 : memref<80x128xf32, #tpu.memory_space<hbm>>) target_semaphore(%dma_start3A_171 : memref<!tpu.dma_semaphore, #tpu.memory_space<semaphore_mem>>)
    }
    %scan3A_40 = arith.constant 25 : i32
    %add3A_41 = arith.constant 1840 : i32
    %add3A_42 = arith.addi %mul3A_2, %add3A_41 : i32
    %dma_wait3A = arith.constant 1 : i32
    %dma_wait3A_43 = arith.constant 1 : i32
    %dma_wait3A_44 = arith.constant 0 : i32
    %dma_wait3A_45 = arith.constant 0 : i32
    %dma_wait3A_46 = tpu.memref_slice %arg9[%dma_wait3A, %dma_wait3A_44, %dma_wait3A_45] : memref<2x80x128xf32, #tpu.memory_space<vmem>> -> memref<1x80x128xf32, #tpu.memory_space<vmem>>
    %dma_wait3A_47 = tpu.memref_squeeze %dma_wait3A_46 : memref<1x80x128xf32, #tpu.memory_space<vmem>> -> memref<80x128xf32, #tpu.memory_space<vmem>>
    %dma_wait3A_48 = arith.constant 0 : i32
    %dma_wait3A_49 = tpu.memref_slice %arg5[%add3A_42, %dma_wait3A_48] : memref<64000x128xf32, #tpu.memory_space<hbm>> -> memref<80x128xf32, #tpu.memory_space<hbm>>
    %dma_wait3A_50 = tpu.memref_slice %arg14[%dma_wait3A_43] : memref<2x!tpu.dma_semaphore, #tpu.memory_space<semaphore_mem>> -> memref<1x!tpu.dma_semaphore, #tpu.memory_space<semaphore_mem>>
    %dma_wait3A_51 = tpu.memref_squeeze %dma_wait3A_50 : memref<1x!tpu.dma_semaphore, #tpu.memory_space<semaphore_mem>> -> memref<!tpu.dma_semaphore, #tpu.memory_space<semaphore_mem>>
    %dma_wait3A_52 = arith.constant 0 : i32
    %dma_wait3A_53 = tpu.memref_slice %arg5[%add3A_42, %dma_wait3A_52] : memref<64000x128xf32, #tpu.memory_space<hbm>> -> memref<80x128xf32, #tpu.memory_space<hbm>>
    %dma_wait3A_54 = arith.constant 0 : i32
    %dma_wait3A_55 = arith.constant 0 : i32
    %dma_wait3A_56 = tpu.memref_slice %arg9[%dma_wait3A, %dma_wait3A_54, %dma_wait3A_55] : memref<2x80x128xf32, #tpu.memory_space<vmem>> -> memref<1x80x128xf32, #tpu.memory_space<vmem>>
    %dma_wait3A_57 = tpu.memref_squeeze %dma_wait3A_56 : memref<1x80x128xf32, #tpu.memory_space<vmem>> -> memref<80x128xf32, #tpu.memory_space<vmem>>
    tpu.wait_dma2 semaphore(%dma_wait3A_51 : memref<!tpu.dma_semaphore, #tpu.memory_space<semaphore_mem>>) src(%dma_wait3A_57 : memref<80x128xf32, #tpu.memory_space<vmem>>) dst(%dma_wait3A_53 : memref<80x128xf32, #tpu.memory_space<hbm>>)
    %dma_wait3A_58 = arith.constant 1 : i32
    %dma_wait3A_59 = arith.constant 1 : i32
    %dma_wait3A_60 = arith.constant 0 : i32
    %dma_wait3A_61 = arith.constant 0 : i32
    %dma_wait3A_62 = tpu.memref_slice %arg10[%dma_wait3A_58, %dma_wait3A_60, %dma_wait3A_61] : memref<2x80x128xf32, #tpu.memory_space<vmem>> -> memref<1x80x128xf32, #tpu.memory_space<vmem>>
    %dma_wait3A_63 = tpu.memref_squeeze %dma_wait3A_62 : memref<1x80x128xf32, #tpu.memory_space<vmem>> -> memref<80x128xf32, #tpu.memory_space<vmem>>
    %dma_wait3A_64 = arith.constant 0 : i32
    %dma_wait3A_65 = tpu.memref_slice %arg6[%add3A_42, %dma_wait3A_64] : memref<64000x128xf32, #tpu.memory_space<hbm>> -> memref<80x128xf32, #tpu.memory_space<hbm>>
    %dma_wait3A_66 = tpu.memref_slice %arg15[%dma_wait3A_59] : memref<2x!tpu.dma_semaphore, #tpu.memory_space<semaphore_mem>> -> memref<1x!tpu.dma_semaphore, #tpu.memory_space<semaphore_mem>>
    %dma_wait3A_67 = tpu.memref_squeeze %dma_wait3A_66 : memref<1x!tpu.dma_semaphore, #tpu.memory_space<semaphore_mem>> -> memref<!tpu.dma_semaphore, #tpu.memory_space<semaphore_mem>>
    %dma_wait3A_68 = arith.constant 0 : i32
    %dma_wait3A_69 = tpu.memref_slice %arg6[%add3A_42, %dma_wait3A_68] : memref<64000x128xf32, #tpu.memory_space<hbm>> -> memref<80x128xf32, #tpu.memory_space<hbm>>
    %dma_wait3A_70 = arith.constant 0 : i32
    %dma_wait3A_71 = arith.constant 0 : i32
    %dma_wait3A_72 = tpu.memref_slice %arg10[%dma_wait3A_58, %dma_wait3A_70, %dma_wait3A_71] : memref<2x80x128xf32, #tpu.memory_space<vmem>> -> memref<1x80x128xf32, #tpu.memory_space<vmem>>
    %dma_wait3A_73 = tpu.memref_squeeze %dma_wait3A_72 : memref<1x80x128xf32, #tpu.memory_space<vmem>> -> memref<80x128xf32, #tpu.memory_space<vmem>>
    tpu.wait_dma2 semaphore(%dma_wait3A_67 : memref<!tpu.dma_semaphore, #tpu.memory_space<semaphore_mem>>) src(%dma_wait3A_73 : memref<80x128xf32, #tpu.memory_space<vmem>>) dst(%dma_wait3A_69 : memref<80x128xf32, #tpu.memory_space<hbm>>)
    %add3A_74 = arith.constant 1920 : i32
    %add3A_75 = arith.addi %mul3A_2, %add3A_74 : i32
    %dma_wait3A_76 = arith.constant 0 : i32
    %dma_wait3A_77 = arith.constant 0 : i32
    %dma_wait3A_78 = arith.constant 0 : i32
    %dma_wait3A_79 = arith.constant 0 : i32
    %dma_wait3A_80 = tpu.memref_slice %arg9[%dma_wait3A_76, %dma_wait3A_78, %dma_wait3A_79] : memref<2x80x128xf32, #tpu.memory_space<vmem>> -> memref<1x80x128xf32, #tpu.memory_space<vmem>>
    %dma_wait3A_81 = tpu.memref_squeeze %dma_wait3A_80 : memref<1x80x128xf32, #tpu.memory_space<vmem>> -> memref<80x128xf32, #tpu.memory_space<vmem>>
    %dma_wait3A_82 = arith.constant 0 : i32
    %dma_wait3A_83 = tpu.memref_slice %arg5[%add3A_75, %dma_wait3A_82] : memref<64000x128xf32, #tpu.memory_space<hbm>> -> memref<80x128xf32, #tpu.memory_space<hbm>>
    %dma_wait3A_84 = tpu.memref_slice %arg14[%dma_wait3A_77] : memref<2x!tpu.dma_semaphore, #tpu.memory_space<semaphore_mem>> -> memref<1x!tpu.dma_semaphore, #tpu.memory_space<semaphore_mem>>
    %dma_wait3A_85 = tpu.memref_squeeze %dma_wait3A_84 : memref<1x!tpu.dma_semaphore, #tpu.memory_space<semaphore_mem>> -> memref<!tpu.dma_semaphore, #tpu.memory_space<semaphore_mem>>
    %dma_wait3A_86 = arith.constant 0 : i32
    %dma_wait3A_87 = tpu.memref_slice %arg5[%add3A_75, %dma_wait3A_86] : memref<64000x128xf32, #tpu.memory_space<hbm>> -> memref<80x128xf32, #tpu.memory_space<hbm>>
    %dma_wait3A_88 = arith.constant 0 : i32
    %dma_wait3A_89 = arith.constant 0 : i32
    %dma_wait3A_90 = tpu.memref_slice %arg9[%dma_wait3A_76, %dma_wait3A_88, %dma_wait3A_89] : memref<2x80x128xf32, #tpu.memory_space<vmem>> -> memref<1x80x128xf32, #tpu.memory_space<vmem>>
    %dma_wait3A_91 = tpu.memref_squeeze %dma_wait3A_90 : memref<1x80x128xf32, #tpu.memory_space<vmem>> -> memref<80x128xf32, #tpu.memory_space<vmem>>
    tpu.wait_dma2 semaphore(%dma_wait3A_85 : memref<!tpu.dma_semaphore, #tpu.memory_space<semaphore_mem>>) src(%dma_wait3A_91 : memref<80x128xf32, #tpu.memory_space<vmem>>) dst(%dma_wait3A_87 : memref<80x128xf32, #tpu.memory_space<hbm>>)
    %dma_wait3A_92 = arith.constant 0 : i32
    %dma_wait3A_93 = arith.constant 0 : i32
    %dma_wait3A_94 = arith.constant 0 : i32
    %dma_wait3A_95 = arith.constant 0 : i32
    %dma_wait3A_96 = tpu.memref_slice %arg10[%dma_wait3A_92, %dma_wait3A_94, %dma_wait3A_95] : memref<2x80x128xf32, #tpu.memory_space<vmem>> -> memref<1x80x128xf32, #tpu.memory_space<vmem>>
    %dma_wait3A_97 = tpu.memref_squeeze %dma_wait3A_96 : memref<1x80x128xf32, #tpu.memory_space<vmem>> -> memref<80x128xf32, #tpu.memory_space<vmem>>
    %dma_wait3A_98 = arith.constant 0 : i32
    %dma_wait3A_99 = tpu.memref_slice %arg6[%add3A_75, %dma_wait3A_98] : memref<64000x128xf32, #tpu.memory_space<hbm>> -> memref<80x128xf32, #tpu.memory_space<hbm>>
    %dma_wait3A_100 = tpu.memref_slice %arg15[%dma_wait3A_93] : memref<2x!tpu.dma_semaphore, #tpu.memory_space<semaphore_mem>> -> memref<1x!tpu.dma_semaphore, #tpu.memory_space<semaphore_mem>>
    %dma_wait3A_101 = tpu.memref_squeeze %dma_wait3A_100 : memref<1x!tpu.dma_semaphore, #tpu.memory_space<semaphore_mem>> -> memref<!tpu.dma_semaphore, #tpu.memory_space<semaphore_mem>>
    %dma_wait3A_102 = arith.constant 0 : i32
    %dma_wait3A_103 = tpu.memref_slice %arg6[%add3A_75, %dma_wait3A_102] : memref<64000x128xf32, #tpu.memory_space<hbm>> -> memref<80x128xf32, #tpu.memory_space<hbm>>
    %dma_wait3A_104 = arith.constant 0 : i32
    %dma_wait3A_105 = arith.constant 0 : i32
    %dma_wait3A_106 = tpu.memref_slice %arg10[%dma_wait3A_92, %dma_wait3A_104, %dma_wait3A_105] : memref<2x80x128xf32, #tpu.memory_space<vmem>> -> memref<1x80x128xf32, #tpu.memory_space<vmem>>
    %dma_wait3A_107 = tpu.memref_squeeze %dma_wait3A_106 : memref<1x80x128xf32, #tpu.memory_space<vmem>> -> memref<80x128xf32, #tpu.memory_space<vmem>>
    tpu.wait_dma2 semaphore(%dma_wait3A_101 : memref<!tpu.dma_semaphore, #tpu.memory_space<semaphore_mem>>) src(%dma_wait3A_107 : memref<80x128xf32, #tpu.memory_space<vmem>>) dst(%dma_wait3A_103 : memref<80x128xf32, #tpu.memory_space<hbm>>)
    return
  }
}

#map = affine_map<(d0, d1) -> (0, 0)>
#map1 = affine_map<(d0, d1) -> (0, 0, 0, 0)>
module attributes {stable_mosaic.version = 14 : i64} {
  func.func @sc_gather(%arg0: i32, %arg1: i32, %arg2: memref<10240x128xf32, #tpu.memory_space<hbm>>, %arg3: memref<2x16x25x80xi32, #tpu.memory_space<hbm>>, %arg4: memref<2x16x25x80xi32, #tpu.memory_space<hbm>>, %arg5: memref<64000x128xf32, #tpu.memory_space<hbm>>, %arg6: memref<64000x128xf32, #tpu.memory_space<hbm>>, %arg7: memref<25x80xi32, #tpu.memory_space<vmem>>, %arg8: memref<25x80xi32, #tpu.memory_space<vmem>>, %arg9: memref<2x80x128xf32, #tpu.memory_space<vmem>>, %arg10: memref<2x80x128xf32, #tpu.memory_space<vmem>>, %arg11: memref<10240x128xf32, #tpu.memory_space<vmem_shared>>, %arg12: memref<2x!tpu.dma_semaphore, #tpu.memory_space<semaphore_mem>>, %arg13: memref<2x!tpu.dma_semaphore, #tpu.memory_space<semaphore_mem>>, %arg14: memref<2x!tpu.dma_semaphore, #tpu.memory_space<semaphore_mem>>, %arg15: memref<2x!tpu.dma_semaphore, #tpu.memory_space<semaphore_mem>>) attributes {dimension_semantics = [#tpu.dimension_semantics<core_parallel>, #tpu.dimension_semantics<subcore_parallel>], iteration_bounds = array<i64: 2, 16>, scalar_prefetch = 0 : i64, scratch_operands = 9 : i64, tpu.core_type = #tpu.core_type<sc_vector_subcore>, window_params = [{transform_indices = #map}, {transform_indices = #map1}, {transform_indices = #map1}, {transform_indices = #map}, {transform_indices = #map}]} {
    %mul3A = arith.constant 16 : i32
    %mul3A_0 = arith.muli %arg0, %mul3A : i32
    %add3A = arith.addi %mul3A_0, %arg1 : i32
    %mul3A_1 = arith.constant 2000 : i32
    %mul3A_2 = arith.muli %add3A, %mul3A_1 : i32
    %mul3A_3 = arith.constant 640 : i32
    %mul3A_4 = arith.muli %arg1, %mul3A_3 : i32
    %mul3A_5 = arith.constant 640 : i32
    %mul3A_6 = arith.muli %arg1, %mul3A_5 : i32
    "tpu.region"() ({
      %run_scoped3A = tpu.sem_alloc : memref<!tpu.dma_semaphore, #tpu.memory_space<semaphore_mem>>
      %dma_start3A_108 = arith.constant 0 : i32
      %dma_start3A_109 = tpu.memref_slice %arg11[%mul3A_6, %dma_start3A_108] : memref<10240x128xf32, #tpu.memory_space<vmem_shared>> -> memref<640x128xf32, #tpu.memory_space<vmem_shared>>
      %dma_start3A_110 = arith.constant 0 : i32
      %dma_start3A_111 = tpu.memref_slice %arg2[%mul3A_4, %dma_start3A_110] : memref<10240x128xf32, #tpu.memory_space<hbm>> -> memref<640x128xf32, #tpu.memory_space<hbm>>
      tpu.enqueue_dma source(%dma_start3A_111 : memref<640x128xf32, #tpu.memory_space<hbm>>) target(%dma_start3A_109 : memref<640x128xf32, #tpu.memory_space<vmem_shared>>) target_semaphore(%run_scoped3A : memref<!tpu.dma_semaphore, #tpu.memory_space<semaphore_mem>>)
      %dma_wait3A_112 = arith.constant 0 : i32
      %dma_wait3A_113 = tpu.memref_slice %arg11[%mul3A_6, %dma_wait3A_112] : memref<10240x128xf32, #tpu.memory_space<vmem_shared>> -> memref<640x128xf32, #tpu.memory_space<vmem_shared>>
      %dma_wait3A_114 = arith.constant 0 : i32
      %dma_wait3A_115 = tpu.memref_slice %arg2[%mul3A_4, %dma_wait3A_114] : memref<10240x128xf32, #tpu.memory_space<hbm>> -> memref<640x128xf32, #tpu.memory_space<hbm>>
      tpu.wait_dma2 semaphore(%run_scoped3A : memref<!tpu.dma_semaphore, #tpu.memory_space<semaphore_mem>>) src(%dma_wait3A_115 : memref<640x128xf32, #tpu.memory_space<hbm>>) dst(%dma_wait3A_113 : memref<640x128xf32, #tpu.memory_space<vmem_shared>>)
      tpu.yield
    }) : () -> ()
    "tpu.region"() ({
      %run_scoped3A = tpu.sem_alloc : memref<!tpu.dma_semaphore, #tpu.memory_space<semaphore_mem>>
      %dma_start3A_108 = arith.constant 0 : i32
      %dma_start3A_109 = arith.constant 0 : i32
      %dma_start3A_110 = tpu.memref_slice %arg3[%arg0, %arg1, %dma_start3A_108, %dma_start3A_109] : memref<2x16x25x80xi32, #tpu.memory_space<hbm>> -> memref<1x1x25x80xi32, #tpu.memory_space<hbm>>
      %dma_start3A_111 = tpu.memref_squeeze %dma_start3A_110 : memref<1x1x25x80xi32, #tpu.memory_space<hbm>> -> memref<25x80xi32, #tpu.memory_space<hbm>>
      %dma_start3A_112 = arith.constant 0 : i32
      %dma_start3A_113 = arith.constant 0 : i32
      %dma_start3A_114 = tpu.memref_slice %arg3[%arg0, %arg1, %dma_start3A_112, %dma_start3A_113] : memref<2x16x25x80xi32, #tpu.memory_space<hbm>> -> memref<1x1x25x80xi32, #tpu.memory_space<hbm>>
      %dma_start3A_115 = tpu.memref_squeeze %dma_start3A_114 : memref<1x1x25x80xi32, #tpu.memory_space<hbm>> -> memref<25x80xi32, #tpu.memory_space<hbm>>
      tpu.enqueue_dma source(%dma_start3A_115 : memref<25x80xi32, #tpu.memory_space<hbm>>) target(%arg7 : memref<25x80xi32, #tpu.memory_space<vmem>>) target_semaphore(%run_scoped3A : memref<!tpu.dma_semaphore, #tpu.memory_space<semaphore_mem>>)
      %dma_wait3A_116 = arith.constant 0 : i32
      %dma_wait3A_117 = arith.constant 0 : i32
      %dma_wait3A_118 = tpu.memref_slice %arg3[%arg0, %arg1, %dma_wait3A_116, %dma_wait3A_117] : memref<2x16x25x80xi32, #tpu.memory_space<hbm>> -> memref<1x1x25x80xi32, #tpu.memory_space<hbm>>
      %dma_wait3A_119 = tpu.memref_squeeze %dma_wait3A_118 : memref<1x1x25x80xi32, #tpu.memory_space<hbm>> -> memref<25x80xi32, #tpu.memory_space<hbm>>
      %dma_wait3A_120 = arith.constant 0 : i32
      %dma_wait3A_121 = arith.constant 0 : i32
      %dma_wait3A_122 = tpu.memref_slice %arg3[%arg0, %arg1, %dma_wait3A_120, %dma_wait3A_121] : memref<2x16x25x80xi32, #tpu.memory_space<hbm>> -> memref<1x1x25x80xi32, #tpu.memory_space<hbm>>
      %dma_wait3A_123 = tpu.memref_squeeze %dma_wait3A_122 : memref<1x1x25x80xi32, #tpu.memory_space<hbm>> -> memref<25x80xi32, #tpu.memory_space<hbm>>
      tpu.wait_dma2 semaphore(%run_scoped3A : memref<!tpu.dma_semaphore, #tpu.memory_space<semaphore_mem>>) src(%dma_wait3A_123 : memref<25x80xi32, #tpu.memory_space<hbm>>) dst(%arg7 : memref<25x80xi32, #tpu.memory_space<vmem>>)
      tpu.yield
    }) : () -> ()
    "tpu.region"() ({
      %run_scoped3A = tpu.sem_alloc : memref<!tpu.dma_semaphore, #tpu.memory_space<semaphore_mem>>
      %dma_start3A_108 = arith.constant 0 : i32
      %dma_start3A_109 = arith.constant 0 : i32
      %dma_start3A_110 = tpu.memref_slice %arg4[%arg0, %arg1, %dma_start3A_108, %dma_start3A_109] : memref<2x16x25x80xi32, #tpu.memory_space<hbm>> -> memref<1x1x25x80xi32, #tpu.memory_space<hbm>>
      %dma_start3A_111 = tpu.memref_squeeze %dma_start3A_110 : memref<1x1x25x80xi32, #tpu.memory_space<hbm>> -> memref<25x80xi32, #tpu.memory_space<hbm>>
      %dma_start3A_112 = arith.constant 0 : i32
      %dma_start3A_113 = arith.constant 0 : i32
      %dma_start3A_114 = tpu.memref_slice %arg4[%arg0, %arg1, %dma_start3A_112, %dma_start3A_113] : memref<2x16x25x80xi32, #tpu.memory_space<hbm>> -> memref<1x1x25x80xi32, #tpu.memory_space<hbm>>
      %dma_start3A_115 = tpu.memref_squeeze %dma_start3A_114 : memref<1x1x25x80xi32, #tpu.memory_space<hbm>> -> memref<25x80xi32, #tpu.memory_space<hbm>>
      tpu.enqueue_dma source(%dma_start3A_115 : memref<25x80xi32, #tpu.memory_space<hbm>>) target(%arg8 : memref<25x80xi32, #tpu.memory_space<vmem>>) target_semaphore(%run_scoped3A : memref<!tpu.dma_semaphore, #tpu.memory_space<semaphore_mem>>)
      %dma_wait3A_116 = arith.constant 0 : i32
      %dma_wait3A_117 = arith.constant 0 : i32
      %dma_wait3A_118 = tpu.memref_slice %arg4[%arg0, %arg1, %dma_wait3A_116, %dma_wait3A_117] : memref<2x16x25x80xi32, #tpu.memory_space<hbm>> -> memref<1x1x25x80xi32, #tpu.memory_space<hbm>>
      %dma_wait3A_119 = tpu.memref_squeeze %dma_wait3A_118 : memref<1x1x25x80xi32, #tpu.memory_space<hbm>> -> memref<25x80xi32, #tpu.memory_space<hbm>>
      %dma_wait3A_120 = arith.constant 0 : i32
      %dma_wait3A_121 = arith.constant 0 : i32
      %dma_wait3A_122 = tpu.memref_slice %arg4[%arg0, %arg1, %dma_wait3A_120, %dma_wait3A_121] : memref<2x16x25x80xi32, #tpu.memory_space<hbm>> -> memref<1x1x25x80xi32, #tpu.memory_space<hbm>>
      %dma_wait3A_123 = tpu.memref_squeeze %dma_wait3A_122 : memref<1x1x25x80xi32, #tpu.memory_space<hbm>> -> memref<25x80xi32, #tpu.memory_space<hbm>>
      tpu.wait_dma2 semaphore(%run_scoped3A : memref<!tpu.dma_semaphore, #tpu.memory_space<semaphore_mem>>) src(%dma_wait3A_123 : memref<25x80xi32, #tpu.memory_space<hbm>>) dst(%arg8 : memref<25x80xi32, #tpu.memory_space<vmem>>)
      tpu.yield
    }) : () -> ()
    %barrier3A = arith.constant 0 : index
    tpu.barrier barrier_id(%barrier3A)
    %dma_start3A = arith.constant 0 : i32
    %dma_start3A_7 = arith.constant 0 : i32
    %dma_start3A_8 = arith.constant 0 : i32
    %dma_start3A_9 = arith.constant 0 : i32
    %dma_start3A_10 = arith.constant 0 : i32
    %dma_start3A_11 = tpu.memref_slice %arg9[%dma_start3A_7, %dma_start3A_9, %dma_start3A_10] : memref<2x80x128xf32, #tpu.memory_space<vmem>> -> memref<1x80x128xf32, #tpu.memory_space<vmem>>
    %dma_start3A_12 = tpu.memref_squeeze %dma_start3A_11 : memref<1x80x128xf32, #tpu.memory_space<vmem>> -> memref<80x128xf32, #tpu.memory_space<vmem>>
    %dma_start3A_13 = arith.constant 0 : i32
    %dma_start3A_14 = tpu.memref_slice %arg7[%dma_start3A, %dma_start3A_13] : memref<25x80xi32, #tpu.memory_space<vmem>> -> memref<1x80xi32, #tpu.memory_space<vmem>>
    %dma_start3A_15 = tpu.memref_squeeze %dma_start3A_14 : memref<1x80xi32, #tpu.memory_space<vmem>> -> memref<80xi32, #tpu.memory_space<vmem>>
    %dma_start3A_16 = arith.constant 0 : i32
    %dma_start3A_17 = arith.constant 0 : i32
    %dma_start3A_18 = tpu.memref_slice %arg11[%dma_start3A_16, %dma_start3A_17] : memref<10240x128xf32, #tpu.memory_space<vmem_shared>> -> memref<10240x128xf32, #tpu.memory_space<vmem_shared>>
    %dma_start3A_19 = tpu.memref_slice %arg12[%dma_start3A_8] : memref<2x!tpu.dma_semaphore, #tpu.memory_space<semaphore_mem>> -> memref<1x!tpu.dma_semaphore, #tpu.memory_space<semaphore_mem>>
    %dma_start3A_20 = tpu.memref_squeeze %dma_start3A_19 : memref<1x!tpu.dma_semaphore, #tpu.memory_space<semaphore_mem>> -> memref<!tpu.dma_semaphore, #tpu.memory_space<semaphore_mem>>
    tpu.enqueue_indirect_dma source(%dma_start3A_18 : memref<10240x128xf32, #tpu.memory_space<vmem_shared>>) target(%dma_start3A_12 : memref<80x128xf32, #tpu.memory_space<vmem>>) offsets(%dma_start3A_15 : memref<80xi32, #tpu.memory_space<vmem>>) semaphore(%dma_start3A_20 : memref<!tpu.dma_semaphore, #tpu.memory_space<semaphore_mem>>)
    %dma_start3A_21 = arith.constant 0 : i32
    %dma_start3A_22 = arith.constant 0 : i32
    %dma_start3A_23 = arith.constant 0 : i32
    %dma_start3A_24 = arith.constant 0 : i32
    %dma_start3A_25 = arith.constant 0 : i32
    %dma_start3A_26 = tpu.memref_slice %arg10[%dma_start3A_22, %dma_start3A_24, %dma_start3A_25] : memref<2x80x128xf32, #tpu.memory_space<vmem>> -> memref<1x80x128xf32, #tpu.memory_space<vmem>>
    %dma_start3A_27 = tpu.memref_squeeze %dma_start3A_26 : memref<1x80x128xf32, #tpu.memory_space<vmem>> -> memref<80x128xf32, #tpu.memory_space<vmem>>
    %dma_start3A_28 = arith.constant 0 : i32
    %dma_start3A_29 = tpu.memref_slice %arg8[%dma_start3A_21, %dma_start3A_28] : memref<25x80xi32, #tpu.memory_space<vmem>> -> memref<1x80xi32, #tpu.memory_space<vmem>>
    %dma_start3A_30 = tpu.memref_squeeze %dma_start3A_29 : memref<1x80xi32, #tpu.memory_space<vmem>> -> memref<80xi32, #tpu.memory_space<vmem>>
    %dma_start3A_31 = arith.constant 0 : i32
    %dma_start3A_32 = arith.constant 0 : i32
    %dma_start3A_33 = tpu.memref_slice %arg11[%dma_start3A_31, %dma_start3A_32] : memref<10240x128xf32, #tpu.memory_space<vmem_shared>> -> memref<10240x128xf32, #tpu.memory_space<vmem_shared>>
    %dma_start3A_34 = tpu.memref_slice %arg13[%dma_start3A_23] : memref<2x!tpu.dma_semaphore, #tpu.memory_space<semaphore_mem>> -> memref<1x!tpu.dma_semaphore, #tpu.memory_space<semaphore_mem>>
    %dma_start3A_35 = tpu.memref_squeeze %dma_start3A_34 : memref<1x!tpu.dma_semaphore, #tpu.memory_space<semaphore_mem>> -> memref<!tpu.dma_semaphore, #tpu.memory_space<semaphore_mem>>
    tpu.enqueue_indirect_dma source(%dma_start3A_33 : memref<10240x128xf32, #tpu.memory_space<vmem_shared>>) target(%dma_start3A_27 : memref<80x128xf32, #tpu.memory_space<vmem>>) offsets(%dma_start3A_30 : memref<80xi32, #tpu.memory_space<vmem>>) semaphore(%dma_start3A_35 : memref<!tpu.dma_semaphore, #tpu.memory_space<semaphore_mem>>)
    %scan3A = arith.constant 0 : i32
    %scan3A_36 = arith.constant 0 : i32
    %scan3A_37 = arith.constant 25 : i32
    %scan3A_38 = arith.addi %scan3A_36, %scan3A_37 : i32
    %scan3A_39 = arith.constant 1 : i32
    scf.for %scan3A_108 = %scan3A_36 to %scan3A_38 step %scan3A_39  : i32 {
      %jit3A = arith.constant 2 : i32
      %eq3A = arith.constant 0 : i32
      %eq3A_109 = arith.cmpi eq, %jit3A, %eq3A : i32
      %jit3A_110 = arith.constant 1 : i32
      %select_n3A = arith.select %eq3A_109, %jit3A_110, %jit3A : i32
      %rem3A = arith.remsi %scan3A_108, %select_n3A : i32
      %ne3A = arith.constant 0 : i32
      %ne3A_111 = arith.cmpi ne, %rem3A, %ne3A : i32
      %lt3A = arith.constant 0 : i32
      %lt3A_112 = arith.cmpi slt, %rem3A, %lt3A : i32
      %lt3A_113 = arith.constant 0 : i32
      %lt3A_114 = arith.cmpi slt, %select_n3A, %lt3A_113 : i32
      %ne3A_115 = arith.xori %lt3A_112, %lt3A_114 : i1
      %and3A = arith.andi %ne3A_115, %ne3A_111 : i1
      %add3A_116 = arith.addi %rem3A, %select_n3A : i32
      %select_n3A_117 = arith.select %and3A, %add3A_116, %rem3A : i32
      %add3A_118 = arith.constant 1 : i32
      %add3A_119 = arith.addi %scan3A_108, %add3A_118 : i32
      %lt3A_120 = arith.constant 25 : i32
      %lt3A_121 = arith.cmpi slt, %add3A_119, %lt3A_120 : i32
      %convert_element_type3A = arith.extui %lt3A_121 : i1 to i32
      %cond3A = arith.constant 0 : i32
      %cond3A_122 = arith.cmpi ne, %convert_element_type3A, %cond3A : i32
      scf.if %cond3A_122 {
        %ge3A = arith.constant 1 : i32
        %ge3A_178 = arith.cmpi sge, %scan3A_108, %ge3A : i32
        %convert_element_type3A_179 = arith.extui %ge3A_178 : i1 to i32
        %cond3A_180 = arith.constant 0 : i32
        %cond3A_181 = arith.cmpi ne, %convert_element_type3A_179, %cond3A_180 : i32
        scf.if %cond3A_181 {
          %sub3A_209 = arith.constant 1 : i32
          %sub3A_210 = arith.subi %scan3A_108, %sub3A_209 : i32
          %sub3A_211 = arith.constant 1 : i32
          %sub3A_212 = arith.subi %sub3A_211, %select_n3A_117 : i32
          %mul3A_213 = arith.constant 80 : i32
          %mul3A_214 = arith.muli %sub3A_210, %mul3A_213 : i32
          %add3A_215 = arith.addi %mul3A_2, %mul3A_214 : i32
          %dma_wait3A_216 = arith.constant 0 : i32
          %dma_wait3A_217 = arith.constant 0 : i32
          %dma_wait3A_218 = tpu.memref_slice %arg9[%sub3A_212, %dma_wait3A_216, %dma_wait3A_217] : memref<2x80x128xf32, #tpu.memory_space<vmem>> -> memref<1x80x128xf32, #tpu.memory_space<vmem>>
          %dma_wait3A_219 = tpu.memref_squeeze %dma_wait3A_218 : memref<1x80x128xf32, #tpu.memory_space<vmem>> -> memref<80x128xf32, #tpu.memory_space<vmem>>
          %dma_wait3A_220 = arith.constant 0 : i32
          %dma_wait3A_221 = tpu.memref_slice %arg5[%add3A_215, %dma_wait3A_220] : memref<64000x128xf32, #tpu.memory_space<hbm>> -> memref<80x128xf32, #tpu.memory_space<hbm>>
          %dma_wait3A_222 = tpu.memref_slice %arg14[%sub3A_212] : memref<2x!tpu.dma_semaphore, #tpu.memory_space<semaphore_mem>> -> memref<1x!tpu.dma_semaphore, #tpu.memory_space<semaphore_mem>>
          %dma_wait3A_223 = tpu.memref_squeeze %dma_wait3A_222 : memref<1x!tpu.dma_semaphore, #tpu.memory_space<semaphore_mem>> -> memref<!tpu.dma_semaphore, #tpu.memory_space<semaphore_mem>>
          %dma_wait3A_224 = arith.constant 0 : i32
          %dma_wait3A_225 = tpu.memref_slice %arg5[%add3A_215, %dma_wait3A_224] : memref<64000x128xf32, #tpu.memory_space<hbm>> -> memref<80x128xf32, #tpu.memory_space<hbm>>
          %dma_wait3A_226 = arith.constant 0 : i32
          %dma_wait3A_227 = arith.constant 0 : i32
          %dma_wait3A_228 = tpu.memref_slice %arg9[%sub3A_212, %dma_wait3A_226, %dma_wait3A_227] : memref<2x80x128xf32, #tpu.memory_space<vmem>> -> memref<1x80x128xf32, #tpu.memory_space<vmem>>
          %dma_wait3A_229 = tpu.memref_squeeze %dma_wait3A_228 : memref<1x80x128xf32, #tpu.memory_space<vmem>> -> memref<80x128xf32, #tpu.memory_space<vmem>>
          tpu.wait_dma2 semaphore(%dma_wait3A_223 : memref<!tpu.dma_semaphore, #tpu.memory_space<semaphore_mem>>) src(%dma_wait3A_229 : memref<80x128xf32, #tpu.memory_space<vmem>>) dst(%dma_wait3A_225 : memref<80x128xf32, #tpu.memory_space<hbm>>)
          %dma_wait3A_230 = arith.constant 0 : i32
          %dma_wait3A_231 = arith.constant 0 : i32
          %dma_wait3A_232 = tpu.memref_slice %arg10[%sub3A_212, %dma_wait3A_230, %dma_wait3A_231] : memref<2x80x128xf32, #tpu.memory_space<vmem>> -> memref<1x80x128xf32, #tpu.memory_space<vmem>>
          %dma_wait3A_233 = tpu.memref_squeeze %dma_wait3A_232 : memref<1x80x128xf32, #tpu.memory_space<vmem>> -> memref<80x128xf32, #tpu.memory_space<vmem>>
          %dma_wait3A_234 = arith.constant 0 : i32
          %dma_wait3A_235 = tpu.memref_slice %arg6[%add3A_215, %dma_wait3A_234] : memref<64000x128xf32, #tpu.memory_space<hbm>> -> memref<80x128xf32, #tpu.memory_space<hbm>>
          %dma_wait3A_236 = tpu.memref_slice %arg15[%sub3A_212] : memref<2x!tpu.dma_semaphore, #tpu.memory_space<semaphore_mem>> -> memref<1x!tpu.dma_semaphore, #tpu.memory_space<semaphore_mem>>
          %dma_wait3A_237 = tpu.memref_squeeze %dma_wait3A_236 : memref<1x!tpu.dma_semaphore, #tpu.memory_space<semaphore_mem>> -> memref<!tpu.dma_semaphore, #tpu.memory_space<semaphore_mem>>
          %dma_wait3A_238 = arith.constant 0 : i32
          %dma_wait3A_239 = tpu.memref_slice %arg6[%add3A_215, %dma_wait3A_238] : memref<64000x128xf32, #tpu.memory_space<hbm>> -> memref<80x128xf32, #tpu.memory_space<hbm>>
          %dma_wait3A_240 = arith.constant 0 : i32
          %dma_wait3A_241 = arith.constant 0 : i32
          %dma_wait3A_242 = tpu.memref_slice %arg10[%sub3A_212, %dma_wait3A_240, %dma_wait3A_241] : memref<2x80x128xf32, #tpu.memory_space<vmem>> -> memref<1x80x128xf32, #tpu.memory_space<vmem>>
          %dma_wait3A_243 = tpu.memref_squeeze %dma_wait3A_242 : memref<1x80x128xf32, #tpu.memory_space<vmem>> -> memref<80x128xf32, #tpu.memory_space<vmem>>
          tpu.wait_dma2 semaphore(%dma_wait3A_237 : memref<!tpu.dma_semaphore, #tpu.memory_space<semaphore_mem>>) src(%dma_wait3A_243 : memref<80x128xf32, #tpu.memory_space<vmem>>) dst(%dma_wait3A_239 : memref<80x128xf32, #tpu.memory_space<hbm>>)
        } else {
        }
        %add3A_182 = arith.constant 1 : i32
        %add3A_183 = arith.addi %scan3A_108, %add3A_182 : i32
        %sub3A = arith.constant 1 : i32
        %sub3A_184 = arith.subi %sub3A, %select_n3A_117 : i32
        %dma_start3A_185 = arith.constant 0 : i32
        %dma_start3A_186 = arith.constant 0 : i32
        %dma_start3A_187 = tpu.memref_slice %arg9[%sub3A_184, %dma_start3A_185, %dma_start3A_186] : memref<2x80x128xf32, #tpu.memory_space<vmem>> -> memref<1x80x128xf32, #tpu.memory_space<vmem>>
        %dma_start3A_188 = tpu.memref_squeeze %dma_start3A_187 : memref<1x80x128xf32, #tpu.memory_space<vmem>> -> memref<80x128xf32, #tpu.memory_space<vmem>>
        %dma_start3A_189 = arith.constant 0 : i32
        %dma_start3A_190 = tpu.memref_slice %arg7[%add3A_183, %dma_start3A_189] : memref<25x80xi32, #tpu.memory_space<vmem>> -> memref<1x80xi32, #tpu.memory_space<vmem>>
        %dma_start3A_191 = tpu.memref_squeeze %dma_start3A_190 : memref<1x80xi32, #tpu.memory_space<vmem>> -> memref<80xi32, #tpu.memory_space<vmem>>
        %dma_start3A_192 = arith.constant 0 : i32
        %dma_start3A_193 = arith.constant 0 : i32
        %dma_start3A_194 = tpu.memref_slice %arg11[%dma_start3A_192, %dma_start3A_193] : memref<10240x128xf32, #tpu.memory_space<vmem_shared>> -> memref<10240x128xf32, #tpu.memory_space<vmem_shared>>
        %dma_start3A_195 = tpu.memref_slice %arg12[%sub3A_184] : memref<2x!tpu.dma_semaphore, #tpu.memory_space<semaphore_mem>> -> memref<1x!tpu.dma_semaphore, #tpu.memory_space<semaphore_mem>>
        %dma_start3A_196 = tpu.memref_squeeze %dma_start3A_195 : memref<1x!tpu.dma_semaphore, #tpu.memory_space<semaphore_mem>> -> memref<!tpu.dma_semaphore, #tpu.memory_space<semaphore_mem>>
        tpu.enqueue_indirect_dma source(%dma_start3A_194 : memref<10240x128xf32, #tpu.memory_space<vmem_shared>>) target(%dma_start3A_188 : memref<80x128xf32, #tpu.memory_space<vmem>>) offsets(%dma_start3A_191 : memref<80xi32, #tpu.memory_space<vmem>>) semaphore(%dma_start3A_196 : memref<!tpu.dma_semaphore, #tpu.memory_space<semaphore_mem>>)
        %dma_start3A_197 = arith.constant 0 : i32
        %dma_start3A_198 = arith.constant 0 : i32
        %dma_start3A_199 = tpu.memref_slice %arg10[%sub3A_184, %dma_start3A_197, %dma_start3A_198] : memref<2x80x128xf32, #tpu.memory_space<vmem>> -> memref<1x80x128xf32, #tpu.memory_space<vmem>>
        %dma_start3A_200 = tpu.memref_squeeze %dma_start3A_199 : memref<1x80x128xf32, #tpu.memory_space<vmem>> -> memref<80x128xf32, #tpu.memory_space<vmem>>
        %dma_start3A_201 = arith.constant 0 : i32
        %dma_start3A_202 = tpu.memref_slice %arg8[%add3A_183, %dma_start3A_201] : memref<25x80xi32, #tpu.memory_space<vmem>> -> memref<1x80xi32, #tpu.memory_space<vmem>>
        %dma_start3A_203 = tpu.memref_squeeze %dma_start3A_202 : memref<1x80xi32, #tpu.memory_space<vmem>> -> memref<80xi32, #tpu.memory_space<vmem>>
        %dma_start3A_204 = arith.constant 0 : i32
        %dma_start3A_205 = arith.constant 0 : i32
        %dma_start3A_206 = tpu.memref_slice %arg11[%dma_start3A_204, %dma_start3A_205] : memref<10240x128xf32, #tpu.memory_space<vmem_shared>> -> memref<10240x128xf32, #tpu.memory_space<vmem_shared>>
        %dma_start3A_207 = tpu.memref_slice %arg13[%sub3A_184] : memref<2x!tpu.dma_semaphore, #tpu.memory_space<semaphore_mem>> -> memref<1x!tpu.dma_semaphore, #tpu.memory_space<semaphore_mem>>
        %dma_start3A_208 = tpu.memref_squeeze %dma_start3A_207 : memref<1x!tpu.dma_semaphore, #tpu.memory_space<semaphore_mem>> -> memref<!tpu.dma_semaphore, #tpu.memory_space<semaphore_mem>>
        tpu.enqueue_indirect_dma source(%dma_start3A_206 : memref<10240x128xf32, #tpu.memory_space<vmem_shared>>) target(%dma_start3A_200 : memref<80x128xf32, #tpu.memory_space<vmem>>) offsets(%dma_start3A_203 : memref<80xi32, #tpu.memory_space<vmem>>) semaphore(%dma_start3A_208 : memref<!tpu.dma_semaphore, #tpu.memory_space<semaphore_mem>>)
      } else {
      }
      %dma_wait3A_123 = arith.constant 0 : i32
      %dma_wait3A_124 = arith.constant 0 : i32
      %dma_wait3A_125 = tpu.memref_slice %arg9[%select_n3A_117, %dma_wait3A_123, %dma_wait3A_124] : memref<2x80x128xf32, #tpu.memory_space<vmem>> -> memref<1x80x128xf32, #tpu.memory_space<vmem>>
      %dma_wait3A_126 = tpu.memref_squeeze %dma_wait3A_125 : memref<1x80x128xf32, #tpu.memory_space<vmem>> -> memref<80x128xf32, #tpu.memory_space<vmem>>
      %dma_wait3A_127 = arith.constant 0 : i32
      %dma_wait3A_128 = tpu.memref_slice %arg7[%scan3A_108, %dma_wait3A_127] : memref<25x80xi32, #tpu.memory_space<vmem>> -> memref<1x80xi32, #tpu.memory_space<vmem>>
      %dma_wait3A_129 = tpu.memref_squeeze %dma_wait3A_128 : memref<1x80xi32, #tpu.memory_space<vmem>> -> memref<80xi32, #tpu.memory_space<vmem>>
      %dma_wait3A_130 = arith.constant 0 : i32
      %dma_wait3A_131 = arith.constant 0 : i32
      %dma_wait3A_132 = tpu.memref_slice %arg11[%dma_wait3A_130, %dma_wait3A_131] : memref<10240x128xf32, #tpu.memory_space<vmem_shared>> -> memref<10240x128xf32, #tpu.memory_space<vmem_shared>>
      %dma_wait3A_133 = tpu.memref_slice %arg12[%select_n3A_117] : memref<2x!tpu.dma_semaphore, #tpu.memory_space<semaphore_mem>> -> memref<1x!tpu.dma_semaphore, #tpu.memory_space<semaphore_mem>>
      %dma_wait3A_134 = tpu.memref_squeeze %dma_wait3A_133 : memref<1x!tpu.dma_semaphore, #tpu.memory_space<semaphore_mem>> -> memref<!tpu.dma_semaphore, #tpu.memory_space<semaphore_mem>>
      tpu.wait_indirect_dma semaphore(%dma_wait3A_134 : memref<!tpu.dma_semaphore, #tpu.memory_space<semaphore_mem>>) src(%dma_wait3A_132 : memref<10240x128xf32, #tpu.memory_space<vmem_shared>>) dst(%dma_wait3A_126 : memref<80x128xf32, #tpu.memory_space<vmem>>)
      %dma_wait3A_135 = arith.constant 0 : i32
      %dma_wait3A_136 = arith.constant 0 : i32
      %dma_wait3A_137 = tpu.memref_slice %arg10[%select_n3A_117, %dma_wait3A_135, %dma_wait3A_136] : memref<2x80x128xf32, #tpu.memory_space<vmem>> -> memref<1x80x128xf32, #tpu.memory_space<vmem>>
      %dma_wait3A_138 = tpu.memref_squeeze %dma_wait3A_137 : memref<1x80x128xf32, #tpu.memory_space<vmem>> -> memref<80x128xf32, #tpu.memory_space<vmem>>
      %dma_wait3A_139 = arith.constant 0 : i32
      %dma_wait3A_140 = tpu.memref_slice %arg8[%scan3A_108, %dma_wait3A_139] : memref<25x80xi32, #tpu.memory_space<vmem>> -> memref<1x80xi32, #tpu.memory_space<vmem>>
      %dma_wait3A_141 = tpu.memref_squeeze %dma_wait3A_140 : memref<1x80xi32, #tpu.memory_space<vmem>> -> memref<80xi32, #tpu.memory_space<vmem>>
      %dma_wait3A_142 = arith.constant 0 : i32
      %dma_wait3A_143 = arith.constant 0 : i32
      %dma_wait3A_144 = tpu.memref_slice %arg11[%dma_wait3A_142, %dma_wait3A_143] : memref<10240x128xf32, #tpu.memory_space<vmem_shared>> -> memref<10240x128xf32, #tpu.memory_space<vmem_shared>>
      %dma_wait3A_145 = tpu.memref_slice %arg13[%select_n3A_117] : memref<2x!tpu.dma_semaphore, #tpu.memory_space<semaphore_mem>> -> memref<1x!tpu.dma_semaphore, #tpu.memory_space<semaphore_mem>>
      %dma_wait3A_146 = tpu.memref_squeeze %dma_wait3A_145 : memref<1x!tpu.dma_semaphore, #tpu.memory_space<semaphore_mem>> -> memref<!tpu.dma_semaphore, #tpu.memory_space<semaphore_mem>>
      tpu.wait_indirect_dma semaphore(%dma_wait3A_146 : memref<!tpu.dma_semaphore, #tpu.memory_space<semaphore_mem>>) src(%dma_wait3A_144 : memref<10240x128xf32, #tpu.memory_space<vmem_shared>>) dst(%dma_wait3A_138 : memref<80x128xf32, #tpu.memory_space<vmem>>)
      %mul3A_147 = arith.constant 80 : i32
      %mul3A_148 = arith.muli %scan3A_108, %mul3A_147 : i32
      %add3A_149 = arith.addi %mul3A_2, %mul3A_148 : i32
      %dma_start3A_150 = arith.constant 0 : i32
      %dma_start3A_151 = arith.constant 0 : i32
      %dma_start3A_152 = tpu.memref_slice %arg9[%select_n3A_117, %dma_start3A_150, %dma_start3A_151] : memref<2x80x128xf32, #tpu.memory_space<vmem>> -> memref<1x80x128xf32, #tpu.memory_space<vmem>>
      %dma_start3A_153 = tpu.memref_squeeze %dma_start3A_152 : memref<1x80x128xf32, #tpu.memory_space<vmem>> -> memref<80x128xf32, #tpu.memory_space<vmem>>
      %dma_start3A_154 = arith.constant 0 : i32
      %dma_start3A_155 = tpu.memref_slice %arg5[%add3A_149, %dma_start3A_154] : memref<64000x128xf32, #tpu.memory_space<hbm>> -> memref<80x128xf32, #tpu.memory_space<hbm>>
      %dma_start3A_156 = tpu.memref_slice %arg14[%select_n3A_117] : memref<2x!tpu.dma_semaphore, #tpu.memory_space<semaphore_mem>> -> memref<1x!tpu.dma_semaphore, #tpu.memory_space<semaphore_mem>>
      %dma_start3A_157 = tpu.memref_squeeze %dma_start3A_156 : memref<1x!tpu.dma_semaphore, #tpu.memory_space<semaphore_mem>> -> memref<!tpu.dma_semaphore, #tpu.memory_space<semaphore_mem>>
      %dma_start3A_158 = arith.constant 0 : i32
      %dma_start3A_159 = tpu.memref_slice %arg5[%add3A_149, %dma_start3A_158] : memref<64000x128xf32, #tpu.memory_space<hbm>> -> memref<80x128xf32, #tpu.memory_space<hbm>>
      %dma_start3A_160 = arith.constant 0 : i32
      %dma_start3A_161 = arith.constant 0 : i32
      %dma_start3A_162 = tpu.memref_slice %arg9[%select_n3A_117, %dma_start3A_160, %dma_start3A_161] : memref<2x80x128xf32, #tpu.memory_space<vmem>> -> memref<1x80x128xf32, #tpu.memory_space<vmem>>
      %dma_start3A_163 = tpu.memref_squeeze %dma_start3A_162 : memref<1x80x128xf32, #tpu.memory_space<vmem>> -> memref<80x128xf32, #tpu.memory_space<vmem>>
      tpu.enqueue_dma source(%dma_start3A_163 : memref<80x128xf32, #tpu.memory_space<vmem>>) target(%dma_start3A_159 : memref<80x128xf32, #tpu.memory_space<hbm>>) target_semaphore(%dma_start3A_157 : memref<!tpu.dma_semaphore, #tpu.memory_space<semaphore_mem>>)
      %dma_start3A_164 = arith.constant 0 : i32
      %dma_start3A_165 = arith.constant 0 : i32
      %dma_start3A_166 = tpu.memref_slice %arg10[%select_n3A_117, %dma_start3A_164, %dma_start3A_165] : memref<2x80x128xf32, #tpu.memory_space<vmem>> -> memref<1x80x128xf32, #tpu.memory_space<vmem>>
      %dma_start3A_167 = tpu.memref_squeeze %dma_start3A_166 : memref<1x80x128xf32, #tpu.memory_space<vmem>> -> memref<80x128xf32, #tpu.memory_space<vmem>>
      %dma_start3A_168 = arith.constant 0 : i32
      %dma_start3A_169 = tpu.memref_slice %arg6[%add3A_149, %dma_start3A_168] : memref<64000x128xf32, #tpu.memory_space<hbm>> -> memref<80x128xf32, #tpu.memory_space<hbm>>
      %dma_start3A_170 = tpu.memref_slice %arg15[%select_n3A_117] : memref<2x!tpu.dma_semaphore, #tpu.memory_space<semaphore_mem>> -> memref<1x!tpu.dma_semaphore, #tpu.memory_space<semaphore_mem>>
      %dma_start3A_171 = tpu.memref_squeeze %dma_start3A_170 : memref<1x!tpu.dma_semaphore, #tpu.memory_space<semaphore_mem>> -> memref<!tpu.dma_semaphore, #tpu.memory_space<semaphore_mem>>
      %dma_start3A_172 = arith.constant 0 : i32
      %dma_start3A_173 = tpu.memref_slice %arg6[%add3A_149, %dma_start3A_172] : memref<64000x128xf32, #tpu.memory_space<hbm>> -> memref<80x128xf32, #tpu.memory_space<hbm>>
      %dma_start3A_174 = arith.constant 0 : i32
      %dma_start3A_175 = arith.constant 0 : i32
      %dma_start3A_176 = tpu.memref_slice %arg10[%select_n3A_117, %dma_start3A_174, %dma_start3A_175] : memref<2x80x128xf32, #tpu.memory_space<vmem>> -> memref<1x80x128xf32, #tpu.memory_space<vmem>>
      %dma_start3A_177 = tpu.memref_squeeze %dma_start3A_176 : memref<1x80x128xf32, #tpu.memory_space<vmem>> -> memref<80x128xf32, #tpu.memory_space<vmem>>
      tpu.enqueue_dma source(%dma_start3A_177 : memref<80x128xf32, #tpu.memory_space<vmem>>) target(%dma_start3A_173 : memref<80x128xf32, #tpu.memory_space<hbm>>) target_semaphore(%dma_start3A_171 : memref<!tpu.dma_semaphore, #tpu.memory_space<semaphore_mem>>)
    }
    %scan3A_40 = arith.constant 25 : i32
    %add3A_41 = arith.constant 1840 : i32
    %add3A_42 = arith.addi %mul3A_2, %add3A_41 : i32
    %dma_wait3A = arith.constant 1 : i32
    %dma_wait3A_43 = arith.constant 1 : i32
    %dma_wait3A_44 = arith.constant 0 : i32
    %dma_wait3A_45 = arith.constant 0 : i32
    %dma_wait3A_46 = tpu.memref_slice %arg9[%dma_wait3A, %dma_wait3A_44, %dma_wait3A_45] : memref<2x80x128xf32, #tpu.memory_space<vmem>> -> memref<1x80x128xf32, #tpu.memory_space<vmem>>
    %dma_wait3A_47 = tpu.memref_squeeze %dma_wait3A_46 : memref<1x80x128xf32, #tpu.memory_space<vmem>> -> memref<80x128xf32, #tpu.memory_space<vmem>>
    %dma_wait3A_48 = arith.constant 0 : i32
    %dma_wait3A_49 = tpu.memref_slice %arg5[%add3A_42, %dma_wait3A_48] : memref<64000x128xf32, #tpu.memory_space<hbm>> -> memref<80x128xf32, #tpu.memory_space<hbm>>
    %dma_wait3A_50 = tpu.memref_slice %arg14[%dma_wait3A_43] : memref<2x!tpu.dma_semaphore, #tpu.memory_space<semaphore_mem>> -> memref<1x!tpu.dma_semaphore, #tpu.memory_space<semaphore_mem>>
    %dma_wait3A_51 = tpu.memref_squeeze %dma_wait3A_50 : memref<1x!tpu.dma_semaphore, #tpu.memory_space<semaphore_mem>> -> memref<!tpu.dma_semaphore, #tpu.memory_space<semaphore_mem>>
    %dma_wait3A_52 = arith.constant 0 : i32
    %dma_wait3A_53 = tpu.memref_slice %arg5[%add3A_42, %dma_wait3A_52] : memref<64000x128xf32, #tpu.memory_space<hbm>> -> memref<80x128xf32, #tpu.memory_space<hbm>>
    %dma_wait3A_54 = arith.constant 0 : i32
    %dma_wait3A_55 = arith.constant 0 : i32
    %dma_wait3A_56 = tpu.memref_slice %arg9[%dma_wait3A, %dma_wait3A_54, %dma_wait3A_55] : memref<2x80x128xf32, #tpu.memory_space<vmem>> -> memref<1x80x128xf32, #tpu.memory_space<vmem>>
    %dma_wait3A_57 = tpu.memref_squeeze %dma_wait3A_56 : memref<1x80x128xf32, #tpu.memory_space<vmem>> -> memref<80x128xf32, #tpu.memory_space<vmem>>
    tpu.wait_dma2 semaphore(%dma_wait3A_51 : memref<!tpu.dma_semaphore, #tpu.memory_space<semaphore_mem>>) src(%dma_wait3A_57 : memref<80x128xf32, #tpu.memory_space<vmem>>) dst(%dma_wait3A_53 : memref<80x128xf32, #tpu.memory_space<hbm>>)
    %dma_wait3A_58 = arith.constant 1 : i32
    %dma_wait3A_59 = arith.constant 1 : i32
    %dma_wait3A_60 = arith.constant 0 : i32
    %dma_wait3A_61 = arith.constant 0 : i32
    %dma_wait3A_62 = tpu.memref_slice %arg10[%dma_wait3A_58, %dma_wait3A_60, %dma_wait3A_61] : memref<2x80x128xf32, #tpu.memory_space<vmem>> -> memref<1x80x128xf32, #tpu.memory_space<vmem>>
    %dma_wait3A_63 = tpu.memref_squeeze %dma_wait3A_62 : memref<1x80x128xf32, #tpu.memory_space<vmem>> -> memref<80x128xf32, #tpu.memory_space<vmem>>
    %dma_wait3A_64 = arith.constant 0 : i32
    %dma_wait3A_65 = tpu.memref_slice %arg6[%add3A_42, %dma_wait3A_64] : memref<64000x128xf32, #tpu.memory_space<hbm>> -> memref<80x128xf32, #tpu.memory_space<hbm>>
    %dma_wait3A_66 = tpu.memref_slice %arg15[%dma_wait3A_59] : memref<2x!tpu.dma_semaphore, #tpu.memory_space<semaphore_mem>> -> memref<1x!tpu.dma_semaphore, #tpu.memory_space<semaphore_mem>>
    %dma_wait3A_67 = tpu.memref_squeeze %dma_wait3A_66 : memref<1x!tpu.dma_semaphore, #tpu.memory_space<semaphore_mem>> -> memref<!tpu.dma_semaphore, #tpu.memory_space<semaphore_mem>>
    %dma_wait3A_68 = arith.constant 0 : i32
    %dma_wait3A_69 = tpu.memref_slice %arg6[%add3A_42, %dma_wait3A_68] : memref<64000x128xf32, #tpu.memory_space<hbm>> -> memref<80x128xf32, #tpu.memory_space<hbm>>
    %dma_wait3A_70 = arith.constant 0 : i32
    %dma_wait3A_71 = arith.constant 0 : i32
    %dma_wait3A_72 = tpu.memref_slice %arg10[%dma_wait3A_58, %dma_wait3A_70, %dma_wait3A_71] : memref<2x80x128xf32, #tpu.memory_space<vmem>> -> memref<1x80x128xf32, #tpu.memory_space<vmem>>
    %dma_wait3A_73 = tpu.memref_squeeze %dma_wait3A_72 : memref<1x80x128xf32, #tpu.memory_space<vmem>> -> memref<80x128xf32, #tpu.memory_space<vmem>>
    tpu.wait_dma2 semaphore(%dma_wait3A_67 : memref<!tpu.dma_semaphore, #tpu.memory_space<semaphore_mem>>) src(%dma_wait3A_73 : memref<80x128xf32, #tpu.memory_space<vmem>>) dst(%dma_wait3A_69 : memref<80x128xf32, #tpu.memory_space<hbm>>)
    %add3A_74 = arith.constant 1920 : i32
    %add3A_75 = arith.addi %mul3A_2, %add3A_74 : i32
    %dma_wait3A_76 = arith.constant 0 : i32
    %dma_wait3A_77 = arith.constant 0 : i32
    %dma_wait3A_78 = arith.constant 0 : i32
    %dma_wait3A_79 = arith.constant 0 : i32
    %dma_wait3A_80 = tpu.memref_slice %arg9[%dma_wait3A_76, %dma_wait3A_78, %dma_wait3A_79] : memref<2x80x128xf32, #tpu.memory_space<vmem>> -> memref<1x80x128xf32, #tpu.memory_space<vmem>>
    %dma_wait3A_81 = tpu.memref_squeeze %dma_wait3A_80 : memref<1x80x128xf32, #tpu.memory_space<vmem>> -> memref<80x128xf32, #tpu.memory_space<vmem>>
    %dma_wait3A_82 = arith.constant 0 : i32
    %dma_wait3A_83 = tpu.memref_slice %arg5[%add3A_75, %dma_wait3A_82] : memref<64000x128xf32, #tpu.memory_space<hbm>> -> memref<80x128xf32, #tpu.memory_space<hbm>>
    %dma_wait3A_84 = tpu.memref_slice %arg14[%dma_wait3A_77] : memref<2x!tpu.dma_semaphore, #tpu.memory_space<semaphore_mem>> -> memref<1x!tpu.dma_semaphore, #tpu.memory_space<semaphore_mem>>
    %dma_wait3A_85 = tpu.memref_squeeze %dma_wait3A_84 : memref<1x!tpu.dma_semaphore, #tpu.memory_space<semaphore_mem>> -> memref<!tpu.dma_semaphore, #tpu.memory_space<semaphore_mem>>
    %dma_wait3A_86 = arith.constant 0 : i32
    %dma_wait3A_87 = tpu.memref_slice %arg5[%add3A_75, %dma_wait3A_86] : memref<64000x128xf32, #tpu.memory_space<hbm>> -> memref<80x128xf32, #tpu.memory_space<hbm>>
    %dma_wait3A_88 = arith.constant 0 : i32
    %dma_wait3A_89 = arith.constant 0 : i32
    %dma_wait3A_90 = tpu.memref_slice %arg9[%dma_wait3A_76, %dma_wait3A_88, %dma_wait3A_89] : memref<2x80x128xf32, #tpu.memory_space<vmem>> -> memref<1x80x128xf32, #tpu.memory_space<vmem>>
    %dma_wait3A_91 = tpu.memref_squeeze %dma_wait3A_90 : memref<1x80x128xf32, #tpu.memory_space<vmem>> -> memref<80x128xf32, #tpu.memory_space<vmem>>
    tpu.wait_dma2 semaphore(%dma_wait3A_85 : memref<!tpu.dma_semaphore, #tpu.memory_space<semaphore_mem>>) src(%dma_wait3A_91 : memref<80x128xf32, #tpu.memory_space<vmem>>) dst(%dma_wait3A_87 : memref<80x128xf32, #tpu.memory_space<hbm>>)
    %dma_wait3A_92 = arith.constant 0 : i32
    %dma_wait3A_93 = arith.constant 0 : i32
    %dma_wait3A_94 = arith.constant 0 : i32
    %dma_wait3A_95 = arith.constant 0 : i32
    %dma_wait3A_96 = tpu.memref_slice %arg10[%dma_wait3A_92, %dma_wait3A_94, %dma_wait3A_95] : memref<2x80x128xf32, #tpu.memory_space<vmem>> -> memref<1x80x128xf32, #tpu.memory_space<vmem>>
    %dma_wait3A_97 = tpu.memref_squeeze %dma_wait3A_96 : memref<1x80x128xf32, #tpu.memory_space<vmem>> -> memref<80x128xf32, #tpu.memory_space<vmem>>
    %dma_wait3A_98 = arith.constant 0 : i32
    %dma_wait3A_99 = tpu.memref_slice %arg6[%add3A_75, %dma_wait3A_98] : memref<64000x128xf32, #tpu.memory_space<hbm>> -> memref<80x128xf32, #tpu.memory_space<hbm>>
    %dma_wait3A_100 = tpu.memref_slice %arg15[%dma_wait3A_93] : memref<2x!tpu.dma_semaphore, #tpu.memory_space<semaphore_mem>> -> memref<1x!tpu.dma_semaphore, #tpu.memory_space<semaphore_mem>>
    %dma_wait3A_101 = tpu.memref_squeeze %dma_wait3A_100 : memref<1x!tpu.dma_semaphore, #tpu.memory_space<semaphore_mem>> -> memref<!tpu.dma_semaphore, #tpu.memory_space<semaphore_mem>>
    %dma_wait3A_102 = arith.constant 0 : i32
    %dma_wait3A_103 = tpu.memref_slice %arg6[%add3A_75, %dma_wait3A_102] : memref<64000x128xf32, #tpu.memory_space<hbm>> -> memref<80x128xf32, #tpu.memory_space<hbm>>
    %dma_wait3A_104 = arith.constant 0 : i32
    %dma_wait3A_105 = arith.constant 0 : i32
    %dma_wait3A_106 = tpu.memref_slice %arg10[%dma_wait3A_92, %dma_wait3A_104, %dma_wait3A_105] : memref<2x80x128xf32, #tpu.memory_space<vmem>> -> memref<1x80x128xf32, #tpu.memory_space<vmem>>
    %dma_wait3A_107 = tpu.memref_squeeze %dma_wait3A_106 : memref<1x80x128xf32, #tpu.memory_space<vmem>> -> memref<80x128xf32, #tpu.memory_space<vmem>>
    tpu.wait_dma2 semaphore(%dma_wait3A_101 : memref<!tpu.dma_semaphore, #tpu.memory_space<semaphore_mem>>) src(%dma_wait3A_107 : memref<80x128xf32, #tpu.memory_space<vmem>>) dst(%dma_wait3A_103 : memref<80x128xf32, #tpu.memory_space<hbm>>)
    return
  }
}

#map = affine_map<(d0, d1) -> (0, 0)>
#map1 = affine_map<(d0, d1) -> (0, 0, 0, 0)>
module attributes {stable_mosaic.version = 14 : i64} {
  func.func @sc_gather(%arg0: i32, %arg1: i32, %arg2: memref<10240x128xf32, #tpu.memory_space<hbm>>, %arg3: memref<2x16x25x80xi32, #tpu.memory_space<hbm>>, %arg4: memref<2x16x25x80xi32, #tpu.memory_space<hbm>>, %arg5: memref<64000x128xf32, #tpu.memory_space<hbm>>, %arg6: memref<64000x128xf32, #tpu.memory_space<hbm>>, %arg7: memref<25x80xi32, #tpu.memory_space<vmem>>, %arg8: memref<25x80xi32, #tpu.memory_space<vmem>>, %arg9: memref<2x80x128xf32, #tpu.memory_space<vmem>>, %arg10: memref<2x80x128xf32, #tpu.memory_space<vmem>>, %arg11: memref<10240x128xf32, #tpu.memory_space<vmem_shared>>, %arg12: memref<2x!tpu.dma_semaphore, #tpu.memory_space<semaphore_mem>>, %arg13: memref<2x!tpu.dma_semaphore, #tpu.memory_space<semaphore_mem>>, %arg14: memref<2x!tpu.dma_semaphore, #tpu.memory_space<semaphore_mem>>, %arg15: memref<2x!tpu.dma_semaphore, #tpu.memory_space<semaphore_mem>>) attributes {dimension_semantics = [#tpu.dimension_semantics<core_parallel>, #tpu.dimension_semantics<subcore_parallel>], iteration_bounds = array<i64: 2, 16>, scalar_prefetch = 0 : i64, scratch_operands = 9 : i64, tpu.core_type = #tpu.core_type<sc_vector_subcore>, window_params = [{transform_indices = #map}, {transform_indices = #map1}, {transform_indices = #map1}, {transform_indices = #map}, {transform_indices = #map}]} {
    %mul3A = arith.constant 16 : i32
    %mul3A_0 = arith.muli %arg0, %mul3A : i32
    %add3A = arith.addi %mul3A_0, %arg1 : i32
    %mul3A_1 = arith.constant 2000 : i32
    %mul3A_2 = arith.muli %add3A, %mul3A_1 : i32
    %mul3A_3 = arith.constant 640 : i32
    %mul3A_4 = arith.muli %arg1, %mul3A_3 : i32
    %mul3A_5 = arith.constant 640 : i32
    %mul3A_6 = arith.muli %arg1, %mul3A_5 : i32
    "tpu.region"() ({
      %run_scoped3A = tpu.sem_alloc : memref<!tpu.dma_semaphore, #tpu.memory_space<semaphore_mem>>
      %dma_start3A_108 = arith.constant 0 : i32
      %dma_start3A_109 = tpu.memref_slice %arg11[%mul3A_6, %dma_start3A_108] : memref<10240x128xf32, #tpu.memory_space<vmem_shared>> -> memref<640x128xf32, #tpu.memory_space<vmem_shared>>
      %dma_start3A_110 = arith.constant 0 : i32
      %dma_start3A_111 = tpu.memref_slice %arg2[%mul3A_4, %dma_start3A_110] : memref<10240x128xf32, #tpu.memory_space<hbm>> -> memref<640x128xf32, #tpu.memory_space<hbm>>
      tpu.enqueue_dma source(%dma_start3A_111 : memref<640x128xf32, #tpu.memory_space<hbm>>) target(%dma_start3A_109 : memref<640x128xf32, #tpu.memory_space<vmem_shared>>) target_semaphore(%run_scoped3A : memref<!tpu.dma_semaphore, #tpu.memory_space<semaphore_mem>>)
      %dma_wait3A_112 = arith.constant 0 : i32
      %dma_wait3A_113 = tpu.memref_slice %arg11[%mul3A_6, %dma_wait3A_112] : memref<10240x128xf32, #tpu.memory_space<vmem_shared>> -> memref<640x128xf32, #tpu.memory_space<vmem_shared>>
      %dma_wait3A_114 = arith.constant 0 : i32
      %dma_wait3A_115 = tpu.memref_slice %arg2[%mul3A_4, %dma_wait3A_114] : memref<10240x128xf32, #tpu.memory_space<hbm>> -> memref<640x128xf32, #tpu.memory_space<hbm>>
      tpu.wait_dma2 semaphore(%run_scoped3A : memref<!tpu.dma_semaphore, #tpu.memory_space<semaphore_mem>>) src(%dma_wait3A_115 : memref<640x128xf32, #tpu.memory_space<hbm>>) dst(%dma_wait3A_113 : memref<640x128xf32, #tpu.memory_space<vmem_shared>>)
      tpu.yield
    }) : () -> ()
    "tpu.region"() ({
      %run_scoped3A = tpu.sem_alloc : memref<!tpu.dma_semaphore, #tpu.memory_space<semaphore_mem>>
      %dma_start3A_108 = arith.constant 0 : i32
      %dma_start3A_109 = arith.constant 0 : i32
      %dma_start3A_110 = tpu.memref_slice %arg3[%arg0, %arg1, %dma_start3A_108, %dma_start3A_109] : memref<2x16x25x80xi32, #tpu.memory_space<hbm>> -> memref<1x1x25x80xi32, #tpu.memory_space<hbm>>
      %dma_start3A_111 = tpu.memref_squeeze %dma_start3A_110 : memref<1x1x25x80xi32, #tpu.memory_space<hbm>> -> memref<25x80xi32, #tpu.memory_space<hbm>>
      %dma_start3A_112 = arith.constant 0 : i32
      %dma_start3A_113 = arith.constant 0 : i32
      %dma_start3A_114 = tpu.memref_slice %arg3[%arg0, %arg1, %dma_start3A_112, %dma_start3A_113] : memref<2x16x25x80xi32, #tpu.memory_space<hbm>> -> memref<1x1x25x80xi32, #tpu.memory_space<hbm>>
      %dma_start3A_115 = tpu.memref_squeeze %dma_start3A_114 : memref<1x1x25x80xi32, #tpu.memory_space<hbm>> -> memref<25x80xi32, #tpu.memory_space<hbm>>
      tpu.enqueue_dma source(%dma_start3A_115 : memref<25x80xi32, #tpu.memory_space<hbm>>) target(%arg7 : memref<25x80xi32, #tpu.memory_space<vmem>>) target_semaphore(%run_scoped3A : memref<!tpu.dma_semaphore, #tpu.memory_space<semaphore_mem>>)
      %dma_wait3A_116 = arith.constant 0 : i32
      %dma_wait3A_117 = arith.constant 0 : i32
      %dma_wait3A_118 = tpu.memref_slice %arg3[%arg0, %arg1, %dma_wait3A_116, %dma_wait3A_117] : memref<2x16x25x80xi32, #tpu.memory_space<hbm>> -> memref<1x1x25x80xi32, #tpu.memory_space<hbm>>
      %dma_wait3A_119 = tpu.memref_squeeze %dma_wait3A_118 : memref<1x1x25x80xi32, #tpu.memory_space<hbm>> -> memref<25x80xi32, #tpu.memory_space<hbm>>
      %dma_wait3A_120 = arith.constant 0 : i32
      %dma_wait3A_121 = arith.constant 0 : i32
      %dma_wait3A_122 = tpu.memref_slice %arg3[%arg0, %arg1, %dma_wait3A_120, %dma_wait3A_121] : memref<2x16x25x80xi32, #tpu.memory_space<hbm>> -> memref<1x1x25x80xi32, #tpu.memory_space<hbm>>
      %dma_wait3A_123 = tpu.memref_squeeze %dma_wait3A_122 : memref<1x1x25x80xi32, #tpu.memory_space<hbm>> -> memref<25x80xi32, #tpu.memory_space<hbm>>
      tpu.wait_dma2 semaphore(%run_scoped3A : memref<!tpu.dma_semaphore, #tpu.memory_space<semaphore_mem>>) src(%dma_wait3A_123 : memref<25x80xi32, #tpu.memory_space<hbm>>) dst(%arg7 : memref<25x80xi32, #tpu.memory_space<vmem>>)
      tpu.yield
    }) : () -> ()
    "tpu.region"() ({
      %run_scoped3A = tpu.sem_alloc : memref<!tpu.dma_semaphore, #tpu.memory_space<semaphore_mem>>
      %dma_start3A_108 = arith.constant 0 : i32
      %dma_start3A_109 = arith.constant 0 : i32
      %dma_start3A_110 = tpu.memref_slice %arg4[%arg0, %arg1, %dma_start3A_108, %dma_start3A_109] : memref<2x16x25x80xi32, #tpu.memory_space<hbm>> -> memref<1x1x25x80xi32, #tpu.memory_space<hbm>>
      %dma_start3A_111 = tpu.memref_squeeze %dma_start3A_110 : memref<1x1x25x80xi32, #tpu.memory_space<hbm>> -> memref<25x80xi32, #tpu.memory_space<hbm>>
      %dma_start3A_112 = arith.constant 0 : i32
      %dma_start3A_113 = arith.constant 0 : i32
      %dma_start3A_114 = tpu.memref_slice %arg4[%arg0, %arg1, %dma_start3A_112, %dma_start3A_113] : memref<2x16x25x80xi32, #tpu.memory_space<hbm>> -> memref<1x1x25x80xi32, #tpu.memory_space<hbm>>
      %dma_start3A_115 = tpu.memref_squeeze %dma_start3A_114 : memref<1x1x25x80xi32, #tpu.memory_space<hbm>> -> memref<25x80xi32, #tpu.memory_space<hbm>>
      tpu.enqueue_dma source(%dma_start3A_115 : memref<25x80xi32, #tpu.memory_space<hbm>>) target(%arg8 : memref<25x80xi32, #tpu.memory_space<vmem>>) target_semaphore(%run_scoped3A : memref<!tpu.dma_semaphore, #tpu.memory_space<semaphore_mem>>)
      %dma_wait3A_116 = arith.constant 0 : i32
      %dma_wait3A_117 = arith.constant 0 : i32
      %dma_wait3A_118 = tpu.memref_slice %arg4[%arg0, %arg1, %dma_wait3A_116, %dma_wait3A_117] : memref<2x16x25x80xi32, #tpu.memory_space<hbm>> -> memref<1x1x25x80xi32, #tpu.memory_space<hbm>>
      %dma_wait3A_119 = tpu.memref_squeeze %dma_wait3A_118 : memref<1x1x25x80xi32, #tpu.memory_space<hbm>> -> memref<25x80xi32, #tpu.memory_space<hbm>>
      %dma_wait3A_120 = arith.constant 0 : i32
      %dma_wait3A_121 = arith.constant 0 : i32
      %dma_wait3A_122 = tpu.memref_slice %arg4[%arg0, %arg1, %dma_wait3A_120, %dma_wait3A_121] : memref<2x16x25x80xi32, #tpu.memory_space<hbm>> -> memref<1x1x25x80xi32, #tpu.memory_space<hbm>>
      %dma_wait3A_123 = tpu.memref_squeeze %dma_wait3A_122 : memref<1x1x25x80xi32, #tpu.memory_space<hbm>> -> memref<25x80xi32, #tpu.memory_space<hbm>>
      tpu.wait_dma2 semaphore(%run_scoped3A : memref<!tpu.dma_semaphore, #tpu.memory_space<semaphore_mem>>) src(%dma_wait3A_123 : memref<25x80xi32, #tpu.memory_space<hbm>>) dst(%arg8 : memref<25x80xi32, #tpu.memory_space<vmem>>)
      tpu.yield
    }) : () -> ()
    %barrier3A = arith.constant 0 : index
    tpu.barrier barrier_id(%barrier3A)
    %dma_start3A = arith.constant 0 : i32
    %dma_start3A_7 = arith.constant 0 : i32
    %dma_start3A_8 = arith.constant 0 : i32
    %dma_start3A_9 = arith.constant 0 : i32
    %dma_start3A_10 = arith.constant 0 : i32
    %dma_start3A_11 = tpu.memref_slice %arg9[%dma_start3A_7, %dma_start3A_9, %dma_start3A_10] : memref<2x80x128xf32, #tpu.memory_space<vmem>> -> memref<1x80x128xf32, #tpu.memory_space<vmem>>
    %dma_start3A_12 = tpu.memref_squeeze %dma_start3A_11 : memref<1x80x128xf32, #tpu.memory_space<vmem>> -> memref<80x128xf32, #tpu.memory_space<vmem>>
    %dma_start3A_13 = arith.constant 0 : i32
    %dma_start3A_14 = tpu.memref_slice %arg7[%dma_start3A, %dma_start3A_13] : memref<25x80xi32, #tpu.memory_space<vmem>> -> memref<1x80xi32, #tpu.memory_space<vmem>>
    %dma_start3A_15 = tpu.memref_squeeze %dma_start3A_14 : memref<1x80xi32, #tpu.memory_space<vmem>> -> memref<80xi32, #tpu.memory_space<vmem>>
    %dma_start3A_16 = arith.constant 0 : i32
    %dma_start3A_17 = arith.constant 0 : i32
    %dma_start3A_18 = tpu.memref_slice %arg11[%dma_start3A_16, %dma_start3A_17] : memref<10240x128xf32, #tpu.memory_space<vmem_shared>> -> memref<10240x128xf32, #tpu.memory_space<vmem_shared>>
    %dma_start3A_19 = tpu.memref_slice %arg12[%dma_start3A_8] : memref<2x!tpu.dma_semaphore, #tpu.memory_space<semaphore_mem>> -> memref<1x!tpu.dma_semaphore, #tpu.memory_space<semaphore_mem>>
    %dma_start3A_20 = tpu.memref_squeeze %dma_start3A_19 : memref<1x!tpu.dma_semaphore, #tpu.memory_space<semaphore_mem>> -> memref<!tpu.dma_semaphore, #tpu.memory_space<semaphore_mem>>
    tpu.enqueue_indirect_dma source(%dma_start3A_18 : memref<10240x128xf32, #tpu.memory_space<vmem_shared>>) target(%dma_start3A_12 : memref<80x128xf32, #tpu.memory_space<vmem>>) offsets(%dma_start3A_15 : memref<80xi32, #tpu.memory_space<vmem>>) semaphore(%dma_start3A_20 : memref<!tpu.dma_semaphore, #tpu.memory_space<semaphore_mem>>)
    %dma_start3A_21 = arith.constant 0 : i32
    %dma_start3A_22 = arith.constant 0 : i32
    %dma_start3A_23 = arith.constant 0 : i32
    %dma_start3A_24 = arith.constant 0 : i32
    %dma_start3A_25 = arith.constant 0 : i32
    %dma_start3A_26 = tpu.memref_slice %arg10[%dma_start3A_22, %dma_start3A_24, %dma_start3A_25] : memref<2x80x128xf32, #tpu.memory_space<vmem>> -> memref<1x80x128xf32, #tpu.memory_space<vmem>>
    %dma_start3A_27 = tpu.memref_squeeze %dma_start3A_26 : memref<1x80x128xf32, #tpu.memory_space<vmem>> -> memref<80x128xf32, #tpu.memory_space<vmem>>
    %dma_start3A_28 = arith.constant 0 : i32
    %dma_start3A_29 = tpu.memref_slice %arg8[%dma_start3A_21, %dma_start3A_28] : memref<25x80xi32, #tpu.memory_space<vmem>> -> memref<1x80xi32, #tpu.memory_space<vmem>>
    %dma_start3A_30 = tpu.memref_squeeze %dma_start3A_29 : memref<1x80xi32, #tpu.memory_space<vmem>> -> memref<80xi32, #tpu.memory_space<vmem>>
    %dma_start3A_31 = arith.constant 0 : i32
    %dma_start3A_32 = arith.constant 0 : i32
    %dma_start3A_33 = tpu.memref_slice %arg11[%dma_start3A_31, %dma_start3A_32] : memref<10240x128xf32, #tpu.memory_space<vmem_shared>> -> memref<10240x128xf32, #tpu.memory_space<vmem_shared>>
    %dma_start3A_34 = tpu.memref_slice %arg13[%dma_start3A_23] : memref<2x!tpu.dma_semaphore, #tpu.memory_space<semaphore_mem>> -> memref<1x!tpu.dma_semaphore, #tpu.memory_space<semaphore_mem>>
    %dma_start3A_35 = tpu.memref_squeeze %dma_start3A_34 : memref<1x!tpu.dma_semaphore, #tpu.memory_space<semaphore_mem>> -> memref<!tpu.dma_semaphore, #tpu.memory_space<semaphore_mem>>
    tpu.enqueue_indirect_dma source(%dma_start3A_33 : memref<10240x128xf32, #tpu.memory_space<vmem_shared>>) target(%dma_start3A_27 : memref<80x128xf32, #tpu.memory_space<vmem>>) offsets(%dma_start3A_30 : memref<80xi32, #tpu.memory_space<vmem>>) semaphore(%dma_start3A_35 : memref<!tpu.dma_semaphore, #tpu.memory_space<semaphore_mem>>)
    %scan3A = arith.constant 0 : i32
    %scan3A_36 = arith.constant 0 : i32
    %scan3A_37 = arith.constant 25 : i32
    %scan3A_38 = arith.addi %scan3A_36, %scan3A_37 : i32
    %scan3A_39 = arith.constant 1 : i32
    scf.for %scan3A_108 = %scan3A_36 to %scan3A_38 step %scan3A_39  : i32 {
      %jit3A = arith.constant 2 : i32
      %eq3A = arith.constant 0 : i32
      %eq3A_109 = arith.cmpi eq, %jit3A, %eq3A : i32
      %jit3A_110 = arith.constant 1 : i32
      %select_n3A = arith.select %eq3A_109, %jit3A_110, %jit3A : i32
      %rem3A = arith.remsi %scan3A_108, %select_n3A : i32
      %ne3A = arith.constant 0 : i32
      %ne3A_111 = arith.cmpi ne, %rem3A, %ne3A : i32
      %lt3A = arith.constant 0 : i32
      %lt3A_112 = arith.cmpi slt, %rem3A, %lt3A : i32
      %lt3A_113 = arith.constant 0 : i32
      %lt3A_114 = arith.cmpi slt, %select_n3A, %lt3A_113 : i32
      %ne3A_115 = arith.xori %lt3A_112, %lt3A_114 : i1
      %and3A = arith.andi %ne3A_115, %ne3A_111 : i1
      %add3A_116 = arith.addi %rem3A, %select_n3A : i32
      %select_n3A_117 = arith.select %and3A, %add3A_116, %rem3A : i32
      %add3A_118 = arith.constant 1 : i32
      %add3A_119 = arith.addi %scan3A_108, %add3A_118 : i32
      %lt3A_120 = arith.constant 25 : i32
      %lt3A_121 = arith.cmpi slt, %add3A_119, %lt3A_120 : i32
      %convert_element_type3A = arith.extui %lt3A_121 : i1 to i32
      %cond3A = arith.constant 0 : i32
      %cond3A_122 = arith.cmpi ne, %convert_element_type3A, %cond3A : i32
      scf.if %cond3A_122 {
        %ge3A = arith.constant 1 : i32
        %ge3A_178 = arith.cmpi sge, %scan3A_108, %ge3A : i32
        %convert_element_type3A_179 = arith.extui %ge3A_178 : i1 to i32
        %cond3A_180 = arith.constant 0 : i32
        %cond3A_181 = arith.cmpi ne, %convert_element_type3A_179, %cond3A_180 : i32
        scf.if %cond3A_181 {
          %sub3A_209 = arith.constant 1 : i32
          %sub3A_210 = arith.subi %scan3A_108, %sub3A_209 : i32
          %sub3A_211 = arith.constant 1 : i32
          %sub3A_212 = arith.subi %sub3A_211, %select_n3A_117 : i32
          %mul3A_213 = arith.constant 80 : i32
          %mul3A_214 = arith.muli %sub3A_210, %mul3A_213 : i32
          %add3A_215 = arith.addi %mul3A_2, %mul3A_214 : i32
          %dma_wait3A_216 = arith.constant 0 : i32
          %dma_wait3A_217 = arith.constant 0 : i32
          %dma_wait3A_218 = tpu.memref_slice %arg9[%sub3A_212, %dma_wait3A_216, %dma_wait3A_217] : memref<2x80x128xf32, #tpu.memory_space<vmem>> -> memref<1x80x128xf32, #tpu.memory_space<vmem>>
          %dma_wait3A_219 = tpu.memref_squeeze %dma_wait3A_218 : memref<1x80x128xf32, #tpu.memory_space<vmem>> -> memref<80x128xf32, #tpu.memory_space<vmem>>
          %dma_wait3A_220 = arith.constant 0 : i32
          %dma_wait3A_221 = tpu.memref_slice %arg5[%add3A_215, %dma_wait3A_220] : memref<64000x128xf32, #tpu.memory_space<hbm>> -> memref<80x128xf32, #tpu.memory_space<hbm>>
          %dma_wait3A_222 = tpu.memref_slice %arg14[%sub3A_212] : memref<2x!tpu.dma_semaphore, #tpu.memory_space<semaphore_mem>> -> memref<1x!tpu.dma_semaphore, #tpu.memory_space<semaphore_mem>>
          %dma_wait3A_223 = tpu.memref_squeeze %dma_wait3A_222 : memref<1x!tpu.dma_semaphore, #tpu.memory_space<semaphore_mem>> -> memref<!tpu.dma_semaphore, #tpu.memory_space<semaphore_mem>>
          %dma_wait3A_224 = arith.constant 0 : i32
          %dma_wait3A_225 = tpu.memref_slice %arg5[%add3A_215, %dma_wait3A_224] : memref<64000x128xf32, #tpu.memory_space<hbm>> -> memref<80x128xf32, #tpu.memory_space<hbm>>
          %dma_wait3A_226 = arith.constant 0 : i32
          %dma_wait3A_227 = arith.constant 0 : i32
          %dma_wait3A_228 = tpu.memref_slice %arg9[%sub3A_212, %dma_wait3A_226, %dma_wait3A_227] : memref<2x80x128xf32, #tpu.memory_space<vmem>> -> memref<1x80x128xf32, #tpu.memory_space<vmem>>
          %dma_wait3A_229 = tpu.memref_squeeze %dma_wait3A_228 : memref<1x80x128xf32, #tpu.memory_space<vmem>> -> memref<80x128xf32, #tpu.memory_space<vmem>>
          tpu.wait_dma2 semaphore(%dma_wait3A_223 : memref<!tpu.dma_semaphore, #tpu.memory_space<semaphore_mem>>) src(%dma_wait3A_229 : memref<80x128xf32, #tpu.memory_space<vmem>>) dst(%dma_wait3A_225 : memref<80x128xf32, #tpu.memory_space<hbm>>)
          %dma_wait3A_230 = arith.constant 0 : i32
          %dma_wait3A_231 = arith.constant 0 : i32
          %dma_wait3A_232 = tpu.memref_slice %arg10[%sub3A_212, %dma_wait3A_230, %dma_wait3A_231] : memref<2x80x128xf32, #tpu.memory_space<vmem>> -> memref<1x80x128xf32, #tpu.memory_space<vmem>>
          %dma_wait3A_233 = tpu.memref_squeeze %dma_wait3A_232 : memref<1x80x128xf32, #tpu.memory_space<vmem>> -> memref<80x128xf32, #tpu.memory_space<vmem>>
          %dma_wait3A_234 = arith.constant 0 : i32
          %dma_wait3A_235 = tpu.memref_slice %arg6[%add3A_215, %dma_wait3A_234] : memref<64000x128xf32, #tpu.memory_space<hbm>> -> memref<80x128xf32, #tpu.memory_space<hbm>>
          %dma_wait3A_236 = tpu.memref_slice %arg15[%sub3A_212] : memref<2x!tpu.dma_semaphore, #tpu.memory_space<semaphore_mem>> -> memref<1x!tpu.dma_semaphore, #tpu.memory_space<semaphore_mem>>
          %dma_wait3A_237 = tpu.memref_squeeze %dma_wait3A_236 : memref<1x!tpu.dma_semaphore, #tpu.memory_space<semaphore_mem>> -> memref<!tpu.dma_semaphore, #tpu.memory_space<semaphore_mem>>
          %dma_wait3A_238 = arith.constant 0 : i32
          %dma_wait3A_239 = tpu.memref_slice %arg6[%add3A_215, %dma_wait3A_238] : memref<64000x128xf32, #tpu.memory_space<hbm>> -> memref<80x128xf32, #tpu.memory_space<hbm>>
          %dma_wait3A_240 = arith.constant 0 : i32
          %dma_wait3A_241 = arith.constant 0 : i32
          %dma_wait3A_242 = tpu.memref_slice %arg10[%sub3A_212, %dma_wait3A_240, %dma_wait3A_241] : memref<2x80x128xf32, #tpu.memory_space<vmem>> -> memref<1x80x128xf32, #tpu.memory_space<vmem>>
          %dma_wait3A_243 = tpu.memref_squeeze %dma_wait3A_242 : memref<1x80x128xf32, #tpu.memory_space<vmem>> -> memref<80x128xf32, #tpu.memory_space<vmem>>
          tpu.wait_dma2 semaphore(%dma_wait3A_237 : memref<!tpu.dma_semaphore, #tpu.memory_space<semaphore_mem>>) src(%dma_wait3A_243 : memref<80x128xf32, #tpu.memory_space<vmem>>) dst(%dma_wait3A_239 : memref<80x128xf32, #tpu.memory_space<hbm>>)
        } else {
        }
        %add3A_182 = arith.constant 1 : i32
        %add3A_183 = arith.addi %scan3A_108, %add3A_182 : i32
        %sub3A = arith.constant 1 : i32
        %sub3A_184 = arith.subi %sub3A, %select_n3A_117 : i32
        %dma_start3A_185 = arith.constant 0 : i32
        %dma_start3A_186 = arith.constant 0 : i32
        %dma_start3A_187 = tpu.memref_slice %arg9[%sub3A_184, %dma_start3A_185, %dma_start3A_186] : memref<2x80x128xf32, #tpu.memory_space<vmem>> -> memref<1x80x128xf32, #tpu.memory_space<vmem>>
        %dma_start3A_188 = tpu.memref_squeeze %dma_start3A_187 : memref<1x80x128xf32, #tpu.memory_space<vmem>> -> memref<80x128xf32, #tpu.memory_space<vmem>>
        %dma_start3A_189 = arith.constant 0 : i32
        %dma_start3A_190 = tpu.memref_slice %arg7[%add3A_183, %dma_start3A_189] : memref<25x80xi32, #tpu.memory_space<vmem>> -> memref<1x80xi32, #tpu.memory_space<vmem>>
        %dma_start3A_191 = tpu.memref_squeeze %dma_start3A_190 : memref<1x80xi32, #tpu.memory_space<vmem>> -> memref<80xi32, #tpu.memory_space<vmem>>
        %dma_start3A_192 = arith.constant 0 : i32
        %dma_start3A_193 = arith.constant 0 : i32
        %dma_start3A_194 = tpu.memref_slice %arg11[%dma_start3A_192, %dma_start3A_193] : memref<10240x128xf32, #tpu.memory_space<vmem_shared>> -> memref<10240x128xf32, #tpu.memory_space<vmem_shared>>
        %dma_start3A_195 = tpu.memref_slice %arg12[%sub3A_184] : memref<2x!tpu.dma_semaphore, #tpu.memory_space<semaphore_mem>> -> memref<1x!tpu.dma_semaphore, #tpu.memory_space<semaphore_mem>>
        %dma_start3A_196 = tpu.memref_squeeze %dma_start3A_195 : memref<1x!tpu.dma_semaphore, #tpu.memory_space<semaphore_mem>> -> memref<!tpu.dma_semaphore, #tpu.memory_space<semaphore_mem>>
        tpu.enqueue_indirect_dma source(%dma_start3A_194 : memref<10240x128xf32, #tpu.memory_space<vmem_shared>>) target(%dma_start3A_188 : memref<80x128xf32, #tpu.memory_space<vmem>>) offsets(%dma_start3A_191 : memref<80xi32, #tpu.memory_space<vmem>>) semaphore(%dma_start3A_196 : memref<!tpu.dma_semaphore, #tpu.memory_space<semaphore_mem>>)
        %dma_start3A_197 = arith.constant 0 : i32
        %dma_start3A_198 = arith.constant 0 : i32
        %dma_start3A_199 = tpu.memref_slice %arg10[%sub3A_184, %dma_start3A_197, %dma_start3A_198] : memref<2x80x128xf32, #tpu.memory_space<vmem>> -> memref<1x80x128xf32, #tpu.memory_space<vmem>>
        %dma_start3A_200 = tpu.memref_squeeze %dma_start3A_199 : memref<1x80x128xf32, #tpu.memory_space<vmem>> -> memref<80x128xf32, #tpu.memory_space<vmem>>
        %dma_start3A_201 = arith.constant 0 : i32
        %dma_start3A_202 = tpu.memref_slice %arg8[%add3A_183, %dma_start3A_201] : memref<25x80xi32, #tpu.memory_space<vmem>> -> memref<1x80xi32, #tpu.memory_space<vmem>>
        %dma_start3A_203 = tpu.memref_squeeze %dma_start3A_202 : memref<1x80xi32, #tpu.memory_space<vmem>> -> memref<80xi32, #tpu.memory_space<vmem>>
        %dma_start3A_204 = arith.constant 0 : i32
        %dma_start3A_205 = arith.constant 0 : i32
        %dma_start3A_206 = tpu.memref_slice %arg11[%dma_start3A_204, %dma_start3A_205] : memref<10240x128xf32, #tpu.memory_space<vmem_shared>> -> memref<10240x128xf32, #tpu.memory_space<vmem_shared>>
        %dma_start3A_207 = tpu.memref_slice %arg13[%sub3A_184] : memref<2x!tpu.dma_semaphore, #tpu.memory_space<semaphore_mem>> -> memref<1x!tpu.dma_semaphore, #tpu.memory_space<semaphore_mem>>
        %dma_start3A_208 = tpu.memref_squeeze %dma_start3A_207 : memref<1x!tpu.dma_semaphore, #tpu.memory_space<semaphore_mem>> -> memref<!tpu.dma_semaphore, #tpu.memory_space<semaphore_mem>>
        tpu.enqueue_indirect_dma source(%dma_start3A_206 : memref<10240x128xf32, #tpu.memory_space<vmem_shared>>) target(%dma_start3A_200 : memref<80x128xf32, #tpu.memory_space<vmem>>) offsets(%dma_start3A_203 : memref<80xi32, #tpu.memory_space<vmem>>) semaphore(%dma_start3A_208 : memref<!tpu.dma_semaphore, #tpu.memory_space<semaphore_mem>>)
      } else {
      }
      %dma_wait3A_123 = arith.constant 0 : i32
      %dma_wait3A_124 = arith.constant 0 : i32
      %dma_wait3A_125 = tpu.memref_slice %arg9[%select_n3A_117, %dma_wait3A_123, %dma_wait3A_124] : memref<2x80x128xf32, #tpu.memory_space<vmem>> -> memref<1x80x128xf32, #tpu.memory_space<vmem>>
      %dma_wait3A_126 = tpu.memref_squeeze %dma_wait3A_125 : memref<1x80x128xf32, #tpu.memory_space<vmem>> -> memref<80x128xf32, #tpu.memory_space<vmem>>
      %dma_wait3A_127 = arith.constant 0 : i32
      %dma_wait3A_128 = tpu.memref_slice %arg7[%scan3A_108, %dma_wait3A_127] : memref<25x80xi32, #tpu.memory_space<vmem>> -> memref<1x80xi32, #tpu.memory_space<vmem>>
      %dma_wait3A_129 = tpu.memref_squeeze %dma_wait3A_128 : memref<1x80xi32, #tpu.memory_space<vmem>> -> memref<80xi32, #tpu.memory_space<vmem>>
      %dma_wait3A_130 = arith.constant 0 : i32
      %dma_wait3A_131 = arith.constant 0 : i32
      %dma_wait3A_132 = tpu.memref_slice %arg11[%dma_wait3A_130, %dma_wait3A_131] : memref<10240x128xf32, #tpu.memory_space<vmem_shared>> -> memref<10240x128xf32, #tpu.memory_space<vmem_shared>>
      %dma_wait3A_133 = tpu.memref_slice %arg12[%select_n3A_117] : memref<2x!tpu.dma_semaphore, #tpu.memory_space<semaphore_mem>> -> memref<1x!tpu.dma_semaphore, #tpu.memory_space<semaphore_mem>>
      %dma_wait3A_134 = tpu.memref_squeeze %dma_wait3A_133 : memref<1x!tpu.dma_semaphore, #tpu.memory_space<semaphore_mem>> -> memref<!tpu.dma_semaphore, #tpu.memory_space<semaphore_mem>>
      tpu.wait_indirect_dma semaphore(%dma_wait3A_134 : memref<!tpu.dma_semaphore, #tpu.memory_space<semaphore_mem>>) src(%dma_wait3A_132 : memref<10240x128xf32, #tpu.memory_space<vmem_shared>>) dst(%dma_wait3A_126 : memref<80x128xf32, #tpu.memory_space<vmem>>)
      %dma_wait3A_135 = arith.constant 0 : i32
      %dma_wait3A_136 = arith.constant 0 : i32
      %dma_wait3A_137 = tpu.memref_slice %arg10[%select_n3A_117, %dma_wait3A_135, %dma_wait3A_136] : memref<2x80x128xf32, #tpu.memory_space<vmem>> -> memref<1x80x128xf32, #tpu.memory_space<vmem>>
      %dma_wait3A_138 = tpu.memref_squeeze %dma_wait3A_137 : memref<1x80x128xf32, #tpu.memory_space<vmem>> -> memref<80x128xf32, #tpu.memory_space<vmem>>
      %dma_wait3A_139 = arith.constant 0 : i32
      %dma_wait3A_140 = tpu.memref_slice %arg8[%scan3A_108, %dma_wait3A_139] : memref<25x80xi32, #tpu.memory_space<vmem>> -> memref<1x80xi32, #tpu.memory_space<vmem>>
      %dma_wait3A_141 = tpu.memref_squeeze %dma_wait3A_140 : memref<1x80xi32, #tpu.memory_space<vmem>> -> memref<80xi32, #tpu.memory_space<vmem>>
      %dma_wait3A_142 = arith.constant 0 : i32
      %dma_wait3A_143 = arith.constant 0 : i32
      %dma_wait3A_144 = tpu.memref_slice %arg11[%dma_wait3A_142, %dma_wait3A_143] : memref<10240x128xf32, #tpu.memory_space<vmem_shared>> -> memref<10240x128xf32, #tpu.memory_space<vmem_shared>>
      %dma_wait3A_145 = tpu.memref_slice %arg13[%select_n3A_117] : memref<2x!tpu.dma_semaphore, #tpu.memory_space<semaphore_mem>> -> memref<1x!tpu.dma_semaphore, #tpu.memory_space<semaphore_mem>>
      %dma_wait3A_146 = tpu.memref_squeeze %dma_wait3A_145 : memref<1x!tpu.dma_semaphore, #tpu.memory_space<semaphore_mem>> -> memref<!tpu.dma_semaphore, #tpu.memory_space<semaphore_mem>>
      tpu.wait_indirect_dma semaphore(%dma_wait3A_146 : memref<!tpu.dma_semaphore, #tpu.memory_space<semaphore_mem>>) src(%dma_wait3A_144 : memref<10240x128xf32, #tpu.memory_space<vmem_shared>>) dst(%dma_wait3A_138 : memref<80x128xf32, #tpu.memory_space<vmem>>)
      %mul3A_147 = arith.constant 80 : i32
      %mul3A_148 = arith.muli %scan3A_108, %mul3A_147 : i32
      %add3A_149 = arith.addi %mul3A_2, %mul3A_148 : i32
      %dma_start3A_150 = arith.constant 0 : i32
      %dma_start3A_151 = arith.constant 0 : i32
      %dma_start3A_152 = tpu.memref_slice %arg9[%select_n3A_117, %dma_start3A_150, %dma_start3A_151] : memref<2x80x128xf32, #tpu.memory_space<vmem>> -> memref<1x80x128xf32, #tpu.memory_space<vmem>>
      %dma_start3A_153 = tpu.memref_squeeze %dma_start3A_152 : memref<1x80x128xf32, #tpu.memory_space<vmem>> -> memref<80x128xf32, #tpu.memory_space<vmem>>
      %dma_start3A_154 = arith.constant 0 : i32
      %dma_start3A_155 = tpu.memref_slice %arg5[%add3A_149, %dma_start3A_154] : memref<64000x128xf32, #tpu.memory_space<hbm>> -> memref<80x128xf32, #tpu.memory_space<hbm>>
      %dma_start3A_156 = tpu.memref_slice %arg14[%select_n3A_117] : memref<2x!tpu.dma_semaphore, #tpu.memory_space<semaphore_mem>> -> memref<1x!tpu.dma_semaphore, #tpu.memory_space<semaphore_mem>>
      %dma_start3A_157 = tpu.memref_squeeze %dma_start3A_156 : memref<1x!tpu.dma_semaphore, #tpu.memory_space<semaphore_mem>> -> memref<!tpu.dma_semaphore, #tpu.memory_space<semaphore_mem>>
      %dma_start3A_158 = arith.constant 0 : i32
      %dma_start3A_159 = tpu.memref_slice %arg5[%add3A_149, %dma_start3A_158] : memref<64000x128xf32, #tpu.memory_space<hbm>> -> memref<80x128xf32, #tpu.memory_space<hbm>>
      %dma_start3A_160 = arith.constant 0 : i32
      %dma_start3A_161 = arith.constant 0 : i32
      %dma_start3A_162 = tpu.memref_slice %arg9[%select_n3A_117, %dma_start3A_160, %dma_start3A_161] : memref<2x80x128xf32, #tpu.memory_space<vmem>> -> memref<1x80x128xf32, #tpu.memory_space<vmem>>
      %dma_start3A_163 = tpu.memref_squeeze %dma_start3A_162 : memref<1x80x128xf32, #tpu.memory_space<vmem>> -> memref<80x128xf32, #tpu.memory_space<vmem>>
      tpu.enqueue_dma source(%dma_start3A_163 : memref<80x128xf32, #tpu.memory_space<vmem>>) target(%dma_start3A_159 : memref<80x128xf32, #tpu.memory_space<hbm>>) target_semaphore(%dma_start3A_157 : memref<!tpu.dma_semaphore, #tpu.memory_space<semaphore_mem>>)
      %dma_start3A_164 = arith.constant 0 : i32
      %dma_start3A_165 = arith.constant 0 : i32
      %dma_start3A_166 = tpu.memref_slice %arg10[%select_n3A_117, %dma_start3A_164, %dma_start3A_165] : memref<2x80x128xf32, #tpu.memory_space<vmem>> -> memref<1x80x128xf32, #tpu.memory_space<vmem>>
      %dma_start3A_167 = tpu.memref_squeeze %dma_start3A_166 : memref<1x80x128xf32, #tpu.memory_space<vmem>> -> memref<80x128xf32, #tpu.memory_space<vmem>>
      %dma_start3A_168 = arith.constant 0 : i32
      %dma_start3A_169 = tpu.memref_slice %arg6[%add3A_149, %dma_start3A_168] : memref<64000x128xf32, #tpu.memory_space<hbm>> -> memref<80x128xf32, #tpu.memory_space<hbm>>
      %dma_start3A_170 = tpu.memref_slice %arg15[%select_n3A_117] : memref<2x!tpu.dma_semaphore, #tpu.memory_space<semaphore_mem>> -> memref<1x!tpu.dma_semaphore, #tpu.memory_space<semaphore_mem>>
      %dma_start3A_171 = tpu.memref_squeeze %dma_start3A_170 : memref<1x!tpu.dma_semaphore, #tpu.memory_space<semaphore_mem>> -> memref<!tpu.dma_semaphore, #tpu.memory_space<semaphore_mem>>
      %dma_start3A_172 = arith.constant 0 : i32
      %dma_start3A_173 = tpu.memref_slice %arg6[%add3A_149, %dma_start3A_172] : memref<64000x128xf32, #tpu.memory_space<hbm>> -> memref<80x128xf32, #tpu.memory_space<hbm>>
      %dma_start3A_174 = arith.constant 0 : i32
      %dma_start3A_175 = arith.constant 0 : i32
      %dma_start3A_176 = tpu.memref_slice %arg10[%select_n3A_117, %dma_start3A_174, %dma_start3A_175] : memref<2x80x128xf32, #tpu.memory_space<vmem>> -> memref<1x80x128xf32, #tpu.memory_space<vmem>>
      %dma_start3A_177 = tpu.memref_squeeze %dma_start3A_176 : memref<1x80x128xf32, #tpu.memory_space<vmem>> -> memref<80x128xf32, #tpu.memory_space<vmem>>
      tpu.enqueue_dma source(%dma_start3A_177 : memref<80x128xf32, #tpu.memory_space<vmem>>) target(%dma_start3A_173 : memref<80x128xf32, #tpu.memory_space<hbm>>) target_semaphore(%dma_start3A_171 : memref<!tpu.dma_semaphore, #tpu.memory_space<semaphore_mem>>)
    }
    %scan3A_40 = arith.constant 25 : i32
    %add3A_41 = arith.constant 1840 : i32
    %add3A_42 = arith.addi %mul3A_2, %add3A_41 : i32
    %dma_wait3A = arith.constant 1 : i32
    %dma_wait3A_43 = arith.constant 1 : i32
    %dma_wait3A_44 = arith.constant 0 : i32
    %dma_wait3A_45 = arith.constant 0 : i32
    %dma_wait3A_46 = tpu.memref_slice %arg9[%dma_wait3A, %dma_wait3A_44, %dma_wait3A_45] : memref<2x80x128xf32, #tpu.memory_space<vmem>> -> memref<1x80x128xf32, #tpu.memory_space<vmem>>
    %dma_wait3A_47 = tpu.memref_squeeze %dma_wait3A_46 : memref<1x80x128xf32, #tpu.memory_space<vmem>> -> memref<80x128xf32, #tpu.memory_space<vmem>>
    %dma_wait3A_48 = arith.constant 0 : i32
    %dma_wait3A_49 = tpu.memref_slice %arg5[%add3A_42, %dma_wait3A_48] : memref<64000x128xf32, #tpu.memory_space<hbm>> -> memref<80x128xf32, #tpu.memory_space<hbm>>
    %dma_wait3A_50 = tpu.memref_slice %arg14[%dma_wait3A_43] : memref<2x!tpu.dma_semaphore, #tpu.memory_space<semaphore_mem>> -> memref<1x!tpu.dma_semaphore, #tpu.memory_space<semaphore_mem>>
    %dma_wait3A_51 = tpu.memref_squeeze %dma_wait3A_50 : memref<1x!tpu.dma_semaphore, #tpu.memory_space<semaphore_mem>> -> memref<!tpu.dma_semaphore, #tpu.memory_space<semaphore_mem>>
    %dma_wait3A_52 = arith.constant 0 : i32
    %dma_wait3A_53 = tpu.memref_slice %arg5[%add3A_42, %dma_wait3A_52] : memref<64000x128xf32, #tpu.memory_space<hbm>> -> memref<80x128xf32, #tpu.memory_space<hbm>>
    %dma_wait3A_54 = arith.constant 0 : i32
    %dma_wait3A_55 = arith.constant 0 : i32
    %dma_wait3A_56 = tpu.memref_slice %arg9[%dma_wait3A, %dma_wait3A_54, %dma_wait3A_55] : memref<2x80x128xf32, #tpu.memory_space<vmem>> -> memref<1x80x128xf32, #tpu.memory_space<vmem>>
    %dma_wait3A_57 = tpu.memref_squeeze %dma_wait3A_56 : memref<1x80x128xf32, #tpu.memory_space<vmem>> -> memref<80x128xf32, #tpu.memory_space<vmem>>
    tpu.wait_dma2 semaphore(%dma_wait3A_51 : memref<!tpu.dma_semaphore, #tpu.memory_space<semaphore_mem>>) src(%dma_wait3A_57 : memref<80x128xf32, #tpu.memory_space<vmem>>) dst(%dma_wait3A_53 : memref<80x128xf32, #tpu.memory_space<hbm>>)
    %dma_wait3A_58 = arith.constant 1 : i32
    %dma_wait3A_59 = arith.constant 1 : i32
    %dma_wait3A_60 = arith.constant 0 : i32
    %dma_wait3A_61 = arith.constant 0 : i32
    %dma_wait3A_62 = tpu.memref_slice %arg10[%dma_wait3A_58, %dma_wait3A_60, %dma_wait3A_61] : memref<2x80x128xf32, #tpu.memory_space<vmem>> -> memref<1x80x128xf32, #tpu.memory_space<vmem>>
    %dma_wait3A_63 = tpu.memref_squeeze %dma_wait3A_62 : memref<1x80x128xf32, #tpu.memory_space<vmem>> -> memref<80x128xf32, #tpu.memory_space<vmem>>
    %dma_wait3A_64 = arith.constant 0 : i32
    %dma_wait3A_65 = tpu.memref_slice %arg6[%add3A_42, %dma_wait3A_64] : memref<64000x128xf32, #tpu.memory_space<hbm>> -> memref<80x128xf32, #tpu.memory_space<hbm>>
    %dma_wait3A_66 = tpu.memref_slice %arg15[%dma_wait3A_59] : memref<2x!tpu.dma_semaphore, #tpu.memory_space<semaphore_mem>> -> memref<1x!tpu.dma_semaphore, #tpu.memory_space<semaphore_mem>>
    %dma_wait3A_67 = tpu.memref_squeeze %dma_wait3A_66 : memref<1x!tpu.dma_semaphore, #tpu.memory_space<semaphore_mem>> -> memref<!tpu.dma_semaphore, #tpu.memory_space<semaphore_mem>>
    %dma_wait3A_68 = arith.constant 0 : i32
    %dma_wait3A_69 = tpu.memref_slice %arg6[%add3A_42, %dma_wait3A_68] : memref<64000x128xf32, #tpu.memory_space<hbm>> -> memref<80x128xf32, #tpu.memory_space<hbm>>
    %dma_wait3A_70 = arith.constant 0 : i32
    %dma_wait3A_71 = arith.constant 0 : i32
    %dma_wait3A_72 = tpu.memref_slice %arg10[%dma_wait3A_58, %dma_wait3A_70, %dma_wait3A_71] : memref<2x80x128xf32, #tpu.memory_space<vmem>> -> memref<1x80x128xf32, #tpu.memory_space<vmem>>
    %dma_wait3A_73 = tpu.memref_squeeze %dma_wait3A_72 : memref<1x80x128xf32, #tpu.memory_space<vmem>> -> memref<80x128xf32, #tpu.memory_space<vmem>>
    tpu.wait_dma2 semaphore(%dma_wait3A_67 : memref<!tpu.dma_semaphore, #tpu.memory_space<semaphore_mem>>) src(%dma_wait3A_73 : memref<80x128xf32, #tpu.memory_space<vmem>>) dst(%dma_wait3A_69 : memref<80x128xf32, #tpu.memory_space<hbm>>)
    %add3A_74 = arith.constant 1920 : i32
    %add3A_75 = arith.addi %mul3A_2, %add3A_74 : i32
    %dma_wait3A_76 = arith.constant 0 : i32
    %dma_wait3A_77 = arith.constant 0 : i32
    %dma_wait3A_78 = arith.constant 0 : i32
    %dma_wait3A_79 = arith.constant 0 : i32
    %dma_wait3A_80 = tpu.memref_slice %arg9[%dma_wait3A_76, %dma_wait3A_78, %dma_wait3A_79] : memref<2x80x128xf32, #tpu.memory_space<vmem>> -> memref<1x80x128xf32, #tpu.memory_space<vmem>>
    %dma_wait3A_81 = tpu.memref_squeeze %dma_wait3A_80 : memref<1x80x128xf32, #tpu.memory_space<vmem>> -> memref<80x128xf32, #tpu.memory_space<vmem>>
    %dma_wait3A_82 = arith.constant 0 : i32
    %dma_wait3A_83 = tpu.memref_slice %arg5[%add3A_75, %dma_wait3A_82] : memref<64000x128xf32, #tpu.memory_space<hbm>> -> memref<80x128xf32, #tpu.memory_space<hbm>>
    %dma_wait3A_84 = tpu.memref_slice %arg14[%dma_wait3A_77] : memref<2x!tpu.dma_semaphore, #tpu.memory_space<semaphore_mem>> -> memref<1x!tpu.dma_semaphore, #tpu.memory_space<semaphore_mem>>
    %dma_wait3A_85 = tpu.memref_squeeze %dma_wait3A_84 : memref<1x!tpu.dma_semaphore, #tpu.memory_space<semaphore_mem>> -> memref<!tpu.dma_semaphore, #tpu.memory_space<semaphore_mem>>
    %dma_wait3A_86 = arith.constant 0 : i32
    %dma_wait3A_87 = tpu.memref_slice %arg5[%add3A_75, %dma_wait3A_86] : memref<64000x128xf32, #tpu.memory_space<hbm>> -> memref<80x128xf32, #tpu.memory_space<hbm>>
    %dma_wait3A_88 = arith.constant 0 : i32
    %dma_wait3A_89 = arith.constant 0 : i32
    %dma_wait3A_90 = tpu.memref_slice %arg9[%dma_wait3A_76, %dma_wait3A_88, %dma_wait3A_89] : memref<2x80x128xf32, #tpu.memory_space<vmem>> -> memref<1x80x128xf32, #tpu.memory_space<vmem>>
    %dma_wait3A_91 = tpu.memref_squeeze %dma_wait3A_90 : memref<1x80x128xf32, #tpu.memory_space<vmem>> -> memref<80x128xf32, #tpu.memory_space<vmem>>
    tpu.wait_dma2 semaphore(%dma_wait3A_85 : memref<!tpu.dma_semaphore, #tpu.memory_space<semaphore_mem>>) src(%dma_wait3A_91 : memref<80x128xf32, #tpu.memory_space<vmem>>) dst(%dma_wait3A_87 : memref<80x128xf32, #tpu.memory_space<hbm>>)
    %dma_wait3A_92 = arith.constant 0 : i32
    %dma_wait3A_93 = arith.constant 0 : i32
    %dma_wait3A_94 = arith.constant 0 : i32
    %dma_wait3A_95 = arith.constant 0 : i32
    %dma_wait3A_96 = tpu.memref_slice %arg10[%dma_wait3A_92, %dma_wait3A_94, %dma_wait3A_95] : memref<2x80x128xf32, #tpu.memory_space<vmem>> -> memref<1x80x128xf32, #tpu.memory_space<vmem>>
    %dma_wait3A_97 = tpu.memref_squeeze %dma_wait3A_96 : memref<1x80x128xf32, #tpu.memory_space<vmem>> -> memref<80x128xf32, #tpu.memory_space<vmem>>
    %dma_wait3A_98 = arith.constant 0 : i32
    %dma_wait3A_99 = tpu.memref_slice %arg6[%add3A_75, %dma_wait3A_98] : memref<64000x128xf32, #tpu.memory_space<hbm>> -> memref<80x128xf32, #tpu.memory_space<hbm>>
    %dma_wait3A_100 = tpu.memref_slice %arg15[%dma_wait3A_93] : memref<2x!tpu.dma_semaphore, #tpu.memory_space<semaphore_mem>> -> memref<1x!tpu.dma_semaphore, #tpu.memory_space<semaphore_mem>>
    %dma_wait3A_101 = tpu.memref_squeeze %dma_wait3A_100 : memref<1x!tpu.dma_semaphore, #tpu.memory_space<semaphore_mem>> -> memref<!tpu.dma_semaphore, #tpu.memory_space<semaphore_mem>>
    %dma_wait3A_102 = arith.constant 0 : i32
    %dma_wait3A_103 = tpu.memref_slice %arg6[%add3A_75, %dma_wait3A_102] : memref<64000x128xf32, #tpu.memory_space<hbm>> -> memref<80x128xf32, #tpu.memory_space<hbm>>
    %dma_wait3A_104 = arith.constant 0 : i32
    %dma_wait3A_105 = arith.constant 0 : i32
    %dma_wait3A_106 = tpu.memref_slice %arg10[%dma_wait3A_92, %dma_wait3A_104, %dma_wait3A_105] : memref<2x80x128xf32, #tpu.memory_space<vmem>> -> memref<1x80x128xf32, #tpu.memory_space<vmem>>
    %dma_wait3A_107 = tpu.memref_squeeze %dma_wait3A_106 : memref<1x80x128xf32, #tpu.memory_space<vmem>> -> memref<80x128xf32, #tpu.memory_space<vmem>>
    tpu.wait_dma2 semaphore(%dma_wait3A_101 : memref<!tpu.dma_semaphore, #tpu.memory_space<semaphore_mem>>) src(%dma_wait3A_107 : memref<80x128xf32, #tpu.memory_space<vmem>>) dst(%dma_wait3A_103 : memref<80x128xf32, #tpu.memory_space<hbm>>)
    return
  }
}

#map = affine_map<(d0, d1) -> (0, 0)>
#map1 = affine_map<(d0, d1) -> (0, 0, 0, 0)>
module attributes {stable_mosaic.version = 14 : i64} {
  func.func @sc_gather(%arg0: i32, %arg1: i32, %arg2: memref<10240x128xf32, #tpu.memory_space<hbm>>, %arg3: memref<2x16x25x80xi32, #tpu.memory_space<hbm>>, %arg4: memref<2x16x25x80xi32, #tpu.memory_space<hbm>>, %arg5: memref<64000x128xf32, #tpu.memory_space<hbm>>, %arg6: memref<64000x128xf32, #tpu.memory_space<hbm>>, %arg7: memref<25x80xi32, #tpu.memory_space<vmem>>, %arg8: memref<25x80xi32, #tpu.memory_space<vmem>>, %arg9: memref<2x80x128xf32, #tpu.memory_space<vmem>>, %arg10: memref<2x80x128xf32, #tpu.memory_space<vmem>>, %arg11: memref<10240x128xf32, #tpu.memory_space<vmem_shared>>, %arg12: memref<2x!tpu.dma_semaphore, #tpu.memory_space<semaphore_mem>>, %arg13: memref<2x!tpu.dma_semaphore, #tpu.memory_space<semaphore_mem>>, %arg14: memref<2x!tpu.dma_semaphore, #tpu.memory_space<semaphore_mem>>, %arg15: memref<2x!tpu.dma_semaphore, #tpu.memory_space<semaphore_mem>>) attributes {dimension_semantics = [#tpu.dimension_semantics<core_parallel>, #tpu.dimension_semantics<subcore_parallel>], iteration_bounds = array<i64: 2, 16>, scalar_prefetch = 0 : i64, scratch_operands = 9 : i64, tpu.core_type = #tpu.core_type<sc_vector_subcore>, window_params = [{transform_indices = #map}, {transform_indices = #map1}, {transform_indices = #map1}, {transform_indices = #map}, {transform_indices = #map}]} {
    %mul3A = arith.constant 16 : i32
    %mul3A_0 = arith.muli %arg0, %mul3A : i32
    %add3A = arith.addi %mul3A_0, %arg1 : i32
    %mul3A_1 = arith.constant 2000 : i32
    %mul3A_2 = arith.muli %add3A, %mul3A_1 : i32
    %mul3A_3 = arith.constant 640 : i32
    %mul3A_4 = arith.muli %arg1, %mul3A_3 : i32
    %mul3A_5 = arith.constant 640 : i32
    %mul3A_6 = arith.muli %arg1, %mul3A_5 : i32
    "tpu.region"() ({
      %run_scoped3A = tpu.sem_alloc : memref<!tpu.dma_semaphore, #tpu.memory_space<semaphore_mem>>
      %dma_start3A_108 = arith.constant 0 : i32
      %dma_start3A_109 = tpu.memref_slice %arg11[%mul3A_6, %dma_start3A_108] : memref<10240x128xf32, #tpu.memory_space<vmem_shared>> -> memref<640x128xf32, #tpu.memory_space<vmem_shared>>
      %dma_start3A_110 = arith.constant 0 : i32
      %dma_start3A_111 = tpu.memref_slice %arg2[%mul3A_4, %dma_start3A_110] : memref<10240x128xf32, #tpu.memory_space<hbm>> -> memref<640x128xf32, #tpu.memory_space<hbm>>
      tpu.enqueue_dma source(%dma_start3A_111 : memref<640x128xf32, #tpu.memory_space<hbm>>) target(%dma_start3A_109 : memref<640x128xf32, #tpu.memory_space<vmem_shared>>) target_semaphore(%run_scoped3A : memref<!tpu.dma_semaphore, #tpu.memory_space<semaphore_mem>>)
      %dma_wait3A_112 = arith.constant 0 : i32
      %dma_wait3A_113 = tpu.memref_slice %arg11[%mul3A_6, %dma_wait3A_112] : memref<10240x128xf32, #tpu.memory_space<vmem_shared>> -> memref<640x128xf32, #tpu.memory_space<vmem_shared>>
      %dma_wait3A_114 = arith.constant 0 : i32
      %dma_wait3A_115 = tpu.memref_slice %arg2[%mul3A_4, %dma_wait3A_114] : memref<10240x128xf32, #tpu.memory_space<hbm>> -> memref<640x128xf32, #tpu.memory_space<hbm>>
      tpu.wait_dma2 semaphore(%run_scoped3A : memref<!tpu.dma_semaphore, #tpu.memory_space<semaphore_mem>>) src(%dma_wait3A_115 : memref<640x128xf32, #tpu.memory_space<hbm>>) dst(%dma_wait3A_113 : memref<640x128xf32, #tpu.memory_space<vmem_shared>>)
      tpu.yield
    }) : () -> ()
    "tpu.region"() ({
      %run_scoped3A = tpu.sem_alloc : memref<!tpu.dma_semaphore, #tpu.memory_space<semaphore_mem>>
      %dma_start3A_108 = arith.constant 0 : i32
      %dma_start3A_109 = arith.constant 0 : i32
      %dma_start3A_110 = tpu.memref_slice %arg3[%arg0, %arg1, %dma_start3A_108, %dma_start3A_109] : memref<2x16x25x80xi32, #tpu.memory_space<hbm>> -> memref<1x1x25x80xi32, #tpu.memory_space<hbm>>
      %dma_start3A_111 = tpu.memref_squeeze %dma_start3A_110 : memref<1x1x25x80xi32, #tpu.memory_space<hbm>> -> memref<25x80xi32, #tpu.memory_space<hbm>>
      %dma_start3A_112 = arith.constant 0 : i32
      %dma_start3A_113 = arith.constant 0 : i32
      %dma_start3A_114 = tpu.memref_slice %arg3[%arg0, %arg1, %dma_start3A_112, %dma_start3A_113] : memref<2x16x25x80xi32, #tpu.memory_space<hbm>> -> memref<1x1x25x80xi32, #tpu.memory_space<hbm>>
      %dma_start3A_115 = tpu.memref_squeeze %dma_start3A_114 : memref<1x1x25x80xi32, #tpu.memory_space<hbm>> -> memref<25x80xi32, #tpu.memory_space<hbm>>
      tpu.enqueue_dma source(%dma_start3A_115 : memref<25x80xi32, #tpu.memory_space<hbm>>) target(%arg7 : memref<25x80xi32, #tpu.memory_space<vmem>>) target_semaphore(%run_scoped3A : memref<!tpu.dma_semaphore, #tpu.memory_space<semaphore_mem>>)
      %dma_wait3A_116 = arith.constant 0 : i32
      %dma_wait3A_117 = arith.constant 0 : i32
      %dma_wait3A_118 = tpu.memref_slice %arg3[%arg0, %arg1, %dma_wait3A_116, %dma_wait3A_117] : memref<2x16x25x80xi32, #tpu.memory_space<hbm>> -> memref<1x1x25x80xi32, #tpu.memory_space<hbm>>
      %dma_wait3A_119 = tpu.memref_squeeze %dma_wait3A_118 : memref<1x1x25x80xi32, #tpu.memory_space<hbm>> -> memref<25x80xi32, #tpu.memory_space<hbm>>
      %dma_wait3A_120 = arith.constant 0 : i32
      %dma_wait3A_121 = arith.constant 0 : i32
      %dma_wait3A_122 = tpu.memref_slice %arg3[%arg0, %arg1, %dma_wait3A_120, %dma_wait3A_121] : memref<2x16x25x80xi32, #tpu.memory_space<hbm>> -> memref<1x1x25x80xi32, #tpu.memory_space<hbm>>
      %dma_wait3A_123 = tpu.memref_squeeze %dma_wait3A_122 : memref<1x1x25x80xi32, #tpu.memory_space<hbm>> -> memref<25x80xi32, #tpu.memory_space<hbm>>
      tpu.wait_dma2 semaphore(%run_scoped3A : memref<!tpu.dma_semaphore, #tpu.memory_space<semaphore_mem>>) src(%dma_wait3A_123 : memref<25x80xi32, #tpu.memory_space<hbm>>) dst(%arg7 : memref<25x80xi32, #tpu.memory_space<vmem>>)
      tpu.yield
    }) : () -> ()
    "tpu.region"() ({
      %run_scoped3A = tpu.sem_alloc : memref<!tpu.dma_semaphore, #tpu.memory_space<semaphore_mem>>
      %dma_start3A_108 = arith.constant 0 : i32
      %dma_start3A_109 = arith.constant 0 : i32
      %dma_start3A_110 = tpu.memref_slice %arg4[%arg0, %arg1, %dma_start3A_108, %dma_start3A_109] : memref<2x16x25x80xi32, #tpu.memory_space<hbm>> -> memref<1x1x25x80xi32, #tpu.memory_space<hbm>>
      %dma_start3A_111 = tpu.memref_squeeze %dma_start3A_110 : memref<1x1x25x80xi32, #tpu.memory_space<hbm>> -> memref<25x80xi32, #tpu.memory_space<hbm>>
      %dma_start3A_112 = arith.constant 0 : i32
      %dma_start3A_113 = arith.constant 0 : i32
      %dma_start3A_114 = tpu.memref_slice %arg4[%arg0, %arg1, %dma_start3A_112, %dma_start3A_113] : memref<2x16x25x80xi32, #tpu.memory_space<hbm>> -> memref<1x1x25x80xi32, #tpu.memory_space<hbm>>
      %dma_start3A_115 = tpu.memref_squeeze %dma_start3A_114 : memref<1x1x25x80xi32, #tpu.memory_space<hbm>> -> memref<25x80xi32, #tpu.memory_space<hbm>>
      tpu.enqueue_dma source(%dma_start3A_115 : memref<25x80xi32, #tpu.memory_space<hbm>>) target(%arg8 : memref<25x80xi32, #tpu.memory_space<vmem>>) target_semaphore(%run_scoped3A : memref<!tpu.dma_semaphore, #tpu.memory_space<semaphore_mem>>)
      %dma_wait3A_116 = arith.constant 0 : i32
      %dma_wait3A_117 = arith.constant 0 : i32
      %dma_wait3A_118 = tpu.memref_slice %arg4[%arg0, %arg1, %dma_wait3A_116, %dma_wait3A_117] : memref<2x16x25x80xi32, #tpu.memory_space<hbm>> -> memref<1x1x25x80xi32, #tpu.memory_space<hbm>>
      %dma_wait3A_119 = tpu.memref_squeeze %dma_wait3A_118 : memref<1x1x25x80xi32, #tpu.memory_space<hbm>> -> memref<25x80xi32, #tpu.memory_space<hbm>>
      %dma_wait3A_120 = arith.constant 0 : i32
      %dma_wait3A_121 = arith.constant 0 : i32
      %dma_wait3A_122 = tpu.memref_slice %arg4[%arg0, %arg1, %dma_wait3A_120, %dma_wait3A_121] : memref<2x16x25x80xi32, #tpu.memory_space<hbm>> -> memref<1x1x25x80xi32, #tpu.memory_space<hbm>>
      %dma_wait3A_123 = tpu.memref_squeeze %dma_wait3A_122 : memref<1x1x25x80xi32, #tpu.memory_space<hbm>> -> memref<25x80xi32, #tpu.memory_space<hbm>>
      tpu.wait_dma2 semaphore(%run_scoped3A : memref<!tpu.dma_semaphore, #tpu.memory_space<semaphore_mem>>) src(%dma_wait3A_123 : memref<25x80xi32, #tpu.memory_space<hbm>>) dst(%arg8 : memref<25x80xi32, #tpu.memory_space<vmem>>)
      tpu.yield
    }) : () -> ()
    %barrier3A = arith.constant 0 : index
    tpu.barrier barrier_id(%barrier3A)
    %dma_start3A = arith.constant 0 : i32
    %dma_start3A_7 = arith.constant 0 : i32
    %dma_start3A_8 = arith.constant 0 : i32
    %dma_start3A_9 = arith.constant 0 : i32
    %dma_start3A_10 = arith.constant 0 : i32
    %dma_start3A_11 = tpu.memref_slice %arg9[%dma_start3A_7, %dma_start3A_9, %dma_start3A_10] : memref<2x80x128xf32, #tpu.memory_space<vmem>> -> memref<1x80x128xf32, #tpu.memory_space<vmem>>
    %dma_start3A_12 = tpu.memref_squeeze %dma_start3A_11 : memref<1x80x128xf32, #tpu.memory_space<vmem>> -> memref<80x128xf32, #tpu.memory_space<vmem>>
    %dma_start3A_13 = arith.constant 0 : i32
    %dma_start3A_14 = tpu.memref_slice %arg7[%dma_start3A, %dma_start3A_13] : memref<25x80xi32, #tpu.memory_space<vmem>> -> memref<1x80xi32, #tpu.memory_space<vmem>>
    %dma_start3A_15 = tpu.memref_squeeze %dma_start3A_14 : memref<1x80xi32, #tpu.memory_space<vmem>> -> memref<80xi32, #tpu.memory_space<vmem>>
    %dma_start3A_16 = arith.constant 0 : i32
    %dma_start3A_17 = arith.constant 0 : i32
    %dma_start3A_18 = tpu.memref_slice %arg11[%dma_start3A_16, %dma_start3A_17] : memref<10240x128xf32, #tpu.memory_space<vmem_shared>> -> memref<10240x128xf32, #tpu.memory_space<vmem_shared>>
    %dma_start3A_19 = tpu.memref_slice %arg12[%dma_start3A_8] : memref<2x!tpu.dma_semaphore, #tpu.memory_space<semaphore_mem>> -> memref<1x!tpu.dma_semaphore, #tpu.memory_space<semaphore_mem>>
    %dma_start3A_20 = tpu.memref_squeeze %dma_start3A_19 : memref<1x!tpu.dma_semaphore, #tpu.memory_space<semaphore_mem>> -> memref<!tpu.dma_semaphore, #tpu.memory_space<semaphore_mem>>
    tpu.enqueue_indirect_dma source(%dma_start3A_18 : memref<10240x128xf32, #tpu.memory_space<vmem_shared>>) target(%dma_start3A_12 : memref<80x128xf32, #tpu.memory_space<vmem>>) offsets(%dma_start3A_15 : memref<80xi32, #tpu.memory_space<vmem>>) semaphore(%dma_start3A_20 : memref<!tpu.dma_semaphore, #tpu.memory_space<semaphore_mem>>)
    %dma_start3A_21 = arith.constant 0 : i32
    %dma_start3A_22 = arith.constant 0 : i32
    %dma_start3A_23 = arith.constant 0 : i32
    %dma_start3A_24 = arith.constant 0 : i32
    %dma_start3A_25 = arith.constant 0 : i32
    %dma_start3A_26 = tpu.memref_slice %arg10[%dma_start3A_22, %dma_start3A_24, %dma_start3A_25] : memref<2x80x128xf32, #tpu.memory_space<vmem>> -> memref<1x80x128xf32, #tpu.memory_space<vmem>>
    %dma_start3A_27 = tpu.memref_squeeze %dma_start3A_26 : memref<1x80x128xf32, #tpu.memory_space<vmem>> -> memref<80x128xf32, #tpu.memory_space<vmem>>
    %dma_start3A_28 = arith.constant 0 : i32
    %dma_start3A_29 = tpu.memref_slice %arg8[%dma_start3A_21, %dma_start3A_28] : memref<25x80xi32, #tpu.memory_space<vmem>> -> memref<1x80xi32, #tpu.memory_space<vmem>>
    %dma_start3A_30 = tpu.memref_squeeze %dma_start3A_29 : memref<1x80xi32, #tpu.memory_space<vmem>> -> memref<80xi32, #tpu.memory_space<vmem>>
    %dma_start3A_31 = arith.constant 0 : i32
    %dma_start3A_32 = arith.constant 0 : i32
    %dma_start3A_33 = tpu.memref_slice %arg11[%dma_start3A_31, %dma_start3A_32] : memref<10240x128xf32, #tpu.memory_space<vmem_shared>> -> memref<10240x128xf32, #tpu.memory_space<vmem_shared>>
    %dma_start3A_34 = tpu.memref_slice %arg13[%dma_start3A_23] : memref<2x!tpu.dma_semaphore, #tpu.memory_space<semaphore_mem>> -> memref<1x!tpu.dma_semaphore, #tpu.memory_space<semaphore_mem>>
    %dma_start3A_35 = tpu.memref_squeeze %dma_start3A_34 : memref<1x!tpu.dma_semaphore, #tpu.memory_space<semaphore_mem>> -> memref<!tpu.dma_semaphore, #tpu.memory_space<semaphore_mem>>
    tpu.enqueue_indirect_dma source(%dma_start3A_33 : memref<10240x128xf32, #tpu.memory_space<vmem_shared>>) target(%dma_start3A_27 : memref<80x128xf32, #tpu.memory_space<vmem>>) offsets(%dma_start3A_30 : memref<80xi32, #tpu.memory_space<vmem>>) semaphore(%dma_start3A_35 : memref<!tpu.dma_semaphore, #tpu.memory_space<semaphore_mem>>)
    %scan3A = arith.constant 0 : i32
    %scan3A_36 = arith.constant 0 : i32
    %scan3A_37 = arith.constant 25 : i32
    %scan3A_38 = arith.addi %scan3A_36, %scan3A_37 : i32
    %scan3A_39 = arith.constant 1 : i32
    scf.for %scan3A_108 = %scan3A_36 to %scan3A_38 step %scan3A_39  : i32 {
      %jit3A = arith.constant 2 : i32
      %eq3A = arith.constant 0 : i32
      %eq3A_109 = arith.cmpi eq, %jit3A, %eq3A : i32
      %jit3A_110 = arith.constant 1 : i32
      %select_n3A = arith.select %eq3A_109, %jit3A_110, %jit3A : i32
      %rem3A = arith.remsi %scan3A_108, %select_n3A : i32
      %ne3A = arith.constant 0 : i32
      %ne3A_111 = arith.cmpi ne, %rem3A, %ne3A : i32
      %lt3A = arith.constant 0 : i32
      %lt3A_112 = arith.cmpi slt, %rem3A, %lt3A : i32
      %lt3A_113 = arith.constant 0 : i32
      %lt3A_114 = arith.cmpi slt, %select_n3A, %lt3A_113 : i32
      %ne3A_115 = arith.xori %lt3A_112, %lt3A_114 : i1
      %and3A = arith.andi %ne3A_115, %ne3A_111 : i1
      %add3A_116 = arith.addi %rem3A, %select_n3A : i32
      %select_n3A_117 = arith.select %and3A, %add3A_116, %rem3A : i32
      %add3A_118 = arith.constant 1 : i32
      %add3A_119 = arith.addi %scan3A_108, %add3A_118 : i32
      %lt3A_120 = arith.constant 25 : i32
      %lt3A_121 = arith.cmpi slt, %add3A_119, %lt3A_120 : i32
      %convert_element_type3A = arith.extui %lt3A_121 : i1 to i32
      %cond3A = arith.constant 0 : i32
      %cond3A_122 = arith.cmpi ne, %convert_element_type3A, %cond3A : i32
      scf.if %cond3A_122 {
        %ge3A = arith.constant 1 : i32
        %ge3A_178 = arith.cmpi sge, %scan3A_108, %ge3A : i32
        %convert_element_type3A_179 = arith.extui %ge3A_178 : i1 to i32
        %cond3A_180 = arith.constant 0 : i32
        %cond3A_181 = arith.cmpi ne, %convert_element_type3A_179, %cond3A_180 : i32
        scf.if %cond3A_181 {
          %sub3A_209 = arith.constant 1 : i32
          %sub3A_210 = arith.subi %scan3A_108, %sub3A_209 : i32
          %sub3A_211 = arith.constant 1 : i32
          %sub3A_212 = arith.subi %sub3A_211, %select_n3A_117 : i32
          %mul3A_213 = arith.constant 80 : i32
          %mul3A_214 = arith.muli %sub3A_210, %mul3A_213 : i32
          %add3A_215 = arith.addi %mul3A_2, %mul3A_214 : i32
          %dma_wait3A_216 = arith.constant 0 : i32
          %dma_wait3A_217 = arith.constant 0 : i32
          %dma_wait3A_218 = tpu.memref_slice %arg9[%sub3A_212, %dma_wait3A_216, %dma_wait3A_217] : memref<2x80x128xf32, #tpu.memory_space<vmem>> -> memref<1x80x128xf32, #tpu.memory_space<vmem>>
          %dma_wait3A_219 = tpu.memref_squeeze %dma_wait3A_218 : memref<1x80x128xf32, #tpu.memory_space<vmem>> -> memref<80x128xf32, #tpu.memory_space<vmem>>
          %dma_wait3A_220 = arith.constant 0 : i32
          %dma_wait3A_221 = tpu.memref_slice %arg5[%add3A_215, %dma_wait3A_220] : memref<64000x128xf32, #tpu.memory_space<hbm>> -> memref<80x128xf32, #tpu.memory_space<hbm>>
          %dma_wait3A_222 = tpu.memref_slice %arg14[%sub3A_212] : memref<2x!tpu.dma_semaphore, #tpu.memory_space<semaphore_mem>> -> memref<1x!tpu.dma_semaphore, #tpu.memory_space<semaphore_mem>>
          %dma_wait3A_223 = tpu.memref_squeeze %dma_wait3A_222 : memref<1x!tpu.dma_semaphore, #tpu.memory_space<semaphore_mem>> -> memref<!tpu.dma_semaphore, #tpu.memory_space<semaphore_mem>>
          %dma_wait3A_224 = arith.constant 0 : i32
          %dma_wait3A_225 = tpu.memref_slice %arg5[%add3A_215, %dma_wait3A_224] : memref<64000x128xf32, #tpu.memory_space<hbm>> -> memref<80x128xf32, #tpu.memory_space<hbm>>
          %dma_wait3A_226 = arith.constant 0 : i32
          %dma_wait3A_227 = arith.constant 0 : i32
          %dma_wait3A_228 = tpu.memref_slice %arg9[%sub3A_212, %dma_wait3A_226, %dma_wait3A_227] : memref<2x80x128xf32, #tpu.memory_space<vmem>> -> memref<1x80x128xf32, #tpu.memory_space<vmem>>
          %dma_wait3A_229 = tpu.memref_squeeze %dma_wait3A_228 : memref<1x80x128xf32, #tpu.memory_space<vmem>> -> memref<80x128xf32, #tpu.memory_space<vmem>>
          tpu.wait_dma2 semaphore(%dma_wait3A_223 : memref<!tpu.dma_semaphore, #tpu.memory_space<semaphore_mem>>) src(%dma_wait3A_229 : memref<80x128xf32, #tpu.memory_space<vmem>>) dst(%dma_wait3A_225 : memref<80x128xf32, #tpu.memory_space<hbm>>)
          %dma_wait3A_230 = arith.constant 0 : i32
          %dma_wait3A_231 = arith.constant 0 : i32
          %dma_wait3A_232 = tpu.memref_slice %arg10[%sub3A_212, %dma_wait3A_230, %dma_wait3A_231] : memref<2x80x128xf32, #tpu.memory_space<vmem>> -> memref<1x80x128xf32, #tpu.memory_space<vmem>>
          %dma_wait3A_233 = tpu.memref_squeeze %dma_wait3A_232 : memref<1x80x128xf32, #tpu.memory_space<vmem>> -> memref<80x128xf32, #tpu.memory_space<vmem>>
          %dma_wait3A_234 = arith.constant 0 : i32
          %dma_wait3A_235 = tpu.memref_slice %arg6[%add3A_215, %dma_wait3A_234] : memref<64000x128xf32, #tpu.memory_space<hbm>> -> memref<80x128xf32, #tpu.memory_space<hbm>>
          %dma_wait3A_236 = tpu.memref_slice %arg15[%sub3A_212] : memref<2x!tpu.dma_semaphore, #tpu.memory_space<semaphore_mem>> -> memref<1x!tpu.dma_semaphore, #tpu.memory_space<semaphore_mem>>
          %dma_wait3A_237 = tpu.memref_squeeze %dma_wait3A_236 : memref<1x!tpu.dma_semaphore, #tpu.memory_space<semaphore_mem>> -> memref<!tpu.dma_semaphore, #tpu.memory_space<semaphore_mem>>
          %dma_wait3A_238 = arith.constant 0 : i32
          %dma_wait3A_239 = tpu.memref_slice %arg6[%add3A_215, %dma_wait3A_238] : memref<64000x128xf32, #tpu.memory_space<hbm>> -> memref<80x128xf32, #tpu.memory_space<hbm>>
          %dma_wait3A_240 = arith.constant 0 : i32
          %dma_wait3A_241 = arith.constant 0 : i32
          %dma_wait3A_242 = tpu.memref_slice %arg10[%sub3A_212, %dma_wait3A_240, %dma_wait3A_241] : memref<2x80x128xf32, #tpu.memory_space<vmem>> -> memref<1x80x128xf32, #tpu.memory_space<vmem>>
          %dma_wait3A_243 = tpu.memref_squeeze %dma_wait3A_242 : memref<1x80x128xf32, #tpu.memory_space<vmem>> -> memref<80x128xf32, #tpu.memory_space<vmem>>
          tpu.wait_dma2 semaphore(%dma_wait3A_237 : memref<!tpu.dma_semaphore, #tpu.memory_space<semaphore_mem>>) src(%dma_wait3A_243 : memref<80x128xf32, #tpu.memory_space<vmem>>) dst(%dma_wait3A_239 : memref<80x128xf32, #tpu.memory_space<hbm>>)
        } else {
        }
        %add3A_182 = arith.constant 1 : i32
        %add3A_183 = arith.addi %scan3A_108, %add3A_182 : i32
        %sub3A = arith.constant 1 : i32
        %sub3A_184 = arith.subi %sub3A, %select_n3A_117 : i32
        %dma_start3A_185 = arith.constant 0 : i32
        %dma_start3A_186 = arith.constant 0 : i32
        %dma_start3A_187 = tpu.memref_slice %arg9[%sub3A_184, %dma_start3A_185, %dma_start3A_186] : memref<2x80x128xf32, #tpu.memory_space<vmem>> -> memref<1x80x128xf32, #tpu.memory_space<vmem>>
        %dma_start3A_188 = tpu.memref_squeeze %dma_start3A_187 : memref<1x80x128xf32, #tpu.memory_space<vmem>> -> memref<80x128xf32, #tpu.memory_space<vmem>>
        %dma_start3A_189 = arith.constant 0 : i32
        %dma_start3A_190 = tpu.memref_slice %arg7[%add3A_183, %dma_start3A_189] : memref<25x80xi32, #tpu.memory_space<vmem>> -> memref<1x80xi32, #tpu.memory_space<vmem>>
        %dma_start3A_191 = tpu.memref_squeeze %dma_start3A_190 : memref<1x80xi32, #tpu.memory_space<vmem>> -> memref<80xi32, #tpu.memory_space<vmem>>
        %dma_start3A_192 = arith.constant 0 : i32
        %dma_start3A_193 = arith.constant 0 : i32
        %dma_start3A_194 = tpu.memref_slice %arg11[%dma_start3A_192, %dma_start3A_193] : memref<10240x128xf32, #tpu.memory_space<vmem_shared>> -> memref<10240x128xf32, #tpu.memory_space<vmem_shared>>
        %dma_start3A_195 = tpu.memref_slice %arg12[%sub3A_184] : memref<2x!tpu.dma_semaphore, #tpu.memory_space<semaphore_mem>> -> memref<1x!tpu.dma_semaphore, #tpu.memory_space<semaphore_mem>>
        %dma_start3A_196 = tpu.memref_squeeze %dma_start3A_195 : memref<1x!tpu.dma_semaphore, #tpu.memory_space<semaphore_mem>> -> memref<!tpu.dma_semaphore, #tpu.memory_space<semaphore_mem>>
        tpu.enqueue_indirect_dma source(%dma_start3A_194 : memref<10240x128xf32, #tpu.memory_space<vmem_shared>>) target(%dma_start3A_188 : memref<80x128xf32, #tpu.memory_space<vmem>>) offsets(%dma_start3A_191 : memref<80xi32, #tpu.memory_space<vmem>>) semaphore(%dma_start3A_196 : memref<!tpu.dma_semaphore, #tpu.memory_space<semaphore_mem>>)
        %dma_start3A_197 = arith.constant 0 : i32
        %dma_start3A_198 = arith.constant 0 : i32
        %dma_start3A_199 = tpu.memref_slice %arg10[%sub3A_184, %dma_start3A_197, %dma_start3A_198] : memref<2x80x128xf32, #tpu.memory_space<vmem>> -> memref<1x80x128xf32, #tpu.memory_space<vmem>>
        %dma_start3A_200 = tpu.memref_squeeze %dma_start3A_199 : memref<1x80x128xf32, #tpu.memory_space<vmem>> -> memref<80x128xf32, #tpu.memory_space<vmem>>
        %dma_start3A_201 = arith.constant 0 : i32
        %dma_start3A_202 = tpu.memref_slice %arg8[%add3A_183, %dma_start3A_201] : memref<25x80xi32, #tpu.memory_space<vmem>> -> memref<1x80xi32, #tpu.memory_space<vmem>>
        %dma_start3A_203 = tpu.memref_squeeze %dma_start3A_202 : memref<1x80xi32, #tpu.memory_space<vmem>> -> memref<80xi32, #tpu.memory_space<vmem>>
        %dma_start3A_204 = arith.constant 0 : i32
        %dma_start3A_205 = arith.constant 0 : i32
        %dma_start3A_206 = tpu.memref_slice %arg11[%dma_start3A_204, %dma_start3A_205] : memref<10240x128xf32, #tpu.memory_space<vmem_shared>> -> memref<10240x128xf32, #tpu.memory_space<vmem_shared>>
        %dma_start3A_207 = tpu.memref_slice %arg13[%sub3A_184] : memref<2x!tpu.dma_semaphore, #tpu.memory_space<semaphore_mem>> -> memref<1x!tpu.dma_semaphore, #tpu.memory_space<semaphore_mem>>
        %dma_start3A_208 = tpu.memref_squeeze %dma_start3A_207 : memref<1x!tpu.dma_semaphore, #tpu.memory_space<semaphore_mem>> -> memref<!tpu.dma_semaphore, #tpu.memory_space<semaphore_mem>>
        tpu.enqueue_indirect_dma source(%dma_start3A_206 : memref<10240x128xf32, #tpu.memory_space<vmem_shared>>) target(%dma_start3A_200 : memref<80x128xf32, #tpu.memory_space<vmem>>) offsets(%dma_start3A_203 : memref<80xi32, #tpu.memory_space<vmem>>) semaphore(%dma_start3A_208 : memref<!tpu.dma_semaphore, #tpu.memory_space<semaphore_mem>>)
      } else {
      }
      %dma_wait3A_123 = arith.constant 0 : i32
      %dma_wait3A_124 = arith.constant 0 : i32
      %dma_wait3A_125 = tpu.memref_slice %arg9[%select_n3A_117, %dma_wait3A_123, %dma_wait3A_124] : memref<2x80x128xf32, #tpu.memory_space<vmem>> -> memref<1x80x128xf32, #tpu.memory_space<vmem>>
      %dma_wait3A_126 = tpu.memref_squeeze %dma_wait3A_125 : memref<1x80x128xf32, #tpu.memory_space<vmem>> -> memref<80x128xf32, #tpu.memory_space<vmem>>
      %dma_wait3A_127 = arith.constant 0 : i32
      %dma_wait3A_128 = tpu.memref_slice %arg7[%scan3A_108, %dma_wait3A_127] : memref<25x80xi32, #tpu.memory_space<vmem>> -> memref<1x80xi32, #tpu.memory_space<vmem>>
      %dma_wait3A_129 = tpu.memref_squeeze %dma_wait3A_128 : memref<1x80xi32, #tpu.memory_space<vmem>> -> memref<80xi32, #tpu.memory_space<vmem>>
      %dma_wait3A_130 = arith.constant 0 : i32
      %dma_wait3A_131 = arith.constant 0 : i32
      %dma_wait3A_132 = tpu.memref_slice %arg11[%dma_wait3A_130, %dma_wait3A_131] : memref<10240x128xf32, #tpu.memory_space<vmem_shared>> -> memref<10240x128xf32, #tpu.memory_space<vmem_shared>>
      %dma_wait3A_133 = tpu.memref_slice %arg12[%select_n3A_117] : memref<2x!tpu.dma_semaphore, #tpu.memory_space<semaphore_mem>> -> memref<1x!tpu.dma_semaphore, #tpu.memory_space<semaphore_mem>>
      %dma_wait3A_134 = tpu.memref_squeeze %dma_wait3A_133 : memref<1x!tpu.dma_semaphore, #tpu.memory_space<semaphore_mem>> -> memref<!tpu.dma_semaphore, #tpu.memory_space<semaphore_mem>>
      tpu.wait_indirect_dma semaphore(%dma_wait3A_134 : memref<!tpu.dma_semaphore, #tpu.memory_space<semaphore_mem>>) src(%dma_wait3A_132 : memref<10240x128xf32, #tpu.memory_space<vmem_shared>>) dst(%dma_wait3A_126 : memref<80x128xf32, #tpu.memory_space<vmem>>)
      %dma_wait3A_135 = arith.constant 0 : i32
      %dma_wait3A_136 = arith.constant 0 : i32
      %dma_wait3A_137 = tpu.memref_slice %arg10[%select_n3A_117, %dma_wait3A_135, %dma_wait3A_136] : memref<2x80x128xf32, #tpu.memory_space<vmem>> -> memref<1x80x128xf32, #tpu.memory_space<vmem>>
      %dma_wait3A_138 = tpu.memref_squeeze %dma_wait3A_137 : memref<1x80x128xf32, #tpu.memory_space<vmem>> -> memref<80x128xf32, #tpu.memory_space<vmem>>
      %dma_wait3A_139 = arith.constant 0 : i32
      %dma_wait3A_140 = tpu.memref_slice %arg8[%scan3A_108, %dma_wait3A_139] : memref<25x80xi32, #tpu.memory_space<vmem>> -> memref<1x80xi32, #tpu.memory_space<vmem>>
      %dma_wait3A_141 = tpu.memref_squeeze %dma_wait3A_140 : memref<1x80xi32, #tpu.memory_space<vmem>> -> memref<80xi32, #tpu.memory_space<vmem>>
      %dma_wait3A_142 = arith.constant 0 : i32
      %dma_wait3A_143 = arith.constant 0 : i32
      %dma_wait3A_144 = tpu.memref_slice %arg11[%dma_wait3A_142, %dma_wait3A_143] : memref<10240x128xf32, #tpu.memory_space<vmem_shared>> -> memref<10240x128xf32, #tpu.memory_space<vmem_shared>>
      %dma_wait3A_145 = tpu.memref_slice %arg13[%select_n3A_117] : memref<2x!tpu.dma_semaphore, #tpu.memory_space<semaphore_mem>> -> memref<1x!tpu.dma_semaphore, #tpu.memory_space<semaphore_mem>>
      %dma_wait3A_146 = tpu.memref_squeeze %dma_wait3A_145 : memref<1x!tpu.dma_semaphore, #tpu.memory_space<semaphore_mem>> -> memref<!tpu.dma_semaphore, #tpu.memory_space<semaphore_mem>>
      tpu.wait_indirect_dma semaphore(%dma_wait3A_146 : memref<!tpu.dma_semaphore, #tpu.memory_space<semaphore_mem>>) src(%dma_wait3A_144 : memref<10240x128xf32, #tpu.memory_space<vmem_shared>>) dst(%dma_wait3A_138 : memref<80x128xf32, #tpu.memory_space<vmem>>)
      %mul3A_147 = arith.constant 80 : i32
      %mul3A_148 = arith.muli %scan3A_108, %mul3A_147 : i32
      %add3A_149 = arith.addi %mul3A_2, %mul3A_148 : i32
      %dma_start3A_150 = arith.constant 0 : i32
      %dma_start3A_151 = arith.constant 0 : i32
      %dma_start3A_152 = tpu.memref_slice %arg9[%select_n3A_117, %dma_start3A_150, %dma_start3A_151] : memref<2x80x128xf32, #tpu.memory_space<vmem>> -> memref<1x80x128xf32, #tpu.memory_space<vmem>>
      %dma_start3A_153 = tpu.memref_squeeze %dma_start3A_152 : memref<1x80x128xf32, #tpu.memory_space<vmem>> -> memref<80x128xf32, #tpu.memory_space<vmem>>
      %dma_start3A_154 = arith.constant 0 : i32
      %dma_start3A_155 = tpu.memref_slice %arg5[%add3A_149, %dma_start3A_154] : memref<64000x128xf32, #tpu.memory_space<hbm>> -> memref<80x128xf32, #tpu.memory_space<hbm>>
      %dma_start3A_156 = tpu.memref_slice %arg14[%select_n3A_117] : memref<2x!tpu.dma_semaphore, #tpu.memory_space<semaphore_mem>> -> memref<1x!tpu.dma_semaphore, #tpu.memory_space<semaphore_mem>>
      %dma_start3A_157 = tpu.memref_squeeze %dma_start3A_156 : memref<1x!tpu.dma_semaphore, #tpu.memory_space<semaphore_mem>> -> memref<!tpu.dma_semaphore, #tpu.memory_space<semaphore_mem>>
      %dma_start3A_158 = arith.constant 0 : i32
      %dma_start3A_159 = tpu.memref_slice %arg5[%add3A_149, %dma_start3A_158] : memref<64000x128xf32, #tpu.memory_space<hbm>> -> memref<80x128xf32, #tpu.memory_space<hbm>>
      %dma_start3A_160 = arith.constant 0 : i32
      %dma_start3A_161 = arith.constant 0 : i32
      %dma_start3A_162 = tpu.memref_slice %arg9[%select_n3A_117, %dma_start3A_160, %dma_start3A_161] : memref<2x80x128xf32, #tpu.memory_space<vmem>> -> memref<1x80x128xf32, #tpu.memory_space<vmem>>
      %dma_start3A_163 = tpu.memref_squeeze %dma_start3A_162 : memref<1x80x128xf32, #tpu.memory_space<vmem>> -> memref<80x128xf32, #tpu.memory_space<vmem>>
      tpu.enqueue_dma source(%dma_start3A_163 : memref<80x128xf32, #tpu.memory_space<vmem>>) target(%dma_start3A_159 : memref<80x128xf32, #tpu.memory_space<hbm>>) target_semaphore(%dma_start3A_157 : memref<!tpu.dma_semaphore, #tpu.memory_space<semaphore_mem>>)
      %dma_start3A_164 = arith.constant 0 : i32
      %dma_start3A_165 = arith.constant 0 : i32
      %dma_start3A_166 = tpu.memref_slice %arg10[%select_n3A_117, %dma_start3A_164, %dma_start3A_165] : memref<2x80x128xf32, #tpu.memory_space<vmem>> -> memref<1x80x128xf32, #tpu.memory_space<vmem>>
      %dma_start3A_167 = tpu.memref_squeeze %dma_start3A_166 : memref<1x80x128xf32, #tpu.memory_space<vmem>> -> memref<80x128xf32, #tpu.memory_space<vmem>>
      %dma_start3A_168 = arith.constant 0 : i32
      %dma_start3A_169 = tpu.memref_slice %arg6[%add3A_149, %dma_start3A_168] : memref<64000x128xf32, #tpu.memory_space<hbm>> -> memref<80x128xf32, #tpu.memory_space<hbm>>
      %dma_start3A_170 = tpu.memref_slice %arg15[%select_n3A_117] : memref<2x!tpu.dma_semaphore, #tpu.memory_space<semaphore_mem>> -> memref<1x!tpu.dma_semaphore, #tpu.memory_space<semaphore_mem>>
      %dma_start3A_171 = tpu.memref_squeeze %dma_start3A_170 : memref<1x!tpu.dma_semaphore, #tpu.memory_space<semaphore_mem>> -> memref<!tpu.dma_semaphore, #tpu.memory_space<semaphore_mem>>
      %dma_start3A_172 = arith.constant 0 : i32
      %dma_start3A_173 = tpu.memref_slice %arg6[%add3A_149, %dma_start3A_172] : memref<64000x128xf32, #tpu.memory_space<hbm>> -> memref<80x128xf32, #tpu.memory_space<hbm>>
      %dma_start3A_174 = arith.constant 0 : i32
      %dma_start3A_175 = arith.constant 0 : i32
      %dma_start3A_176 = tpu.memref_slice %arg10[%select_n3A_117, %dma_start3A_174, %dma_start3A_175] : memref<2x80x128xf32, #tpu.memory_space<vmem>> -> memref<1x80x128xf32, #tpu.memory_space<vmem>>
      %dma_start3A_177 = tpu.memref_squeeze %dma_start3A_176 : memref<1x80x128xf32, #tpu.memory_space<vmem>> -> memref<80x128xf32, #tpu.memory_space<vmem>>
      tpu.enqueue_dma source(%dma_start3A_177 : memref<80x128xf32, #tpu.memory_space<vmem>>) target(%dma_start3A_173 : memref<80x128xf32, #tpu.memory_space<hbm>>) target_semaphore(%dma_start3A_171 : memref<!tpu.dma_semaphore, #tpu.memory_space<semaphore_mem>>)
    }
    %scan3A_40 = arith.constant 25 : i32
    %add3A_41 = arith.constant 1840 : i32
    %add3A_42 = arith.addi %mul3A_2, %add3A_41 : i32
    %dma_wait3A = arith.constant 1 : i32
    %dma_wait3A_43 = arith.constant 1 : i32
    %dma_wait3A_44 = arith.constant 0 : i32
    %dma_wait3A_45 = arith.constant 0 : i32
    %dma_wait3A_46 = tpu.memref_slice %arg9[%dma_wait3A, %dma_wait3A_44, %dma_wait3A_45] : memref<2x80x128xf32, #tpu.memory_space<vmem>> -> memref<1x80x128xf32, #tpu.memory_space<vmem>>
    %dma_wait3A_47 = tpu.memref_squeeze %dma_wait3A_46 : memref<1x80x128xf32, #tpu.memory_space<vmem>> -> memref<80x128xf32, #tpu.memory_space<vmem>>
    %dma_wait3A_48 = arith.constant 0 : i32
    %dma_wait3A_49 = tpu.memref_slice %arg5[%add3A_42, %dma_wait3A_48] : memref<64000x128xf32, #tpu.memory_space<hbm>> -> memref<80x128xf32, #tpu.memory_space<hbm>>
    %dma_wait3A_50 = tpu.memref_slice %arg14[%dma_wait3A_43] : memref<2x!tpu.dma_semaphore, #tpu.memory_space<semaphore_mem>> -> memref<1x!tpu.dma_semaphore, #tpu.memory_space<semaphore_mem>>
    %dma_wait3A_51 = tpu.memref_squeeze %dma_wait3A_50 : memref<1x!tpu.dma_semaphore, #tpu.memory_space<semaphore_mem>> -> memref<!tpu.dma_semaphore, #tpu.memory_space<semaphore_mem>>
    %dma_wait3A_52 = arith.constant 0 : i32
    %dma_wait3A_53 = tpu.memref_slice %arg5[%add3A_42, %dma_wait3A_52] : memref<64000x128xf32, #tpu.memory_space<hbm>> -> memref<80x128xf32, #tpu.memory_space<hbm>>
    %dma_wait3A_54 = arith.constant 0 : i32
    %dma_wait3A_55 = arith.constant 0 : i32
    %dma_wait3A_56 = tpu.memref_slice %arg9[%dma_wait3A, %dma_wait3A_54, %dma_wait3A_55] : memref<2x80x128xf32, #tpu.memory_space<vmem>> -> memref<1x80x128xf32, #tpu.memory_space<vmem>>
    %dma_wait3A_57 = tpu.memref_squeeze %dma_wait3A_56 : memref<1x80x128xf32, #tpu.memory_space<vmem>> -> memref<80x128xf32, #tpu.memory_space<vmem>>
    tpu.wait_dma2 semaphore(%dma_wait3A_51 : memref<!tpu.dma_semaphore, #tpu.memory_space<semaphore_mem>>) src(%dma_wait3A_57 : memref<80x128xf32, #tpu.memory_space<vmem>>) dst(%dma_wait3A_53 : memref<80x128xf32, #tpu.memory_space<hbm>>)
    %dma_wait3A_58 = arith.constant 1 : i32
    %dma_wait3A_59 = arith.constant 1 : i32
    %dma_wait3A_60 = arith.constant 0 : i32
    %dma_wait3A_61 = arith.constant 0 : i32
    %dma_wait3A_62 = tpu.memref_slice %arg10[%dma_wait3A_58, %dma_wait3A_60, %dma_wait3A_61] : memref<2x80x128xf32, #tpu.memory_space<vmem>> -> memref<1x80x128xf32, #tpu.memory_space<vmem>>
    %dma_wait3A_63 = tpu.memref_squeeze %dma_wait3A_62 : memref<1x80x128xf32, #tpu.memory_space<vmem>> -> memref<80x128xf32, #tpu.memory_space<vmem>>
    %dma_wait3A_64 = arith.constant 0 : i32
    %dma_wait3A_65 = tpu.memref_slice %arg6[%add3A_42, %dma_wait3A_64] : memref<64000x128xf32, #tpu.memory_space<hbm>> -> memref<80x128xf32, #tpu.memory_space<hbm>>
    %dma_wait3A_66 = tpu.memref_slice %arg15[%dma_wait3A_59] : memref<2x!tpu.dma_semaphore, #tpu.memory_space<semaphore_mem>> -> memref<1x!tpu.dma_semaphore, #tpu.memory_space<semaphore_mem>>
    %dma_wait3A_67 = tpu.memref_squeeze %dma_wait3A_66 : memref<1x!tpu.dma_semaphore, #tpu.memory_space<semaphore_mem>> -> memref<!tpu.dma_semaphore, #tpu.memory_space<semaphore_mem>>
    %dma_wait3A_68 = arith.constant 0 : i32
    %dma_wait3A_69 = tpu.memref_slice %arg6[%add3A_42, %dma_wait3A_68] : memref<64000x128xf32, #tpu.memory_space<hbm>> -> memref<80x128xf32, #tpu.memory_space<hbm>>
    %dma_wait3A_70 = arith.constant 0 : i32
    %dma_wait3A_71 = arith.constant 0 : i32
    %dma_wait3A_72 = tpu.memref_slice %arg10[%dma_wait3A_58, %dma_wait3A_70, %dma_wait3A_71] : memref<2x80x128xf32, #tpu.memory_space<vmem>> -> memref<1x80x128xf32, #tpu.memory_space<vmem>>
    %dma_wait3A_73 = tpu.memref_squeeze %dma_wait3A_72 : memref<1x80x128xf32, #tpu.memory_space<vmem>> -> memref<80x128xf32, #tpu.memory_space<vmem>>
    tpu.wait_dma2 semaphore(%dma_wait3A_67 : memref<!tpu.dma_semaphore, #tpu.memory_space<semaphore_mem>>) src(%dma_wait3A_73 : memref<80x128xf32, #tpu.memory_space<vmem>>) dst(%dma_wait3A_69 : memref<80x128xf32, #tpu.memory_space<hbm>>)
    %add3A_74 = arith.constant 1920 : i32
    %add3A_75 = arith.addi %mul3A_2, %add3A_74 : i32
    %dma_wait3A_76 = arith.constant 0 : i32
    %dma_wait3A_77 = arith.constant 0 : i32
    %dma_wait3A_78 = arith.constant 0 : i32
    %dma_wait3A_79 = arith.constant 0 : i32
    %dma_wait3A_80 = tpu.memref_slice %arg9[%dma_wait3A_76, %dma_wait3A_78, %dma_wait3A_79] : memref<2x80x128xf32, #tpu.memory_space<vmem>> -> memref<1x80x128xf32, #tpu.memory_space<vmem>>
    %dma_wait3A_81 = tpu.memref_squeeze %dma_wait3A_80 : memref<1x80x128xf32, #tpu.memory_space<vmem>> -> memref<80x128xf32, #tpu.memory_space<vmem>>
    %dma_wait3A_82 = arith.constant 0 : i32
    %dma_wait3A_83 = tpu.memref_slice %arg5[%add3A_75, %dma_wait3A_82] : memref<64000x128xf32, #tpu.memory_space<hbm>> -> memref<80x128xf32, #tpu.memory_space<hbm>>
    %dma_wait3A_84 = tpu.memref_slice %arg14[%dma_wait3A_77] : memref<2x!tpu.dma_semaphore, #tpu.memory_space<semaphore_mem>> -> memref<1x!tpu.dma_semaphore, #tpu.memory_space<semaphore_mem>>
    %dma_wait3A_85 = tpu.memref_squeeze %dma_wait3A_84 : memref<1x!tpu.dma_semaphore, #tpu.memory_space<semaphore_mem>> -> memref<!tpu.dma_semaphore, #tpu.memory_space<semaphore_mem>>
    %dma_wait3A_86 = arith.constant 0 : i32
    %dma_wait3A_87 = tpu.memref_slice %arg5[%add3A_75, %dma_wait3A_86] : memref<64000x128xf32, #tpu.memory_space<hbm>> -> memref<80x128xf32, #tpu.memory_space<hbm>>
    %dma_wait3A_88 = arith.constant 0 : i32
    %dma_wait3A_89 = arith.constant 0 : i32
    %dma_wait3A_90 = tpu.memref_slice %arg9[%dma_wait3A_76, %dma_wait3A_88, %dma_wait3A_89] : memref<2x80x128xf32, #tpu.memory_space<vmem>> -> memref<1x80x128xf32, #tpu.memory_space<vmem>>
    %dma_wait3A_91 = tpu.memref_squeeze %dma_wait3A_90 : memref<1x80x128xf32, #tpu.memory_space<vmem>> -> memref<80x128xf32, #tpu.memory_space<vmem>>
    tpu.wait_dma2 semaphore(%dma_wait3A_85 : memref<!tpu.dma_semaphore, #tpu.memory_space<semaphore_mem>>) src(%dma_wait3A_91 : memref<80x128xf32, #tpu.memory_space<vmem>>) dst(%dma_wait3A_87 : memref<80x128xf32, #tpu.memory_space<hbm>>)
    %dma_wait3A_92 = arith.constant 0 : i32
    %dma_wait3A_93 = arith.constant 0 : i32
    %dma_wait3A_94 = arith.constant 0 : i32
    %dma_wait3A_95 = arith.constant 0 : i32
    %dma_wait3A_96 = tpu.memref_slice %arg10[%dma_wait3A_92, %dma_wait3A_94, %dma_wait3A_95] : memref<2x80x128xf32, #tpu.memory_space<vmem>> -> memref<1x80x128xf32, #tpu.memory_space<vmem>>
    %dma_wait3A_97 = tpu.memref_squeeze %dma_wait3A_96 : memref<1x80x128xf32, #tpu.memory_space<vmem>> -> memref<80x128xf32, #tpu.memory_space<vmem>>
    %dma_wait3A_98 = arith.constant 0 : i32
    %dma_wait3A_99 = tpu.memref_slice %arg6[%add3A_75, %dma_wait3A_98] : memref<64000x128xf32, #tpu.memory_space<hbm>> -> memref<80x128xf32, #tpu.memory_space<hbm>>
    %dma_wait3A_100 = tpu.memref_slice %arg15[%dma_wait3A_93] : memref<2x!tpu.dma_semaphore, #tpu.memory_space<semaphore_mem>> -> memref<1x!tpu.dma_semaphore, #tpu.memory_space<semaphore_mem>>
    %dma_wait3A_101 = tpu.memref_squeeze %dma_wait3A_100 : memref<1x!tpu.dma_semaphore, #tpu.memory_space<semaphore_mem>> -> memref<!tpu.dma_semaphore, #tpu.memory_space<semaphore_mem>>
    %dma_wait3A_102 = arith.constant 0 : i32
    %dma_wait3A_103 = tpu.memref_slice %arg6[%add3A_75, %dma_wait3A_102] : memref<64000x128xf32, #tpu.memory_space<hbm>> -> memref<80x128xf32, #tpu.memory_space<hbm>>
    %dma_wait3A_104 = arith.constant 0 : i32
    %dma_wait3A_105 = arith.constant 0 : i32
    %dma_wait3A_106 = tpu.memref_slice %arg10[%dma_wait3A_92, %dma_wait3A_104, %dma_wait3A_105] : memref<2x80x128xf32, #tpu.memory_space<vmem>> -> memref<1x80x128xf32, #tpu.memory_space<vmem>>
    %dma_wait3A_107 = tpu.memref_squeeze %dma_wait3A_106 : memref<1x80x128xf32, #tpu.memory_space<vmem>> -> memref<80x128xf32, #tpu.memory_space<vmem>>
    tpu.wait_dma2 semaphore(%dma_wait3A_101 : memref<!tpu.dma_semaphore, #tpu.memory_space<semaphore_mem>>) src(%dma_wait3A_107 : memref<80x128xf32, #tpu.memory_space<vmem>>) dst(%dma_wait3A_103 : memref<80x128xf32, #tpu.memory_space<hbm>>)
    return
  }
}

#map = affine_map<(d0, d1) -> (0, 0, 0, 0, 0)>
#map1 = affine_map<(d0, d1) -> (0, 0, 0, 0)>
#map2 = affine_map<(d0, d1) -> (0, 0)>
#map3 = affine_map<(d0, d1) -> (0, 0, 0)>
module attributes {stable_mosaic.version = 14 : i64} {
  func.func @sc_scatter(%arg0: i32, %arg1: i32, %arg2: memref<2x16x75x80x128xf32, #tpu.memory_space<hbm>>, %arg3: memref<2x16x75x80xi32, #tpu.memory_space<hbm>>, %arg4: memref<2x16x75x80xi32, #tpu.memory_space<hbm>>, %arg5: memref<10240x128xf32, #tpu.memory_space<hbm>>, %arg6: memref<2x10240x128xf32, #tpu.memory_space<hbm>>, %arg7: memref<2x80xi32, #tpu.memory_space<vmem>>, %arg8: memref<2x80xi32, #tpu.memory_space<vmem>>, %arg9: memref<2x80x128xf32, #tpu.memory_space<vmem>>, %arg10: memref<10240x128xf32, #tpu.memory_space<vmem_shared>>, %arg11: memref<2x!tpu.dma_semaphore, #tpu.memory_space<semaphore_mem>>, %arg12: memref<2x!tpu.dma_semaphore, #tpu.memory_space<semaphore_mem>>, %arg13: memref<2x!tpu.dma_semaphore, #tpu.memory_space<semaphore_mem>>, %arg14: memref<2x!tpu.dma_semaphore, #tpu.memory_space<semaphore_mem>>, %arg15: memref<2x!tpu.dma_semaphore, #tpu.memory_space<semaphore_mem>>) attributes {dimension_semantics = [#tpu.dimension_semantics<core_parallel>, #tpu.dimension_semantics<subcore_parallel>], iteration_bounds = array<i64: 2, 16>, scalar_prefetch = 0 : i64, scratch_operands = 9 : i64, tpu.core_type = #tpu.core_type<sc_vector_subcore>, window_params = [{transform_indices = #map}, {transform_indices = #map1}, {transform_indices = #map1}, {transform_indices = #map2}, {transform_indices = #map3}]} {
    %mul3A = arith.constant 640 : i32
    %mul3A_0 = arith.muli %arg1, %mul3A : i32
    %mul3A_1 = arith.constant 640 : i32
    %mul3A_2 = arith.muli %arg1, %mul3A_1 : i32
    "tpu.region"() ({
      %run_scoped3A = tpu.sem_alloc : memref<!tpu.dma_semaphore, #tpu.memory_space<semaphore_mem>>
      %dma_start3A_126 = arith.constant 0 : i32
      %dma_start3A_127 = tpu.memref_slice %arg10[%mul3A_2, %dma_start3A_126] : memref<10240x128xf32, #tpu.memory_space<vmem_shared>> -> memref<640x128xf32, #tpu.memory_space<vmem_shared>>
      %dma_start3A_128 = arith.constant 0 : i32
      %dma_start3A_129 = tpu.memref_slice %arg5[%mul3A_0, %dma_start3A_128] : memref<10240x128xf32, #tpu.memory_space<hbm>> -> memref<640x128xf32, #tpu.memory_space<hbm>>
      tpu.enqueue_dma source(%dma_start3A_129 : memref<640x128xf32, #tpu.memory_space<hbm>>) target(%dma_start3A_127 : memref<640x128xf32, #tpu.memory_space<vmem_shared>>) target_semaphore(%run_scoped3A : memref<!tpu.dma_semaphore, #tpu.memory_space<semaphore_mem>>)
      %dma_wait3A_130 = arith.constant 0 : i32
      %dma_wait3A_131 = tpu.memref_slice %arg10[%mul3A_2, %dma_wait3A_130] : memref<10240x128xf32, #tpu.memory_space<vmem_shared>> -> memref<640x128xf32, #tpu.memory_space<vmem_shared>>
      %dma_wait3A_132 = arith.constant 0 : i32
      %dma_wait3A_133 = tpu.memref_slice %arg5[%mul3A_0, %dma_wait3A_132] : memref<10240x128xf32, #tpu.memory_space<hbm>> -> memref<640x128xf32, #tpu.memory_space<hbm>>
      tpu.wait_dma2 semaphore(%run_scoped3A : memref<!tpu.dma_semaphore, #tpu.memory_space<semaphore_mem>>) src(%dma_wait3A_133 : memref<640x128xf32, #tpu.memory_space<hbm>>) dst(%dma_wait3A_131 : memref<640x128xf32, #tpu.memory_space<vmem_shared>>)
      tpu.yield
    }) : () -> ()
    %barrier3A = arith.constant 0 : index
    tpu.barrier barrier_id(%barrier3A)
    %dma_start3A = arith.constant 0 : i32
    %dma_start3A_3 = arith.constant 0 : i32
    %dma_start3A_4 = arith.constant 0 : i32
    %dma_start3A_5 = arith.constant 0 : i32
    %dma_start3A_6 = tpu.memref_slice %arg7[%dma_start3A_3, %dma_start3A_5] : memref<2x80xi32, #tpu.memory_space<vmem>> -> memref<1x80xi32, #tpu.memory_space<vmem>>
    %dma_start3A_7 = tpu.memref_squeeze %dma_start3A_6 : memref<1x80xi32, #tpu.memory_space<vmem>> -> memref<80xi32, #tpu.memory_space<vmem>>
    %dma_start3A_8 = arith.constant 0 : i32
    %dma_start3A_9 = tpu.memref_slice %arg3[%arg0, %arg1, %dma_start3A, %dma_start3A_8] : memref<2x16x75x80xi32, #tpu.memory_space<hbm>> -> memref<1x1x1x80xi32, #tpu.memory_space<hbm>>
    %dma_start3A_10 = tpu.memref_squeeze %dma_start3A_9 : memref<1x1x1x80xi32, #tpu.memory_space<hbm>> -> memref<80xi32, #tpu.memory_space<hbm>>
    %dma_start3A_11 = tpu.memref_slice %arg12[%dma_start3A_4] : memref<2x!tpu.dma_semaphore, #tpu.memory_space<semaphore_mem>> -> memref<1x!tpu.dma_semaphore, #tpu.memory_space<semaphore_mem>>
    %dma_start3A_12 = tpu.memref_squeeze %dma_start3A_11 : memref<1x!tpu.dma_semaphore, #tpu.memory_space<semaphore_mem>> -> memref<!tpu.dma_semaphore, #tpu.memory_space<semaphore_mem>>
    %dma_start3A_13 = arith.constant 0 : i32
    %dma_start3A_14 = tpu.memref_slice %arg7[%dma_start3A_3, %dma_start3A_13] : memref<2x80xi32, #tpu.memory_space<vmem>> -> memref<1x80xi32, #tpu.memory_space<vmem>>
    %dma_start3A_15 = tpu.memref_squeeze %dma_start3A_14 : memref<1x80xi32, #tpu.memory_space<vmem>> -> memref<80xi32, #tpu.memory_space<vmem>>
    %dma_start3A_16 = arith.constant 0 : i32
    %dma_start3A_17 = tpu.memref_slice %arg3[%arg0, %arg1, %dma_start3A, %dma_start3A_16] : memref<2x16x75x80xi32, #tpu.memory_space<hbm>> -> memref<1x1x1x80xi32, #tpu.memory_space<hbm>>
    %dma_start3A_18 = tpu.memref_squeeze %dma_start3A_17 : memref<1x1x1x80xi32, #tpu.memory_space<hbm>> -> memref<80xi32, #tpu.memory_space<hbm>>
    tpu.enqueue_dma source(%dma_start3A_18 : memref<80xi32, #tpu.memory_space<hbm>>) target(%dma_start3A_15 : memref<80xi32, #tpu.memory_space<vmem>>) target_semaphore(%dma_start3A_12 : memref<!tpu.dma_semaphore, #tpu.memory_space<semaphore_mem>>)
    %dma_start3A_19 = arith.constant 0 : i32
    %dma_start3A_20 = arith.constant 0 : i32
    %dma_start3A_21 = arith.constant 0 : i32
    %dma_start3A_22 = arith.constant 0 : i32
    %dma_start3A_23 = tpu.memref_slice %arg8[%dma_start3A_20, %dma_start3A_22] : memref<2x80xi32, #tpu.memory_space<vmem>> -> memref<1x80xi32, #tpu.memory_space<vmem>>
    %dma_start3A_24 = tpu.memref_squeeze %dma_start3A_23 : memref<1x80xi32, #tpu.memory_space<vmem>> -> memref<80xi32, #tpu.memory_space<vmem>>
    %dma_start3A_25 = arith.constant 0 : i32
    %dma_start3A_26 = tpu.memref_slice %arg4[%arg0, %arg1, %dma_start3A_19, %dma_start3A_25] : memref<2x16x75x80xi32, #tpu.memory_space<hbm>> -> memref<1x1x1x80xi32, #tpu.memory_space<hbm>>
    %dma_start3A_27 = tpu.memref_squeeze %dma_start3A_26 : memref<1x1x1x80xi32, #tpu.memory_space<hbm>> -> memref<80xi32, #tpu.memory_space<hbm>>
    %dma_start3A_28 = tpu.memref_slice %arg13[%dma_start3A_21] : memref<2x!tpu.dma_semaphore, #tpu.memory_space<semaphore_mem>> -> memref<1x!tpu.dma_semaphore, #tpu.memory_space<semaphore_mem>>
    %dma_start3A_29 = tpu.memref_squeeze %dma_start3A_28 : memref<1x!tpu.dma_semaphore, #tpu.memory_space<semaphore_mem>> -> memref<!tpu.dma_semaphore, #tpu.memory_space<semaphore_mem>>
    %dma_start3A_30 = arith.constant 0 : i32
    %dma_start3A_31 = tpu.memref_slice %arg8[%dma_start3A_20, %dma_start3A_30] : memref<2x80xi32, #tpu.memory_space<vmem>> -> memref<1x80xi32, #tpu.memory_space<vmem>>
    %dma_start3A_32 = tpu.memref_squeeze %dma_start3A_31 : memref<1x80xi32, #tpu.memory_space<vmem>> -> memref<80xi32, #tpu.memory_space<vmem>>
    %dma_start3A_33 = arith.constant 0 : i32
    %dma_start3A_34 = tpu.memref_slice %arg4[%arg0, %arg1, %dma_start3A_19, %dma_start3A_33] : memref<2x16x75x80xi32, #tpu.memory_space<hbm>> -> memref<1x1x1x80xi32, #tpu.memory_space<hbm>>
    %dma_start3A_35 = tpu.memref_squeeze %dma_start3A_34 : memref<1x1x1x80xi32, #tpu.memory_space<hbm>> -> memref<80xi32, #tpu.memory_space<hbm>>
    tpu.enqueue_dma source(%dma_start3A_35 : memref<80xi32, #tpu.memory_space<hbm>>) target(%dma_start3A_32 : memref<80xi32, #tpu.memory_space<vmem>>) target_semaphore(%dma_start3A_29 : memref<!tpu.dma_semaphore, #tpu.memory_space<semaphore_mem>>)
    %dma_start3A_36 = arith.constant 0 : i32
    %dma_start3A_37 = arith.constant 0 : i32
    %dma_start3A_38 = arith.constant 0 : i32
    %dma_start3A_39 = arith.constant 0 : i32
    %dma_start3A_40 = arith.constant 0 : i32
    %dma_start3A_41 = tpu.memref_slice %arg9[%dma_start3A_37, %dma_start3A_39, %dma_start3A_40] : memref<2x80x128xf32, #tpu.memory_space<vmem>> -> memref<1x80x128xf32, #tpu.memory_space<vmem>>
    %dma_start3A_42 = tpu.memref_squeeze %dma_start3A_41 : memref<1x80x128xf32, #tpu.memory_space<vmem>> -> memref<80x128xf32, #tpu.memory_space<vmem>>
    %dma_start3A_43 = arith.constant 0 : i32
    %dma_start3A_44 = arith.constant 0 : i32
    %dma_start3A_45 = tpu.memref_slice %arg2[%arg0, %arg1, %dma_start3A_36, %dma_start3A_43, %dma_start3A_44] : memref<2x16x75x80x128xf32, #tpu.memory_space<hbm>> -> memref<1x1x1x80x128xf32, #tpu.memory_space<hbm>>
    %dma_start3A_46 = tpu.memref_squeeze %dma_start3A_45 : memref<1x1x1x80x128xf32, #tpu.memory_space<hbm>> -> memref<80x128xf32, #tpu.memory_space<hbm>>
    %dma_start3A_47 = tpu.memref_slice %arg11[%dma_start3A_38] : memref<2x!tpu.dma_semaphore, #tpu.memory_space<semaphore_mem>> -> memref<1x!tpu.dma_semaphore, #tpu.memory_space<semaphore_mem>>
    %dma_start3A_48 = tpu.memref_squeeze %dma_start3A_47 : memref<1x!tpu.dma_semaphore, #tpu.memory_space<semaphore_mem>> -> memref<!tpu.dma_semaphore, #tpu.memory_space<semaphore_mem>>
    %dma_start3A_49 = arith.constant 0 : i32
    %dma_start3A_50 = arith.constant 0 : i32
    %dma_start3A_51 = tpu.memref_slice %arg9[%dma_start3A_37, %dma_start3A_49, %dma_start3A_50] : memref<2x80x128xf32, #tpu.memory_space<vmem>> -> memref<1x80x128xf32, #tpu.memory_space<vmem>>
    %dma_start3A_52 = tpu.memref_squeeze %dma_start3A_51 : memref<1x80x128xf32, #tpu.memory_space<vmem>> -> memref<80x128xf32, #tpu.memory_space<vmem>>
    %dma_start3A_53 = arith.constant 0 : i32
    %dma_start3A_54 = arith.constant 0 : i32
    %dma_start3A_55 = tpu.memref_slice %arg2[%arg0, %arg1, %dma_start3A_36, %dma_start3A_53, %dma_start3A_54] : memref<2x16x75x80x128xf32, #tpu.memory_space<hbm>> -> memref<1x1x1x80x128xf32, #tpu.memory_space<hbm>>
    %dma_start3A_56 = tpu.memref_squeeze %dma_start3A_55 : memref<1x1x1x80x128xf32, #tpu.memory_space<hbm>> -> memref<80x128xf32, #tpu.memory_space<hbm>>
    tpu.enqueue_dma source(%dma_start3A_56 : memref<80x128xf32, #tpu.memory_space<hbm>>) target(%dma_start3A_52 : memref<80x128xf32, #tpu.memory_space<vmem>>) target_semaphore(%dma_start3A_48 : memref<!tpu.dma_semaphore, #tpu.memory_space<semaphore_mem>>)
    %scan3A = arith.constant 0 : i32
    %scan3A_57 = arith.constant 0 : i32
    %scan3A_58 = arith.constant 75 : i32
    %scan3A_59 = arith.addi %scan3A_57, %scan3A_58 : i32
    %scan3A_60 = arith.constant 1 : i32
    scf.for %scan3A_126 = %scan3A_57 to %scan3A_59 step %scan3A_60  : i32 {
      %jit3A = arith.constant 2 : i32
      %eq3A = arith.constant 0 : i32
      %eq3A_127 = arith.cmpi eq, %jit3A, %eq3A : i32
      %jit3A_128 = arith.constant 1 : i32
      %select_n3A = arith.select %eq3A_127, %jit3A_128, %jit3A : i32
      %rem3A = arith.remsi %scan3A_126, %select_n3A : i32
      %ne3A = arith.constant 0 : i32
      %ne3A_129 = arith.cmpi ne, %rem3A, %ne3A : i32
      %lt3A = arith.constant 0 : i32
      %lt3A_130 = arith.cmpi slt, %rem3A, %lt3A : i32
      %lt3A_131 = arith.constant 0 : i32
      %lt3A_132 = arith.cmpi slt, %select_n3A, %lt3A_131 : i32
      %ne3A_133 = arith.xori %lt3A_130, %lt3A_132 : i1
      %and3A = arith.andi %ne3A_133, %ne3A_129 : i1
      %add3A = arith.addi %rem3A, %select_n3A : i32
      %select_n3A_134 = arith.select %and3A, %add3A, %rem3A : i32
      %add3A_135 = arith.constant 1 : i32
      %add3A_136 = arith.addi %scan3A_126, %add3A_135 : i32
      %lt3A_137 = arith.constant 75 : i32
      %lt3A_138 = arith.cmpi slt, %add3A_136, %lt3A_137 : i32
      %convert_element_type3A = arith.extui %lt3A_138 : i1 to i32
      %cond3A = arith.constant 0 : i32
      %cond3A_139 = arith.cmpi ne, %convert_element_type3A, %cond3A : i32
      scf.if %cond3A_139 {
        %ge3A = arith.constant 1 : i32
        %ge3A_210 = arith.cmpi sge, %scan3A_126, %ge3A : i32
        %convert_element_type3A_211 = arith.extui %ge3A_210 : i1 to i32
        %cond3A_212 = arith.constant 0 : i32
        %cond3A_213 = arith.cmpi ne, %convert_element_type3A_211, %cond3A_212 : i32
        scf.if %cond3A_213 {
          %sub3A_263 = arith.constant 1 : i32
          %sub3A_264 = arith.subi %sub3A_263, %select_n3A_134 : i32
          %dma_wait3A_265 = arith.constant 0 : i32
          %dma_wait3A_266 = arith.constant 0 : i32
          %dma_wait3A_267 = tpu.memref_slice %arg9[%sub3A_264, %dma_wait3A_265, %dma_wait3A_266] : memref<2x80x128xf32, #tpu.memory_space<vmem>> -> memref<1x80x128xf32, #tpu.memory_space<vmem>>
          %dma_wait3A_268 = tpu.memref_squeeze %dma_wait3A_267 : memref<1x80x128xf32, #tpu.memory_space<vmem>> -> memref<80x128xf32, #tpu.memory_space<vmem>>
          %dma_wait3A_269 = arith.constant 0 : i32
          %dma_wait3A_270 = tpu.memref_slice %arg7[%sub3A_264, %dma_wait3A_269] : memref<2x80xi32, #tpu.memory_space<vmem>> -> memref<1x80xi32, #tpu.memory_space<vmem>>
          %dma_wait3A_271 = tpu.memref_squeeze %dma_wait3A_270 : memref<1x80xi32, #tpu.memory_space<vmem>> -> memref<80xi32, #tpu.memory_space<vmem>>
          %dma_wait3A_272 = arith.constant 0 : i32
          %dma_wait3A_273 = arith.constant 0 : i32
          %dma_wait3A_274 = tpu.memref_slice %arg10[%dma_wait3A_272, %dma_wait3A_273] : memref<10240x128xf32, #tpu.memory_space<vmem_shared>> -> memref<10240x128xf32, #tpu.memory_space<vmem_shared>>
          %dma_wait3A_275 = tpu.memref_slice %arg14[%sub3A_264] : memref<2x!tpu.dma_semaphore, #tpu.memory_space<semaphore_mem>> -> memref<1x!tpu.dma_semaphore, #tpu.memory_space<semaphore_mem>>
          %dma_wait3A_276 = tpu.memref_squeeze %dma_wait3A_275 : memref<1x!tpu.dma_semaphore, #tpu.memory_space<semaphore_mem>> -> memref<!tpu.dma_semaphore, #tpu.memory_space<semaphore_mem>>
          tpu.wait_indirect_dma semaphore(%dma_wait3A_276 : memref<!tpu.dma_semaphore, #tpu.memory_space<semaphore_mem>>) src(%dma_wait3A_268 : memref<80x128xf32, #tpu.memory_space<vmem>>) dst(%dma_wait3A_274 : memref<10240x128xf32, #tpu.memory_space<vmem_shared>>)
          %dma_wait3A_277 = arith.constant 0 : i32
          %dma_wait3A_278 = arith.constant 0 : i32
          %dma_wait3A_279 = tpu.memref_slice %arg9[%sub3A_264, %dma_wait3A_277, %dma_wait3A_278] : memref<2x80x128xf32, #tpu.memory_space<vmem>> -> memref<1x80x128xf32, #tpu.memory_space<vmem>>
          %dma_wait3A_280 = tpu.memref_squeeze %dma_wait3A_279 : memref<1x80x128xf32, #tpu.memory_space<vmem>> -> memref<80x128xf32, #tpu.memory_space<vmem>>
          %dma_wait3A_281 = arith.constant 0 : i32
          %dma_wait3A_282 = tpu.memref_slice %arg8[%sub3A_264, %dma_wait3A_281] : memref<2x80xi32, #tpu.memory_space<vmem>> -> memref<1x80xi32, #tpu.memory_space<vmem>>
          %dma_wait3A_283 = tpu.memref_squeeze %dma_wait3A_282 : memref<1x80xi32, #tpu.memory_space<vmem>> -> memref<80xi32, #tpu.memory_space<vmem>>
          %dma_wait3A_284 = arith.constant 0 : i32
          %dma_wait3A_285 = arith.constant 0 : i32
          %dma_wait3A_286 = tpu.memref_slice %arg10[%dma_wait3A_284, %dma_wait3A_285] : memref<10240x128xf32, #tpu.memory_space<vmem_shared>> -> memref<10240x128xf32, #tpu.memory_space<vmem_shared>>
          %dma_wait3A_287 = tpu.memref_slice %arg15[%sub3A_264] : memref<2x!tpu.dma_semaphore, #tpu.memory_space<semaphore_mem>> -> memref<1x!tpu.dma_semaphore, #tpu.memory_space<semaphore_mem>>
          %dma_wait3A_288 = tpu.memref_squeeze %dma_wait3A_287 : memref<1x!tpu.dma_semaphore, #tpu.memory_space<semaphore_mem>> -> memref<!tpu.dma_semaphore, #tpu.memory_space<semaphore_mem>>
          tpu.wait_indirect_dma semaphore(%dma_wait3A_288 : memref<!tpu.dma_semaphore, #tpu.memory_space<semaphore_mem>>) src(%dma_wait3A_280 : memref<80x128xf32, #tpu.memory_space<vmem>>) dst(%dma_wait3A_286 : memref<10240x128xf32, #tpu.memory_space<vmem_shared>>)
        } else {
        }
        %add3A_214 = arith.constant 1 : i32
        %add3A_215 = arith.addi %scan3A_126, %add3A_214 : i32
        %sub3A = arith.constant 1 : i32
        %sub3A_216 = arith.subi %sub3A, %select_n3A_134 : i32
        %dma_start3A_217 = arith.constant 0 : i32
        %dma_start3A_218 = tpu.memref_slice %arg7[%sub3A_216, %dma_start3A_217] : memref<2x80xi32, #tpu.memory_space<vmem>> -> memref<1x80xi32, #tpu.memory_space<vmem>>
        %dma_start3A_219 = tpu.memref_squeeze %dma_start3A_218 : memref<1x80xi32, #tpu.memory_space<vmem>> -> memref<80xi32, #tpu.memory_space<vmem>>
        %dma_start3A_220 = arith.constant 0 : i32
        %dma_start3A_221 = tpu.memref_slice %arg3[%arg0, %arg1, %add3A_215, %dma_start3A_220] : memref<2x16x75x80xi32, #tpu.memory_space<hbm>> -> memref<1x1x1x80xi32, #tpu.memory_space<hbm>>
        %dma_start3A_222 = tpu.memref_squeeze %dma_start3A_221 : memref<1x1x1x80xi32, #tpu.memory_space<hbm>> -> memref<80xi32, #tpu.memory_space<hbm>>
        %dma_start3A_223 = tpu.memref_slice %arg12[%sub3A_216] : memref<2x!tpu.dma_semaphore, #tpu.memory_space<semaphore_mem>> -> memref<1x!tpu.dma_semaphore, #tpu.memory_space<semaphore_mem>>
        %dma_start3A_224 = tpu.memref_squeeze %dma_start3A_223 : memref<1x!tpu.dma_semaphore, #tpu.memory_space<semaphore_mem>> -> memref<!tpu.dma_semaphore, #tpu.memory_space<semaphore_mem>>
        %dma_start3A_225 = arith.constant 0 : i32
        %dma_start3A_226 = tpu.memref_slice %arg7[%sub3A_216, %dma_start3A_225] : memref<2x80xi32, #tpu.memory_space<vmem>> -> memref<1x80xi32, #tpu.memory_space<vmem>>
        %dma_start3A_227 = tpu.memref_squeeze %dma_start3A_226 : memref<1x80xi32, #tpu.memory_space<vmem>> -> memref<80xi32, #tpu.memory_space<vmem>>
        %dma_start3A_228 = arith.constant 0 : i32
        %dma_start3A_229 = tpu.memref_slice %arg3[%arg0, %arg1, %add3A_215, %dma_start3A_228] : memref<2x16x75x80xi32, #tpu.memory_space<hbm>> -> memref<1x1x1x80xi32, #tpu.memory_space<hbm>>
        %dma_start3A_230 = tpu.memref_squeeze %dma_start3A_229 : memref<1x1x1x80xi32, #tpu.memory_space<hbm>> -> memref<80xi32, #tpu.memory_space<hbm>>
        tpu.enqueue_dma source(%dma_start3A_230 : memref<80xi32, #tpu.memory_space<hbm>>) target(%dma_start3A_227 : memref<80xi32, #tpu.memory_space<vmem>>) target_semaphore(%dma_start3A_224 : memref<!tpu.dma_semaphore, #tpu.memory_space<semaphore_mem>>)
        %dma_start3A_231 = arith.constant 0 : i32
        %dma_start3A_232 = tpu.memref_slice %arg8[%sub3A_216, %dma_start3A_231] : memref<2x80xi32, #tpu.memory_space<vmem>> -> memref<1x80xi32, #tpu.memory_space<vmem>>
        %dma_start3A_233 = tpu.memref_squeeze %dma_start3A_232 : memref<1x80xi32, #tpu.memory_space<vmem>> -> memref<80xi32, #tpu.memory_space<vmem>>
        %dma_start3A_234 = arith.constant 0 : i32
        %dma_start3A_235 = tpu.memref_slice %arg4[%arg0, %arg1, %add3A_215, %dma_start3A_234] : memref<2x16x75x80xi32, #tpu.memory_space<hbm>> -> memref<1x1x1x80xi32, #tpu.memory_space<hbm>>
        %dma_start3A_236 = tpu.memref_squeeze %dma_start3A_235 : memref<1x1x1x80xi32, #tpu.memory_space<hbm>> -> memref<80xi32, #tpu.memory_space<hbm>>
        %dma_start3A_237 = tpu.memref_slice %arg13[%sub3A_216] : memref<2x!tpu.dma_semaphore, #tpu.memory_space<semaphore_mem>> -> memref<1x!tpu.dma_semaphore, #tpu.memory_space<semaphore_mem>>
        %dma_start3A_238 = tpu.memref_squeeze %dma_start3A_237 : memref<1x!tpu.dma_semaphore, #tpu.memory_space<semaphore_mem>> -> memref<!tpu.dma_semaphore, #tpu.memory_space<semaphore_mem>>
        %dma_start3A_239 = arith.constant 0 : i32
        %dma_start3A_240 = tpu.memref_slice %arg8[%sub3A_216, %dma_start3A_239] : memref<2x80xi32, #tpu.memory_space<vmem>> -> memref<1x80xi32, #tpu.memory_space<vmem>>
        %dma_start3A_241 = tpu.memref_squeeze %dma_start3A_240 : memref<1x80xi32, #tpu.memory_space<vmem>> -> memref<80xi32, #tpu.memory_space<vmem>>
        %dma_start3A_242 = arith.constant 0 : i32
        %dma_start3A_243 = tpu.memref_slice %arg4[%arg0, %arg1, %add3A_215, %dma_start3A_242] : memref<2x16x75x80xi32, #tpu.memory_space<hbm>> -> memref<1x1x1x80xi32, #tpu.memory_space<hbm>>
        %dma_start3A_244 = tpu.memref_squeeze %dma_start3A_243 : memref<1x1x1x80xi32, #tpu.memory_space<hbm>> -> memref<80xi32, #tpu.memory_space<hbm>>
        tpu.enqueue_dma source(%dma_start3A_244 : memref<80xi32, #tpu.memory_space<hbm>>) target(%dma_start3A_241 : memref<80xi32, #tpu.memory_space<vmem>>) target_semaphore(%dma_start3A_238 : memref<!tpu.dma_semaphore, #tpu.memory_space<semaphore_mem>>)
        %dma_start3A_245 = arith.constant 0 : i32
        %dma_start3A_246 = arith.constant 0 : i32
        %dma_start3A_247 = tpu.memref_slice %arg9[%sub3A_216, %dma_start3A_245, %dma_start3A_246] : memref<2x80x128xf32, #tpu.memory_space<vmem>> -> memref<1x80x128xf32, #tpu.memory_space<vmem>>
        %dma_start3A_248 = tpu.memref_squeeze %dma_start3A_247 : memref<1x80x128xf32, #tpu.memory_space<vmem>> -> memref<80x128xf32, #tpu.memory_space<vmem>>
        %dma_start3A_249 = arith.constant 0 : i32
        %dma_start3A_250 = arith.constant 0 : i32
        %dma_start3A_251 = tpu.memref_slice %arg2[%arg0, %arg1, %add3A_215, %dma_start3A_249, %dma_start3A_250] : memref<2x16x75x80x128xf32, #tpu.memory_space<hbm>> -> memref<1x1x1x80x128xf32, #tpu.memory_space<hbm>>
        %dma_start3A_252 = tpu.memref_squeeze %dma_start3A_251 : memref<1x1x1x80x128xf32, #tpu.memory_space<hbm>> -> memref<80x128xf32, #tpu.memory_space<hbm>>
        %dma_start3A_253 = tpu.memref_slice %arg11[%sub3A_216] : memref<2x!tpu.dma_semaphore, #tpu.memory_space<semaphore_mem>> -> memref<1x!tpu.dma_semaphore, #tpu.memory_space<semaphore_mem>>
        %dma_start3A_254 = tpu.memref_squeeze %dma_start3A_253 : memref<1x!tpu.dma_semaphore, #tpu.memory_space<semaphore_mem>> -> memref<!tpu.dma_semaphore, #tpu.memory_space<semaphore_mem>>
        %dma_start3A_255 = arith.constant 0 : i32
        %dma_start3A_256 = arith.constant 0 : i32
        %dma_start3A_257 = tpu.memref_slice %arg9[%sub3A_216, %dma_start3A_255, %dma_start3A_256] : memref<2x80x128xf32, #tpu.memory_space<vmem>> -> memref<1x80x128xf32, #tpu.memory_space<vmem>>
        %dma_start3A_258 = tpu.memref_squeeze %dma_start3A_257 : memref<1x80x128xf32, #tpu.memory_space<vmem>> -> memref<80x128xf32, #tpu.memory_space<vmem>>
        %dma_start3A_259 = arith.constant 0 : i32
        %dma_start3A_260 = arith.constant 0 : i32
        %dma_start3A_261 = tpu.memref_slice %arg2[%arg0, %arg1, %add3A_215, %dma_start3A_259, %dma_start3A_260] : memref<2x16x75x80x128xf32, #tpu.memory_space<hbm>> -> memref<1x1x1x80x128xf32, #tpu.memory_space<hbm>>
        %dma_start3A_262 = tpu.memref_squeeze %dma_start3A_261 : memref<1x1x1x80x128xf32, #tpu.memory_space<hbm>> -> memref<80x128xf32, #tpu.memory_space<hbm>>
        tpu.enqueue_dma source(%dma_start3A_262 : memref<80x128xf32, #tpu.memory_space<hbm>>) target(%dma_start3A_258 : memref<80x128xf32, #tpu.memory_space<vmem>>) target_semaphore(%dma_start3A_254 : memref<!tpu.dma_semaphore, #tpu.memory_space<semaphore_mem>>)
      } else {
      }
      %dma_wait3A_140 = arith.constant 0 : i32
      %dma_wait3A_141 = tpu.memref_slice %arg7[%select_n3A_134, %dma_wait3A_140] : memref<2x80xi32, #tpu.memory_space<vmem>> -> memref<1x80xi32, #tpu.memory_space<vmem>>
      %dma_wait3A_142 = tpu.memref_squeeze %dma_wait3A_141 : memref<1x80xi32, #tpu.memory_space<vmem>> -> memref<80xi32, #tpu.memory_space<vmem>>
      %dma_wait3A_143 = arith.constant 0 : i32
      %dma_wait3A_144 = tpu.memref_slice %arg3[%arg0, %arg1, %scan3A_126, %dma_wait3A_143] : memref<2x16x75x80xi32, #tpu.memory_space<hbm>> -> memref<1x1x1x80xi32, #tpu.memory_space<hbm>>
      %dma_wait3A_145 = tpu.memref_squeeze %dma_wait3A_144 : memref<1x1x1x80xi32, #tpu.memory_space<hbm>> -> memref<80xi32, #tpu.memory_space<hbm>>
      %dma_wait3A_146 = tpu.memref_slice %arg12[%select_n3A_134] : memref<2x!tpu.dma_semaphore, #tpu.memory_space<semaphore_mem>> -> memref<1x!tpu.dma_semaphore, #tpu.memory_space<semaphore_mem>>
      %dma_wait3A_147 = tpu.memref_squeeze %dma_wait3A_146 : memref<1x!tpu.dma_semaphore, #tpu.memory_space<semaphore_mem>> -> memref<!tpu.dma_semaphore, #tpu.memory_space<semaphore_mem>>
      %dma_wait3A_148 = arith.constant 0 : i32
      %dma_wait3A_149 = tpu.memref_slice %arg7[%select_n3A_134, %dma_wait3A_148] : memref<2x80xi32, #tpu.memory_space<vmem>> -> memref<1x80xi32, #tpu.memory_space<vmem>>
      %dma_wait3A_150 = tpu.memref_squeeze %dma_wait3A_149 : memref<1x80xi32, #tpu.memory_space<vmem>> -> memref<80xi32, #tpu.memory_space<vmem>>
      %dma_wait3A_151 = arith.constant 0 : i32
      %dma_wait3A_152 = tpu.memref_slice %arg3[%arg0, %arg1, %scan3A_126, %dma_wait3A_151] : memref<2x16x75x80xi32, #tpu.memory_space<hbm>> -> memref<1x1x1x80xi32, #tpu.memory_space<hbm>>
      %dma_wait3A_153 = tpu.memref_squeeze %dma_wait3A_152 : memref<1x1x1x80xi32, #tpu.memory_space<hbm>> -> memref<80xi32, #tpu.memory_space<hbm>>
      tpu.wait_dma2 semaphore(%dma_wait3A_147 : memref<!tpu.dma_semaphore, #tpu.memory_space<semaphore_mem>>) src(%dma_wait3A_153 : memref<80xi32, #tpu.memory_space<hbm>>) dst(%dma_wait3A_150 : memref<80xi32, #tpu.memory_space<vmem>>)
      %dma_wait3A_154 = arith.constant 0 : i32
      %dma_wait3A_155 = tpu.memref_slice %arg8[%select_n3A_134, %dma_wait3A_154] : memref<2x80xi32, #tpu.memory_space<vmem>> -> memref<1x80xi32, #tpu.memory_space<vmem>>
      %dma_wait3A_156 = tpu.memref_squeeze %dma_wait3A_155 : memref<1x80xi32, #tpu.memory_space<vmem>> -> memref<80xi32, #tpu.memory_space<vmem>>
      %dma_wait3A_157 = arith.constant 0 : i32
      %dma_wait3A_158 = tpu.memref_slice %arg4[%arg0, %arg1, %scan3A_126, %dma_wait3A_157] : memref<2x16x75x80xi32, #tpu.memory_space<hbm>> -> memref<1x1x1x80xi32, #tpu.memory_space<hbm>>
      %dma_wait3A_159 = tpu.memref_squeeze %dma_wait3A_158 : memref<1x1x1x80xi32, #tpu.memory_space<hbm>> -> memref<80xi32, #tpu.memory_space<hbm>>
      %dma_wait3A_160 = tpu.memref_slice %arg13[%select_n3A_134] : memref<2x!tpu.dma_semaphore, #tpu.memory_space<semaphore_mem>> -> memref<1x!tpu.dma_semaphore, #tpu.memory_space<semaphore_mem>>
      %dma_wait3A_161 = tpu.memref_squeeze %dma_wait3A_160 : memref<1x!tpu.dma_semaphore, #tpu.memory_space<semaphore_mem>> -> memref<!tpu.dma_semaphore, #tpu.memory_space<semaphore_mem>>
      %dma_wait3A_162 = arith.constant 0 : i32
      %dma_wait3A_163 = tpu.memref_slice %arg8[%select_n3A_134, %dma_wait3A_162] : memref<2x80xi32, #tpu.memory_space<vmem>> -> memref<1x80xi32, #tpu.memory_space<vmem>>
      %dma_wait3A_164 = tpu.memref_squeeze %dma_wait3A_163 : memref<1x80xi32, #tpu.memory_space<vmem>> -> memref<80xi32, #tpu.memory_space<vmem>>
      %dma_wait3A_165 = arith.constant 0 : i32
      %dma_wait3A_166 = tpu.memref_slice %arg4[%arg0, %arg1, %scan3A_126, %dma_wait3A_165] : memref<2x16x75x80xi32, #tpu.memory_space<hbm>> -> memref<1x1x1x80xi32, #tpu.memory_space<hbm>>
      %dma_wait3A_167 = tpu.memref_squeeze %dma_wait3A_166 : memref<1x1x1x80xi32, #tpu.memory_space<hbm>> -> memref<80xi32, #tpu.memory_space<hbm>>
      tpu.wait_dma2 semaphore(%dma_wait3A_161 : memref<!tpu.dma_semaphore, #tpu.memory_space<semaphore_mem>>) src(%dma_wait3A_167 : memref<80xi32, #tpu.memory_space<hbm>>) dst(%dma_wait3A_164 : memref<80xi32, #tpu.memory_space<vmem>>)
      %dma_wait3A_168 = arith.constant 0 : i32
      %dma_wait3A_169 = arith.constant 0 : i32
      %dma_wait3A_170 = tpu.memref_slice %arg9[%select_n3A_134, %dma_wait3A_168, %dma_wait3A_169] : memref<2x80x128xf32, #tpu.memory_space<vmem>> -> memref<1x80x128xf32, #tpu.memory_space<vmem>>
      %dma_wait3A_171 = tpu.memref_squeeze %dma_wait3A_170 : memref<1x80x128xf32, #tpu.memory_space<vmem>> -> memref<80x128xf32, #tpu.memory_space<vmem>>
      %dma_wait3A_172 = arith.constant 0 : i32
      %dma_wait3A_173 = arith.constant 0 : i32
      %dma_wait3A_174 = tpu.memref_slice %arg2[%arg0, %arg1, %scan3A_126, %dma_wait3A_172, %dma_wait3A_173] : memref<2x16x75x80x128xf32, #tpu.memory_space<hbm>> -> memref<1x1x1x80x128xf32, #tpu.memory_space<hbm>>
      %dma_wait3A_175 = tpu.memref_squeeze %dma_wait3A_174 : memref<1x1x1x80x128xf32, #tpu.memory_space<hbm>> -> memref<80x128xf32, #tpu.memory_space<hbm>>
      %dma_wait3A_176 = tpu.memref_slice %arg11[%select_n3A_134] : memref<2x!tpu.dma_semaphore, #tpu.memory_space<semaphore_mem>> -> memref<1x!tpu.dma_semaphore, #tpu.memory_space<semaphore_mem>>
      %dma_wait3A_177 = tpu.memref_squeeze %dma_wait3A_176 : memref<1x!tpu.dma_semaphore, #tpu.memory_space<semaphore_mem>> -> memref<!tpu.dma_semaphore, #tpu.memory_space<semaphore_mem>>
      %dma_wait3A_178 = arith.constant 0 : i32
      %dma_wait3A_179 = arith.constant 0 : i32
      %dma_wait3A_180 = tpu.memref_slice %arg9[%select_n3A_134, %dma_wait3A_178, %dma_wait3A_179] : memref<2x80x128xf32, #tpu.memory_space<vmem>> -> memref<1x80x128xf32, #tpu.memory_space<vmem>>
      %dma_wait3A_181 = tpu.memref_squeeze %dma_wait3A_180 : memref<1x80x128xf32, #tpu.memory_space<vmem>> -> memref<80x128xf32, #tpu.memory_space<vmem>>
      %dma_wait3A_182 = arith.constant 0 : i32
      %dma_wait3A_183 = arith.constant 0 : i32
      %dma_wait3A_184 = tpu.memref_slice %arg2[%arg0, %arg1, %scan3A_126, %dma_wait3A_182, %dma_wait3A_183] : memref<2x16x75x80x128xf32, #tpu.memory_space<hbm>> -> memref<1x1x1x80x128xf32, #tpu.memory_space<hbm>>
      %dma_wait3A_185 = tpu.memref_squeeze %dma_wait3A_184 : memref<1x1x1x80x128xf32, #tpu.memory_space<hbm>> -> memref<80x128xf32, #tpu.memory_space<hbm>>
      tpu.wait_dma2 semaphore(%dma_wait3A_177 : memref<!tpu.dma_semaphore, #tpu.memory_space<semaphore_mem>>) src(%dma_wait3A_185 : memref<80x128xf32, #tpu.memory_space<hbm>>) dst(%dma_wait3A_181 : memref<80x128xf32, #tpu.memory_space<vmem>>)
      %dma_start3A_186 = arith.constant 0 : i32
      %dma_start3A_187 = arith.constant 0 : i32
      %dma_start3A_188 = tpu.memref_slice %arg9[%select_n3A_134, %dma_start3A_186, %dma_start3A_187] : memref<2x80x128xf32, #tpu.memory_space<vmem>> -> memref<1x80x128xf32, #tpu.memory_space<vmem>>
      %dma_start3A_189 = tpu.memref_squeeze %dma_start3A_188 : memref<1x80x128xf32, #tpu.memory_space<vmem>> -> memref<80x128xf32, #tpu.memory_space<vmem>>
      %dma_start3A_190 = arith.constant 0 : i32
      %dma_start3A_191 = tpu.memref_slice %arg7[%select_n3A_134, %dma_start3A_190] : memref<2x80xi32, #tpu.memory_space<vmem>> -> memref<1x80xi32, #tpu.memory_space<vmem>>
      %dma_start3A_192 = tpu.memref_squeeze %dma_start3A_191 : memref<1x80xi32, #tpu.memory_space<vmem>> -> memref<80xi32, #tpu.memory_space<vmem>>
      %dma_start3A_193 = arith.constant 0 : i32
      %dma_start3A_194 = arith.constant 0 : i32
      %dma_start3A_195 = tpu.memref_slice %arg10[%dma_start3A_193, %dma_start3A_194] : memref<10240x128xf32, #tpu.memory_space<vmem_shared>> -> memref<10240x128xf32, #tpu.memory_space<vmem_shared>>
      %dma_start3A_196 = tpu.memref_slice %arg14[%select_n3A_134] : memref<2x!tpu.dma_semaphore, #tpu.memory_space<semaphore_mem>> -> memref<1x!tpu.dma_semaphore, #tpu.memory_space<semaphore_mem>>
      %dma_start3A_197 = tpu.memref_squeeze %dma_start3A_196 : memref<1x!tpu.dma_semaphore, #tpu.memory_space<semaphore_mem>> -> memref<!tpu.dma_semaphore, #tpu.memory_space<semaphore_mem>>
      tpu.enqueue_indirect_dma source(%dma_start3A_189 : memref<80x128xf32, #tpu.memory_space<vmem>>) target(%dma_start3A_195 : memref<10240x128xf32, #tpu.memory_space<vmem_shared>>) offsets(%dma_start3A_192 : memref<80xi32, #tpu.memory_space<vmem>>) semaphore(%dma_start3A_197 : memref<!tpu.dma_semaphore, #tpu.memory_space<semaphore_mem>>) {add = true}
      %dma_start3A_198 = arith.constant 0 : i32
      %dma_start3A_199 = arith.constant 0 : i32
      %dma_start3A_200 = tpu.memref_slice %arg9[%select_n3A_134, %dma_start3A_198, %dma_start3A_199] : memref<2x80x128xf32, #tpu.memory_space<vmem>> -> memref<1x80x128xf32, #tpu.memory_space<vmem>>
      %dma_start3A_201 = tpu.memref_squeeze %dma_start3A_200 : memref<1x80x128xf32, #tpu.memory_space<vmem>> -> memref<80x128xf32, #tpu.memory_space<vmem>>
      %dma_start3A_202 = arith.constant 0 : i32
      %dma_start3A_203 = tpu.memref_slice %arg8[%select_n3A_134, %dma_start3A_202] : memref<2x80xi32, #tpu.memory_space<vmem>> -> memref<1x80xi32, #tpu.memory_space<vmem>>
      %dma_start3A_204 = tpu.memref_squeeze %dma_start3A_203 : memref<1x80xi32, #tpu.memory_space<vmem>> -> memref<80xi32, #tpu.memory_space<vmem>>
      %dma_start3A_205 = arith.constant 0 : i32
      %dma_start3A_206 = arith.constant 0 : i32
      %dma_start3A_207 = tpu.memref_slice %arg10[%dma_start3A_205, %dma_start3A_206] : memref<10240x128xf32, #tpu.memory_space<vmem_shared>> -> memref<10240x128xf32, #tpu.memory_space<vmem_shared>>
      %dma_start3A_208 = tpu.memref_slice %arg15[%select_n3A_134] : memref<2x!tpu.dma_semaphore, #tpu.memory_space<semaphore_mem>> -> memref<1x!tpu.dma_semaphore, #tpu.memory_space<semaphore_mem>>
      %dma_start3A_209 = tpu.memref_squeeze %dma_start3A_208 : memref<1x!tpu.dma_semaphore, #tpu.memory_space<semaphore_mem>> -> memref<!tpu.dma_semaphore, #tpu.memory_space<semaphore_mem>>
      tpu.enqueue_indirect_dma source(%dma_start3A_201 : memref<80x128xf32, #tpu.memory_space<vmem>>) target(%dma_start3A_207 : memref<10240x128xf32, #tpu.memory_space<vmem_shared>>) offsets(%dma_start3A_204 : memref<80xi32, #tpu.memory_space<vmem>>) semaphore(%dma_start3A_209 : memref<!tpu.dma_semaphore, #tpu.memory_space<semaphore_mem>>) {add = true}
    }
    %scan3A_61 = arith.constant 75 : i32
    %dma_wait3A = arith.constant 1 : i32
    %dma_wait3A_62 = arith.constant 1 : i32
    %dma_wait3A_63 = arith.constant 1 : i32
    %dma_wait3A_64 = arith.constant 0 : i32
    %dma_wait3A_65 = arith.constant 0 : i32
    %dma_wait3A_66 = tpu.memref_slice %arg9[%dma_wait3A, %dma_wait3A_64, %dma_wait3A_65] : memref<2x80x128xf32, #tpu.memory_space<vmem>> -> memref<1x80x128xf32, #tpu.memory_space<vmem>>
    %dma_wait3A_67 = tpu.memref_squeeze %dma_wait3A_66 : memref<1x80x128xf32, #tpu.memory_space<vmem>> -> memref<80x128xf32, #tpu.memory_space<vmem>>
    %dma_wait3A_68 = arith.constant 0 : i32
    %dma_wait3A_69 = tpu.memref_slice %arg7[%dma_wait3A_62, %dma_wait3A_68] : memref<2x80xi32, #tpu.memory_space<vmem>> -> memref<1x80xi32, #tpu.memory_space<vmem>>
    %dma_wait3A_70 = tpu.memref_squeeze %dma_wait3A_69 : memref<1x80xi32, #tpu.memory_space<vmem>> -> memref<80xi32, #tpu.memory_space<vmem>>
    %dma_wait3A_71 = arith.constant 0 : i32
    %dma_wait3A_72 = arith.constant 0 : i32
    %dma_wait3A_73 = tpu.memref_slice %arg10[%dma_wait3A_71, %dma_wait3A_72] : memref<10240x128xf32, #tpu.memory_space<vmem_shared>> -> memref<10240x128xf32, #tpu.memory_space<vmem_shared>>
    %dma_wait3A_74 = tpu.memref_slice %arg14[%dma_wait3A_63] : memref<2x!tpu.dma_semaphore, #tpu.memory_space<semaphore_mem>> -> memref<1x!tpu.dma_semaphore, #tpu.memory_space<semaphore_mem>>
    %dma_wait3A_75 = tpu.memref_squeeze %dma_wait3A_74 : memref<1x!tpu.dma_semaphore, #tpu.memory_space<semaphore_mem>> -> memref<!tpu.dma_semaphore, #tpu.memory_space<semaphore_mem>>
    tpu.wait_indirect_dma semaphore(%dma_wait3A_75 : memref<!tpu.dma_semaphore, #tpu.memory_space<semaphore_mem>>) src(%dma_wait3A_67 : memref<80x128xf32, #tpu.memory_space<vmem>>) dst(%dma_wait3A_73 : memref<10240x128xf32, #tpu.memory_space<vmem_shared>>)
    %dma_wait3A_76 = arith.constant 1 : i32
    %dma_wait3A_77 = arith.constant 1 : i32
    %dma_wait3A_78 = arith.constant 1 : i32
    %dma_wait3A_79 = arith.constant 0 : i32
    %dma_wait3A_80 = arith.constant 0 : i32
    %dma_wait3A_81 = tpu.memref_slice %arg9[%dma_wait3A_76, %dma_wait3A_79, %dma_wait3A_80] : memref<2x80x128xf32, #tpu.memory_space<vmem>> -> memref<1x80x128xf32, #tpu.memory_space<vmem>>
    %dma_wait3A_82 = tpu.memref_squeeze %dma_wait3A_81 : memref<1x80x128xf32, #tpu.memory_space<vmem>> -> memref<80x128xf32, #tpu.memory_space<vmem>>
    %dma_wait3A_83 = arith.constant 0 : i32
    %dma_wait3A_84 = tpu.memref_slice %arg8[%dma_wait3A_77, %dma_wait3A_83] : memref<2x80xi32, #tpu.memory_space<vmem>> -> memref<1x80xi32, #tpu.memory_space<vmem>>
    %dma_wait3A_85 = tpu.memref_squeeze %dma_wait3A_84 : memref<1x80xi32, #tpu.memory_space<vmem>> -> memref<80xi32, #tpu.memory_space<vmem>>
    %dma_wait3A_86 = arith.constant 0 : i32
    %dma_wait3A_87 = arith.constant 0 : i32
    %dma_wait3A_88 = tpu.memref_slice %arg10[%dma_wait3A_86, %dma_wait3A_87] : memref<10240x128xf32, #tpu.memory_space<vmem_shared>> -> memref<10240x128xf32, #tpu.memory_space<vmem_shared>>
    %dma_wait3A_89 = tpu.memref_slice %arg15[%dma_wait3A_78] : memref<2x!tpu.dma_semaphore, #tpu.memory_space<semaphore_mem>> -> memref<1x!tpu.dma_semaphore, #tpu.memory_space<semaphore_mem>>
    %dma_wait3A_90 = tpu.memref_squeeze %dma_wait3A_89 : memref<1x!tpu.dma_semaphore, #tpu.memory_space<semaphore_mem>> -> memref<!tpu.dma_semaphore, #tpu.memory_space<semaphore_mem>>
    tpu.wait_indirect_dma semaphore(%dma_wait3A_90 : memref<!tpu.dma_semaphore, #tpu.memory_space<semaphore_mem>>) src(%dma_wait3A_82 : memref<80x128xf32, #tpu.memory_space<vmem>>) dst(%dma_wait3A_88 : memref<10240x128xf32, #tpu.memory_space<vmem_shared>>)
    %dma_wait3A_91 = arith.constant 0 : i32
    %dma_wait3A_92 = arith.constant 0 : i32
    %dma_wait3A_93 = arith.constant 0 : i32
    %dma_wait3A_94 = arith.constant 0 : i32
    %dma_wait3A_95 = arith.constant 0 : i32
    %dma_wait3A_96 = tpu.memref_slice %arg9[%dma_wait3A_91, %dma_wait3A_94, %dma_wait3A_95] : memref<2x80x128xf32, #tpu.memory_space<vmem>> -> memref<1x80x128xf32, #tpu.memory_space<vmem>>
    %dma_wait3A_97 = tpu.memref_squeeze %dma_wait3A_96 : memref<1x80x128xf32, #tpu.memory_space<vmem>> -> memref<80x128xf32, #tpu.memory_space<vmem>>
    %dma_wait3A_98 = arith.constant 0 : i32
    %dma_wait3A_99 = tpu.memref_slice %arg7[%dma_wait3A_92, %dma_wait3A_98] : memref<2x80xi32, #tpu.memory_space<vmem>> -> memref<1x80xi32, #tpu.memory_space<vmem>>
    %dma_wait3A_100 = tpu.memref_squeeze %dma_wait3A_99 : memref<1x80xi32, #tpu.memory_space<vmem>> -> memref<80xi32, #tpu.memory_space<vmem>>
    %dma_wait3A_101 = arith.constant 0 : i32
    %dma_wait3A_102 = arith.constant 0 : i32
    %dma_wait3A_103 = tpu.memref_slice %arg10[%dma_wait3A_101, %dma_wait3A_102] : memref<10240x128xf32, #tpu.memory_space<vmem_shared>> -> memref<10240x128xf32, #tpu.memory_space<vmem_shared>>
    %dma_wait3A_104 = tpu.memref_slice %arg14[%dma_wait3A_93] : memref<2x!tpu.dma_semaphore, #tpu.memory_space<semaphore_mem>> -> memref<1x!tpu.dma_semaphore, #tpu.memory_space<semaphore_mem>>
    %dma_wait3A_105 = tpu.memref_squeeze %dma_wait3A_104 : memref<1x!tpu.dma_semaphore, #tpu.memory_space<semaphore_mem>> -> memref<!tpu.dma_semaphore, #tpu.memory_space<semaphore_mem>>
    tpu.wait_indirect_dma semaphore(%dma_wait3A_105 : memref<!tpu.dma_semaphore, #tpu.memory_space<semaphore_mem>>) src(%dma_wait3A_97 : memref<80x128xf32, #tpu.memory_space<vmem>>) dst(%dma_wait3A_103 : memref<10240x128xf32, #tpu.memory_space<vmem_shared>>)
    %dma_wait3A_106 = arith.constant 0 : i32
    %dma_wait3A_107 = arith.constant 0 : i32
    %dma_wait3A_108 = arith.constant 0 : i32
    %dma_wait3A_109 = arith.constant 0 : i32
    %dma_wait3A_110 = arith.constant 0 : i32
    %dma_wait3A_111 = tpu.memref_slice %arg9[%dma_wait3A_106, %dma_wait3A_109, %dma_wait3A_110] : memref<2x80x128xf32, #tpu.memory_space<vmem>> -> memref<1x80x128xf32, #tpu.memory_space<vmem>>
    %dma_wait3A_112 = tpu.memref_squeeze %dma_wait3A_111 : memref<1x80x128xf32, #tpu.memory_space<vmem>> -> memref<80x128xf32, #tpu.memory_space<vmem>>
    %dma_wait3A_113 = arith.constant 0 : i32
    %dma_wait3A_114 = tpu.memref_slice %arg8[%dma_wait3A_107, %dma_wait3A_113] : memref<2x80xi32, #tpu.memory_space<vmem>> -> memref<1x80xi32, #tpu.memory_space<vmem>>
    %dma_wait3A_115 = tpu.memref_squeeze %dma_wait3A_114 : memref<1x80xi32, #tpu.memory_space<vmem>> -> memref<80xi32, #tpu.memory_space<vmem>>
    %dma_wait3A_116 = arith.constant 0 : i32
    %dma_wait3A_117 = arith.constant 0 : i32
    %dma_wait3A_118 = tpu.memref_slice %arg10[%dma_wait3A_116, %dma_wait3A_117] : memref<10240x128xf32, #tpu.memory_space<vmem_shared>> -> memref<10240x128xf32, #tpu.memory_space<vmem_shared>>
    %dma_wait3A_119 = tpu.memref_slice %arg15[%dma_wait3A_108] : memref<2x!tpu.dma_semaphore, #tpu.memory_space<semaphore_mem>> -> memref<1x!tpu.dma_semaphore, #tpu.memory_space<semaphore_mem>>
    %dma_wait3A_120 = tpu.memref_squeeze %dma_wait3A_119 : memref<1x!tpu.dma_semaphore, #tpu.memory_space<semaphore_mem>> -> memref<!tpu.dma_semaphore, #tpu.memory_space<semaphore_mem>>
    tpu.wait_indirect_dma semaphore(%dma_wait3A_120 : memref<!tpu.dma_semaphore, #tpu.memory_space<semaphore_mem>>) src(%dma_wait3A_112 : memref<80x128xf32, #tpu.memory_space<vmem>>) dst(%dma_wait3A_118 : memref<10240x128xf32, #tpu.memory_space<vmem_shared>>)
    %barrier3A_121 = arith.constant 0 : index
    tpu.barrier barrier_id(%barrier3A_121)
    %mul3A_122 = arith.constant 640 : i32
    %mul3A_123 = arith.muli %arg1, %mul3A_122 : i32
    %mul3A_124 = arith.constant 640 : i32
    %mul3A_125 = arith.muli %arg1, %mul3A_124 : i32
    "tpu.region"() ({
      %run_scoped3A = tpu.sem_alloc : memref<!tpu.dma_semaphore, #tpu.memory_space<semaphore_mem>>
      %dma_start3A_126 = arith.constant 0 : i32
      %dma_start3A_127 = arith.constant 0 : i32
      %dma_start3A_128 = tpu.memref_slice %arg6[%arg0, %dma_start3A_126, %dma_start3A_127] : memref<2x10240x128xf32, #tpu.memory_space<hbm>> -> memref<1x10240x128xf32, #tpu.memory_space<hbm>>
      %dma_start3A_129 = tpu.memref_squeeze %dma_start3A_128 : memref<1x10240x128xf32, #tpu.memory_space<hbm>> -> memref<10240x128xf32, #tpu.memory_space<hbm>>
      %dma_start3A_130 = arith.constant 0 : i32
      %dma_start3A_131 = tpu.memref_slice %dma_start3A_129[%mul3A_125, %dma_start3A_130] : memref<10240x128xf32, #tpu.memory_space<hbm>> -> memref<640x128xf32, #tpu.memory_space<hbm>>
      %dma_start3A_132 = arith.constant 0 : i32
      %dma_start3A_133 = tpu.memref_slice %arg10[%mul3A_123, %dma_start3A_132] : memref<10240x128xf32, #tpu.memory_space<vmem_shared>> -> memref<640x128xf32, #tpu.memory_space<vmem_shared>>
      tpu.enqueue_dma source(%dma_start3A_133 : memref<640x128xf32, #tpu.memory_space<vmem_shared>>) target(%dma_start3A_131 : memref<640x128xf32, #tpu.memory_space<hbm>>) target_semaphore(%run_scoped3A : memref<!tpu.dma_semaphore, #tpu.memory_space<semaphore_mem>>)
      %dma_wait3A_134 = arith.constant 0 : i32
      %dma_wait3A_135 = arith.constant 0 : i32
      %dma_wait3A_136 = tpu.memref_slice %arg6[%arg0, %dma_wait3A_134, %dma_wait3A_135] : memref<2x10240x128xf32, #tpu.memory_space<hbm>> -> memref<1x10240x128xf32, #tpu.memory_space<hbm>>
      %dma_wait3A_137 = tpu.memref_squeeze %dma_wait3A_136 : memref<1x10240x128xf32, #tpu.memory_space<hbm>> -> memref<10240x128xf32, #tpu.memory_space<hbm>>
      %dma_wait3A_138 = arith.constant 0 : i32
      %dma_wait3A_139 = tpu.memref_slice %dma_wait3A_137[%mul3A_125, %dma_wait3A_138] : memref<10240x128xf32, #tpu.memory_space<hbm>> -> memref<640x128xf32, #tpu.memory_space<hbm>>
      %dma_wait3A_140 = arith.constant 0 : i32
      %dma_wait3A_141 = tpu.memref_slice %arg10[%mul3A_123, %dma_wait3A_140] : memref<10240x128xf32, #tpu.memory_space<vmem_shared>> -> memref<640x128xf32, #tpu.memory_space<vmem_shared>>
      tpu.wait_dma2 semaphore(%run_scoped3A : memref<!tpu.dma_semaphore, #tpu.memory_space<semaphore_mem>>) src(%dma_wait3A_141 : memref<640x128xf32, #tpu.memory_space<vmem_shared>>) dst(%dma_wait3A_139 : memref<640x128xf32, #tpu.memory_space<hbm>>)
      tpu.yield
    }) : () -> ()
    return
  }
}

#map = affine_map<(d0, d1) -> (0, 0, 0, 0, 0)>
#map1 = affine_map<(d0, d1) -> (0, 0, 0, 0)>
#map2 = affine_map<(d0, d1) -> (0, 0)>
#map3 = affine_map<(d0, d1) -> (0, 0, 0)>
module attributes {stable_mosaic.version = 14 : i64} {
  func.func @sc_scatter(%arg0: i32, %arg1: i32, %arg2: memref<2x16x50x80x128xf32, #tpu.memory_space<hbm>>, %arg3: memref<2x16x50x80xi32, #tpu.memory_space<hbm>>, %arg4: memref<2x16x50x80xi32, #tpu.memory_space<hbm>>, %arg5: memref<10240x128xf32, #tpu.memory_space<hbm>>, %arg6: memref<2x10240x128xf32, #tpu.memory_space<hbm>>, %arg7: memref<2x80xi32, #tpu.memory_space<vmem>>, %arg8: memref<2x80xi32, #tpu.memory_space<vmem>>, %arg9: memref<2x80x128xf32, #tpu.memory_space<vmem>>, %arg10: memref<10240x128xf32, #tpu.memory_space<vmem_shared>>, %arg11: memref<2x!tpu.dma_semaphore, #tpu.memory_space<semaphore_mem>>, %arg12: memref<2x!tpu.dma_semaphore, #tpu.memory_space<semaphore_mem>>, %arg13: memref<2x!tpu.dma_semaphore, #tpu.memory_space<semaphore_mem>>, %arg14: memref<2x!tpu.dma_semaphore, #tpu.memory_space<semaphore_mem>>, %arg15: memref<2x!tpu.dma_semaphore, #tpu.memory_space<semaphore_mem>>) attributes {dimension_semantics = [#tpu.dimension_semantics<core_parallel>, #tpu.dimension_semantics<subcore_parallel>], iteration_bounds = array<i64: 2, 16>, scalar_prefetch = 0 : i64, scratch_operands = 9 : i64, tpu.core_type = #tpu.core_type<sc_vector_subcore>, window_params = [{transform_indices = #map}, {transform_indices = #map1}, {transform_indices = #map1}, {transform_indices = #map2}, {transform_indices = #map3}]} {
    %mul3A = arith.constant 640 : i32
    %mul3A_0 = arith.muli %arg1, %mul3A : i32
    %mul3A_1 = arith.constant 640 : i32
    %mul3A_2 = arith.muli %arg1, %mul3A_1 : i32
    "tpu.region"() ({
      %run_scoped3A = tpu.sem_alloc : memref<!tpu.dma_semaphore, #tpu.memory_space<semaphore_mem>>
      %dma_start3A_126 = arith.constant 0 : i32
      %dma_start3A_127 = tpu.memref_slice %arg10[%mul3A_2, %dma_start3A_126] : memref<10240x128xf32, #tpu.memory_space<vmem_shared>> -> memref<640x128xf32, #tpu.memory_space<vmem_shared>>
      %dma_start3A_128 = arith.constant 0 : i32
      %dma_start3A_129 = tpu.memref_slice %arg5[%mul3A_0, %dma_start3A_128] : memref<10240x128xf32, #tpu.memory_space<hbm>> -> memref<640x128xf32, #tpu.memory_space<hbm>>
      tpu.enqueue_dma source(%dma_start3A_129 : memref<640x128xf32, #tpu.memory_space<hbm>>) target(%dma_start3A_127 : memref<640x128xf32, #tpu.memory_space<vmem_shared>>) target_semaphore(%run_scoped3A : memref<!tpu.dma_semaphore, #tpu.memory_space<semaphore_mem>>)
      %dma_wait3A_130 = arith.constant 0 : i32
      %dma_wait3A_131 = tpu.memref_slice %arg10[%mul3A_2, %dma_wait3A_130] : memref<10240x128xf32, #tpu.memory_space<vmem_shared>> -> memref<640x128xf32, #tpu.memory_space<vmem_shared>>
      %dma_wait3A_132 = arith.constant 0 : i32
      %dma_wait3A_133 = tpu.memref_slice %arg5[%mul3A_0, %dma_wait3A_132] : memref<10240x128xf32, #tpu.memory_space<hbm>> -> memref<640x128xf32, #tpu.memory_space<hbm>>
      tpu.wait_dma2 semaphore(%run_scoped3A : memref<!tpu.dma_semaphore, #tpu.memory_space<semaphore_mem>>) src(%dma_wait3A_133 : memref<640x128xf32, #tpu.memory_space<hbm>>) dst(%dma_wait3A_131 : memref<640x128xf32, #tpu.memory_space<vmem_shared>>)
      tpu.yield
    }) : () -> ()
    %barrier3A = arith.constant 0 : index
    tpu.barrier barrier_id(%barrier3A)
    %dma_start3A = arith.constant 0 : i32
    %dma_start3A_3 = arith.constant 0 : i32
    %dma_start3A_4 = arith.constant 0 : i32
    %dma_start3A_5 = arith.constant 0 : i32
    %dma_start3A_6 = tpu.memref_slice %arg7[%dma_start3A_3, %dma_start3A_5] : memref<2x80xi32, #tpu.memory_space<vmem>> -> memref<1x80xi32, #tpu.memory_space<vmem>>
    %dma_start3A_7 = tpu.memref_squeeze %dma_start3A_6 : memref<1x80xi32, #tpu.memory_space<vmem>> -> memref<80xi32, #tpu.memory_space<vmem>>
    %dma_start3A_8 = arith.constant 0 : i32
    %dma_start3A_9 = tpu.memref_slice %arg3[%arg0, %arg1, %dma_start3A, %dma_start3A_8] : memref<2x16x50x80xi32, #tpu.memory_space<hbm>> -> memref<1x1x1x80xi32, #tpu.memory_space<hbm>>
    %dma_start3A_10 = tpu.memref_squeeze %dma_start3A_9 : memref<1x1x1x80xi32, #tpu.memory_space<hbm>> -> memref<80xi32, #tpu.memory_space<hbm>>
    %dma_start3A_11 = tpu.memref_slice %arg12[%dma_start3A_4] : memref<2x!tpu.dma_semaphore, #tpu.memory_space<semaphore_mem>> -> memref<1x!tpu.dma_semaphore, #tpu.memory_space<semaphore_mem>>
    %dma_start3A_12 = tpu.memref_squeeze %dma_start3A_11 : memref<1x!tpu.dma_semaphore, #tpu.memory_space<semaphore_mem>> -> memref<!tpu.dma_semaphore, #tpu.memory_space<semaphore_mem>>
    %dma_start3A_13 = arith.constant 0 : i32
    %dma_start3A_14 = tpu.memref_slice %arg7[%dma_start3A_3, %dma_start3A_13] : memref<2x80xi32, #tpu.memory_space<vmem>> -> memref<1x80xi32, #tpu.memory_space<vmem>>
    %dma_start3A_15 = tpu.memref_squeeze %dma_start3A_14 : memref<1x80xi32, #tpu.memory_space<vmem>> -> memref<80xi32, #tpu.memory_space<vmem>>
    %dma_start3A_16 = arith.constant 0 : i32
    %dma_start3A_17 = tpu.memref_slice %arg3[%arg0, %arg1, %dma_start3A, %dma_start3A_16] : memref<2x16x50x80xi32, #tpu.memory_space<hbm>> -> memref<1x1x1x80xi32, #tpu.memory_space<hbm>>
    %dma_start3A_18 = tpu.memref_squeeze %dma_start3A_17 : memref<1x1x1x80xi32, #tpu.memory_space<hbm>> -> memref<80xi32, #tpu.memory_space<hbm>>
    tpu.enqueue_dma source(%dma_start3A_18 : memref<80xi32, #tpu.memory_space<hbm>>) target(%dma_start3A_15 : memref<80xi32, #tpu.memory_space<vmem>>) target_semaphore(%dma_start3A_12 : memref<!tpu.dma_semaphore, #tpu.memory_space<semaphore_mem>>)
    %dma_start3A_19 = arith.constant 0 : i32
    %dma_start3A_20 = arith.constant 0 : i32
    %dma_start3A_21 = arith.constant 0 : i32
    %dma_start3A_22 = arith.constant 0 : i32
    %dma_start3A_23 = tpu.memref_slice %arg8[%dma_start3A_20, %dma_start3A_22] : memref<2x80xi32, #tpu.memory_space<vmem>> -> memref<1x80xi32, #tpu.memory_space<vmem>>
    %dma_start3A_24 = tpu.memref_squeeze %dma_start3A_23 : memref<1x80xi32, #tpu.memory_space<vmem>> -> memref<80xi32, #tpu.memory_space<vmem>>
    %dma_start3A_25 = arith.constant 0 : i32
    %dma_start3A_26 = tpu.memref_slice %arg4[%arg0, %arg1, %dma_start3A_19, %dma_start3A_25] : memref<2x16x50x80xi32, #tpu.memory_space<hbm>> -> memref<1x1x1x80xi32, #tpu.memory_space<hbm>>
    %dma_start3A_27 = tpu.memref_squeeze %dma_start3A_26 : memref<1x1x1x80xi32, #tpu.memory_space<hbm>> -> memref<80xi32, #tpu.memory_space<hbm>>
    %dma_start3A_28 = tpu.memref_slice %arg13[%dma_start3A_21] : memref<2x!tpu.dma_semaphore, #tpu.memory_space<semaphore_mem>> -> memref<1x!tpu.dma_semaphore, #tpu.memory_space<semaphore_mem>>
    %dma_start3A_29 = tpu.memref_squeeze %dma_start3A_28 : memref<1x!tpu.dma_semaphore, #tpu.memory_space<semaphore_mem>> -> memref<!tpu.dma_semaphore, #tpu.memory_space<semaphore_mem>>
    %dma_start3A_30 = arith.constant 0 : i32
    %dma_start3A_31 = tpu.memref_slice %arg8[%dma_start3A_20, %dma_start3A_30] : memref<2x80xi32, #tpu.memory_space<vmem>> -> memref<1x80xi32, #tpu.memory_space<vmem>>
    %dma_start3A_32 = tpu.memref_squeeze %dma_start3A_31 : memref<1x80xi32, #tpu.memory_space<vmem>> -> memref<80xi32, #tpu.memory_space<vmem>>
    %dma_start3A_33 = arith.constant 0 : i32
    %dma_start3A_34 = tpu.memref_slice %arg4[%arg0, %arg1, %dma_start3A_19, %dma_start3A_33] : memref<2x16x50x80xi32, #tpu.memory_space<hbm>> -> memref<1x1x1x80xi32, #tpu.memory_space<hbm>>
    %dma_start3A_35 = tpu.memref_squeeze %dma_start3A_34 : memref<1x1x1x80xi32, #tpu.memory_space<hbm>> -> memref<80xi32, #tpu.memory_space<hbm>>
    tpu.enqueue_dma source(%dma_start3A_35 : memref<80xi32, #tpu.memory_space<hbm>>) target(%dma_start3A_32 : memref<80xi32, #tpu.memory_space<vmem>>) target_semaphore(%dma_start3A_29 : memref<!tpu.dma_semaphore, #tpu.memory_space<semaphore_mem>>)
    %dma_start3A_36 = arith.constant 0 : i32
    %dma_start3A_37 = arith.constant 0 : i32
    %dma_start3A_38 = arith.constant 0 : i32
    %dma_start3A_39 = arith.constant 0 : i32
    %dma_start3A_40 = arith.constant 0 : i32
    %dma_start3A_41 = tpu.memref_slice %arg9[%dma_start3A_37, %dma_start3A_39, %dma_start3A_40] : memref<2x80x128xf32, #tpu.memory_space<vmem>> -> memref<1x80x128xf32, #tpu.memory_space<vmem>>
    %dma_start3A_42 = tpu.memref_squeeze %dma_start3A_41 : memref<1x80x128xf32, #tpu.memory_space<vmem>> -> memref<80x128xf32, #tpu.memory_space<vmem>>
    %dma_start3A_43 = arith.constant 0 : i32
    %dma_start3A_44 = arith.constant 0 : i32
    %dma_start3A_45 = tpu.memref_slice %arg2[%arg0, %arg1, %dma_start3A_36, %dma_start3A_43, %dma_start3A_44] : memref<2x16x50x80x128xf32, #tpu.memory_space<hbm>> -> memref<1x1x1x80x128xf32, #tpu.memory_space<hbm>>
    %dma_start3A_46 = tpu.memref_squeeze %dma_start3A_45 : memref<1x1x1x80x128xf32, #tpu.memory_space<hbm>> -> memref<80x128xf32, #tpu.memory_space<hbm>>
    %dma_start3A_47 = tpu.memref_slice %arg11[%dma_start3A_38] : memref<2x!tpu.dma_semaphore, #tpu.memory_space<semaphore_mem>> -> memref<1x!tpu.dma_semaphore, #tpu.memory_space<semaphore_mem>>
    %dma_start3A_48 = tpu.memref_squeeze %dma_start3A_47 : memref<1x!tpu.dma_semaphore, #tpu.memory_space<semaphore_mem>> -> memref<!tpu.dma_semaphore, #tpu.memory_space<semaphore_mem>>
    %dma_start3A_49 = arith.constant 0 : i32
    %dma_start3A_50 = arith.constant 0 : i32
    %dma_start3A_51 = tpu.memref_slice %arg9[%dma_start3A_37, %dma_start3A_49, %dma_start3A_50] : memref<2x80x128xf32, #tpu.memory_space<vmem>> -> memref<1x80x128xf32, #tpu.memory_space<vmem>>
    %dma_start3A_52 = tpu.memref_squeeze %dma_start3A_51 : memref<1x80x128xf32, #tpu.memory_space<vmem>> -> memref<80x128xf32, #tpu.memory_space<vmem>>
    %dma_start3A_53 = arith.constant 0 : i32
    %dma_start3A_54 = arith.constant 0 : i32
    %dma_start3A_55 = tpu.memref_slice %arg2[%arg0, %arg1, %dma_start3A_36, %dma_start3A_53, %dma_start3A_54] : memref<2x16x50x80x128xf32, #tpu.memory_space<hbm>> -> memref<1x1x1x80x128xf32, #tpu.memory_space<hbm>>
    %dma_start3A_56 = tpu.memref_squeeze %dma_start3A_55 : memref<1x1x1x80x128xf32, #tpu.memory_space<hbm>> -> memref<80x128xf32, #tpu.memory_space<hbm>>
    tpu.enqueue_dma source(%dma_start3A_56 : memref<80x128xf32, #tpu.memory_space<hbm>>) target(%dma_start3A_52 : memref<80x128xf32, #tpu.memory_space<vmem>>) target_semaphore(%dma_start3A_48 : memref<!tpu.dma_semaphore, #tpu.memory_space<semaphore_mem>>)
    %scan3A = arith.constant 0 : i32
    %scan3A_57 = arith.constant 0 : i32
    %scan3A_58 = arith.constant 50 : i32
    %scan3A_59 = arith.addi %scan3A_57, %scan3A_58 : i32
    %scan3A_60 = arith.constant 1 : i32
    scf.for %scan3A_126 = %scan3A_57 to %scan3A_59 step %scan3A_60  : i32 {
      %jit3A = arith.constant 2 : i32
      %eq3A = arith.constant 0 : i32
      %eq3A_127 = arith.cmpi eq, %jit3A, %eq3A : i32
      %jit3A_128 = arith.constant 1 : i32
      %select_n3A = arith.select %eq3A_127, %jit3A_128, %jit3A : i32
      %rem3A = arith.remsi %scan3A_126, %select_n3A : i32
      %ne3A = arith.constant 0 : i32
      %ne3A_129 = arith.cmpi ne, %rem3A, %ne3A : i32
      %lt3A = arith.constant 0 : i32
      %lt3A_130 = arith.cmpi slt, %rem3A, %lt3A : i32
      %lt3A_131 = arith.constant 0 : i32
      %lt3A_132 = arith.cmpi slt, %select_n3A, %lt3A_131 : i32
      %ne3A_133 = arith.xori %lt3A_130, %lt3A_132 : i1
      %and3A = arith.andi %ne3A_133, %ne3A_129 : i1
      %add3A = arith.addi %rem3A, %select_n3A : i32
      %select_n3A_134 = arith.select %and3A, %add3A, %rem3A : i32
      %add3A_135 = arith.constant 1 : i32
      %add3A_136 = arith.addi %scan3A_126, %add3A_135 : i32
      %lt3A_137 = arith.constant 50 : i32
      %lt3A_138 = arith.cmpi slt, %add3A_136, %lt3A_137 : i32
      %convert_element_type3A = arith.extui %lt3A_138 : i1 to i32
      %cond3A = arith.constant 0 : i32
      %cond3A_139 = arith.cmpi ne, %convert_element_type3A, %cond3A : i32
      scf.if %cond3A_139 {
        %ge3A = arith.constant 1 : i32
        %ge3A_210 = arith.cmpi sge, %scan3A_126, %ge3A : i32
        %convert_element_type3A_211 = arith.extui %ge3A_210 : i1 to i32
        %cond3A_212 = arith.constant 0 : i32
        %cond3A_213 = arith.cmpi ne, %convert_element_type3A_211, %cond3A_212 : i32
        scf.if %cond3A_213 {
          %sub3A_263 = arith.constant 1 : i32
          %sub3A_264 = arith.subi %sub3A_263, %select_n3A_134 : i32
          %dma_wait3A_265 = arith.constant 0 : i32
          %dma_wait3A_266 = arith.constant 0 : i32
          %dma_wait3A_267 = tpu.memref_slice %arg9[%sub3A_264, %dma_wait3A_265, %dma_wait3A_266] : memref<2x80x128xf32, #tpu.memory_space<vmem>> -> memref<1x80x128xf32, #tpu.memory_space<vmem>>
          %dma_wait3A_268 = tpu.memref_squeeze %dma_wait3A_267 : memref<1x80x128xf32, #tpu.memory_space<vmem>> -> memref<80x128xf32, #tpu.memory_space<vmem>>
          %dma_wait3A_269 = arith.constant 0 : i32
          %dma_wait3A_270 = tpu.memref_slice %arg7[%sub3A_264, %dma_wait3A_269] : memref<2x80xi32, #tpu.memory_space<vmem>> -> memref<1x80xi32, #tpu.memory_space<vmem>>
          %dma_wait3A_271 = tpu.memref_squeeze %dma_wait3A_270 : memref<1x80xi32, #tpu.memory_space<vmem>> -> memref<80xi32, #tpu.memory_space<vmem>>
          %dma_wait3A_272 = arith.constant 0 : i32
          %dma_wait3A_273 = arith.constant 0 : i32
          %dma_wait3A_274 = tpu.memref_slice %arg10[%dma_wait3A_272, %dma_wait3A_273] : memref<10240x128xf32, #tpu.memory_space<vmem_shared>> -> memref<10240x128xf32, #tpu.memory_space<vmem_shared>>
          %dma_wait3A_275 = tpu.memref_slice %arg14[%sub3A_264] : memref<2x!tpu.dma_semaphore, #tpu.memory_space<semaphore_mem>> -> memref<1x!tpu.dma_semaphore, #tpu.memory_space<semaphore_mem>>
          %dma_wait3A_276 = tpu.memref_squeeze %dma_wait3A_275 : memref<1x!tpu.dma_semaphore, #tpu.memory_space<semaphore_mem>> -> memref<!tpu.dma_semaphore, #tpu.memory_space<semaphore_mem>>
          tpu.wait_indirect_dma semaphore(%dma_wait3A_276 : memref<!tpu.dma_semaphore, #tpu.memory_space<semaphore_mem>>) src(%dma_wait3A_268 : memref<80x128xf32, #tpu.memory_space<vmem>>) dst(%dma_wait3A_274 : memref<10240x128xf32, #tpu.memory_space<vmem_shared>>)
          %dma_wait3A_277 = arith.constant 0 : i32
          %dma_wait3A_278 = arith.constant 0 : i32
          %dma_wait3A_279 = tpu.memref_slice %arg9[%sub3A_264, %dma_wait3A_277, %dma_wait3A_278] : memref<2x80x128xf32, #tpu.memory_space<vmem>> -> memref<1x80x128xf32, #tpu.memory_space<vmem>>
          %dma_wait3A_280 = tpu.memref_squeeze %dma_wait3A_279 : memref<1x80x128xf32, #tpu.memory_space<vmem>> -> memref<80x128xf32, #tpu.memory_space<vmem>>
          %dma_wait3A_281 = arith.constant 0 : i32
          %dma_wait3A_282 = tpu.memref_slice %arg8[%sub3A_264, %dma_wait3A_281] : memref<2x80xi32, #tpu.memory_space<vmem>> -> memref<1x80xi32, #tpu.memory_space<vmem>>
          %dma_wait3A_283 = tpu.memref_squeeze %dma_wait3A_282 : memref<1x80xi32, #tpu.memory_space<vmem>> -> memref<80xi32, #tpu.memory_space<vmem>>
          %dma_wait3A_284 = arith.constant 0 : i32
          %dma_wait3A_285 = arith.constant 0 : i32
          %dma_wait3A_286 = tpu.memref_slice %arg10[%dma_wait3A_284, %dma_wait3A_285] : memref<10240x128xf32, #tpu.memory_space<vmem_shared>> -> memref<10240x128xf32, #tpu.memory_space<vmem_shared>>
          %dma_wait3A_287 = tpu.memref_slice %arg15[%sub3A_264] : memref<2x!tpu.dma_semaphore, #tpu.memory_space<semaphore_mem>> -> memref<1x!tpu.dma_semaphore, #tpu.memory_space<semaphore_mem>>
          %dma_wait3A_288 = tpu.memref_squeeze %dma_wait3A_287 : memref<1x!tpu.dma_semaphore, #tpu.memory_space<semaphore_mem>> -> memref<!tpu.dma_semaphore, #tpu.memory_space<semaphore_mem>>
          tpu.wait_indirect_dma semaphore(%dma_wait3A_288 : memref<!tpu.dma_semaphore, #tpu.memory_space<semaphore_mem>>) src(%dma_wait3A_280 : memref<80x128xf32, #tpu.memory_space<vmem>>) dst(%dma_wait3A_286 : memref<10240x128xf32, #tpu.memory_space<vmem_shared>>)
        } else {
        }
        %add3A_214 = arith.constant 1 : i32
        %add3A_215 = arith.addi %scan3A_126, %add3A_214 : i32
        %sub3A = arith.constant 1 : i32
        %sub3A_216 = arith.subi %sub3A, %select_n3A_134 : i32
        %dma_start3A_217 = arith.constant 0 : i32
        %dma_start3A_218 = tpu.memref_slice %arg7[%sub3A_216, %dma_start3A_217] : memref<2x80xi32, #tpu.memory_space<vmem>> -> memref<1x80xi32, #tpu.memory_space<vmem>>
        %dma_start3A_219 = tpu.memref_squeeze %dma_start3A_218 : memref<1x80xi32, #tpu.memory_space<vmem>> -> memref<80xi32, #tpu.memory_space<vmem>>
        %dma_start3A_220 = arith.constant 0 : i32
        %dma_start3A_221 = tpu.memref_slice %arg3[%arg0, %arg1, %add3A_215, %dma_start3A_220] : memref<2x16x50x80xi32, #tpu.memory_space<hbm>> -> memref<1x1x1x80xi32, #tpu.memory_space<hbm>>
        %dma_start3A_222 = tpu.memref_squeeze %dma_start3A_221 : memref<1x1x1x80xi32, #tpu.memory_space<hbm>> -> memref<80xi32, #tpu.memory_space<hbm>>
        %dma_start3A_223 = tpu.memref_slice %arg12[%sub3A_216] : memref<2x!tpu.dma_semaphore, #tpu.memory_space<semaphore_mem>> -> memref<1x!tpu.dma_semaphore, #tpu.memory_space<semaphore_mem>>
        %dma_start3A_224 = tpu.memref_squeeze %dma_start3A_223 : memref<1x!tpu.dma_semaphore, #tpu.memory_space<semaphore_mem>> -> memref<!tpu.dma_semaphore, #tpu.memory_space<semaphore_mem>>
        %dma_start3A_225 = arith.constant 0 : i32
        %dma_start3A_226 = tpu.memref_slice %arg7[%sub3A_216, %dma_start3A_225] : memref<2x80xi32, #tpu.memory_space<vmem>> -> memref<1x80xi32, #tpu.memory_space<vmem>>
        %dma_start3A_227 = tpu.memref_squeeze %dma_start3A_226 : memref<1x80xi32, #tpu.memory_space<vmem>> -> memref<80xi32, #tpu.memory_space<vmem>>
        %dma_start3A_228 = arith.constant 0 : i32
        %dma_start3A_229 = tpu.memref_slice %arg3[%arg0, %arg1, %add3A_215, %dma_start3A_228] : memref<2x16x50x80xi32, #tpu.memory_space<hbm>> -> memref<1x1x1x80xi32, #tpu.memory_space<hbm>>
        %dma_start3A_230 = tpu.memref_squeeze %dma_start3A_229 : memref<1x1x1x80xi32, #tpu.memory_space<hbm>> -> memref<80xi32, #tpu.memory_space<hbm>>
        tpu.enqueue_dma source(%dma_start3A_230 : memref<80xi32, #tpu.memory_space<hbm>>) target(%dma_start3A_227 : memref<80xi32, #tpu.memory_space<vmem>>) target_semaphore(%dma_start3A_224 : memref<!tpu.dma_semaphore, #tpu.memory_space<semaphore_mem>>)
        %dma_start3A_231 = arith.constant 0 : i32
        %dma_start3A_232 = tpu.memref_slice %arg8[%sub3A_216, %dma_start3A_231] : memref<2x80xi32, #tpu.memory_space<vmem>> -> memref<1x80xi32, #tpu.memory_space<vmem>>
        %dma_start3A_233 = tpu.memref_squeeze %dma_start3A_232 : memref<1x80xi32, #tpu.memory_space<vmem>> -> memref<80xi32, #tpu.memory_space<vmem>>
        %dma_start3A_234 = arith.constant 0 : i32
        %dma_start3A_235 = tpu.memref_slice %arg4[%arg0, %arg1, %add3A_215, %dma_start3A_234] : memref<2x16x50x80xi32, #tpu.memory_space<hbm>> -> memref<1x1x1x80xi32, #tpu.memory_space<hbm>>
        %dma_start3A_236 = tpu.memref_squeeze %dma_start3A_235 : memref<1x1x1x80xi32, #tpu.memory_space<hbm>> -> memref<80xi32, #tpu.memory_space<hbm>>
        %dma_start3A_237 = tpu.memref_slice %arg13[%sub3A_216] : memref<2x!tpu.dma_semaphore, #tpu.memory_space<semaphore_mem>> -> memref<1x!tpu.dma_semaphore, #tpu.memory_space<semaphore_mem>>
        %dma_start3A_238 = tpu.memref_squeeze %dma_start3A_237 : memref<1x!tpu.dma_semaphore, #tpu.memory_space<semaphore_mem>> -> memref<!tpu.dma_semaphore, #tpu.memory_space<semaphore_mem>>
        %dma_start3A_239 = arith.constant 0 : i32
        %dma_start3A_240 = tpu.memref_slice %arg8[%sub3A_216, %dma_start3A_239] : memref<2x80xi32, #tpu.memory_space<vmem>> -> memref<1x80xi32, #tpu.memory_space<vmem>>
        %dma_start3A_241 = tpu.memref_squeeze %dma_start3A_240 : memref<1x80xi32, #tpu.memory_space<vmem>> -> memref<80xi32, #tpu.memory_space<vmem>>
        %dma_start3A_242 = arith.constant 0 : i32
        %dma_start3A_243 = tpu.memref_slice %arg4[%arg0, %arg1, %add3A_215, %dma_start3A_242] : memref<2x16x50x80xi32, #tpu.memory_space<hbm>> -> memref<1x1x1x80xi32, #tpu.memory_space<hbm>>
        %dma_start3A_244 = tpu.memref_squeeze %dma_start3A_243 : memref<1x1x1x80xi32, #tpu.memory_space<hbm>> -> memref<80xi32, #tpu.memory_space<hbm>>
        tpu.enqueue_dma source(%dma_start3A_244 : memref<80xi32, #tpu.memory_space<hbm>>) target(%dma_start3A_241 : memref<80xi32, #tpu.memory_space<vmem>>) target_semaphore(%dma_start3A_238 : memref<!tpu.dma_semaphore, #tpu.memory_space<semaphore_mem>>)
        %dma_start3A_245 = arith.constant 0 : i32
        %dma_start3A_246 = arith.constant 0 : i32
        %dma_start3A_247 = tpu.memref_slice %arg9[%sub3A_216, %dma_start3A_245, %dma_start3A_246] : memref<2x80x128xf32, #tpu.memory_space<vmem>> -> memref<1x80x128xf32, #tpu.memory_space<vmem>>
        %dma_start3A_248 = tpu.memref_squeeze %dma_start3A_247 : memref<1x80x128xf32, #tpu.memory_space<vmem>> -> memref<80x128xf32, #tpu.memory_space<vmem>>
        %dma_start3A_249 = arith.constant 0 : i32
        %dma_start3A_250 = arith.constant 0 : i32
        %dma_start3A_251 = tpu.memref_slice %arg2[%arg0, %arg1, %add3A_215, %dma_start3A_249, %dma_start3A_250] : memref<2x16x50x80x128xf32, #tpu.memory_space<hbm>> -> memref<1x1x1x80x128xf32, #tpu.memory_space<hbm>>
        %dma_start3A_252 = tpu.memref_squeeze %dma_start3A_251 : memref<1x1x1x80x128xf32, #tpu.memory_space<hbm>> -> memref<80x128xf32, #tpu.memory_space<hbm>>
        %dma_start3A_253 = tpu.memref_slice %arg11[%sub3A_216] : memref<2x!tpu.dma_semaphore, #tpu.memory_space<semaphore_mem>> -> memref<1x!tpu.dma_semaphore, #tpu.memory_space<semaphore_mem>>
        %dma_start3A_254 = tpu.memref_squeeze %dma_start3A_253 : memref<1x!tpu.dma_semaphore, #tpu.memory_space<semaphore_mem>> -> memref<!tpu.dma_semaphore, #tpu.memory_space<semaphore_mem>>
        %dma_start3A_255 = arith.constant 0 : i32
        %dma_start3A_256 = arith.constant 0 : i32
        %dma_start3A_257 = tpu.memref_slice %arg9[%sub3A_216, %dma_start3A_255, %dma_start3A_256] : memref<2x80x128xf32, #tpu.memory_space<vmem>> -> memref<1x80x128xf32, #tpu.memory_space<vmem>>
        %dma_start3A_258 = tpu.memref_squeeze %dma_start3A_257 : memref<1x80x128xf32, #tpu.memory_space<vmem>> -> memref<80x128xf32, #tpu.memory_space<vmem>>
        %dma_start3A_259 = arith.constant 0 : i32
        %dma_start3A_260 = arith.constant 0 : i32
        %dma_start3A_261 = tpu.memref_slice %arg2[%arg0, %arg1, %add3A_215, %dma_start3A_259, %dma_start3A_260] : memref<2x16x50x80x128xf32, #tpu.memory_space<hbm>> -> memref<1x1x1x80x128xf32, #tpu.memory_space<hbm>>
        %dma_start3A_262 = tpu.memref_squeeze %dma_start3A_261 : memref<1x1x1x80x128xf32, #tpu.memory_space<hbm>> -> memref<80x128xf32, #tpu.memory_space<hbm>>
        tpu.enqueue_dma source(%dma_start3A_262 : memref<80x128xf32, #tpu.memory_space<hbm>>) target(%dma_start3A_258 : memref<80x128xf32, #tpu.memory_space<vmem>>) target_semaphore(%dma_start3A_254 : memref<!tpu.dma_semaphore, #tpu.memory_space<semaphore_mem>>)
      } else {
      }
      %dma_wait3A_140 = arith.constant 0 : i32
      %dma_wait3A_141 = tpu.memref_slice %arg7[%select_n3A_134, %dma_wait3A_140] : memref<2x80xi32, #tpu.memory_space<vmem>> -> memref<1x80xi32, #tpu.memory_space<vmem>>
      %dma_wait3A_142 = tpu.memref_squeeze %dma_wait3A_141 : memref<1x80xi32, #tpu.memory_space<vmem>> -> memref<80xi32, #tpu.memory_space<vmem>>
      %dma_wait3A_143 = arith.constant 0 : i32
      %dma_wait3A_144 = tpu.memref_slice %arg3[%arg0, %arg1, %scan3A_126, %dma_wait3A_143] : memref<2x16x50x80xi32, #tpu.memory_space<hbm>> -> memref<1x1x1x80xi32, #tpu.memory_space<hbm>>
      %dma_wait3A_145 = tpu.memref_squeeze %dma_wait3A_144 : memref<1x1x1x80xi32, #tpu.memory_space<hbm>> -> memref<80xi32, #tpu.memory_space<hbm>>
      %dma_wait3A_146 = tpu.memref_slice %arg12[%select_n3A_134] : memref<2x!tpu.dma_semaphore, #tpu.memory_space<semaphore_mem>> -> memref<1x!tpu.dma_semaphore, #tpu.memory_space<semaphore_mem>>
      %dma_wait3A_147 = tpu.memref_squeeze %dma_wait3A_146 : memref<1x!tpu.dma_semaphore, #tpu.memory_space<semaphore_mem>> -> memref<!tpu.dma_semaphore, #tpu.memory_space<semaphore_mem>>
      %dma_wait3A_148 = arith.constant 0 : i32
      %dma_wait3A_149 = tpu.memref_slice %arg7[%select_n3A_134, %dma_wait3A_148] : memref<2x80xi32, #tpu.memory_space<vmem>> -> memref<1x80xi32, #tpu.memory_space<vmem>>
      %dma_wait3A_150 = tpu.memref_squeeze %dma_wait3A_149 : memref<1x80xi32, #tpu.memory_space<vmem>> -> memref<80xi32, #tpu.memory_space<vmem>>
      %dma_wait3A_151 = arith.constant 0 : i32
      %dma_wait3A_152 = tpu.memref_slice %arg3[%arg0, %arg1, %scan3A_126, %dma_wait3A_151] : memref<2x16x50x80xi32, #tpu.memory_space<hbm>> -> memref<1x1x1x80xi32, #tpu.memory_space<hbm>>
      %dma_wait3A_153 = tpu.memref_squeeze %dma_wait3A_152 : memref<1x1x1x80xi32, #tpu.memory_space<hbm>> -> memref<80xi32, #tpu.memory_space<hbm>>
      tpu.wait_dma2 semaphore(%dma_wait3A_147 : memref<!tpu.dma_semaphore, #tpu.memory_space<semaphore_mem>>) src(%dma_wait3A_153 : memref<80xi32, #tpu.memory_space<hbm>>) dst(%dma_wait3A_150 : memref<80xi32, #tpu.memory_space<vmem>>)
      %dma_wait3A_154 = arith.constant 0 : i32
      %dma_wait3A_155 = tpu.memref_slice %arg8[%select_n3A_134, %dma_wait3A_154] : memref<2x80xi32, #tpu.memory_space<vmem>> -> memref<1x80xi32, #tpu.memory_space<vmem>>
      %dma_wait3A_156 = tpu.memref_squeeze %dma_wait3A_155 : memref<1x80xi32, #tpu.memory_space<vmem>> -> memref<80xi32, #tpu.memory_space<vmem>>
      %dma_wait3A_157 = arith.constant 0 : i32
      %dma_wait3A_158 = tpu.memref_slice %arg4[%arg0, %arg1, %scan3A_126, %dma_wait3A_157] : memref<2x16x50x80xi32, #tpu.memory_space<hbm>> -> memref<1x1x1x80xi32, #tpu.memory_space<hbm>>
      %dma_wait3A_159 = tpu.memref_squeeze %dma_wait3A_158 : memref<1x1x1x80xi32, #tpu.memory_space<hbm>> -> memref<80xi32, #tpu.memory_space<hbm>>
      %dma_wait3A_160 = tpu.memref_slice %arg13[%select_n3A_134] : memref<2x!tpu.dma_semaphore, #tpu.memory_space<semaphore_mem>> -> memref<1x!tpu.dma_semaphore, #tpu.memory_space<semaphore_mem>>
      %dma_wait3A_161 = tpu.memref_squeeze %dma_wait3A_160 : memref<1x!tpu.dma_semaphore, #tpu.memory_space<semaphore_mem>> -> memref<!tpu.dma_semaphore, #tpu.memory_space<semaphore_mem>>
      %dma_wait3A_162 = arith.constant 0 : i32
      %dma_wait3A_163 = tpu.memref_slice %arg8[%select_n3A_134, %dma_wait3A_162] : memref<2x80xi32, #tpu.memory_space<vmem>> -> memref<1x80xi32, #tpu.memory_space<vmem>>
      %dma_wait3A_164 = tpu.memref_squeeze %dma_wait3A_163 : memref<1x80xi32, #tpu.memory_space<vmem>> -> memref<80xi32, #tpu.memory_space<vmem>>
      %dma_wait3A_165 = arith.constant 0 : i32
      %dma_wait3A_166 = tpu.memref_slice %arg4[%arg0, %arg1, %scan3A_126, %dma_wait3A_165] : memref<2x16x50x80xi32, #tpu.memory_space<hbm>> -> memref<1x1x1x80xi32, #tpu.memory_space<hbm>>
      %dma_wait3A_167 = tpu.memref_squeeze %dma_wait3A_166 : memref<1x1x1x80xi32, #tpu.memory_space<hbm>> -> memref<80xi32, #tpu.memory_space<hbm>>
      tpu.wait_dma2 semaphore(%dma_wait3A_161 : memref<!tpu.dma_semaphore, #tpu.memory_space<semaphore_mem>>) src(%dma_wait3A_167 : memref<80xi32, #tpu.memory_space<hbm>>) dst(%dma_wait3A_164 : memref<80xi32, #tpu.memory_space<vmem>>)
      %dma_wait3A_168 = arith.constant 0 : i32
      %dma_wait3A_169 = arith.constant 0 : i32
      %dma_wait3A_170 = tpu.memref_slice %arg9[%select_n3A_134, %dma_wait3A_168, %dma_wait3A_169] : memref<2x80x128xf32, #tpu.memory_space<vmem>> -> memref<1x80x128xf32, #tpu.memory_space<vmem>>
      %dma_wait3A_171 = tpu.memref_squeeze %dma_wait3A_170 : memref<1x80x128xf32, #tpu.memory_space<vmem>> -> memref<80x128xf32, #tpu.memory_space<vmem>>
      %dma_wait3A_172 = arith.constant 0 : i32
      %dma_wait3A_173 = arith.constant 0 : i32
      %dma_wait3A_174 = tpu.memref_slice %arg2[%arg0, %arg1, %scan3A_126, %dma_wait3A_172, %dma_wait3A_173] : memref<2x16x50x80x128xf32, #tpu.memory_space<hbm>> -> memref<1x1x1x80x128xf32, #tpu.memory_space<hbm>>
      %dma_wait3A_175 = tpu.memref_squeeze %dma_wait3A_174 : memref<1x1x1x80x128xf32, #tpu.memory_space<hbm>> -> memref<80x128xf32, #tpu.memory_space<hbm>>
      %dma_wait3A_176 = tpu.memref_slice %arg11[%select_n3A_134] : memref<2x!tpu.dma_semaphore, #tpu.memory_space<semaphore_mem>> -> memref<1x!tpu.dma_semaphore, #tpu.memory_space<semaphore_mem>>
      %dma_wait3A_177 = tpu.memref_squeeze %dma_wait3A_176 : memref<1x!tpu.dma_semaphore, #tpu.memory_space<semaphore_mem>> -> memref<!tpu.dma_semaphore, #tpu.memory_space<semaphore_mem>>
      %dma_wait3A_178 = arith.constant 0 : i32
      %dma_wait3A_179 = arith.constant 0 : i32
      %dma_wait3A_180 = tpu.memref_slice %arg9[%select_n3A_134, %dma_wait3A_178, %dma_wait3A_179] : memref<2x80x128xf32, #tpu.memory_space<vmem>> -> memref<1x80x128xf32, #tpu.memory_space<vmem>>
      %dma_wait3A_181 = tpu.memref_squeeze %dma_wait3A_180 : memref<1x80x128xf32, #tpu.memory_space<vmem>> -> memref<80x128xf32, #tpu.memory_space<vmem>>
      %dma_wait3A_182 = arith.constant 0 : i32
      %dma_wait3A_183 = arith.constant 0 : i32
      %dma_wait3A_184 = tpu.memref_slice %arg2[%arg0, %arg1, %scan3A_126, %dma_wait3A_182, %dma_wait3A_183] : memref<2x16x50x80x128xf32, #tpu.memory_space<hbm>> -> memref<1x1x1x80x128xf32, #tpu.memory_space<hbm>>
      %dma_wait3A_185 = tpu.memref_squeeze %dma_wait3A_184 : memref<1x1x1x80x128xf32, #tpu.memory_space<hbm>> -> memref<80x128xf32, #tpu.memory_space<hbm>>
      tpu.wait_dma2 semaphore(%dma_wait3A_177 : memref<!tpu.dma_semaphore, #tpu.memory_space<semaphore_mem>>) src(%dma_wait3A_185 : memref<80x128xf32, #tpu.memory_space<hbm>>) dst(%dma_wait3A_181 : memref<80x128xf32, #tpu.memory_space<vmem>>)
      %dma_start3A_186 = arith.constant 0 : i32
      %dma_start3A_187 = arith.constant 0 : i32
      %dma_start3A_188 = tpu.memref_slice %arg9[%select_n3A_134, %dma_start3A_186, %dma_start3A_187] : memref<2x80x128xf32, #tpu.memory_space<vmem>> -> memref<1x80x128xf32, #tpu.memory_space<vmem>>
      %dma_start3A_189 = tpu.memref_squeeze %dma_start3A_188 : memref<1x80x128xf32, #tpu.memory_space<vmem>> -> memref<80x128xf32, #tpu.memory_space<vmem>>
      %dma_start3A_190 = arith.constant 0 : i32
      %dma_start3A_191 = tpu.memref_slice %arg7[%select_n3A_134, %dma_start3A_190] : memref<2x80xi32, #tpu.memory_space<vmem>> -> memref<1x80xi32, #tpu.memory_space<vmem>>
      %dma_start3A_192 = tpu.memref_squeeze %dma_start3A_191 : memref<1x80xi32, #tpu.memory_space<vmem>> -> memref<80xi32, #tpu.memory_space<vmem>>
      %dma_start3A_193 = arith.constant 0 : i32
      %dma_start3A_194 = arith.constant 0 : i32
      %dma_start3A_195 = tpu.memref_slice %arg10[%dma_start3A_193, %dma_start3A_194] : memref<10240x128xf32, #tpu.memory_space<vmem_shared>> -> memref<10240x128xf32, #tpu.memory_space<vmem_shared>>
      %dma_start3A_196 = tpu.memref_slice %arg14[%select_n3A_134] : memref<2x!tpu.dma_semaphore, #tpu.memory_space<semaphore_mem>> -> memref<1x!tpu.dma_semaphore, #tpu.memory_space<semaphore_mem>>
      %dma_start3A_197 = tpu.memref_squeeze %dma_start3A_196 : memref<1x!tpu.dma_semaphore, #tpu.memory_space<semaphore_mem>> -> memref<!tpu.dma_semaphore, #tpu.memory_space<semaphore_mem>>
      tpu.enqueue_indirect_dma source(%dma_start3A_189 : memref<80x128xf32, #tpu.memory_space<vmem>>) target(%dma_start3A_195 : memref<10240x128xf32, #tpu.memory_space<vmem_shared>>) offsets(%dma_start3A_192 : memref<80xi32, #tpu.memory_space<vmem>>) semaphore(%dma_start3A_197 : memref<!tpu.dma_semaphore, #tpu.memory_space<semaphore_mem>>) {add = true}
      %dma_start3A_198 = arith.constant 0 : i32
      %dma_start3A_199 = arith.constant 0 : i32
      %dma_start3A_200 = tpu.memref_slice %arg9[%select_n3A_134, %dma_start3A_198, %dma_start3A_199] : memref<2x80x128xf32, #tpu.memory_space<vmem>> -> memref<1x80x128xf32, #tpu.memory_space<vmem>>
      %dma_start3A_201 = tpu.memref_squeeze %dma_start3A_200 : memref<1x80x128xf32, #tpu.memory_space<vmem>> -> memref<80x128xf32, #tpu.memory_space<vmem>>
      %dma_start3A_202 = arith.constant 0 : i32
      %dma_start3A_203 = tpu.memref_slice %arg8[%select_n3A_134, %dma_start3A_202] : memref<2x80xi32, #tpu.memory_space<vmem>> -> memref<1x80xi32, #tpu.memory_space<vmem>>
      %dma_start3A_204 = tpu.memref_squeeze %dma_start3A_203 : memref<1x80xi32, #tpu.memory_space<vmem>> -> memref<80xi32, #tpu.memory_space<vmem>>
      %dma_start3A_205 = arith.constant 0 : i32
      %dma_start3A_206 = arith.constant 0 : i32
      %dma_start3A_207 = tpu.memref_slice %arg10[%dma_start3A_205, %dma_start3A_206] : memref<10240x128xf32, #tpu.memory_space<vmem_shared>> -> memref<10240x128xf32, #tpu.memory_space<vmem_shared>>
      %dma_start3A_208 = tpu.memref_slice %arg15[%select_n3A_134] : memref<2x!tpu.dma_semaphore, #tpu.memory_space<semaphore_mem>> -> memref<1x!tpu.dma_semaphore, #tpu.memory_space<semaphore_mem>>
      %dma_start3A_209 = tpu.memref_squeeze %dma_start3A_208 : memref<1x!tpu.dma_semaphore, #tpu.memory_space<semaphore_mem>> -> memref<!tpu.dma_semaphore, #tpu.memory_space<semaphore_mem>>
      tpu.enqueue_indirect_dma source(%dma_start3A_201 : memref<80x128xf32, #tpu.memory_space<vmem>>) target(%dma_start3A_207 : memref<10240x128xf32, #tpu.memory_space<vmem_shared>>) offsets(%dma_start3A_204 : memref<80xi32, #tpu.memory_space<vmem>>) semaphore(%dma_start3A_209 : memref<!tpu.dma_semaphore, #tpu.memory_space<semaphore_mem>>) {add = true}
    }
    %scan3A_61 = arith.constant 50 : i32
    %dma_wait3A = arith.constant 0 : i32
    %dma_wait3A_62 = arith.constant 0 : i32
    %dma_wait3A_63 = arith.constant 0 : i32
    %dma_wait3A_64 = arith.constant 0 : i32
    %dma_wait3A_65 = arith.constant 0 : i32
    %dma_wait3A_66 = tpu.memref_slice %arg9[%dma_wait3A, %dma_wait3A_64, %dma_wait3A_65] : memref<2x80x128xf32, #tpu.memory_space<vmem>> -> memref<1x80x128xf32, #tpu.memory_space<vmem>>
    %dma_wait3A_67 = tpu.memref_squeeze %dma_wait3A_66 : memref<1x80x128xf32, #tpu.memory_space<vmem>> -> memref<80x128xf32, #tpu.memory_space<vmem>>
    %dma_wait3A_68 = arith.constant 0 : i32
    %dma_wait3A_69 = tpu.memref_slice %arg7[%dma_wait3A_62, %dma_wait3A_68] : memref<2x80xi32, #tpu.memory_space<vmem>> -> memref<1x80xi32, #tpu.memory_space<vmem>>
    %dma_wait3A_70 = tpu.memref_squeeze %dma_wait3A_69 : memref<1x80xi32, #tpu.memory_space<vmem>> -> memref<80xi32, #tpu.memory_space<vmem>>
    %dma_wait3A_71 = arith.constant 0 : i32
    %dma_wait3A_72 = arith.constant 0 : i32
    %dma_wait3A_73 = tpu.memref_slice %arg10[%dma_wait3A_71, %dma_wait3A_72] : memref<10240x128xf32, #tpu.memory_space<vmem_shared>> -> memref<10240x128xf32, #tpu.memory_space<vmem_shared>>
    %dma_wait3A_74 = tpu.memref_slice %arg14[%dma_wait3A_63] : memref<2x!tpu.dma_semaphore, #tpu.memory_space<semaphore_mem>> -> memref<1x!tpu.dma_semaphore, #tpu.memory_space<semaphore_mem>>
    %dma_wait3A_75 = tpu.memref_squeeze %dma_wait3A_74 : memref<1x!tpu.dma_semaphore, #tpu.memory_space<semaphore_mem>> -> memref<!tpu.dma_semaphore, #tpu.memory_space<semaphore_mem>>
    tpu.wait_indirect_dma semaphore(%dma_wait3A_75 : memref<!tpu.dma_semaphore, #tpu.memory_space<semaphore_mem>>) src(%dma_wait3A_67 : memref<80x128xf32, #tpu.memory_space<vmem>>) dst(%dma_wait3A_73 : memref<10240x128xf32, #tpu.memory_space<vmem_shared>>)
    %dma_wait3A_76 = arith.constant 0 : i32
    %dma_wait3A_77 = arith.constant 0 : i32
    %dma_wait3A_78 = arith.constant 0 : i32
    %dma_wait3A_79 = arith.constant 0 : i32
    %dma_wait3A_80 = arith.constant 0 : i32
    %dma_wait3A_81 = tpu.memref_slice %arg9[%dma_wait3A_76, %dma_wait3A_79, %dma_wait3A_80] : memref<2x80x128xf32, #tpu.memory_space<vmem>> -> memref<1x80x128xf32, #tpu.memory_space<vmem>>
    %dma_wait3A_82 = tpu.memref_squeeze %dma_wait3A_81 : memref<1x80x128xf32, #tpu.memory_space<vmem>> -> memref<80x128xf32, #tpu.memory_space<vmem>>
    %dma_wait3A_83 = arith.constant 0 : i32
    %dma_wait3A_84 = tpu.memref_slice %arg8[%dma_wait3A_77, %dma_wait3A_83] : memref<2x80xi32, #tpu.memory_space<vmem>> -> memref<1x80xi32, #tpu.memory_space<vmem>>
    %dma_wait3A_85 = tpu.memref_squeeze %dma_wait3A_84 : memref<1x80xi32, #tpu.memory_space<vmem>> -> memref<80xi32, #tpu.memory_space<vmem>>
    %dma_wait3A_86 = arith.constant 0 : i32
    %dma_wait3A_87 = arith.constant 0 : i32
    %dma_wait3A_88 = tpu.memref_slice %arg10[%dma_wait3A_86, %dma_wait3A_87] : memref<10240x128xf32, #tpu.memory_space<vmem_shared>> -> memref<10240x128xf32, #tpu.memory_space<vmem_shared>>
    %dma_wait3A_89 = tpu.memref_slice %arg15[%dma_wait3A_78] : memref<2x!tpu.dma_semaphore, #tpu.memory_space<semaphore_mem>> -> memref<1x!tpu.dma_semaphore, #tpu.memory_space<semaphore_mem>>
    %dma_wait3A_90 = tpu.memref_squeeze %dma_wait3A_89 : memref<1x!tpu.dma_semaphore, #tpu.memory_space<semaphore_mem>> -> memref<!tpu.dma_semaphore, #tpu.memory_space<semaphore_mem>>
    tpu.wait_indirect_dma semaphore(%dma_wait3A_90 : memref<!tpu.dma_semaphore, #tpu.memory_space<semaphore_mem>>) src(%dma_wait3A_82 : memref<80x128xf32, #tpu.memory_space<vmem>>) dst(%dma_wait3A_88 : memref<10240x128xf32, #tpu.memory_space<vmem_shared>>)
    %dma_wait3A_91 = arith.constant 1 : i32
    %dma_wait3A_92 = arith.constant 1 : i32
    %dma_wait3A_93 = arith.constant 1 : i32
    %dma_wait3A_94 = arith.constant 0 : i32
    %dma_wait3A_95 = arith.constant 0 : i32
    %dma_wait3A_96 = tpu.memref_slice %arg9[%dma_wait3A_91, %dma_wait3A_94, %dma_wait3A_95] : memref<2x80x128xf32, #tpu.memory_space<vmem>> -> memref<1x80x128xf32, #tpu.memory_space<vmem>>
    %dma_wait3A_97 = tpu.memref_squeeze %dma_wait3A_96 : memref<1x80x128xf32, #tpu.memory_space<vmem>> -> memref<80x128xf32, #tpu.memory_space<vmem>>
    %dma_wait3A_98 = arith.constant 0 : i32
    %dma_wait3A_99 = tpu.memref_slice %arg7[%dma_wait3A_92, %dma_wait3A_98] : memref<2x80xi32, #tpu.memory_space<vmem>> -> memref<1x80xi32, #tpu.memory_space<vmem>>
    %dma_wait3A_100 = tpu.memref_squeeze %dma_wait3A_99 : memref<1x80xi32, #tpu.memory_space<vmem>> -> memref<80xi32, #tpu.memory_space<vmem>>
    %dma_wait3A_101 = arith.constant 0 : i32
    %dma_wait3A_102 = arith.constant 0 : i32
    %dma_wait3A_103 = tpu.memref_slice %arg10[%dma_wait3A_101, %dma_wait3A_102] : memref<10240x128xf32, #tpu.memory_space<vmem_shared>> -> memref<10240x128xf32, #tpu.memory_space<vmem_shared>>
    %dma_wait3A_104 = tpu.memref_slice %arg14[%dma_wait3A_93] : memref<2x!tpu.dma_semaphore, #tpu.memory_space<semaphore_mem>> -> memref<1x!tpu.dma_semaphore, #tpu.memory_space<semaphore_mem>>
    %dma_wait3A_105 = tpu.memref_squeeze %dma_wait3A_104 : memref<1x!tpu.dma_semaphore, #tpu.memory_space<semaphore_mem>> -> memref<!tpu.dma_semaphore, #tpu.memory_space<semaphore_mem>>
    tpu.wait_indirect_dma semaphore(%dma_wait3A_105 : memref<!tpu.dma_semaphore, #tpu.memory_space<semaphore_mem>>) src(%dma_wait3A_97 : memref<80x128xf32, #tpu.memory_space<vmem>>) dst(%dma_wait3A_103 : memref<10240x128xf32, #tpu.memory_space<vmem_shared>>)
    %dma_wait3A_106 = arith.constant 1 : i32
    %dma_wait3A_107 = arith.constant 1 : i32
    %dma_wait3A_108 = arith.constant 1 : i32
    %dma_wait3A_109 = arith.constant 0 : i32
    %dma_wait3A_110 = arith.constant 0 : i32
    %dma_wait3A_111 = tpu.memref_slice %arg9[%dma_wait3A_106, %dma_wait3A_109, %dma_wait3A_110] : memref<2x80x128xf32, #tpu.memory_space<vmem>> -> memref<1x80x128xf32, #tpu.memory_space<vmem>>
    %dma_wait3A_112 = tpu.memref_squeeze %dma_wait3A_111 : memref<1x80x128xf32, #tpu.memory_space<vmem>> -> memref<80x128xf32, #tpu.memory_space<vmem>>
    %dma_wait3A_113 = arith.constant 0 : i32
    %dma_wait3A_114 = tpu.memref_slice %arg8[%dma_wait3A_107, %dma_wait3A_113] : memref<2x80xi32, #tpu.memory_space<vmem>> -> memref<1x80xi32, #tpu.memory_space<vmem>>
    %dma_wait3A_115 = tpu.memref_squeeze %dma_wait3A_114 : memref<1x80xi32, #tpu.memory_space<vmem>> -> memref<80xi32, #tpu.memory_space<vmem>>
    %dma_wait3A_116 = arith.constant 0 : i32
    %dma_wait3A_117 = arith.constant 0 : i32
    %dma_wait3A_118 = tpu.memref_slice %arg10[%dma_wait3A_116, %dma_wait3A_117] : memref<10240x128xf32, #tpu.memory_space<vmem_shared>> -> memref<10240x128xf32, #tpu.memory_space<vmem_shared>>
    %dma_wait3A_119 = tpu.memref_slice %arg15[%dma_wait3A_108] : memref<2x!tpu.dma_semaphore, #tpu.memory_space<semaphore_mem>> -> memref<1x!tpu.dma_semaphore, #tpu.memory_space<semaphore_mem>>
    %dma_wait3A_120 = tpu.memref_squeeze %dma_wait3A_119 : memref<1x!tpu.dma_semaphore, #tpu.memory_space<semaphore_mem>> -> memref<!tpu.dma_semaphore, #tpu.memory_space<semaphore_mem>>
    tpu.wait_indirect_dma semaphore(%dma_wait3A_120 : memref<!tpu.dma_semaphore, #tpu.memory_space<semaphore_mem>>) src(%dma_wait3A_112 : memref<80x128xf32, #tpu.memory_space<vmem>>) dst(%dma_wait3A_118 : memref<10240x128xf32, #tpu.memory_space<vmem_shared>>)
    %barrier3A_121 = arith.constant 0 : index
    tpu.barrier barrier_id(%barrier3A_121)
    %mul3A_122 = arith.constant 640 : i32
    %mul3A_123 = arith.muli %arg1, %mul3A_122 : i32
    %mul3A_124 = arith.constant 640 : i32
    %mul3A_125 = arith.muli %arg1, %mul3A_124 : i32
    "tpu.region"() ({
      %run_scoped3A = tpu.sem_alloc : memref<!tpu.dma_semaphore, #tpu.memory_space<semaphore_mem>>
      %dma_start3A_126 = arith.constant 0 : i32
      %dma_start3A_127 = arith.constant 0 : i32
      %dma_start3A_128 = tpu.memref_slice %arg6[%arg0, %dma_start3A_126, %dma_start3A_127] : memref<2x10240x128xf32, #tpu.memory_space<hbm>> -> memref<1x10240x128xf32, #tpu.memory_space<hbm>>
      %dma_start3A_129 = tpu.memref_squeeze %dma_start3A_128 : memref<1x10240x128xf32, #tpu.memory_space<hbm>> -> memref<10240x128xf32, #tpu.memory_space<hbm>>
      %dma_start3A_130 = arith.constant 0 : i32
      %dma_start3A_131 = tpu.memref_slice %dma_start3A_129[%mul3A_125, %dma_start3A_130] : memref<10240x128xf32, #tpu.memory_space<hbm>> -> memref<640x128xf32, #tpu.memory_space<hbm>>
      %dma_start3A_132 = arith.constant 0 : i32
      %dma_start3A_133 = tpu.memref_slice %arg10[%mul3A_123, %dma_start3A_132] : memref<10240x128xf32, #tpu.memory_space<vmem_shared>> -> memref<640x128xf32, #tpu.memory_space<vmem_shared>>
      tpu.enqueue_dma source(%dma_start3A_133 : memref<640x128xf32, #tpu.memory_space<vmem_shared>>) target(%dma_start3A_131 : memref<640x128xf32, #tpu.memory_space<hbm>>) target_semaphore(%run_scoped3A : memref<!tpu.dma_semaphore, #tpu.memory_space<semaphore_mem>>)
      %dma_wait3A_134 = arith.constant 0 : i32
      %dma_wait3A_135 = arith.constant 0 : i32
      %dma_wait3A_136 = tpu.memref_slice %arg6[%arg0, %dma_wait3A_134, %dma_wait3A_135] : memref<2x10240x128xf32, #tpu.memory_space<hbm>> -> memref<1x10240x128xf32, #tpu.memory_space<hbm>>
      %dma_wait3A_137 = tpu.memref_squeeze %dma_wait3A_136 : memref<1x10240x128xf32, #tpu.memory_space<hbm>> -> memref<10240x128xf32, #tpu.memory_space<hbm>>
      %dma_wait3A_138 = arith.constant 0 : i32
      %dma_wait3A_139 = tpu.memref_slice %dma_wait3A_137[%mul3A_125, %dma_wait3A_138] : memref<10240x128xf32, #tpu.memory_space<hbm>> -> memref<640x128xf32, #tpu.memory_space<hbm>>
      %dma_wait3A_140 = arith.constant 0 : i32
      %dma_wait3A_141 = tpu.memref_slice %arg10[%mul3A_123, %dma_wait3A_140] : memref<10240x128xf32, #tpu.memory_space<vmem_shared>> -> memref<640x128xf32, #tpu.memory_space<vmem_shared>>
      tpu.wait_dma2 semaphore(%run_scoped3A : memref<!tpu.dma_semaphore, #tpu.memory_space<semaphore_mem>>) src(%dma_wait3A_141 : memref<640x128xf32, #tpu.memory_space<vmem_shared>>) dst(%dma_wait3A_139 : memref<640x128xf32, #tpu.memory_space<hbm>>)
      tpu.yield
    }) : () -> ()
    return
  }
}

module attributes {stable_mosaic.version = 14 : i64} {
  func.func @_edge_body_first(%arg0: i32, %arg1: memref<2000x128xf32, #tpu.memory_space<vmem>>, %arg2: memref<2000x128xf32, #tpu.memory_space<vmem>>, %arg3: memref<2000x128xf32, #tpu.memory_space<vmem>>, %arg4: memref<128x256xbf16, #tpu.memory_space<vmem>>, %arg5: memref<128x256xbf16, #tpu.memory_space<vmem>>, %arg6: memref<128x256xbf16, #tpu.memory_space<vmem>>, %arg7: memref<1x256xf32, #tpu.memory_space<vmem>>, %arg8: memref<256x128xbf16, #tpu.memory_space<vmem>>, %arg9: memref<1x128xf32, #tpu.memory_space<vmem>>, %arg10: memref<2000x128xf32, #tpu.memory_space<vmem>>) attributes {dimension_semantics = [#tpu.dimension_semantics<arbitrary>], iteration_bounds = array<i64: 32>, scalar_prefetch = 0 : i64, scratch_operands = 0 : i64, tpu.core_type = #tpu.core_type<tc>, window_params = [{transform_indices = @transform_0, window_bounds = array<i64: 2000, 128>}, {transform_indices = @transform_1, window_bounds = array<i64: 2000, 128>}, {transform_indices = @transform_2, window_bounds = array<i64: 2000, 128>}, {pipeline_mode = #tpu.pipeline_mode<synchronous>, transform_indices = @transform_3, window_bounds = array<i64: 128, 256>}, {pipeline_mode = #tpu.pipeline_mode<synchronous>, transform_indices = @transform_4, window_bounds = array<i64: 128, 256>}, {pipeline_mode = #tpu.pipeline_mode<synchronous>, transform_indices = @transform_5, window_bounds = array<i64: 128, 256>}, {pipeline_mode = #tpu.pipeline_mode<synchronous>, transform_indices = @transform_6, window_bounds = array<i64: 1, 256>}, {pipeline_mode = #tpu.pipeline_mode<synchronous>, transform_indices = @transform_7, window_bounds = array<i64: 256, 128>}, {pipeline_mode = #tpu.pipeline_mode<synchronous>, transform_indices = @transform_8, window_bounds = array<i64: 1, 128>}, {transform_indices = @transform_9, window_bounds = array<i64: 2000, 128>}]} {
    %get3A = arith.constant 0 : index
    %get3A_0 = arith.constant 0 : index
    %get3A_1 = vector.load %arg1[%get3A, %get3A_0] : memref<2000x128xf32, #tpu.memory_space<vmem>>, vector<2000x128xf32>
    %convert_element_type3A = arith.truncf %get3A_1 : vector<2000x128xf32> to vector<2000x128xbf16>
    %get3A_2 = arith.constant 0 : index
    %get3A_3 = arith.constant 0 : index
    %get3A_4 = vector.load %arg4[%get3A_2, %get3A_3] : memref<128x256xbf16, #tpu.memory_space<vmem>>, vector<128x256xbf16>
    %dot_general3A = arith.constant dense<0.000000e+00> : vector<2000x256xf32>
    %dot_general3A_5 = tpu.matmul %convert_element_type3A, %get3A_4, %dot_general3A {dimension_numbers = #tpu.dot_dimension_numbers<[1], [0], [0], [1], [0, 0, 1, 1], [], []>, transpose_lhs_hint = false} : vector<2000x128xbf16>, vector<128x256xbf16>, vector<2000x256xf32> -> vector<2000x256xf32>
    %get3A_6 = arith.constant 0 : index
    %get3A_7 = arith.constant 0 : index
    %get3A_8 = vector.load %arg2[%get3A_6, %get3A_7] : memref<2000x128xf32, #tpu.memory_space<vmem>>, vector<2000x128xf32>
    %convert_element_type3A_9 = arith.truncf %get3A_8 : vector<2000x128xf32> to vector<2000x128xbf16>
    %get3A_10 = arith.constant 0 : index
    %get3A_11 = arith.constant 0 : index
    %get3A_12 = vector.load %arg5[%get3A_10, %get3A_11] : memref<128x256xbf16, #tpu.memory_space<vmem>>, vector<128x256xbf16>
    %dot_general3A_13 = arith.constant dense<0.000000e+00> : vector<2000x256xf32>
    %dot_general3A_14 = tpu.matmul %convert_element_type3A_9, %get3A_12, %dot_general3A_13 {dimension_numbers = #tpu.dot_dimension_numbers<[1], [0], [0], [1], [0, 0, 1, 1], [], []>, transpose_lhs_hint = false} : vector<2000x128xbf16>, vector<128x256xbf16>, vector<2000x256xf32> -> vector<2000x256xf32>
    %add3A = arith.addf %dot_general3A_5, %dot_general3A_14 : vector<2000x256xf32>
    %get3A_15 = arith.constant 0 : index
    %get3A_16 = arith.constant 0 : index
    %get3A_17 = vector.load %arg3[%get3A_15, %get3A_16] : memref<2000x128xf32, #tpu.memory_space<vmem>>, vector<2000x128xf32>
    %convert_element_type3A_18 = arith.truncf %get3A_17 : vector<2000x128xf32> to vector<2000x128xbf16>
    %get3A_19 = arith.constant 0 : index
    %get3A_20 = arith.constant 0 : index
    %get3A_21 = vector.load %arg6[%get3A_19, %get3A_20] : memref<128x256xbf16, #tpu.memory_space<vmem>>, vector<128x256xbf16>
    %dot_general3A_22 = arith.constant dense<0.000000e+00> : vector<2000x256xf32>
    %dot_general3A_23 = tpu.matmul %convert_element_type3A_18, %get3A_21, %dot_general3A_22 {dimension_numbers = #tpu.dot_dimension_numbers<[1], [0], [0], [1], [0, 0, 1, 1], [], []>, transpose_lhs_hint = false} : vector<2000x128xbf16>, vector<128x256xbf16>, vector<2000x256xf32> -> vector<2000x256xf32>
    %add3A_24 = arith.addf %add3A, %dot_general3A_23 : vector<2000x256xf32>
    %get3A_25 = arith.constant 0 : index
    %get3A_26 = arith.constant 0 : index
    %get3A_27 = vector.load %arg7[%get3A_25, %get3A_26] : memref<1x256xf32, #tpu.memory_space<vmem>>, vector<1x256xf32>
    %add3A_28 = vector.broadcast %get3A_27 : vector<1x256xf32> to vector<2000x256xf32>
    %add3A_29 = arith.addf %add3A_24, %add3A_28 : vector<2000x256xf32>
    %max3A = arith.constant 0.000000e+00 : f32
    %max3A_30 = vector.broadcast %max3A : f32 to vector<2000x256xf32>
    %max3A_31 = arith.maximumf %add3A_29, %max3A_30 : vector<2000x256xf32>
    %convert_element_type3A_32 = arith.truncf %max3A_31 : vector<2000x256xf32> to vector<2000x256xbf16>
    %get3A_33 = arith.constant 0 : index
    %get3A_34 = arith.constant 0 : index
    %get3A_35 = vector.load %arg8[%get3A_33, %get3A_34] : memref<256x128xbf16, #tpu.memory_space<vmem>>, vector<256x128xbf16>
    %dot_general3A_36 = arith.constant dense<0.000000e+00> : vector<2000x128xf32>
    %dot_general3A_37 = tpu.matmul %convert_element_type3A_32, %get3A_35, %dot_general3A_36 {dimension_numbers = #tpu.dot_dimension_numbers<[1], [0], [0], [1], [0, 0, 1, 1], [], []>, transpose_lhs_hint = false} : vector<2000x256xbf16>, vector<256x128xbf16>, vector<2000x128xf32> -> vector<2000x128xf32>
    %get3A_38 = arith.constant 0 : index
    %get3A_39 = arith.constant 0 : index
    %get3A_40 = vector.load %arg9[%get3A_38, %get3A_39] : memref<1x128xf32, #tpu.memory_space<vmem>>, vector<1x128xf32>
    %add3A_41 = vector.broadcast %get3A_40 : vector<1x128xf32> to vector<2000x128xf32>
    %add3A_42 = arith.addf %dot_general3A_37, %add3A_41 : vector<2000x128xf32>
    %swap3A = arith.constant 0 : index
    %swap3A_43 = arith.constant 0 : index
    %swap3A_44 = vector.load %arg10[%swap3A, %swap3A_43] : memref<2000x128xf32, #tpu.memory_space<vmem>>, vector<2000x128xf32>
    tpu.vector_store %arg10[%swap3A, %swap3A_43], %add3A_42 {strides = array<i32>} : memref<2000x128xf32, #tpu.memory_space<vmem>>, vector<2000x128xf32>,
    return
  }
  func.func @transform_0(%arg0: i32) -> (i32, i32) {
    %add3A = arith.constant 0 : i32
    %add3A_0 = arith.addi %add3A, %arg0 : i32
    %c0_i32 = arith.constant 0 : i32
    %c0_i32_1 = arith.constant 0 : i32
    return %add3A_0, %c0_i32 : i32, i32
  }
  func.func @transform_1(%arg0: i32) -> (i32, i32) {
    %c0_i32 = arith.constant 0 : i32
    %c0_i32_0 = arith.constant 0 : i32
    return %arg0, %c0_i32 : i32, i32
  }
  func.func @transform_2(%arg0: i32) -> (i32, i32) {
    %c0_i32 = arith.constant 0 : i32
    %c0_i32_0 = arith.constant 0 : i32
    return %arg0, %c0_i32 : i32, i32
  }
  func.func @transform_3(%arg0: i32) -> (i32, i32) {
    %c0_i32 = arith.constant 0 : i32
    %c0_i32_0 = arith.constant 0 : i32
    %c0_i32_1 = arith.constant 0 : i32
    return %c0_i32, %c0_i32_0 : i32, i32
  }
  func.func @transform_4(%arg0: i32) -> (i32, i32) {
    %c0_i32 = arith.constant 0 : i32
    %c0_i32_0 = arith.constant 0 : i32
    %c0_i32_1 = arith.constant 0 : i32
    return %c0_i32, %c0_i32_0 : i32, i32
  }
  func.func @transform_5(%arg0: i32) -> (i32, i32) {
    %c0_i32 = arith.constant 0 : i32
    %c0_i32_0 = arith.constant 0 : i32
    %c0_i32_1 = arith.constant 0 : i32
    return %c0_i32, %c0_i32_0 : i32, i32
  }
  func.func @transform_6(%arg0: i32) -> (i32, i32) {
    %c0_i32 = arith.constant 0 : i32
    %c0_i32_0 = arith.constant 0 : i32
    %c0_i32_1 = arith.constant 0 : i32
    return %c0_i32, %c0_i32_0 : i32, i32
  }
  func.func @transform_7(%arg0: i32) -> (i32, i32) {
    %c0_i32 = arith.constant 0 : i32
    %c0_i32_0 = arith.constant 0 : i32
    %c0_i32_1 = arith.constant 0 : i32
    return %c0_i32, %c0_i32_0 : i32, i32
  }
  func.func @transform_8(%arg0: i32) -> (i32, i32) {
    %c0_i32 = arith.constant 0 : i32
    %c0_i32_0 = arith.constant 0 : i32
    %c0_i32_1 = arith.constant 0 : i32
    return %c0_i32, %c0_i32_0 : i32, i32
  }
  func.func @transform_9(%arg0: i32) -> (i32, i32) {
    %add3A = arith.constant 0 : i32
    %add3A_0 = arith.addi %add3A, %arg0 : i32
    %c0_i32 = arith.constant 0 : i32
    %c0_i32_1 = arith.constant 0 : i32
    return %add3A_0, %c0_i32 : i32, i32
  }
}

module attributes {stable_mosaic.version = 14 : i64} {
  func.func @_edge_body_acc(%arg0: i32, %arg1: memref<192000x128xf32, #tpu.memory_space<any>>, %arg2: memref<2000x128xf32, #tpu.memory_space<vmem>>, %arg3: memref<2000x128xf32, #tpu.memory_space<vmem>>, %arg4: memref<2000x128xf32, #tpu.memory_space<vmem>>, %arg5: memref<128x256xbf16, #tpu.memory_space<vmem>>, %arg6: memref<128x256xbf16, #tpu.memory_space<vmem>>, %arg7: memref<128x256xbf16, #tpu.memory_space<vmem>>, %arg8: memref<1x256xf32, #tpu.memory_space<vmem>>, %arg9: memref<256x128xbf16, #tpu.memory_space<vmem>>, %arg10: memref<1x128xf32, #tpu.memory_space<vmem>>, %arg11: memref<2000x128xf32, #tpu.memory_space<vmem>>) attributes {dimension_semantics = [#tpu.dimension_semantics<arbitrary>], iteration_bounds = array<i64: 32>, scalar_prefetch = 0 : i64, scratch_operands = 0 : i64, tpu.core_type = #tpu.core_type<tc>, window_params = [{}, {transform_indices = @transform_1, window_bounds = array<i64: 2000, 128>}, {transform_indices = @transform_2, window_bounds = array<i64: 2000, 128>}, {transform_indices = @transform_3, window_bounds = array<i64: 2000, 128>}, {pipeline_mode = #tpu.pipeline_mode<synchronous>, transform_indices = @transform_4, window_bounds = array<i64: 128, 256>}, {pipeline_mode = #tpu.pipeline_mode<synchronous>, transform_indices = @transform_5, window_bounds = array<i64: 128, 256>}, {pipeline_mode = #tpu.pipeline_mode<synchronous>, transform_indices = @transform_6, window_bounds = array<i64: 128, 256>}, {pipeline_mode = #tpu.pipeline_mode<synchronous>, transform_indices = @transform_7, window_bounds = array<i64: 1, 256>}, {pipeline_mode = #tpu.pipeline_mode<synchronous>, transform_indices = @transform_8, window_bounds = array<i64: 256, 128>}, {pipeline_mode = #tpu.pipeline_mode<synchronous>, transform_indices = @transform_9, window_bounds = array<i64: 1, 128>}, {transform_indices = @transform_10, window_bounds = array<i64: 2000, 128>}]} {
    %get3A = arith.constant 0 : index
    %get3A_0 = arith.constant 0 : index
    %get3A_1 = vector.load %arg2[%get3A, %get3A_0] : memref<2000x128xf32, #tpu.memory_space<vmem>>, vector<2000x128xf32>
    %convert_element_type3A = arith.truncf %get3A_1 : vector<2000x128xf32> to vector<2000x128xbf16>
    %get3A_2 = arith.constant 0 : index
    %get3A_3 = arith.constant 0 : index
    %get3A_4 = vector.load %arg5[%get3A_2, %get3A_3] : memref<128x256xbf16, #tpu.memory_space<vmem>>, vector<128x256xbf16>
    %dot_general3A = arith.constant dense<0.000000e+00> : vector<2000x256xf32>
    %dot_general3A_5 = tpu.matmul %convert_element_type3A, %get3A_4, %dot_general3A {dimension_numbers = #tpu.dot_dimension_numbers<[1], [0], [0], [1], [0, 0, 1, 1], [], []>, transpose_lhs_hint = false} : vector<2000x128xbf16>, vector<128x256xbf16>, vector<2000x256xf32> -> vector<2000x256xf32>
    %get3A_6 = arith.constant 0 : index
    %get3A_7 = arith.constant 0 : index
    %get3A_8 = vector.load %arg3[%get3A_6, %get3A_7] : memref<2000x128xf32, #tpu.memory_space<vmem>>, vector<2000x128xf32>
    %convert_element_type3A_9 = arith.truncf %get3A_8 : vector<2000x128xf32> to vector<2000x128xbf16>
    %get3A_10 = arith.constant 0 : index
    %get3A_11 = arith.constant 0 : index
    %get3A_12 = vector.load %arg6[%get3A_10, %get3A_11] : memref<128x256xbf16, #tpu.memory_space<vmem>>, vector<128x256xbf16>
    %dot_general3A_13 = arith.constant dense<0.000000e+00> : vector<2000x256xf32>
    %dot_general3A_14 = tpu.matmul %convert_element_type3A_9, %get3A_12, %dot_general3A_13 {dimension_numbers = #tpu.dot_dimension_numbers<[1], [0], [0], [1], [0, 0, 1, 1], [], []>, transpose_lhs_hint = false} : vector<2000x128xbf16>, vector<128x256xbf16>, vector<2000x256xf32> -> vector<2000x256xf32>
    %add3A = arith.addf %dot_general3A_5, %dot_general3A_14 : vector<2000x256xf32>
    %get3A_15 = arith.constant 0 : index
    %get3A_16 = arith.constant 0 : index
    %get3A_17 = vector.load %arg4[%get3A_15, %get3A_16] : memref<2000x128xf32, #tpu.memory_space<vmem>>, vector<2000x128xf32>
    %convert_element_type3A_18 = arith.truncf %get3A_17 : vector<2000x128xf32> to vector<2000x128xbf16>
    %get3A_19 = arith.constant 0 : index
    %get3A_20 = arith.constant 0 : index
    %get3A_21 = vector.load %arg7[%get3A_19, %get3A_20] : memref<128x256xbf16, #tpu.memory_space<vmem>>, vector<128x256xbf16>
    %dot_general3A_22 = arith.constant dense<0.000000e+00> : vector<2000x256xf32>
    %dot_general3A_23 = tpu.matmul %convert_element_type3A_18, %get3A_21, %dot_general3A_22 {dimension_numbers = #tpu.dot_dimension_numbers<[1], [0], [0], [1], [0, 0, 1, 1], [], []>, transpose_lhs_hint = false} : vector<2000x128xbf16>, vector<128x256xbf16>, vector<2000x256xf32> -> vector<2000x256xf32>
    %add3A_24 = arith.addf %add3A, %dot_general3A_23 : vector<2000x256xf32>
    %get3A_25 = arith.constant 0 : index
    %get3A_26 = arith.constant 0 : index
    %get3A_27 = vector.load %arg8[%get3A_25, %get3A_26] : memref<1x256xf32, #tpu.memory_space<vmem>>, vector<1x256xf32>
    %add3A_28 = vector.broadcast %get3A_27 : vector<1x256xf32> to vector<2000x256xf32>
    %add3A_29 = arith.addf %add3A_24, %add3A_28 : vector<2000x256xf32>
    %max3A = arith.constant 0.000000e+00 : f32
    %max3A_30 = vector.broadcast %max3A : f32 to vector<2000x256xf32>
    %max3A_31 = arith.maximumf %add3A_29, %max3A_30 : vector<2000x256xf32>
    %convert_element_type3A_32 = arith.truncf %max3A_31 : vector<2000x256xf32> to vector<2000x256xbf16>
    %get3A_33 = arith.constant 0 : index
    %get3A_34 = arith.constant 0 : index
    %get3A_35 = vector.load %arg9[%get3A_33, %get3A_34] : memref<256x128xbf16, #tpu.memory_space<vmem>>, vector<256x128xbf16>
    %dot_general3A_36 = arith.constant dense<0.000000e+00> : vector<2000x128xf32>
    %dot_general3A_37 = tpu.matmul %convert_element_type3A_32, %get3A_35, %dot_general3A_36 {dimension_numbers = #tpu.dot_dimension_numbers<[1], [0], [0], [1], [0, 0, 1, 1], [], []>, transpose_lhs_hint = false} : vector<2000x256xbf16>, vector<256x128xbf16>, vector<2000x128xf32> -> vector<2000x128xf32>
    %get3A_38 = arith.constant 0 : index
    %get3A_39 = arith.constant 0 : index
    %get3A_40 = vector.load %arg10[%get3A_38, %get3A_39] : memref<1x128xf32, #tpu.memory_space<vmem>>, vector<1x128xf32>
    %add3A_41 = vector.broadcast %get3A_40 : vector<1x128xf32> to vector<2000x128xf32>
    %add3A_42 = arith.addf %dot_general3A_37, %add3A_41 : vector<2000x128xf32>
    %swap3A = arith.constant 0 : index
    %swap3A_43 = arith.constant 0 : index
    %swap3A_44 = vector.load %arg11[%swap3A, %swap3A_43] : memref<2000x128xf32, #tpu.memory_space<vmem>>, vector<2000x128xf32>
    tpu.vector_store %arg11[%swap3A, %swap3A_43], %add3A_42 {strides = array<i32>} : memref<2000x128xf32, #tpu.memory_space<vmem>>, vector<2000x128xf32>,
    return
  }
  func.func @transform_1(%arg0: i32) -> (i32, i32) {
    %add3A = arith.constant 32 : i32
    %add3A_0 = arith.addi %add3A, %arg0 : i32
    %c0_i32 = arith.constant 0 : i32
    %c0_i32_1 = arith.constant 0 : i32
    return %add3A_0, %c0_i32 : i32, i32
  }
  func.func @transform_2(%arg0: i32) -> (i32, i32) {
    %c0_i32 = arith.constant 0 : i32
    %c0_i32_0 = arith.constant 0 : i32
    return %arg0, %c0_i32 : i32, i32
  }
  func.func @transform_3(%arg0: i32) -> (i32, i32) {
    %c0_i32 = arith.constant 0 : i32
    %c0_i32_0 = arith.constant 0 : i32
    return %arg0, %c0_i32 : i32, i32
  }
  func.func @transform_4(%arg0: i32) -> (i32, i32) {
    %c0_i32 = arith.constant 0 : i32
    %c0_i32_0 = arith.constant 0 : i32
    %c0_i32_1 = arith.constant 0 : i32
    return %c0_i32, %c0_i32_0 : i32, i32
  }
  func.func @transform_5(%arg0: i32) -> (i32, i32) {
    %c0_i32 = arith.constant 0 : i32
    %c0_i32_0 = arith.constant 0 : i32
    %c0_i32_1 = arith.constant 0 : i32
    return %c0_i32, %c0_i32_0 : i32, i32
  }
  func.func @transform_6(%arg0: i32) -> (i32, i32) {
    %c0_i32 = arith.constant 0 : i32
    %c0_i32_0 = arith.constant 0 : i32
    %c0_i32_1 = arith.constant 0 : i32
    return %c0_i32, %c0_i32_0 : i32, i32
  }
  func.func @transform_7(%arg0: i32) -> (i32, i32) {
    %c0_i32 = arith.constant 0 : i32
    %c0_i32_0 = arith.constant 0 : i32
    %c0_i32_1 = arith.constant 0 : i32
    return %c0_i32, %c0_i32_0 : i32, i32
  }
  func.func @transform_8(%arg0: i32) -> (i32, i32) {
    %c0_i32 = arith.constant 0 : i32
    %c0_i32_0 = arith.constant 0 : i32
    %c0_i32_1 = arith.constant 0 : i32
    return %c0_i32, %c0_i32_0 : i32, i32
  }
  func.func @transform_9(%arg0: i32) -> (i32, i32) {
    %c0_i32 = arith.constant 0 : i32
    %c0_i32_0 = arith.constant 0 : i32
    %c0_i32_1 = arith.constant 0 : i32
    return %c0_i32, %c0_i32_0 : i32, i32
  }
  func.func @transform_10(%arg0: i32) -> (i32, i32) {
    %add3A = arith.constant 32 : i32
    %add3A_0 = arith.addi %add3A, %arg0 : i32
    %c0_i32 = arith.constant 0 : i32
    %c0_i32_1 = arith.constant 0 : i32
    return %add3A_0, %c0_i32 : i32, i32
  }
}

module attributes {stable_mosaic.version = 14 : i64} {
  func.func @_edge_body_acc(%arg0: i32, %arg1: memref<192000x128xf32, #tpu.memory_space<any>>, %arg2: memref<2000x128xf32, #tpu.memory_space<vmem>>, %arg3: memref<2000x128xf32, #tpu.memory_space<vmem>>, %arg4: memref<2000x128xf32, #tpu.memory_space<vmem>>, %arg5: memref<128x256xbf16, #tpu.memory_space<vmem>>, %arg6: memref<128x256xbf16, #tpu.memory_space<vmem>>, %arg7: memref<128x256xbf16, #tpu.memory_space<vmem>>, %arg8: memref<1x256xf32, #tpu.memory_space<vmem>>, %arg9: memref<256x128xbf16, #tpu.memory_space<vmem>>, %arg10: memref<1x128xf32, #tpu.memory_space<vmem>>, %arg11: memref<2000x128xf32, #tpu.memory_space<vmem>>) attributes {dimension_semantics = [#tpu.dimension_semantics<arbitrary>], iteration_bounds = array<i64: 32>, scalar_prefetch = 0 : i64, scratch_operands = 0 : i64, tpu.core_type = #tpu.core_type<tc>, window_params = [{}, {transform_indices = @transform_1, window_bounds = array<i64: 2000, 128>}, {transform_indices = @transform_2, window_bounds = array<i64: 2000, 128>}, {transform_indices = @transform_3, window_bounds = array<i64: 2000, 128>}, {pipeline_mode = #tpu.pipeline_mode<synchronous>, transform_indices = @transform_4, window_bounds = array<i64: 128, 256>}, {pipeline_mode = #tpu.pipeline_mode<synchronous>, transform_indices = @transform_5, window_bounds = array<i64: 128, 256>}, {pipeline_mode = #tpu.pipeline_mode<synchronous>, transform_indices = @transform_6, window_bounds = array<i64: 128, 256>}, {pipeline_mode = #tpu.pipeline_mode<synchronous>, transform_indices = @transform_7, window_bounds = array<i64: 1, 256>}, {pipeline_mode = #tpu.pipeline_mode<synchronous>, transform_indices = @transform_8, window_bounds = array<i64: 256, 128>}, {pipeline_mode = #tpu.pipeline_mode<synchronous>, transform_indices = @transform_9, window_bounds = array<i64: 1, 128>}, {transform_indices = @transform_10, window_bounds = array<i64: 2000, 128>}]} {
    %get3A = arith.constant 0 : index
    %get3A_0 = arith.constant 0 : index
    %get3A_1 = vector.load %arg2[%get3A, %get3A_0] : memref<2000x128xf32, #tpu.memory_space<vmem>>, vector<2000x128xf32>
    %convert_element_type3A = arith.truncf %get3A_1 : vector<2000x128xf32> to vector<2000x128xbf16>
    %get3A_2 = arith.constant 0 : index
    %get3A_3 = arith.constant 0 : index
    %get3A_4 = vector.load %arg5[%get3A_2, %get3A_3] : memref<128x256xbf16, #tpu.memory_space<vmem>>, vector<128x256xbf16>
    %dot_general3A = arith.constant dense<0.000000e+00> : vector<2000x256xf32>
    %dot_general3A_5 = tpu.matmul %convert_element_type3A, %get3A_4, %dot_general3A {dimension_numbers = #tpu.dot_dimension_numbers<[1], [0], [0], [1], [0, 0, 1, 1], [], []>, transpose_lhs_hint = false} : vector<2000x128xbf16>, vector<128x256xbf16>, vector<2000x256xf32> -> vector<2000x256xf32>
    %get3A_6 = arith.constant 0 : index
    %get3A_7 = arith.constant 0 : index
    %get3A_8 = vector.load %arg3[%get3A_6, %get3A_7] : memref<2000x128xf32, #tpu.memory_space<vmem>>, vector<2000x128xf32>
    %convert_element_type3A_9 = arith.truncf %get3A_8 : vector<2000x128xf32> to vector<2000x128xbf16>
    %get3A_10 = arith.constant 0 : index
    %get3A_11 = arith.constant 0 : index
    %get3A_12 = vector.load %arg6[%get3A_10, %get3A_11] : memref<128x256xbf16, #tpu.memory_space<vmem>>, vector<128x256xbf16>
    %dot_general3A_13 = arith.constant dense<0.000000e+00> : vector<2000x256xf32>
    %dot_general3A_14 = tpu.matmul %convert_element_type3A_9, %get3A_12, %dot_general3A_13 {dimension_numbers = #tpu.dot_dimension_numbers<[1], [0], [0], [1], [0, 0, 1, 1], [], []>, transpose_lhs_hint = false} : vector<2000x128xbf16>, vector<128x256xbf16>, vector<2000x256xf32> -> vector<2000x256xf32>
    %add3A = arith.addf %dot_general3A_5, %dot_general3A_14 : vector<2000x256xf32>
    %get3A_15 = arith.constant 0 : index
    %get3A_16 = arith.constant 0 : index
    %get3A_17 = vector.load %arg4[%get3A_15, %get3A_16] : memref<2000x128xf32, #tpu.memory_space<vmem>>, vector<2000x128xf32>
    %convert_element_type3A_18 = arith.truncf %get3A_17 : vector<2000x128xf32> to vector<2000x128xbf16>
    %get3A_19 = arith.constant 0 : index
    %get3A_20 = arith.constant 0 : index
    %get3A_21 = vector.load %arg7[%get3A_19, %get3A_20] : memref<128x256xbf16, #tpu.memory_space<vmem>>, vector<128x256xbf16>
    %dot_general3A_22 = arith.constant dense<0.000000e+00> : vector<2000x256xf32>
    %dot_general3A_23 = tpu.matmul %convert_element_type3A_18, %get3A_21, %dot_general3A_22 {dimension_numbers = #tpu.dot_dimension_numbers<[1], [0], [0], [1], [0, 0, 1, 1], [], []>, transpose_lhs_hint = false} : vector<2000x128xbf16>, vector<128x256xbf16>, vector<2000x256xf32> -> vector<2000x256xf32>
    %add3A_24 = arith.addf %add3A, %dot_general3A_23 : vector<2000x256xf32>
    %get3A_25 = arith.constant 0 : index
    %get3A_26 = arith.constant 0 : index
    %get3A_27 = vector.load %arg8[%get3A_25, %get3A_26] : memref<1x256xf32, #tpu.memory_space<vmem>>, vector<1x256xf32>
    %add3A_28 = vector.broadcast %get3A_27 : vector<1x256xf32> to vector<2000x256xf32>
    %add3A_29 = arith.addf %add3A_24, %add3A_28 : vector<2000x256xf32>
    %max3A = arith.constant 0.000000e+00 : f32
    %max3A_30 = vector.broadcast %max3A : f32 to vector<2000x256xf32>
    %max3A_31 = arith.maximumf %add3A_29, %max3A_30 : vector<2000x256xf32>
    %convert_element_type3A_32 = arith.truncf %max3A_31 : vector<2000x256xf32> to vector<2000x256xbf16>
    %get3A_33 = arith.constant 0 : index
    %get3A_34 = arith.constant 0 : index
    %get3A_35 = vector.load %arg9[%get3A_33, %get3A_34] : memref<256x128xbf16, #tpu.memory_space<vmem>>, vector<256x128xbf16>
    %dot_general3A_36 = arith.constant dense<0.000000e+00> : vector<2000x128xf32>
    %dot_general3A_37 = tpu.matmul %convert_element_type3A_32, %get3A_35, %dot_general3A_36 {dimension_numbers = #tpu.dot_dimension_numbers<[1], [0], [0], [1], [0, 0, 1, 1], [], []>, transpose_lhs_hint = false} : vector<2000x256xbf16>, vector<256x128xbf16>, vector<2000x128xf32> -> vector<2000x128xf32>
    %get3A_38 = arith.constant 0 : index
    %get3A_39 = arith.constant 0 : index
    %get3A_40 = vector.load %arg10[%get3A_38, %get3A_39] : memref<1x128xf32, #tpu.memory_space<vmem>>, vector<1x128xf32>
    %add3A_41 = vector.broadcast %get3A_40 : vector<1x128xf32> to vector<2000x128xf32>
    %add3A_42 = arith.addf %dot_general3A_37, %add3A_41 : vector<2000x128xf32>
    %swap3A = arith.constant 0 : index
    %swap3A_43 = arith.constant 0 : index
    %swap3A_44 = vector.load %arg11[%swap3A, %swap3A_43] : memref<2000x128xf32, #tpu.memory_space<vmem>>, vector<2000x128xf32>
    tpu.vector_store %arg11[%swap3A, %swap3A_43], %add3A_42 {strides = array<i32>} : memref<2000x128xf32, #tpu.memory_space<vmem>>, vector<2000x128xf32>,
    return
  }
  func.func @transform_1(%arg0: i32) -> (i32, i32) {
    %add3A = arith.constant 64 : i32
    %add3A_0 = arith.addi %add3A, %arg0 : i32
    %c0_i32 = arith.constant 0 : i32
    %c0_i32_1 = arith.constant 0 : i32
    return %add3A_0, %c0_i32 : i32, i32
  }
  func.func @transform_2(%arg0: i32) -> (i32, i32) {
    %c0_i32 = arith.constant 0 : i32
    %c0_i32_0 = arith.constant 0 : i32
    return %arg0, %c0_i32 : i32, i32
  }
  func.func @transform_3(%arg0: i32) -> (i32, i32) {
    %c0_i32 = arith.constant 0 : i32
    %c0_i32_0 = arith.constant 0 : i32
    return %arg0, %c0_i32 : i32, i32
  }
  func.func @transform_4(%arg0: i32) -> (i32, i32) {
    %c0_i32 = arith.constant 0 : i32
    %c0_i32_0 = arith.constant 0 : i32
    %c0_i32_1 = arith.constant 0 : i32
    return %c0_i32, %c0_i32_0 : i32, i32
  }
  func.func @transform_5(%arg0: i32) -> (i32, i32) {
    %c0_i32 = arith.constant 0 : i32
    %c0_i32_0 = arith.constant 0 : i32
    %c0_i32_1 = arith.constant 0 : i32
    return %c0_i32, %c0_i32_0 : i32, i32
  }
  func.func @transform_6(%arg0: i32) -> (i32, i32) {
    %c0_i32 = arith.constant 0 : i32
    %c0_i32_0 = arith.constant 0 : i32
    %c0_i32_1 = arith.constant 0 : i32
    return %c0_i32, %c0_i32_0 : i32, i32
  }
  func.func @transform_7(%arg0: i32) -> (i32, i32) {
    %c0_i32 = arith.constant 0 : i32
    %c0_i32_0 = arith.constant 0 : i32
    %c0_i32_1 = arith.constant 0 : i32
    return %c0_i32, %c0_i32_0 : i32, i32
  }
  func.func @transform_8(%arg0: i32) -> (i32, i32) {
    %c0_i32 = arith.constant 0 : i32
    %c0_i32_0 = arith.constant 0 : i32
    %c0_i32_1 = arith.constant 0 : i32
    return %c0_i32, %c0_i32_0 : i32, i32
  }
  func.func @transform_9(%arg0: i32) -> (i32, i32) {
    %c0_i32 = arith.constant 0 : i32
    %c0_i32_0 = arith.constant 0 : i32
    %c0_i32_1 = arith.constant 0 : i32
    return %c0_i32, %c0_i32_0 : i32, i32
  }
  func.func @transform_10(%arg0: i32) -> (i32, i32) {
    %add3A = arith.constant 64 : i32
    %add3A_0 = arith.addi %add3A, %arg0 : i32
    %c0_i32 = arith.constant 0 : i32
    %c0_i32_1 = arith.constant 0 : i32
    return %add3A_0, %c0_i32 : i32, i32
  }
}

module attributes {stable_mosaic.version = 14 : i64} {
  func.func @_edge_body_first(%arg0: i32, %arg1: memref<2000x128xf32, #tpu.memory_space<vmem>>, %arg2: memref<2000x128xf32, #tpu.memory_space<vmem>>, %arg3: memref<2000x128xf32, #tpu.memory_space<vmem>>, %arg4: memref<128x256xbf16, #tpu.memory_space<vmem>>, %arg5: memref<128x256xbf16, #tpu.memory_space<vmem>>, %arg6: memref<128x256xbf16, #tpu.memory_space<vmem>>, %arg7: memref<1x256xf32, #tpu.memory_space<vmem>>, %arg8: memref<256x128xbf16, #tpu.memory_space<vmem>>, %arg9: memref<1x128xf32, #tpu.memory_space<vmem>>, %arg10: memref<2000x128xf32, #tpu.memory_space<vmem>>) attributes {dimension_semantics = [#tpu.dimension_semantics<arbitrary>], iteration_bounds = array<i64: 32>, scalar_prefetch = 0 : i64, scratch_operands = 0 : i64, tpu.core_type = #tpu.core_type<tc>, window_params = [{transform_indices = @transform_0, window_bounds = array<i64: 2000, 128>}, {transform_indices = @transform_1, window_bounds = array<i64: 2000, 128>}, {transform_indices = @transform_2, window_bounds = array<i64: 2000, 128>}, {pipeline_mode = #tpu.pipeline_mode<synchronous>, transform_indices = @transform_3, window_bounds = array<i64: 128, 256>}, {pipeline_mode = #tpu.pipeline_mode<synchronous>, transform_indices = @transform_4, window_bounds = array<i64: 128, 256>}, {pipeline_mode = #tpu.pipeline_mode<synchronous>, transform_indices = @transform_5, window_bounds = array<i64: 128, 256>}, {pipeline_mode = #tpu.pipeline_mode<synchronous>, transform_indices = @transform_6, window_bounds = array<i64: 1, 256>}, {pipeline_mode = #tpu.pipeline_mode<synchronous>, transform_indices = @transform_7, window_bounds = array<i64: 256, 128>}, {pipeline_mode = #tpu.pipeline_mode<synchronous>, transform_indices = @transform_8, window_bounds = array<i64: 1, 128>}, {transform_indices = @transform_9, window_bounds = array<i64: 2000, 128>}]} {
    %get3A = arith.constant 0 : index
    %get3A_0 = arith.constant 0 : index
    %get3A_1 = vector.load %arg1[%get3A, %get3A_0] : memref<2000x128xf32, #tpu.memory_space<vmem>>, vector<2000x128xf32>
    %convert_element_type3A = arith.truncf %get3A_1 : vector<2000x128xf32> to vector<2000x128xbf16>
    %get3A_2 = arith.constant 0 : index
    %get3A_3 = arith.constant 0 : index
    %get3A_4 = vector.load %arg4[%get3A_2, %get3A_3] : memref<128x256xbf16, #tpu.memory_space<vmem>>, vector<128x256xbf16>
    %dot_general3A = arith.constant dense<0.000000e+00> : vector<2000x256xf32>
    %dot_general3A_5 = tpu.matmul %convert_element_type3A, %get3A_4, %dot_general3A {dimension_numbers = #tpu.dot_dimension_numbers<[1], [0], [0], [1], [0, 0, 1, 1], [], []>, transpose_lhs_hint = false} : vector<2000x128xbf16>, vector<128x256xbf16>, vector<2000x256xf32> -> vector<2000x256xf32>
    %get3A_6 = arith.constant 0 : index
    %get3A_7 = arith.constant 0 : index
    %get3A_8 = vector.load %arg2[%get3A_6, %get3A_7] : memref<2000x128xf32, #tpu.memory_space<vmem>>, vector<2000x128xf32>
    %convert_element_type3A_9 = arith.truncf %get3A_8 : vector<2000x128xf32> to vector<2000x128xbf16>
    %get3A_10 = arith.constant 0 : index
    %get3A_11 = arith.constant 0 : index
    %get3A_12 = vector.load %arg5[%get3A_10, %get3A_11] : memref<128x256xbf16, #tpu.memory_space<vmem>>, vector<128x256xbf16>
    %dot_general3A_13 = arith.constant dense<0.000000e+00> : vector<2000x256xf32>
    %dot_general3A_14 = tpu.matmul %convert_element_type3A_9, %get3A_12, %dot_general3A_13 {dimension_numbers = #tpu.dot_dimension_numbers<[1], [0], [0], [1], [0, 0, 1, 1], [], []>, transpose_lhs_hint = false} : vector<2000x128xbf16>, vector<128x256xbf16>, vector<2000x256xf32> -> vector<2000x256xf32>
    %add3A = arith.addf %dot_general3A_5, %dot_general3A_14 : vector<2000x256xf32>
    %get3A_15 = arith.constant 0 : index
    %get3A_16 = arith.constant 0 : index
    %get3A_17 = vector.load %arg3[%get3A_15, %get3A_16] : memref<2000x128xf32, #tpu.memory_space<vmem>>, vector<2000x128xf32>
    %convert_element_type3A_18 = arith.truncf %get3A_17 : vector<2000x128xf32> to vector<2000x128xbf16>
    %get3A_19 = arith.constant 0 : index
    %get3A_20 = arith.constant 0 : index
    %get3A_21 = vector.load %arg6[%get3A_19, %get3A_20] : memref<128x256xbf16, #tpu.memory_space<vmem>>, vector<128x256xbf16>
    %dot_general3A_22 = arith.constant dense<0.000000e+00> : vector<2000x256xf32>
    %dot_general3A_23 = tpu.matmul %convert_element_type3A_18, %get3A_21, %dot_general3A_22 {dimension_numbers = #tpu.dot_dimension_numbers<[1], [0], [0], [1], [0, 0, 1, 1], [], []>, transpose_lhs_hint = false} : vector<2000x128xbf16>, vector<128x256xbf16>, vector<2000x256xf32> -> vector<2000x256xf32>
    %add3A_24 = arith.addf %add3A, %dot_general3A_23 : vector<2000x256xf32>
    %get3A_25 = arith.constant 0 : index
    %get3A_26 = arith.constant 0 : index
    %get3A_27 = vector.load %arg7[%get3A_25, %get3A_26] : memref<1x256xf32, #tpu.memory_space<vmem>>, vector<1x256xf32>
    %add3A_28 = vector.broadcast %get3A_27 : vector<1x256xf32> to vector<2000x256xf32>
    %add3A_29 = arith.addf %add3A_24, %add3A_28 : vector<2000x256xf32>
    %max3A = arith.constant 0.000000e+00 : f32
    %max3A_30 = vector.broadcast %max3A : f32 to vector<2000x256xf32>
    %max3A_31 = arith.maximumf %add3A_29, %max3A_30 : vector<2000x256xf32>
    %convert_element_type3A_32 = arith.truncf %max3A_31 : vector<2000x256xf32> to vector<2000x256xbf16>
    %get3A_33 = arith.constant 0 : index
    %get3A_34 = arith.constant 0 : index
    %get3A_35 = vector.load %arg8[%get3A_33, %get3A_34] : memref<256x128xbf16, #tpu.memory_space<vmem>>, vector<256x128xbf16>
    %dot_general3A_36 = arith.constant dense<0.000000e+00> : vector<2000x128xf32>
    %dot_general3A_37 = tpu.matmul %convert_element_type3A_32, %get3A_35, %dot_general3A_36 {dimension_numbers = #tpu.dot_dimension_numbers<[1], [0], [0], [1], [0, 0, 1, 1], [], []>, transpose_lhs_hint = false} : vector<2000x256xbf16>, vector<256x128xbf16>, vector<2000x128xf32> -> vector<2000x128xf32>
    %get3A_38 = arith.constant 0 : index
    %get3A_39 = arith.constant 0 : index
    %get3A_40 = vector.load %arg9[%get3A_38, %get3A_39] : memref<1x128xf32, #tpu.memory_space<vmem>>, vector<1x128xf32>
    %add3A_41 = vector.broadcast %get3A_40 : vector<1x128xf32> to vector<2000x128xf32>
    %add3A_42 = arith.addf %dot_general3A_37, %add3A_41 : vector<2000x128xf32>
    %swap3A = arith.constant 0 : index
    %swap3A_43 = arith.constant 0 : index
    %swap3A_44 = vector.load %arg10[%swap3A, %swap3A_43] : memref<2000x128xf32, #tpu.memory_space<vmem>>, vector<2000x128xf32>
    tpu.vector_store %arg10[%swap3A, %swap3A_43], %add3A_42 {strides = array<i32>} : memref<2000x128xf32, #tpu.memory_space<vmem>>, vector<2000x128xf32>,
    return
  }
  func.func @transform_0(%arg0: i32) -> (i32, i32) {
    %add3A = arith.constant 96 : i32
    %add3A_0 = arith.addi %add3A, %arg0 : i32
    %c0_i32 = arith.constant 0 : i32
    %c0_i32_1 = arith.constant 0 : i32
    return %add3A_0, %c0_i32 : i32, i32
  }
  func.func @transform_1(%arg0: i32) -> (i32, i32) {
    %c0_i32 = arith.constant 0 : i32
    %c0_i32_0 = arith.constant 0 : i32
    return %arg0, %c0_i32 : i32, i32
  }
  func.func @transform_2(%arg0: i32) -> (i32, i32) {
    %c0_i32 = arith.constant 0 : i32
    %c0_i32_0 = arith.constant 0 : i32
    return %arg0, %c0_i32 : i32, i32
  }
  func.func @transform_3(%arg0: i32) -> (i32, i32) {
    %c0_i32 = arith.constant 0 : i32
    %c0_i32_0 = arith.constant 0 : i32
    %c0_i32_1 = arith.constant 0 : i32
    return %c0_i32, %c0_i32_0 : i32, i32
  }
  func.func @transform_4(%arg0: i32) -> (i32, i32) {
    %c0_i32 = arith.constant 0 : i32
    %c0_i32_0 = arith.constant 0 : i32
    %c0_i32_1 = arith.constant 0 : i32
    return %c0_i32, %c0_i32_0 : i32, i32
  }
  func.func @transform_5(%arg0: i32) -> (i32, i32) {
    %c0_i32 = arith.constant 0 : i32
    %c0_i32_0 = arith.constant 0 : i32
    %c0_i32_1 = arith.constant 0 : i32
    return %c0_i32, %c0_i32_0 : i32, i32
  }
  func.func @transform_6(%arg0: i32) -> (i32, i32) {
    %c0_i32 = arith.constant 0 : i32
    %c0_i32_0 = arith.constant 0 : i32
    %c0_i32_1 = arith.constant 0 : i32
    return %c0_i32, %c0_i32_0 : i32, i32
  }
  func.func @transform_7(%arg0: i32) -> (i32, i32) {
    %c0_i32 = arith.constant 0 : i32
    %c0_i32_0 = arith.constant 0 : i32
    %c0_i32_1 = arith.constant 0 : i32
    return %c0_i32, %c0_i32_0 : i32, i32
  }
  func.func @transform_8(%arg0: i32) -> (i32, i32) {
    %c0_i32 = arith.constant 0 : i32
    %c0_i32_0 = arith.constant 0 : i32
    %c0_i32_1 = arith.constant 0 : i32
    return %c0_i32, %c0_i32_0 : i32, i32
  }
  func.func @transform_9(%arg0: i32) -> (i32, i32) {
    %add3A = arith.constant 0 : i32
    %add3A_0 = arith.addi %add3A, %arg0 : i32
    %c0_i32 = arith.constant 0 : i32
    %c0_i32_1 = arith.constant 0 : i32
    return %add3A_0, %c0_i32 : i32, i32
  }
}

module attributes {stable_mosaic.version = 14 : i64} {
  func.func @_edge_body_acc(%arg0: i32, %arg1: memref<128000x128xf32, #tpu.memory_space<any>>, %arg2: memref<2000x128xf32, #tpu.memory_space<vmem>>, %arg3: memref<2000x128xf32, #tpu.memory_space<vmem>>, %arg4: memref<2000x128xf32, #tpu.memory_space<vmem>>, %arg5: memref<128x256xbf16, #tpu.memory_space<vmem>>, %arg6: memref<128x256xbf16, #tpu.memory_space<vmem>>, %arg7: memref<128x256xbf16, #tpu.memory_space<vmem>>, %arg8: memref<1x256xf32, #tpu.memory_space<vmem>>, %arg9: memref<256x128xbf16, #tpu.memory_space<vmem>>, %arg10: memref<1x128xf32, #tpu.memory_space<vmem>>, %arg11: memref<2000x128xf32, #tpu.memory_space<vmem>>) attributes {dimension_semantics = [#tpu.dimension_semantics<arbitrary>], iteration_bounds = array<i64: 32>, scalar_prefetch = 0 : i64, scratch_operands = 0 : i64, tpu.core_type = #tpu.core_type<tc>, window_params = [{}, {transform_indices = @transform_1, window_bounds = array<i64: 2000, 128>}, {transform_indices = @transform_2, window_bounds = array<i64: 2000, 128>}, {transform_indices = @transform_3, window_bounds = array<i64: 2000, 128>}, {pipeline_mode = #tpu.pipeline_mode<synchronous>, transform_indices = @transform_4, window_bounds = array<i64: 128, 256>}, {pipeline_mode = #tpu.pipeline_mode<synchronous>, transform_indices = @transform_5, window_bounds = array<i64: 128, 256>}, {pipeline_mode = #tpu.pipeline_mode<synchronous>, transform_indices = @transform_6, window_bounds = array<i64: 128, 256>}, {pipeline_mode = #tpu.pipeline_mode<synchronous>, transform_indices = @transform_7, window_bounds = array<i64: 1, 256>}, {pipeline_mode = #tpu.pipeline_mode<synchronous>, transform_indices = @transform_8, window_bounds = array<i64: 256, 128>}, {pipeline_mode = #tpu.pipeline_mode<synchronous>, transform_indices = @transform_9, window_bounds = array<i64: 1, 128>}, {transform_indices = @transform_10, window_bounds = array<i64: 2000, 128>}]} {
    %get3A = arith.constant 0 : index
    %get3A_0 = arith.constant 0 : index
    %get3A_1 = vector.load %arg2[%get3A, %get3A_0] : memref<2000x128xf32, #tpu.memory_space<vmem>>, vector<2000x128xf32>
    %convert_element_type3A = arith.truncf %get3A_1 : vector<2000x128xf32> to vector<2000x128xbf16>
    %get3A_2 = arith.constant 0 : index
    %get3A_3 = arith.constant 0 : index
    %get3A_4 = vector.load %arg5[%get3A_2, %get3A_3] : memref<128x256xbf16, #tpu.memory_space<vmem>>, vector<128x256xbf16>
    %dot_general3A = arith.constant dense<0.000000e+00> : vector<2000x256xf32>
    %dot_general3A_5 = tpu.matmul %convert_element_type3A, %get3A_4, %dot_general3A {dimension_numbers = #tpu.dot_dimension_numbers<[1], [0], [0], [1], [0, 0, 1, 1], [], []>, transpose_lhs_hint = false} : vector<2000x128xbf16>, vector<128x256xbf16>, vector<2000x256xf32> -> vector<2000x256xf32>
    %get3A_6 = arith.constant 0 : index
    %get3A_7 = arith.constant 0 : index
    %get3A_8 = vector.load %arg3[%get3A_6, %get3A_7] : memref<2000x128xf32, #tpu.memory_space<vmem>>, vector<2000x128xf32>
    %convert_element_type3A_9 = arith.truncf %get3A_8 : vector<2000x128xf32> to vector<2000x128xbf16>
    %get3A_10 = arith.constant 0 : index
    %get3A_11 = arith.constant 0 : index
    %get3A_12 = vector.load %arg6[%get3A_10, %get3A_11] : memref<128x256xbf16, #tpu.memory_space<vmem>>, vector<128x256xbf16>
    %dot_general3A_13 = arith.constant dense<0.000000e+00> : vector<2000x256xf32>
    %dot_general3A_14 = tpu.matmul %convert_element_type3A_9, %get3A_12, %dot_general3A_13 {dimension_numbers = #tpu.dot_dimension_numbers<[1], [0], [0], [1], [0, 0, 1, 1], [], []>, transpose_lhs_hint = false} : vector<2000x128xbf16>, vector<128x256xbf16>, vector<2000x256xf32> -> vector<2000x256xf32>
    %add3A = arith.addf %dot_general3A_5, %dot_general3A_14 : vector<2000x256xf32>
    %get3A_15 = arith.constant 0 : index
    %get3A_16 = arith.constant 0 : index
    %get3A_17 = vector.load %arg4[%get3A_15, %get3A_16] : memref<2000x128xf32, #tpu.memory_space<vmem>>, vector<2000x128xf32>
    %convert_element_type3A_18 = arith.truncf %get3A_17 : vector<2000x128xf32> to vector<2000x128xbf16>
    %get3A_19 = arith.constant 0 : index
    %get3A_20 = arith.constant 0 : index
    %get3A_21 = vector.load %arg7[%get3A_19, %get3A_20] : memref<128x256xbf16, #tpu.memory_space<vmem>>, vector<128x256xbf16>
    %dot_general3A_22 = arith.constant dense<0.000000e+00> : vector<2000x256xf32>
    %dot_general3A_23 = tpu.matmul %convert_element_type3A_18, %get3A_21, %dot_general3A_22 {dimension_numbers = #tpu.dot_dimension_numbers<[1], [0], [0], [1], [0, 0, 1, 1], [], []>, transpose_lhs_hint = false} : vector<2000x128xbf16>, vector<128x256xbf16>, vector<2000x256xf32> -> vector<2000x256xf32>
    %add3A_24 = arith.addf %add3A, %dot_general3A_23 : vector<2000x256xf32>
    %get3A_25 = arith.constant 0 : index
    %get3A_26 = arith.constant 0 : index
    %get3A_27 = vector.load %arg8[%get3A_25, %get3A_26] : memref<1x256xf32, #tpu.memory_space<vmem>>, vector<1x256xf32>
    %add3A_28 = vector.broadcast %get3A_27 : vector<1x256xf32> to vector<2000x256xf32>
    %add3A_29 = arith.addf %add3A_24, %add3A_28 : vector<2000x256xf32>
    %max3A = arith.constant 0.000000e+00 : f32
    %max3A_30 = vector.broadcast %max3A : f32 to vector<2000x256xf32>
    %max3A_31 = arith.maximumf %add3A_29, %max3A_30 : vector<2000x256xf32>
    %convert_element_type3A_32 = arith.truncf %max3A_31 : vector<2000x256xf32> to vector<2000x256xbf16>
    %get3A_33 = arith.constant 0 : index
    %get3A_34 = arith.constant 0 : index
    %get3A_35 = vector.load %arg9[%get3A_33, %get3A_34] : memref<256x128xbf16, #tpu.memory_space<vmem>>, vector<256x128xbf16>
    %dot_general3A_36 = arith.constant dense<0.000000e+00> : vector<2000x128xf32>
    %dot_general3A_37 = tpu.matmul %convert_element_type3A_32, %get3A_35, %dot_general3A_36 {dimension_numbers = #tpu.dot_dimension_numbers<[1], [0], [0], [1], [0, 0, 1, 1], [], []>, transpose_lhs_hint = false} : vector<2000x256xbf16>, vector<256x128xbf16>, vector<2000x128xf32> -> vector<2000x128xf32>
    %get3A_38 = arith.constant 0 : index
    %get3A_39 = arith.constant 0 : index
    %get3A_40 = vector.load %arg10[%get3A_38, %get3A_39] : memref<1x128xf32, #tpu.memory_space<vmem>>, vector<1x128xf32>
    %add3A_41 = vector.broadcast %get3A_40 : vector<1x128xf32> to vector<2000x128xf32>
    %add3A_42 = arith.addf %dot_general3A_37, %add3A_41 : vector<2000x128xf32>
    %swap3A = arith.constant 0 : index
    %swap3A_43 = arith.constant 0 : index
    %swap3A_44 = vector.load %arg11[%swap3A, %swap3A_43] : memref<2000x128xf32, #tpu.memory_space<vmem>>, vector<2000x128xf32>
    tpu.vector_store %arg11[%swap3A, %swap3A_43], %add3A_42 {strides = array<i32>} : memref<2000x128xf32, #tpu.memory_space<vmem>>, vector<2000x128xf32>,
    return
  }
  func.func @transform_1(%arg0: i32) -> (i32, i32) {
    %add3A = arith.constant 128 : i32
    %add3A_0 = arith.addi %add3A, %arg0 : i32
    %c0_i32 = arith.constant 0 : i32
    %c0_i32_1 = arith.constant 0 : i32
    return %add3A_0, %c0_i32 : i32, i32
  }
  func.func @transform_2(%arg0: i32) -> (i32, i32) {
    %c0_i32 = arith.constant 0 : i32
    %c0_i32_0 = arith.constant 0 : i32
    return %arg0, %c0_i32 : i32, i32
  }
  func.func @transform_3(%arg0: i32) -> (i32, i32) {
    %c0_i32 = arith.constant 0 : i32
    %c0_i32_0 = arith.constant 0 : i32
    return %arg0, %c0_i32 : i32, i32
  }
  func.func @transform_4(%arg0: i32) -> (i32, i32) {
    %c0_i32 = arith.constant 0 : i32
    %c0_i32_0 = arith.constant 0 : i32
    %c0_i32_1 = arith.constant 0 : i32
    return %c0_i32, %c0_i32_0 : i32, i32
  }
  func.func @transform_5(%arg0: i32) -> (i32, i32) {
    %c0_i32 = arith.constant 0 : i32
    %c0_i32_0 = arith.constant 0 : i32
    %c0_i32_1 = arith.constant 0 : i32
    return %c0_i32, %c0_i32_0 : i32, i32
  }
  func.func @transform_6(%arg0: i32) -> (i32, i32) {
    %c0_i32 = arith.constant 0 : i32
    %c0_i32_0 = arith.constant 0 : i32
    %c0_i32_1 = arith.constant 0 : i32
    return %c0_i32, %c0_i32_0 : i32, i32
  }
  func.func @transform_7(%arg0: i32) -> (i32, i32) {
    %c0_i32 = arith.constant 0 : i32
    %c0_i32_0 = arith.constant 0 : i32
    %c0_i32_1 = arith.constant 0 : i32
    return %c0_i32, %c0_i32_0 : i32, i32
  }
  func.func @transform_8(%arg0: i32) -> (i32, i32) {
    %c0_i32 = arith.constant 0 : i32
    %c0_i32_0 = arith.constant 0 : i32
    %c0_i32_1 = arith.constant 0 : i32
    return %c0_i32, %c0_i32_0 : i32, i32
  }
  func.func @transform_9(%arg0: i32) -> (i32, i32) {
    %c0_i32 = arith.constant 0 : i32
    %c0_i32_0 = arith.constant 0 : i32
    %c0_i32_1 = arith.constant 0 : i32
    return %c0_i32, %c0_i32_0 : i32, i32
  }
  func.func @transform_10(%arg0: i32) -> (i32, i32) {
    %add3A = arith.constant 32 : i32
    %add3A_0 = arith.addi %add3A, %arg0 : i32
    %c0_i32 = arith.constant 0 : i32
    %c0_i32_1 = arith.constant 0 : i32
    return %add3A_0, %c0_i32 : i32, i32
  }
}

module attributes {stable_mosaic.version = 14 : i64} {
  func.func @_node_body(%arg0: i32, %arg1: memref<1000x128xf32, #tpu.memory_space<vmem>>, %arg2: memref<1x1000x128xf32, #tpu.memory_space<vmem>>, %arg3: memref<1x1000x128xf32, #tpu.memory_space<vmem>>, %arg4: memref<1x1000x128xf32, #tpu.memory_space<vmem>>, %arg5: memref<1x1000x128xf32, #tpu.memory_space<vmem>>, %arg6: memref<128x256xf32, #tpu.memory_space<vmem>>, %arg7: memref<128x256xf32, #tpu.memory_space<vmem>>, %arg8: memref<1x256xf32, #tpu.memory_space<vmem>>, %arg9: memref<256x128xf32, #tpu.memory_space<vmem>>, %arg10: memref<1x128xf32, #tpu.memory_space<vmem>>, %arg11: memref<1000x128xf32, #tpu.memory_space<vmem>>) attributes {dimension_semantics = [#tpu.dimension_semantics<arbitrary>], iteration_bounds = array<i64: 10>, scalar_prefetch = 0 : i64, scratch_operands = 0 : i64, tpu.core_type = #tpu.core_type<tc>, window_params = [{transform_indices = @transform_0, window_bounds = array<i64: 1000, 128>}, {transform_indices = @transform_1, window_bounds = array<i64: 1, 1000, 128>}, {transform_indices = @transform_2, window_bounds = array<i64: 1, 1000, 128>}, {transform_indices = @transform_3, window_bounds = array<i64: 1, 1000, 128>}, {transform_indices = @transform_4, window_bounds = array<i64: 1, 1000, 128>}, {pipeline_mode = #tpu.pipeline_mode<synchronous>, transform_indices = @transform_5, window_bounds = array<i64: 128, 256>}, {pipeline_mode = #tpu.pipeline_mode<synchronous>, transform_indices = @transform_6, window_bounds = array<i64: 128, 256>}, {pipeline_mode = #tpu.pipeline_mode<synchronous>, transform_indices = @transform_7, window_bounds = array<i64: 1, 256>}, {pipeline_mode = #tpu.pipeline_mode<synchronous>, transform_indices = @transform_8, window_bounds = array<i64: 256, 128>}, {pipeline_mode = #tpu.pipeline_mode<synchronous>, transform_indices = @transform_9, window_bounds = array<i64: 1, 128>}, {transform_indices = @transform_10, window_bounds = array<i64: 1000, 128>}]} {
    %get3A = arith.constant 0 : index
    %get3A_0 = arith.constant 0 : index
    %get3A_1 = arith.constant 0 : index
    %get3A_2 = vector.load %arg2[%get3A, %get3A_0, %get3A_1] : memref<1x1000x128xf32, #tpu.memory_space<vmem>>, vector<1x1000x128xf32>
    %squeeze3A = vector.shape_cast %get3A_2 : vector<1x1000x128xf32> to vector<1000x128xf32>
    %get3A_3 = arith.constant 0 : index
    %get3A_4 = arith.constant 0 : index
    %get3A_5 = arith.constant 0 : index
    %get3A_6 = vector.load %arg3[%get3A_3, %get3A_4, %get3A_5] : memref<1x1000x128xf32, #tpu.memory_space<vmem>>, vector<1x1000x128xf32>
    %squeeze3A_7 = vector.shape_cast %get3A_6 : vector<1x1000x128xf32> to vector<1000x128xf32>
    %add3A = arith.addf %squeeze3A, %squeeze3A_7 : vector<1000x128xf32>
    %get3A_8 = arith.constant 0 : index
    %get3A_9 = arith.constant 0 : index
    %get3A_10 = arith.constant 0 : index
    %get3A_11 = vector.load %arg4[%get3A_8, %get3A_9, %get3A_10] : memref<1x1000x128xf32, #tpu.memory_space<vmem>>, vector<1x1000x128xf32>
    %squeeze3A_12 = vector.shape_cast %get3A_11 : vector<1x1000x128xf32> to vector<1000x128xf32>
    %get3A_13 = arith.constant 0 : index
    %get3A_14 = arith.constant 0 : index
    %get3A_15 = arith.constant 0 : index
    %get3A_16 = vector.load %arg5[%get3A_13, %get3A_14, %get3A_15] : memref<1x1000x128xf32, #tpu.memory_space<vmem>>, vector<1x1000x128xf32>
    %squeeze3A_17 = vector.shape_cast %get3A_16 : vector<1x1000x128xf32> to vector<1000x128xf32>
    %add3A_18 = arith.addf %squeeze3A_12, %squeeze3A_17 : vector<1000x128xf32>
    %add3A_19 = arith.addf %add3A, %add3A_18 : vector<1000x128xf32>
    %get3A_20 = arith.constant 0 : index
    %get3A_21 = arith.constant 0 : index
    %get3A_22 = vector.load %arg1[%get3A_20, %get3A_21] : memref<1000x128xf32, #tpu.memory_space<vmem>>, vector<1000x128xf32>
    %get3A_23 = arith.constant 0 : index
    %get3A_24 = arith.constant 0 : index
    %get3A_25 = vector.load %arg6[%get3A_23, %get3A_24] : memref<128x256xf32, #tpu.memory_space<vmem>>, vector<128x256xf32>
    %dot_general3A = arith.constant dense<0.000000e+00> : vector<1000x256xf32>
    %dot_general3A_26 = tpu.matmul %get3A_22, %get3A_25, %dot_general3A {dimension_numbers = #tpu.dot_dimension_numbers<[1], [0], [0], [1], [0, 0, 1, 1], [], []>, transpose_lhs_hint = false} : vector<1000x128xf32>, vector<128x256xf32>, vector<1000x256xf32> -> vector<1000x256xf32>
    %get3A_27 = arith.constant 0 : index
    %get3A_28 = arith.constant 0 : index
    %get3A_29 = vector.load %arg7[%get3A_27, %get3A_28] : memref<128x256xf32, #tpu.memory_space<vmem>>, vector<128x256xf32>
    %dot_general3A_30 = arith.constant dense<0.000000e+00> : vector<1000x256xf32>
    %dot_general3A_31 = tpu.matmul %add3A_19, %get3A_29, %dot_general3A_30 {dimension_numbers = #tpu.dot_dimension_numbers<[1], [0], [0], [1], [0, 0, 1, 1], [], []>, transpose_lhs_hint = false} : vector<1000x128xf32>, vector<128x256xf32>, vector<1000x256xf32> -> vector<1000x256xf32>
    %add3A_32 = arith.addf %dot_general3A_26, %dot_general3A_31 : vector<1000x256xf32>
    %get3A_33 = arith.constant 0 : index
    %get3A_34 = arith.constant 0 : index
    %get3A_35 = vector.load %arg8[%get3A_33, %get3A_34] : memref<1x256xf32, #tpu.memory_space<vmem>>, vector<1x256xf32>
    %add3A_36 = vector.broadcast %get3A_35 : vector<1x256xf32> to vector<1000x256xf32>
    %add3A_37 = arith.addf %add3A_32, %add3A_36 : vector<1000x256xf32>
    %max3A = arith.constant 0.000000e+00 : f32
    %max3A_38 = vector.broadcast %max3A : f32 to vector<1000x256xf32>
    %max3A_39 = arith.maximumf %add3A_37, %max3A_38 : vector<1000x256xf32>
    %get3A_40 = arith.constant 0 : index
    %get3A_41 = arith.constant 0 : index
    %get3A_42 = vector.load %arg9[%get3A_40, %get3A_41] : memref<256x128xf32, #tpu.memory_space<vmem>>, vector<256x128xf32>
    %dot_general3A_43 = arith.constant dense<0.000000e+00> : vector<1000x128xf32>
    %dot_general3A_44 = tpu.matmul %max3A_39, %get3A_42, %dot_general3A_43 {dimension_numbers = #tpu.dot_dimension_numbers<[1], [0], [0], [1], [0, 0, 1, 1], [], []>, transpose_lhs_hint = false} : vector<1000x256xf32>, vector<256x128xf32>, vector<1000x128xf32> -> vector<1000x128xf32>
    %get3A_45 = arith.constant 0 : index
    %get3A_46 = arith.constant 0 : index
    %get3A_47 = vector.load %arg10[%get3A_45, %get3A_46] : memref<1x128xf32, #tpu.memory_space<vmem>>, vector<1x128xf32>
    %add3A_48 = vector.broadcast %get3A_47 : vector<1x128xf32> to vector<1000x128xf32>
    %add3A_49 = arith.addf %dot_general3A_44, %add3A_48 : vector<1000x128xf32>
    %swap3A = arith.constant 0 : index
    %swap3A_50 = arith.constant 0 : index
    %swap3A_51 = vector.load %arg11[%swap3A, %swap3A_50] : memref<1000x128xf32, #tpu.memory_space<vmem>>, vector<1000x128xf32>
    tpu.vector_store %arg11[%swap3A, %swap3A_50], %add3A_49 {strides = array<i32>} : memref<1000x128xf32, #tpu.memory_space<vmem>>, vector<1000x128xf32>,
    return
  }
  func.func @transform_0(%arg0: i32) -> (i32, i32) {
    %c0_i32 = arith.constant 0 : i32
    %c0_i32_0 = arith.constant 0 : i32
    return %arg0, %c0_i32 : i32, i32
  }
  func.func @transform_1(%arg0: i32) -> (i32, i32, i32) {
    %c0_i32 = arith.constant 0 : i32
    %c0_i32_0 = arith.constant 0 : i32
    %c0_i32_1 = arith.constant 0 : i32
    return %c0_i32, %arg0, %c0_i32_0 : i32, i32, i32
  }
  func.func @transform_2(%arg0: i32) -> (i32, i32, i32) {
    %c1_i32 = arith.constant 1 : i32
    %c0_i32 = arith.constant 0 : i32
    %c0_i32_0 = arith.constant 0 : i32
    return %c1_i32, %arg0, %c0_i32 : i32, i32, i32
  }
  func.func @transform_3(%arg0: i32) -> (i32, i32, i32) {
    %c0_i32 = arith.constant 0 : i32
    %c0_i32_0 = arith.constant 0 : i32
    %c0_i32_1 = arith.constant 0 : i32
    return %c0_i32, %arg0, %c0_i32_0 : i32, i32, i32
  }
  func.func @transform_4(%arg0: i32) -> (i32, i32, i32) {
    %c1_i32 = arith.constant 1 : i32
    %c0_i32 = arith.constant 0 : i32
    %c0_i32_0 = arith.constant 0 : i32
    return %c1_i32, %arg0, %c0_i32 : i32, i32, i32
  }
  func.func @transform_5(%arg0: i32) -> (i32, i32) {
    %c0_i32 = arith.constant 0 : i32
    %c0_i32_0 = arith.constant 0 : i32
    %c0_i32_1 = arith.constant 0 : i32
    return %c0_i32, %c0_i32_0 : i32, i32
  }
  func.func @transform_6(%arg0: i32) -> (i32, i32) {
    %c0_i32 = arith.constant 0 : i32
    %c0_i32_0 = arith.constant 0 : i32
    %c0_i32_1 = arith.constant 0 : i32
    return %c0_i32, %c0_i32_0 : i32, i32
  }
  func.func @transform_7(%arg0: i32) -> (i32, i32) {
    %c0_i32 = arith.constant 0 : i32
    %c0_i32_0 = arith.constant 0 : i32
    %c0_i32_1 = arith.constant 0 : i32
    return %c0_i32, %c0_i32_0 : i32, i32
  }
  func.func @transform_8(%arg0: i32) -> (i32, i32) {
    %c0_i32 = arith.constant 0 : i32
    %c0_i32_0 = arith.constant 0 : i32
    %c0_i32_1 = arith.constant 0 : i32
    return %c0_i32, %c0_i32_0 : i32, i32
  }
  func.func @transform_9(%arg0: i32) -> (i32, i32) {
    %c0_i32 = arith.constant 0 : i32
    %c0_i32_0 = arith.constant 0 : i32
    %c0_i32_1 = arith.constant 0 : i32
    return %c0_i32, %c0_i32_0 : i32, i32
  }
  func.func @transform_10(%arg0: i32) -> (i32, i32) {
    %c0_i32 = arith.constant 0 : i32
    %c0_i32_0 = arith.constant 0 : i32
    return %arg0, %c0_i32 : i32, i32
  }
}

</mosaic_0001>

<sc_bundles>
// kernel: kernel.15.cloned.1.call-start
scs
__scs_entry_jumppad:
0x0: {  	(pc) =	sbr.rel $0x88, $3  }
0x1: {  	(tag) =	ssettag $0x0;
	lr =	simm.s32 $0x1  }
0x2: {  	[smem:$0x3F96] =	sst lr;
	_ =	strace $0xD0000000  }
0x3: {  	_ = 	snop  }
0x4: {  	_ = 	snop  }
0x5: {  	_ = 	snop  }
0x6: {  	_ = 	snop  }
0x7: {  	_ = 	snop  }
__scs_overlays_trampoline_lowered:
0x8: {  	[smem:$0x3FA5] =	sst s0  }
0x9: {  	[smem:$0x3FA6] =	sst s1  }
0xa: {  	[smem:$0x3FA7] =	sst s2  }
0xb: {  	[smem:$0x3FA8] =	sst s3  }
0xc: {  	[smem:$0x3FA9] =	sst s4  }
0xd: {  	[smem:$0x3FAA] =	sst s5  }
0xe: {  	[smem:$0x3FAB] =	sst s6  }
0xf: {  	[smem:$0x3FAC] =	sst s7  }
0x10: {  	[smem:$0x3FAD] =	sst s8  }
0x11: {  	[smem:$0x3FAE] =	sst s9;
	s0 =	simm.s32 @!p0 $0x0  }
0x12: {  	s1 =	sld [smem:$0x3F94];
	s0 =	simm.s32 @p0 $0x1  }
0x13: {  	[smem:$0x3FAF] =	sst s0;
	s0 =	simm.s32 @!p1 $0x0  }
0x14: {  	s2 =	sld [smem:$0x3F93];
	s0 =	simm.s32 @p1 $0x1  }
0x15: {  	[smem:$0x3FB0] =	sst s0;
	s0 =	simm.s32 @!p2 $0x0  }
0x16: {  	s3 =	sld [smem:$0x3FDB];
	s0 =	simm.s32 @p2 $0x1  }
0x17: {  	s4 =	simm.s32 $0x1BF5;
	[smem:$0x3FB2] =	sst s0  }
0x18: {  	s0 =	sld [smem:$0x3F95];
	_ =	swait.ge [sflag:s4], $0x0  }
0x19: {  	s7 =	sld [smem:$0x3F96]  }
0x1a: {  	s8 =	sadd.s32 $0xFFFFE003, lr  }
0x1b: {  	s9 =	sadd.s32 $0xFFFFFEF7, lr;
	s5 =	simm.s32 $0xFFFFFFFF;
	p2 =	slt.u32 s8, $0xFFFFF086  }
0x1c: {  	p1 =	slt.u32 s9, $0xF7A;
	s5 =	simm.s32 @!p2 $0x0  }
0x1d: {  	s5 =	simm.s32 @p1 $0x1;
	p0 =	seq.s32 s7, s2  }
0x1e: {  	s7 =	smul.u32 @!p0 $0xF7A, s2;
	p2 =	seq.s32 @!p0 s5, $0x0  }
0x1f: {  	s9 =	smul.u32 $0xF7A, s1;
	s8 =	simm.s32 @!p0 $0x1BF5;
	p2 =	por !p2, p0  }
0x20: {  	[sflag:s8] =	ssyncset.s32 @!p0 $0xFFFFF086;
	s6 =	sadd.s32 @!p0 s3, s7;
	s7 =	simm.s32 @!p0 $0x108  }
0x21: {  	s3 =	sadd.s32 s3, s9;
	s6 =	sadd.s32 @!p0 $0x88, s6;
	s7 =	simm.s32 @p2 $0x1082  }
0x22: {  	[simem:s7], [sflag:s8] =	dma.local @!p0 [hbm:s6], $0xF7A  }
0x23: {  	s9 =	sor.u32 $0xD0000000, s2;
	s6 =	simm.s32 $0x108;
	_ =	swait.ge @!p0 [sflag:s8], $0x0  }
0x24: {  	s3 =	sadd.s32 $0x88, s3;
	s6 =	simm.s32 @!p1 $0x1082;
	[sflag:s4] =	ssyncset.s32 $0xFFFFF086  }
0x25: {  	[simem:s6], [sflag:s4] =	dma.local [hbm:s3], $0xF7A  }
0x26: {  	[smem:$0x3F96] =	sst s1;
	(tag) =	ssettag s2;
	_ =	strace s9  }
0x27: {  	s1 =	sld [smem:$0x3FA6]  }
0x28: {  	s2 =	sld [smem:$0x3FA7]  }
0x29: {  	s4 =	sld [smem:$0x3FA9]  }
0x2a: {  	p0 =	seq.s32 s5, $0x0;
	s5 =	sld [smem:$0x3FAA]  }
0x2b: {  	s6 =	sld [smem:$0x3FAB]  }
0x2c: {  	s7 =	sld [smem:$0x3FAC]  }
0x2d: {  	s3 =	simm.s32 $0x108;
	s8 =	sld [smem:$0x3FAD]  }
0x2e: {  	s3 =	simm.s32 @!p0 $0x1082;
	s9 =	sld [smem:$0x3FAE]  }
0x2f: {  	lr =	sadd.s32 s0, s3;
	s0 =	sld [smem:$0x3FA5]  }
0x30: {  	s3 =	sld [smem:$0x3FA8]  }
0x31: {  	[smem:$0x3FB1] =	sst s10  }
0x32: {  	s10 =	sld [smem:$0x3FAF];
	_ =	sdelay $0x3  }
0x33: {  	p0 =	seq.s32 s10, $0x1;
	s10 =	sld [smem:$0x3FB1];
	_ =	sdelay $0x3  }
0x34: {  	[smem:$0x3FB1] =	sst s10  }
0x35: {  	s10 =	sld [smem:$0x3FB0];
	_ =	sdelay $0x3  }
0x36: {  	p1 =	seq.s32 s10, $0x1;
	s10 =	sld [smem:$0x3FB1];
	_ =	sdelay $0x3  }
0x37: {  	[smem:$0x3FB1] =	sst s10  }
0x38: {  	s10 =	sld [smem:$0x3FB2]  }
0x39: {  	_ = 	snop;
	(pc) =	sbr.ind lr, $3  }
0x3a: {  	_ = 	snop  }
0x3b: {  	_ = 	snop  }
0x3c: {  	p2 =	seq.s32 s10, $0x1;
	s10 =	sld [smem:$0x3FB1]  }
0x3d: {  	_ =	shalt  }
0x3e: {  	_ =	shalt  }
0x3f: {  	_ =	shalt  }
0x40: {  	_ =	shalt  }
0x41: {  	_ =	shalt  }
0x42: {  	_ =	shalt  }
0x43: {  	_ =	shalt  }
0x44: {  	_ =	shalt  }
0x45: {  	_ =	shalt  }
0x46: {  	_ =	shalt  }
0x47: {  	_ =	shalt  }
0x48: {  	_ =	shalt  }
0x49: {  	_ =	shalt  }
0x4a: {  	_ =	shalt  }
0x4b: {  	_ =	shalt  }
0x4c: {  	_ =	shalt  }
0x4d: {  	_ =	shalt  }
0x4e: {  	_ =	shalt  }
0x4f: {  	_ =	shalt  }
0x50: {  	_ =	shalt  }
0x51: {  	_ =	shalt  }
0x52: {  	_ =	shalt  }
0x53: {  	_ =	shalt  }
0x54: {  	_ =	shalt  }
0x55: {  	_ =	shalt  }
0x56: {  	_ =	shalt  }
0x57: {  	_ =	shalt  }
0x58: {  	_ =	shalt  }
0x59: {  	_ =	shalt  }
0x5a: {  	_ =	shalt  }
0x5b: {  	_ =	shalt  }
0x5c: {  	_ =	shalt  }
0x5d: {  	_ =	shalt  }
0x5e: {  	_ =	shalt  }
0x5f: {  	_ =	shalt  }
0x60: {  	_ =	shalt  }
0x61: {  	_ =	shalt  }
0x62: {  	_ =	shalt  }
0x63: {  	_ =	shalt  }
0x64: {  	_ =	shalt  }
0x65: {  	_ =	shalt  }
0x66: {  	_ =	shalt  }
0x67: {  	_ =	shalt  }
0x68: {  	_ =	shalt  }
0x69: {  	_ =	shalt  }
0x6a: {  	_ =	shalt  }
0x6b: {  	_ =	shalt  }
0x6c: {  	_ =	shalt  }
0x6d: {  	_ =	shalt  }
0x6e: {  	_ =	shalt  }
0x6f: {  	_ =	shalt  }
0x70: {  	_ =	shalt  }
0x71: {  	_ =	shalt  }
0x72: {  	_ =	shalt  }
0x73: {  	_ =	shalt  }
0x74: {  	_ =	shalt  }
0x75: {  	_ =	shalt  }
0x76: {  	_ =	shalt  }
0x77: {  	_ =	shalt  }
0x78: {  	_ =	shalt  }
0x79: {  	_ =	shalt  }
0x7a: {  	_ =	shalt  }
0x7b: {  	_ =	shalt  }
0x7c: {  	_ =	shalt  }
0x7d: {  	_ =	shalt  }
0x7e: {  	_ =	shalt  }
0x7f: {  	_ =	shalt  }
0x80: {  	_ =	shalt  }
0x81: {  	_ =	shalt  }
0x82: {  	_ =	shalt  }
0x83: {  	_ =	shalt  }
0x84: {  	_ =	shalt  }
0x85: {  	_ =	shalt  }
0x86: {  	_ =	shalt  }
0x87: {  	_ =	shalt  }
.Lfunc_end0:
.L_simem_size_0:
called_computation_lowered:
.L_overlay_start_0:
0x88: {  	s2 =	sld [smem:$0x3FD9]  }
0x89: {  	s3 =	sld [smem:$0x3FFE];
	_ =	sdelay $0x1  }
0x8a: {  	s1 =	srdreg.scid  }
0x8b: {  	s0 =	sand.u32 $0x1, s1  }
0x8c: {  	s16 =	sshll.u32 s0, $0xA;
	s2 =	sadd.s32 s3, s2  }
0x8d: {  	s2 =	sadd.s32 s2, s16  }
0x8e: {  	[smem:$0x3FBD] =	sst s2  }
0x8f: {  	_ = 	snop  }
0x90: {  	(tm) =	ssettm $0x1  }
0x91: {  	s17 =	sld [smem:$0x3FFB];
	_ =	sdelay $0x3  }
0x92: {  	_ =	strace s17  }
0x93: {  	s2 =	sld [smem:$0x3FFC];
	_ =	sdelay $0x3  }
0x94: {  	_ =	strace s2  }
0x95: {  	s2 =	sld [smem:$0x3FFD];
	_ =	sdelay $0x3  }
0x96: {  	_ =	strace s2  }
0x97: {  	_ =	strace $0x8FFFFFFF  }
0x98: {  	s18 =	sld [smem:$0x3FDB];
	_ =	sdelay $0x1  }
0x99: {  	s19 =	simm.s32 $_scs_section_size  }
0x9a: {  	s4 =	simm.s32 $_size__tile_overlayer_lowered;
	s5 =	simm.s32 $_tile_overlayer_lowered  }
0x9b: {  	s22 =	simm.s32 $0x1BFF;
	s21 =	sshll.u32 s5, $0x1;
	s2 =	sadd.s32 s19, s18  }
0x9c: {  	s6 =	simm.s32 $0x0;
	s20 =	sshll.u32 s4, $0x1;
	s4 =	sadd.s32 s21, s2  }
0x9d: {  	[timem:s6], [sflag:s22] =	dma.local [hbm:s4], s20  }
0x9e: {  	_ =	swait.ge [sflag:s22], s20  }
0x9f: {  	s3 =	ssub.s32 $0x0, s20;
	[sflag:s22] =	ssyncset.done $0x0  }
0xa0: {  	[sflag:s22] =	ssyncadd.s32 s3;
	_ =	sdelay $0x1  }
0xa1: {  	s23 =	simm.s32 $0x1B8B  }
0xa2: {  	_ =	swait.ge [sflag:s23], $0x1  }
0xa3: {  	[sflag:s23] =	ssyncset.done $0x0  }
0xa4: {  	s25 =	simm.s32 $0x1B8E;
	s24 =	sld [smem:$0x3FFE];
	[sflag:s23] =	ssyncadd.s32 $0xFFFFFFFF  }
0xa5: {  	s26 =	simm.s32 $execute0_lowered;
	[smem:$0x3FD2] =	sst s25  }
0xa6: {  	s4 =	sshll.u32 s26, $0x1;
	_ =	strace $0x80000046;
	[dreg:$0x1] =	wrdreg $0xFFFFFFFF  }
0xa7: {  	s28 =	simm.s32 $_size_execute0_lowered;
	s2 =	sadd.s32 s2, s4;
	[dreg:$0x0] =	wrdreg $0x0  }
0xa8: {  	s4 =	sshll.u32 s28, $0x1;
	[dreg:$0x2] =	wrdreg s2  }
0xa9: {  	[dreg:$0x3] =	wrdreg s4  }
0xaa: {  	[dreg:$0x4] =	wrdreg $0xC0  }
0xab: {  	_ =	task [dreg:s6], $0x5FFFF  }
0xac: {  	[dreg:$0x1] =	wrdreg $0xFFFFFFFF  }
0xad: {  	[dreg:$0x0] =	wrdreg $0x60  }
0xae: {  	[dreg:$0x2] =	wrdreg s24  }
0xaf: {  	[dreg:$0x3] =	wrdreg $0xC0000  }
0xb0: {  	[dreg:$0x4] =	wrdreg $0xB  }
0xb1: {  	_ =	task.clear_ibuf [dreg:s6], $0x5FFFF;
	_ =	strace $0x90000046  }
0xb2: {  	s29 =	simm.s32 $0xB;
	_ =	strace $0x80000048  }
0xb3: {  	_ =	swait.ge [sflag:s29], $0x1  }
0xb4: {  	[sflag:s29] =	ssyncadd.s32 $0xFFFFFFFF  }
0xb5: {  	_ =	strace $0x90000048  }
0xb6: {  	_ =	sfence  }
0xb7: {  	s30 =	sld [smem:$0x0];
	_ =	sdelay $0x2  }
0xb8: {  	s31 =	sshll.u32 s1, $0xD;
	s1 =	sshrl.u32 s1, $0x2  }
0xb9: {  	s3 =	sand.u32 $0x4000, s31;
	s1 =	sadd.s32 s1, s30  }
0xba: {  	s0 =	sor.u32 s3, s0;
	s1 =	sshll.u32 s1, $0x11  }
0xbb: {  	s0 =	sor.u32 s1, s0  }
0xbc: {  	s0 =	sadd.s32 $0x8F2B, s0  }
0xbd: {  	[sflag:s0] =	ssyncadd.remote.s32 $0x1  }
0xbe: {  	_ =	sfence.sel $0xFFFF  }
0xbf: {  	[dreg:$0x0] =	wrdreg $0xFFFFFFFF;
	(pc) =	sbr.abs _section_cstart, $3  }
0xc0: {  	[dreg:$0x1] =	wrdreg $0xFFFFFFFF  }
0xc1: {  	_ =	task.clear_ibuf [dreg:s6], $0x2FFFF;
	_ =	strace $0x9FFFFFFF  }
0xc2: {  	(tm) =	ssettm $0x7FFFFFFF  }
0xc3: {  	_ =	shalt  }
tec
execute0_lowered:
.L_overlay_start_1:
0x0: {  	(tag) =	ssettag $0x1  }
0x1: {  	s4 =	rddreg [dreg:$0x0]  }
0x2: {  	s2 =	rddreg [dreg:$0x1]  }
0x3: {  	s1 =	stileid.u32;
	s3 =	simm.s32 $0x0;
	s6 =	srdreg.scid  }
0x4: {  	s13 =	simm.s32 $0x1000;
	s14 =	simm.s32 $0x50;
	s15 =	simm.s32 $0x2000  }
0x5: {  	s16 =	simm.s32 $0x7000;
	s17 =	simm.s32 $0x6;
	s18 =	simm.s32 $0x8  }
0x6: {  	s19 =	simm.s32 $0x5;
	s20 =	simm.s32 $0x7;
	s5 =	smul.u32 $0x2800, s1  }
0x7: {  	s21 =	simm.s32 $0x0;
	[smem:$0x7FF] =	sst s3;
	s26 =	smul.u32 $0x50000, s1  }
0x8: {  	s6 =	sand.u32 $0x1, s6;
	s8 =	sshll.u32 s1, $0x9;
	s30 =	smul.u32 $0x7D00, s1  }
0x9: {  	s31 =	sshll.u32 s1, $0x6;
	_ =	strace $0x80000047;
	s7 =	sshll.u32 s6, $0xD  }
0xa: {  	s9 =	smul.u32 $0x7D000, s6;
	s6 =	ssub.s32 $0x2, s6;
	s5 =	sadd.s32 s5, s4  }
0xb: {  	s7 =	sor.u32 s8, s7;
	s28 =	sshrl.u32 s6, $0x1;
	s29 =	sshrl.u32 s26, $0x2  }
.Ltmp0:
0xc: {  	s7 =	sadd.s32 s7, s4;
	s9 =	sadd.s32 s9, s4;
	(pc) =	sbr.rel .LBB2_1-.Ltmp0, $4  }
0xd: {  	s10 =	ssub.s32 s6, s28;
	s11 =	sadd.s32 s29, s2;
	s4 =	sadd.s32 $0xB800, s5  }
0xe: {  	s5 =	sor.u32 $0x1C09, s31;
	s6 =	sadd.s32 $0x3800, s7;
	s12 =	sadd.s32 s30, s9  }
0xf: {  	s7 =	sadd.s32 $0x7800, s7;
	s8 =	smax.u32 s10, $0x1;
	s11 =	sshrl.u32 s11, $0x3  }
0x10: {  	s9 =	sadd.s32 $0x33800, s12;
	s10 =	sadd.s32 $0x12D800, s12;
	s12 =	simm.s32 $0x9  }
.LBB2_8:
0x11: {  	_ =	swait.ge [sflag:s17], $0x2800  }
0x12: {  	[sflag:s17] =	ssyncset.done $0x0  }
0x13: {  	[sflag:s17] =	ssyncadd.s32 $0xFFFFD800  }
0x14: {  	_ =	swait.ge [sflag:s18], $0x2800  }
0x15: {  	[sflag:s18] =	ssyncset.done $0x0  }
0x16: {  	s21 =	sadd.s32 $0x1, s21;
	[sflag:s18] =	ssyncadd.s32 $0xFFFFD800  }
0x17: {  	p0 =	sne.s32 s21, s8;
	_ =	swait.ge [sflag:s19], $0x2800  }
.Ltmp1:
0x18: {  	[sflag:s19] =	ssyncset.done $0x0;
	(pc) =	sbr.rel @!p0 .LBB2_9-.Ltmp1, $4  }
0x19: {  	[sflag:s19] =	ssyncadd.s32 $0xFFFFD800  }
0x1a: {  	_ =	swait.ge [sflag:s20], $0x2800  }
0x1b: {  	[sflag:s20] =	ssyncset.done $0x0  }
0x1c: {  	[sflag:s20] =	ssyncadd.s32 $0xFFFFD800  }
.LBB2_1:
0x1d: {  	[spmem:s11], [sflag:s5] =	dma.local [hbm:s4], $0x2800  }
0x1e: {  	_ =	swait.ge [sflag:s12], $0x2800  }
0x1f: {  	[sflag:s12] =	ssyncset.done $0x0  }
0x20: {  	[sflag:s12] =	ssyncadd.s32 $0xFFFFD800  }
0x21: {  	[tilespmem:s3], [sflag:$0x9] =	stream.linear.gather [hbm4b:s6+s3], $0xC80, $0x38;
	v63 =	vld [tilespmem:$0x0]  }
0x22: {  	_ =	swait.ge [sflag:s12], $0xC80  }
0x23: {  	[sflag:s12] =	ssyncset.done $0x0  }
0x24: {  	[sflag:s12] =	ssyncadd.s32 $0xFFFFF380  }
0x25: {  	[tilespmem:s13], [sflag:$0x9] =	stream.linear.gather [hbm4b:s7+s3], $0xC80, $0x38;
	v63 =	vld [tilespmem:$0x0]  }
0x26: {  	_ =	swait.ge [sflag:s12], $0xC80  }
0x27: {  	[sflag:s12] =	ssyncset.done $0x0  }
.Ltmp2:
0x28: {  	[sflag:s12] =	ssyncadd.s32 $0xFFFFF380;
	(pc) =	sbr.rel .LBB2_2-.Ltmp2, $4  }
0x29: {  	s22 =	simm.s32 $0x80;
	s23 =	simm.s32 $0x1080;
	[bflag:$0x0] =	sbarrier.arrive $0xFFFF  }
0x2a: {  	[tilespmem:s15], [sflag:$0x1] =	stream.indirect.gather [spmem:s2], $0x80, s3, s14, $0xb8;
	v63 =	vld [tilespmem:$0x0]  }
0x2b: {  	s24 =	smov.u32 s10;
	s25 =	smov.u32 s9;
	s26 =	simm.s32 $0x0  }
0x2c: {  	[tilespmem:s16], [sflag:$0x3] =	stream.indirect.gather [spmem:s2], $0x80, s13, s14, $0xb8;
	v63 =	vld [tilespmem:$0x0]  }
.LBB2_3:
0x2d: {  	s29 =	simm.s32 $0x1  }
.LBB2_6:
0x2e: {  	s30 =	smul.u32 $0x2800, s29;
	_ =	sdelay $0x1  }
0x2f: {  	s0 =	sadd.s32 $0x1, s29;
	s31 =	sadd.s32 $0x2000, s30  }
0x30: {  	[tilespmem:s31], [sflag:s0] =	stream.indirect.gather [spmem:s2], $0x80, s22, s14, $0xb8;
	v63 =	vld [tilespmem:$0x0]  }
0x31: {  	s30 =	sadd.s32 $0x7000, s30;
	s31 =	sadd.s32 $0x3, s29  }
0x32: {  	[tilespmem:s30], [sflag:s31] =	stream.indirect.gather [spmem:s2], $0x80, s23, s14, $0xb8;
	v63 =	vld [tilespmem:$0x0]  }
.LBB2_7:
0x33: {  	s0 =	sadd.s32 $0x1, s28  }
0x34: {  	_ =	swait.ge [sflag:s0], $0x2800  }
0x35: {  	[sflag:s0] =	ssyncset.done $0x0  }
0x36: {  	s30 =	sadd.s32 $0x3, s28;
	[sflag:s0] =	ssyncadd.s32 $0xFFFFD800  }
0x37: {  	s29 =	smul.u32 $0x2800, s28;
	s26 =	sadd.s32 $0x1, s26;
	_ =	swait.ge [sflag:s30], $0x2800  }
0x38: {  	s31 =	sadd.s32 $0x5, s28;
	p0 =	sne.s32 s26, $0x19;
	[sflag:s30] =	ssyncset.done $0x0  }
.Ltmp3:
0x39: {  	[sflag:s30] =	ssyncadd.s32 $0xFFFFD800;
	s30 =	sadd.s32 $0x2000, s29;
	(pc) =	sbr.rel @!p0 .LBB2_8-.Ltmp3, $4  }
0x3a: {  	[hbm4b:s25+s3] =	stream.linear.scatter [tilespmem:s30], [sflag:s31], $0x2800, $0x38;
	v63 =	vld [tilespmem:$0x0]  }
0x3b: {  	s22 =	sadd.s32 $0x80, s22;
	s30 =	sadd.s32 $0x7000, s29;
	s31 =	sadd.s32 $0x7, s28  }
0x3c: {  	[hbm4b:s24+s3] =	stream.linear.scatter [tilespmem:s30], [sflag:s31], $0x2800, $0x38;
	v63 =	vld [tilespmem:$0x0]  }
0x3d: {  	s23 =	sadd.s32 $0x80, s23;
	s25 =	sadd.s32 $0x500, s25;
	s24 =	sadd.s32 $0x500, s24  }
.LBB2_2:
0x3e: {  	p0 =	seq.s32 s26, $0x0  }
.Ltmp4:
0x3f: {  	_ = 	snop;
	(pc) =	sbr.rel @p0 .LBB2_3-.Ltmp4, $2  }
0x40: {  	_ =	sdelay $0x2  }
0x41: {  	s28 =	sand.u32 $0x1, s26  }
0x42: {  	p0 =	seq.s32 s26, $0x18  }
.Ltmp5:
0x43: {  	_ = 	snop;
	(pc) =	sbr.rel @p0 .LBB2_7-.Ltmp5, $1  }
0x44: {  	_ =	sdelay $0x3  }
0x45: {  	s29 =	sxor.u32 $0x1, s28  }
0x46: {  	s30 =	sadd.s32 $0x5, s29  }
0x47: {  	_ =	swait.ge [sflag:s30], $0x2800  }
.Ltmp6:
0x48: {  	[sflag:s30] =	ssyncset.done $0x0;
	(pc) =	sbr.rel .LBB2_6-.Ltmp6, $4  }
0x49: {  	s31 =	sadd.s32 $0x7, s29;
	[sflag:s30] =	ssyncadd.s32 $0xFFFFD800  }
0x4a: {  	_ =	swait.ge [sflag:s31], $0x2800  }
0x4b: {  	[sflag:s31] =	ssyncset.done $0x0  }
0x4c: {  	[sflag:s31] =	ssyncadd.s32 $0xFFFFD800  }
.LBB2_9:
0x4d: {  	_ =	sfence.sel $0x180000  }
0x4e: {  	[bflag:$0x0] =	sbarrier.arrive $0xFFFF  }
0x4f: {  	_ =	strace $0x90000047  }
0x50: {  	[bflag:$0x2] =	sbarrier.arrive $0xFFFF  }
0x51: {  	p0 =	sne.s32 s1, $0x0;
	s0 =	rddreg [dreg:$0x2]  }
0x52: {  	s0 =	sadd.s32 @!p0 $0x100000, s0  }
0x53: {  	[sflag:s0] =	ssyncadd.tile.s32 @!p0 $0x1;
	_ =	shalt  }
.Lfunc_end2:
_tile_overlayer_lowered:
.L_overlay_start_2:
0x54: {  	(tag) =	ssettag $0x2  }
0x55: {  	s0 =	rddreg [dreg:$0x0];
	s2 =	stileid.u32  }
0x56: {  	s1 =	rddreg [dreg:$0x1];
	p0 =	sne.s32 s2, $0x0  }
0x57: {  	s3 =	rddreg [dreg:$0x2];
	[bflag:$0x3] =	sbarrier.arrive $0xFFFF;
	s2 =	simm.s32 @!p0 $0x1C09  }
0x58: {  	[timem:s3], [sflag:s2] =	dma.local @!p0 [hbm:s0], s1  }
0x59: {  	s0 =	simm.s32 @!p0 $0x9  }
0x5a: {  	_ =	swait.ge @!p0 [sflag:s0], s1  }
0x5b: {  	s1 =	ssub.s32 @!p0 $0x0, s1;
	[sflag:s0] =	ssyncset.done @!p0 $0x0  }
0x5c: {  	[sflag:s0] =	ssyncadd.s32 @!p0 s1  }
0x5d: {  	[bflag:$0x3] =	sbarrier.arrive $0xFFFF  }
0x5e: {  	_ =	shalt  }

// kernel: kernel.18.cloned.1.call-start
scs
__scs_entry_jumppad:
0x0: {  	(pc) =	sbr.rel $0x88, $3  }
0x1: {  	(tag) =	ssettag $0x0;
	lr =	simm.s32 $0x1  }
0x2: {  	[smem:$0x3F96] =	sst lr;
	_ =	strace $0xD0000000  }
0x3: {  	_ = 	snop  }
0x4: {  	_ = 	snop  }
0x5: {  	_ = 	snop  }
0x6: {  	_ = 	snop  }
0x7: {  	_ = 	snop  }
__scs_overlays_trampoline_lowered:
0x8: {  	[smem:$0x3FA5] =	sst s0  }
0x9: {  	[smem:$0x3FA6] =	sst s1  }
0xa: {  	[smem:$0x3FA7] =	sst s2  }
0xb: {  	[smem:$0x3FA8] =	sst s3  }
0xc: {  	[smem:$0x3FA9] =	sst s4  }
0xd: {  	[smem:$0x3FAA] =	sst s5  }
0xe: {  	[smem:$0x3FAB] =	sst s6  }
0xf: {  	[smem:$0x3FAC] =	sst s7  }
0x10: {  	[smem:$0x3FAD] =	sst s8  }
0x11: {  	[smem:$0x3FAE] =	sst s9;
	s0 =	simm.s32 @!p0 $0x0  }
0x12: {  	s1 =	sld [smem:$0x3F94];
	s0 =	simm.s32 @p0 $0x1  }
0x13: {  	[smem:$0x3FAF] =	sst s0;
	s0 =	simm.s32 @!p1 $0x0  }
0x14: {  	s2 =	sld [smem:$0x3F93];
	s0 =	simm.s32 @p1 $0x1  }
0x15: {  	[smem:$0x3FB0] =	sst s0;
	s0 =	simm.s32 @!p2 $0x0  }
0x16: {  	s3 =	sld [smem:$0x3FDB];
	s0 =	simm.s32 @p2 $0x1  }
0x17: {  	s4 =	simm.s32 $0x1BF5;
	[smem:$0x3FB2] =	sst s0  }
0x18: {  	s0 =	sld [smem:$0x3F95];
	_ =	swait.ge [sflag:s4], $0x0  }
0x19: {  	s7 =	sld [smem:$0x3F96]  }
0x1a: {  	s8 =	sadd.s32 $0xFFFFE003, lr  }
0x1b: {  	s9 =	sadd.s32 $0xFFFFFEF7, lr;
	s5 =	simm.s32 $0xFFFFFFFF;
	p2 =	slt.u32 s8, $0xFFFFF086  }
0x1c: {  	p1 =	slt.u32 s9, $0xF7A;
	s5 =	simm.s32 @!p2 $0x0  }
0x1d: {  	s5 =	simm.s32 @p1 $0x1;
	p0 =	seq.s32 s7, s2  }
0x1e: {  	s7 =	smul.u32 @!p0 $0xF7A, s2;
	p2 =	seq.s32 @!p0 s5, $0x0  }
0x1f: {  	s9 =	smul.u32 $0xF7A, s1;
	s8 =	simm.s32 @!p0 $0x1BF5;
	p2 =	por !p2, p0  }
0x20: {  	[sflag:s8] =	ssyncset.s32 @!p0 $0xFFFFF086;
	s6 =	sadd.s32 @!p0 s3, s7;
	s7 =	simm.s32 @!p0 $0x108  }
0x21: {  	s3 =	sadd.s32 s3, s9;
	s6 =	sadd.s32 @!p0 $0x88, s6;
	s7 =	simm.s32 @p2 $0x1082  }
0x22: {  	[simem:s7], [sflag:s8] =	dma.local @!p0 [hbm:s6], $0xF7A  }
0x23: {  	s9 =	sor.u32 $0xD0000000, s2;
	s6 =	simm.s32 $0x108;
	_ =	swait.ge @!p0 [sflag:s8], $0x0  }
0x24: {  	s3 =	sadd.s32 $0x88, s3;
	s6 =	simm.s32 @!p1 $0x1082;
	[sflag:s4] =	ssyncset.s32 $0xFFFFF086  }
0x25: {  	[simem:s6], [sflag:s4] =	dma.local [hbm:s3], $0xF7A  }
0x26: {  	[smem:$0x3F96] =	sst s1;
	(tag) =	ssettag s2;
	_ =	strace s9  }
0x27: {  	s1 =	sld [smem:$0x3FA6]  }
0x28: {  	s2 =	sld [smem:$0x3FA7]  }
0x29: {  	s4 =	sld [smem:$0x3FA9]  }
0x2a: {  	p0 =	seq.s32 s5, $0x0;
	s5 =	sld [smem:$0x3FAA]  }
0x2b: {  	s6 =	sld [smem:$0x3FAB]  }
0x2c: {  	s7 =	sld [smem:$0x3FAC]  }
0x2d: {  	s3 =	simm.s32 $0x108;
	s8 =	sld [smem:$0x3FAD]  }
0x2e: {  	s3 =	simm.s32 @!p0 $0x1082;
	s9 =	sld [smem:$0x3FAE]  }
0x2f: {  	lr =	sadd.s32 s0, s3;
	s0 =	sld [smem:$0x3FA5]  }
0x30: {  	s3 =	sld [smem:$0x3FA8]  }
0x31: {  	[smem:$0x3FB1] =	sst s10  }
0x32: {  	s10 =	sld [smem:$0x3FAF];
	_ =	sdelay $0x3  }
0x33: {  	p0 =	seq.s32 s10, $0x1;
	s10 =	sld [smem:$0x3FB1];
	_ =	sdelay $0x3  }
0x34: {  	[smem:$0x3FB1] =	sst s10  }
0x35: {  	s10 =	sld [smem:$0x3FB0];
	_ =	sdelay $0x3  }
0x36: {  	p1 =	seq.s32 s10, $0x1;
	s10 =	sld [smem:$0x3FB1];
	_ =	sdelay $0x3  }
0x37: {  	[smem:$0x3FB1] =	sst s10  }
0x38: {  	s10 =	sld [smem:$0x3FB2]  }
0x39: {  	_ = 	snop;
	(pc) =	sbr.ind lr, $3  }
0x3a: {  	_ = 	snop  }
0x3b: {  	_ = 	snop  }
0x3c: {  	p2 =	seq.s32 s10, $0x1;
	s10 =	sld [smem:$0x3FB1]  }
0x3d: {  	_ =	shalt  }
0x3e: {  	_ =	shalt  }
0x3f: {  	_ =	shalt  }
0x40: {  	_ =	shalt  }
0x41: {  	_ =	shalt  }
0x42: {  	_ =	shalt  }
0x43: {  	_ =	shalt  }
0x44: {  	_ =	shalt  }
0x45: {  	_ =	shalt  }
0x46: {  	_ =	shalt  }
0x47: {  	_ =	shalt  }
0x48: {  	_ =	shalt  }
0x49: {  	_ =	shalt  }
0x4a: {  	_ =	shalt  }
0x4b: {  	_ =	shalt  }
0x4c: {  	_ =	shalt  }
0x4d: {  	_ =	shalt  }
0x4e: {  	_ =	shalt  }
0x4f: {  	_ =	shalt  }
0x50: {  	_ =	shalt  }
0x51: {  	_ =	shalt  }
0x52: {  	_ =	shalt  }
0x53: {  	_ =	shalt  }
0x54: {  	_ =	shalt  }
0x55: {  	_ =	shalt  }
0x56: {  	_ =	shalt  }
0x57: {  	_ =	shalt  }
0x58: {  	_ =	shalt  }
0x59: {  	_ =	shalt  }
0x5a: {  	_ =	shalt  }
0x5b: {  	_ =	shalt  }
0x5c: {  	_ =	shalt  }
0x5d: {  	_ =	shalt  }
0x5e: {  	_ =	shalt  }
0x5f: {  	_ =	shalt  }
0x60: {  	_ =	shalt  }
0x61: {  	_ =	shalt  }
0x62: {  	_ =	shalt  }
0x63: {  	_ =	shalt  }
0x64: {  	_ =	shalt  }
0x65: {  	_ =	shalt  }
0x66: {  	_ =	shalt  }
0x67: {  	_ =	shalt  }
0x68: {  	_ =	shalt  }
0x69: {  	_ =	shalt  }
0x6a: {  	_ =	shalt  }
0x6b: {  	_ =	shalt  }
0x6c: {  	_ =	shalt  }
0x6d: {  	_ =	shalt  }
0x6e: {  	_ =	shalt  }
0x6f: {  	_ =	shalt  }
0x70: {  	_ =	shalt  }
0x71: {  	_ =	shalt  }
0x72: {  	_ =	shalt  }
0x73: {  	_ =	shalt  }
0x74: {  	_ =	shalt  }
0x75: {  	_ =	shalt  }
0x76: {  	_ =	shalt  }
0x77: {  	_ =	shalt  }
0x78: {  	_ =	shalt  }
0x79: {  	_ =	shalt  }
0x7a: {  	_ =	shalt  }
0x7b: {  	_ =	shalt  }
0x7c: {  	_ =	shalt  }
0x7d: {  	_ =	shalt  }
0x7e: {  	_ =	shalt  }
0x7f: {  	_ =	shalt  }
0x80: {  	_ =	shalt  }
0x81: {  	_ =	shalt  }
0x82: {  	_ =	shalt  }
0x83: {  	_ =	shalt  }
0x84: {  	_ =	shalt  }
0x85: {  	_ =	shalt  }
0x86: {  	_ =	shalt  }
0x87: {  	_ =	shalt  }
.Lfunc_end0:
.L_simem_size_0:
called_computation.1_lowered:
.L_overlay_start_0:
0x88: {  	s2 =	sld [smem:$0x3FD9]  }
0x89: {  	s3 =	sld [smem:$0x3FFE];
	_ =	sdelay $0x1  }
0x8a: {  	s1 =	srdreg.scid  }
0x8b: {  	s0 =	sand.u32 $0x1, s1  }
0x8c: {  	s17 =	sshll.u32 s0, $0xA;
	s2 =	sadd.s32 s3, s2  }
0x8d: {  	s2 =	sadd.s32 s2, s17  }
0x8e: {  	[smem:$0x3FBD] =	sst s2  }
0x8f: {  	_ = 	snop  }
0x90: {  	(tm) =	ssettm $0x1  }
0x91: {  	s18 =	sld [smem:$0x3FFB];
	_ =	sdelay $0x3  }
0x92: {  	_ =	strace s18  }
0x93: {  	s2 =	sld [smem:$0x3FFC];
	_ =	sdelay $0x3  }
0x94: {  	_ =	strace s2  }
0x95: {  	s2 =	sld [smem:$0x3FFD];
	_ =	sdelay $0x3  }
0x96: {  	_ =	strace s2  }
0x97: {  	_ =	strace $0x8FFFFFFF  }
0x98: {  	s19 =	sld [smem:$0x3FDB];
	_ =	sdelay $0x1  }
0x99: {  	s20 =	simm.s32 $_scs_section_size  }
0x9a: {  	s4 =	simm.s32 $_size__tile_overlayer_lowered;
	s5 =	simm.s32 $_tile_overlayer_lowered  }
0x9b: {  	s6 =	simm.s32 $0x1BFF;
	s21 =	sshll.u32 s5, $0x1;
	s3 =	sadd.s32 s20, s19  }
0x9c: {  	s22 =	simm.s32 $0x0;
	s4 =	sshll.u32 s4, $0x1;
	s5 =	sadd.s32 s21, s3  }
0x9d: {  	[timem:s22], [sflag:s6] =	dma.local [hbm:s5], s4  }
0x9e: {  	_ =	swait.ge [sflag:s6], s4  }
0x9f: {  	s4 =	ssub.s32 $0x0, s4;
	[sflag:s6] =	ssyncset.done $0x0  }
0xa0: {  	[sflag:s6] =	ssyncadd.s32 s4;
	_ =	sdelay $0x1  }
0xa1: {  	s23 =	simm.s32 $0x1B8B  }
0xa2: {  	_ =	swait.ge [sflag:s23], $0x1  }
0xa3: {  	[sflag:s23] =	ssyncset.done $0x0  }
0xa4: {  	[sflag:s23] =	ssyncadd.s32 $0xFFFFFFFF  }
0xa5: {  	s4 =	sld [smem:$0x0]  }
0xa6: {  	s5 =	sand.u32 $0xFFFFFFFE, s1  }
0xa7: {  	p0 =	sne.s32 s1, s5  }
0xa8: {  	s5 =	sshll.u32 @p0 s5, $0xE  }
0xa9: {  	s5 =	sadd.s32 @p0 $0x11B8D, s5;
	s6 =	sshll.u32 @p0 s4, $0x11  }
0xaa: {  	s5 =	sor.u32 @p0 s6, s5  }
0xab: {  	[sflag:s5] =	ssyncadd.remote.s32 @p0 $0x1;
	_ =	sdelay $0x1  }
0xac: {  	s5 =	simm.s32 @p0 $0x1B8D  }
0xad: {  	_ =	swait.eq @p0 [sflag:s5], $0x1  }
0xae: {  	[sflag:s5] =	ssyncadd.s32 @p0 $0xFFFFFFFF  }
0xaf: {  	s6 =	sshll.u32 @!p0 s1, $0xE  }
0xb0: {  	s6 =	sor.u32 @!p0 $0x4000, s6;
	s5 =	simm.s32 @!p0 $0x1B8D  }
0xb1: {  	s4 =	sshll.u32 @!p0 s4, $0x11;
	s6 =	sadd.s32 @!p0 $0x11B8D, s6;
	_ =	swait.eq @!p0 [sflag:s5], $0x1  }
0xb2: {  	s4 =	sor.u32 @!p0 s4, s6;
	[sflag:s5] =	ssyncadd.s32 @!p0 $0xFFFFFFFF  }
0xb3: {  	s25 =	simm.s32 $0x1B8E;
	s24 =	sld [smem:$0x3FFE];
	[sflag:s4] =	ssyncadd.remote.s32 @!p0 $0x1  }
0xb4: {  	s26 =	simm.s32 $execute0_lowered;
	[smem:$0x3FD2] =	sst s25  }
0xb5: {  	s5 =	sshll.u32 s26, $0x1;
	_ =	strace $0x80000049;
	[dreg:$0x1] =	wrdreg $0xFFFFFFFF  }
0xb6: {  	s28 =	simm.s32 $_size_execute0_lowered;
	s3 =	sadd.s32 s3, s5;
	[dreg:$0x0] =	wrdreg $0x0  }
0xb7: {  	s5 =	sshll.u32 s28, $0x1;
	[dreg:$0x2] =	wrdreg s3  }
0xb8: {  	[dreg:$0x3] =	wrdreg s5  }
0xb9: {  	[dreg:$0x4] =	wrdreg $0xC0  }
0xba: {  	_ =	task [dreg:s22], $0x5FFFF  }
0xbb: {  	[dreg:$0x1] =	wrdreg $0xFFFFFFFF  }
0xbc: {  	[dreg:$0x0] =	wrdreg $0x60  }
0xbd: {  	[dreg:$0x2] =	wrdreg s24  }
0xbe: {  	[dreg:$0x3] =	wrdreg $0xC0000  }
0xbf: {  	[dreg:$0x4] =	wrdreg $0xC  }
0xc0: {  	_ =	task.clear_ibuf [dreg:s22], $0x5FFFF;
	_ =	strace $0x90000049  }
0xc1: {  	s29 =	simm.s32 $0xC;
	_ =	strace $0x8000004B  }
0xc2: {  	_ =	swait.ge [sflag:s29], $0x1  }
0xc3: {  	[sflag:s29] =	ssyncadd.s32 $0xFFFFFFFF  }
0xc4: {  	_ =	strace $0x9000004B  }
0xc5: {  	_ =	sfence  }
0xc6: {  	s30 =	sld [smem:$0x0];
	_ =	sdelay $0x2  }
0xc7: {  	s31 =	sshll.u32 s1, $0xD;
	s1 =	sshrl.u32 s1, $0x2  }
0xc8: {  	s4 =	sand.u32 $0x4000, s31;
	s1 =	sadd.s32 s1, s30  }
0xc9: {  	s0 =	sor.u32 s4, s0;
	s1 =	sshll.u32 s1, $0x11  }
0xca: {  	s0 =	sor.u32 s1, s0  }
0xcb: {  	s0 =	sadd.s32 $0x8F2B, s0  }
0xcc: {  	[sflag:s0] =	ssyncadd.remote.s32 $0x1  }
0xcd: {  	_ =	sfence.sel $0xFFFF  }
0xce: {  	[dreg:$0x0] =	wrdreg $0xFFFFFFFF;
	(pc) =	sbr.abs _section_cstart, $3  }
0xcf: {  	[dreg:$0x1] =	wrdreg $0xFFFFFFFF  }
0xd0: {  	_ =	task.clear_ibuf [dreg:s22], $0x2FFFF;
	_ =	strace $0x9FFFFFFF  }
0xd1: {  	(tm) =	ssettm $0x7FFFFFFF  }
tec
execute0_lowered:
.L_overlay_start_1:
0x0: {  	(tag) =	ssettag $0x1  }
0x1: {  	s4 =	rddreg [dreg:$0x0]  }
0x2: {  	s2 =	rddreg [dreg:$0x1]  }
0x3: {  	s1 =	stileid.u32;
	s3 =	simm.s32 $0x0;
	s6 =	srdreg.scid  }
0x4: {  	s13 =	simm.s32 $0x1000;
	s14 =	simm.s32 $0x50;
	s15 =	simm.s32 $0x2000  }
0x5: {  	s16 =	simm.s32 $0x7000;
	s17 =	simm.s32 $0x6;
	s18 =	simm.s32 $0x8  }
0x6: {  	s19 =	simm.s32 $0x5;
	s20 =	simm.s32 $0x7;
	s5 =	smul.u32 $0x2800, s1  }
0x7: {  	s21 =	simm.s32 $0x0;
	[smem:$0x7FF] =	sst s3;
	s26 =	smul.u32 $0x50000, s1  }
0x8: {  	s6 =	sand.u32 $0x1, s6;
	s8 =	sshll.u32 s1, $0x9;
	s30 =	smul.u32 $0x7D00, s1  }
0x9: {  	s31 =	sshll.u32 s1, $0x6;
	_ =	strace $0x8000004A;
	s7 =	sshll.u32 s6, $0xD  }
0xa: {  	s9 =	smul.u32 $0x7D000, s6;
	s6 =	ssub.s32 $0x2, s6;
	s5 =	sadd.s32 s5, s4  }
0xb: {  	s7 =	sor.u32 s8, s7;
	s28 =	sshrl.u32 s6, $0x1;
	s29 =	sshrl.u32 s26, $0x2  }
.Ltmp0:
0xc: {  	s7 =	sadd.s32 s7, s4;
	s9 =	sadd.s32 s9, s4;
	(pc) =	sbr.rel .LBB2_1-.Ltmp0, $4  }
0xd: {  	s10 =	ssub.s32 s6, s28;
	s11 =	sadd.s32 s29, s2;
	s4 =	sadd.s32 $0xB800, s5  }
0xe: {  	s5 =	sor.u32 $0x1C09, s31;
	s6 =	sadd.s32 $0x23F400, s7;
	s12 =	sadd.s32 s30, s9  }
0xf: {  	s7 =	sadd.s32 $0x23B400, s7;
	s8 =	smax.u32 s10, $0x1;
	s9 =	sadd.s32 $0x25B400, s12  }
0x10: {  	s11 =	sshrl.u32 s11, $0x3;
	s10 =	sadd.s32 $0x355400, s12;
	s12 =	simm.s32 $0x9  }
.LBB2_8:
0x11: {  	_ =	swait.ge [sflag:s17], $0x2800  }
0x12: {  	[sflag:s17] =	ssyncset.done $0x0  }
0x13: {  	[sflag:s17] =	ssyncadd.s32 $0xFFFFD800  }
0x14: {  	_ =	swait.ge [sflag:s18], $0x2800  }
0x15: {  	[sflag:s18] =	ssyncset.done $0x0  }
0x16: {  	s21 =	sadd.s32 $0x1, s21;
	[sflag:s18] =	ssyncadd.s32 $0xFFFFD800  }
0x17: {  	p0 =	sne.s32 s21, s8;
	_ =	swait.ge [sflag:s19], $0x2800  }
.Ltmp1:
0x18: {  	[sflag:s19] =	ssyncset.done $0x0;
	(pc) =	sbr.rel @!p0 .LBB2_9-.Ltmp1, $4  }
0x19: {  	[sflag:s19] =	ssyncadd.s32 $0xFFFFD800  }
0x1a: {  	_ =	swait.ge [sflag:s20], $0x2800  }
0x1b: {  	[sflag:s20] =	ssyncset.done $0x0  }
0x1c: {  	[sflag:s20] =	ssyncadd.s32 $0xFFFFD800  }
.LBB2_1:
0x1d: {  	[spmem:s11], [sflag:s5] =	dma.local [hbm:s4], $0x2800  }
0x1e: {  	_ =	swait.ge [sflag:s12], $0x2800  }
0x1f: {  	[sflag:s12] =	ssyncset.done $0x0  }
0x20: {  	[sflag:s12] =	ssyncadd.s32 $0xFFFFD800  }
0x21: {  	[tilespmem:s3], [sflag:$0x9] =	stream.linear.gather [hbm4b:s6+s3], $0xC80, $0x38;
	v63 =	vld [tilespmem:$0x0]  }
0x22: {  	_ =	swait.ge [sflag:s12], $0xC80  }
0x23: {  	[sflag:s12] =	ssyncset.done $0x0  }
0x24: {  	[sflag:s12] =	ssyncadd.s32 $0xFFFFF380  }
0x25: {  	[tilespmem:s13], [sflag:$0x9] =	stream.linear.gather [hbm4b:s7+s3], $0xC80, $0x38;
	v63 =	vld [tilespmem:$0x0]  }
0x26: {  	_ =	swait.ge [sflag:s12], $0xC80  }
0x27: {  	[sflag:s12] =	ssyncset.done $0x0  }
.Ltmp2:
0x28: {  	[sflag:s12] =	ssyncadd.s32 $0xFFFFF380;
	(pc) =	sbr.rel .LBB2_2-.Ltmp2, $4  }
0x29: {  	s22 =	simm.s32 $0x80;
	s23 =	simm.s32 $0x1080;
	[bflag:$0x0] =	sbarrier.arrive $0xFFFF  }
0x2a: {  	[tilespmem:s15], [sflag:$0x1] =	stream.indirect.gather [spmem:s2], $0x80, s3, s14, $0xb8;
	v63 =	vld [tilespmem:$0x0]  }
0x2b: {  	s24 =	smov.u32 s10;
	s25 =	smov.u32 s9;
	s26 =	simm.s32 $0x0  }
0x2c: {  	[tilespmem:s16], [sflag:$0x3] =	stream.indirect.gather [spmem:s2], $0x80, s13, s14, $0xb8;
	v63 =	vld [tilespmem:$0x0]  }
.LBB2_3:
0x2d: {  	s29 =	simm.s32 $0x1  }
.LBB2_6:
0x2e: {  	s30 =	smul.u32 $0x2800, s29;
	_ =	sdelay $0x1  }
0x2f: {  	s0 =	sadd.s32 $0x1, s29;
	s31 =	sadd.s32 $0x2000, s30  }
0x30: {  	[tilespmem:s31], [sflag:s0] =	stream.indirect.gather [spmem:s2], $0x80, s22, s14, $0xb8;
	v63 =	vld [tilespmem:$0x0]  }
0x31: {  	s30 =	sadd.s32 $0x7000, s30;
	s31 =	sadd.s32 $0x3, s29  }
0x32: {  	[tilespmem:s30], [sflag:s31] =	stream.indirect.gather [spmem:s2], $0x80, s23, s14, $0xb8;
	v63 =	vld [tilespmem:$0x0]  }
.LBB2_7:
0x33: {  	s0 =	sadd.s32 $0x1, s28  }
0x34: {  	_ =	swait.ge [sflag:s0], $0x2800  }
0x35: {  	[sflag:s0] =	ssyncset.done $0x0  }
0x36: {  	s30 =	sadd.s32 $0x3, s28;
	[sflag:s0] =	ssyncadd.s32 $0xFFFFD800  }
0x37: {  	s29 =	smul.u32 $0x2800, s28;
	s26 =	sadd.s32 $0x1, s26;
	_ =	swait.ge [sflag:s30], $0x2800  }
0x38: {  	s31 =	sadd.s32 $0x5, s28;
	p0 =	sne.s32 s26, $0x19;
	[sflag:s30] =	ssyncset.done $0x0  }
.Ltmp3:
0x39: {  	[sflag:s30] =	ssyncadd.s32 $0xFFFFD800;
	s30 =	sadd.s32 $0x2000, s29;
	(pc) =	sbr.rel @!p0 .LBB2_8-.Ltmp3, $4  }
0x3a: {  	[hbm4b:s25+s3] =	stream.linear.scatter [tilespmem:s30], [sflag:s31], $0x2800, $0x38;
	v63 =	vld [tilespmem:$0x0]  }
0x3b: {  	s22 =	sadd.s32 $0x80, s22;
	s30 =	sadd.s32 $0x7000, s29;
	s31 =	sadd.s32 $0x7, s28  }
0x3c: {  	[hbm4b:s24+s3] =	stream.linear.scatter [tilespmem:s30], [sflag:s31], $0x2800, $0x38;
	v63 =	vld [tilespmem:$0x0]  }
0x3d: {  	s23 =	sadd.s32 $0x80, s23;
	s25 =	sadd.s32 $0x500, s25;
	s24 =	sadd.s32 $0x500, s24  }
.LBB2_2:
0x3e: {  	p0 =	seq.s32 s26, $0x0  }
.Ltmp4:
0x3f: {  	_ = 	snop;
	(pc) =	sbr.rel @p0 .LBB2_3-.Ltmp4, $2  }
0x40: {  	_ =	sdelay $0x2  }
0x41: {  	s28 =	sand.u32 $0x1, s26  }
0x42: {  	p0 =	seq.s32 s26, $0x18  }
.Ltmp5:
0x43: {  	_ = 	snop;
	(pc) =	sbr.rel @p0 .LBB2_7-.Ltmp5, $1  }
0x44: {  	_ =	sdelay $0x3  }
0x45: {  	s29 =	sxor.u32 $0x1, s28  }
0x46: {  	s30 =	sadd.s32 $0x5, s29  }
0x47: {  	_ =	swait.ge [sflag:s30], $0x2800  }
.Ltmp6:
0x48: {  	[sflag:s30] =	ssyncset.done $0x0;
	(pc) =	sbr.rel .LBB2_6-.Ltmp6, $4  }
0x49: {  	s31 =	sadd.s32 $0x7, s29;
	[sflag:s30] =	ssyncadd.s32 $0xFFFFD800  }
0x4a: {  	_ =	swait.ge [sflag:s31], $0x2800  }
0x4b: {  	[sflag:s31] =	ssyncset.done $0x0  }
0x4c: {  	[sflag:s31] =	ssyncadd.s32 $0xFFFFD800  }
.LBB2_9:
0x4d: {  	_ =	sfence.sel $0x180000  }
0x4e: {  	[bflag:$0x0] =	sbarrier.arrive $0xFFFF  }
0x4f: {  	_ =	strace $0x9000004A  }
0x50: {  	[bflag:$0x2] =	sbarrier.arrive $0xFFFF  }
0x51: {  	p0 =	sne.s32 s1, $0x0;
	s0 =	rddreg [dreg:$0x2]  }
0x52: {  	s0 =	sadd.s32 @!p0 $0x100000, s0  }
0x53: {  	[sflag:s0] =	ssyncadd.tile.s32 @!p0 $0x1;
	_ =	shalt  }
.Lfunc_end2:
_tile_overlayer_lowered:
.L_overlay_start_2:
0x54: {  	(tag) =	ssettag $0x2  }
0x55: {  	s0 =	rddreg [dreg:$0x0];
	s2 =	stileid.u32  }
0x56: {  	s1 =	rddreg [dreg:$0x1];
	p0 =	sne.s32 s2, $0x0  }
0x57: {  	s3 =	rddreg [dreg:$0x2];
	[bflag:$0x3] =	sbarrier.arrive $0xFFFF;
	s2 =	simm.s32 @!p0 $0x1C09  }
0x58: {  	[timem:s3], [sflag:s2] =	dma.local @!p0 [hbm:s0], s1  }
0x59: {  	s0 =	simm.s32 @!p0 $0x9  }
0x5a: {  	_ =	swait.ge @!p0 [sflag:s0], s1  }
0x5b: {  	s1 =	ssub.s32 @!p0 $0x0, s1;
	[sflag:s0] =	ssyncset.done @!p0 $0x0  }
0x5c: {  	[sflag:s0] =	ssyncadd.s32 @!p0 s1  }
0x5d: {  	[bflag:$0x3] =	sbarrier.arrive $0xFFFF  }
0x5e: {  	_ =	shalt  }

// kernel: kernel.21.cloned.1.call-start
scs
__scs_entry_jumppad:
0x0: {  	(pc) =	sbr.rel $0x88, $3  }
0x1: {  	(tag) =	ssettag $0x0;
	lr =	simm.s32 $0x1  }
0x2: {  	[smem:$0x3F96] =	sst lr;
	_ =	strace $0xD0000000  }
0x3: {  	_ = 	snop  }
0x4: {  	_ = 	snop  }
0x5: {  	_ = 	snop  }
0x6: {  	_ = 	snop  }
0x7: {  	_ = 	snop  }
__scs_overlays_trampoline_lowered:
0x8: {  	[smem:$0x3FA5] =	sst s0  }
0x9: {  	[smem:$0x3FA6] =	sst s1  }
0xa: {  	[smem:$0x3FA7] =	sst s2  }
0xb: {  	[smem:$0x3FA8] =	sst s3  }
0xc: {  	[smem:$0x3FA9] =	sst s4  }
0xd: {  	[smem:$0x3FAA] =	sst s5  }
0xe: {  	[smem:$0x3FAB] =	sst s6  }
0xf: {  	[smem:$0x3FAC] =	sst s7  }
0x10: {  	[smem:$0x3FAD] =	sst s8  }
0x11: {  	[smem:$0x3FAE] =	sst s9;
	s0 =	simm.s32 @!p0 $0x0  }
0x12: {  	s1 =	sld [smem:$0x3F94];
	s0 =	simm.s32 @p0 $0x1  }
0x13: {  	[smem:$0x3FAF] =	sst s0;
	s0 =	simm.s32 @!p1 $0x0  }
0x14: {  	s2 =	sld [smem:$0x3F93];
	s0 =	simm.s32 @p1 $0x1  }
0x15: {  	[smem:$0x3FB0] =	sst s0;
	s0 =	simm.s32 @!p2 $0x0  }
0x16: {  	s3 =	sld [smem:$0x3FDB];
	s0 =	simm.s32 @p2 $0x1  }
0x17: {  	s4 =	simm.s32 $0x1BF5;
	[smem:$0x3FB2] =	sst s0  }
0x18: {  	s0 =	sld [smem:$0x3F95];
	_ =	swait.ge [sflag:s4], $0x0  }
0x19: {  	s7 =	sld [smem:$0x3F96]  }
0x1a: {  	s8 =	sadd.s32 $0xFFFFE003, lr  }
0x1b: {  	s9 =	sadd.s32 $0xFFFFFEF7, lr;
	s5 =	simm.s32 $0xFFFFFFFF;
	p2 =	slt.u32 s8, $0xFFFFF086  }
0x1c: {  	p1 =	slt.u32 s9, $0xF7A;
	s5 =	simm.s32 @!p2 $0x0  }
0x1d: {  	s5 =	simm.s32 @p1 $0x1;
	p0 =	seq.s32 s7, s2  }
0x1e: {  	s7 =	smul.u32 @!p0 $0xF7A, s2;
	p2 =	seq.s32 @!p0 s5, $0x0  }
0x1f: {  	s9 =	smul.u32 $0xF7A, s1;
	s8 =	simm.s32 @!p0 $0x1BF5;
	p2 =	por !p2, p0  }
0x20: {  	[sflag:s8] =	ssyncset.s32 @!p0 $0xFFFFF086;
	s6 =	sadd.s32 @!p0 s3, s7;
	s7 =	simm.s32 @!p0 $0x108  }
0x21: {  	s3 =	sadd.s32 s3, s9;
	s6 =	sadd.s32 @!p0 $0x88, s6;
	s7 =	simm.s32 @p2 $0x1082  }
0x22: {  	[simem:s7], [sflag:s8] =	dma.local @!p0 [hbm:s6], $0xF7A  }
0x23: {  	s9 =	sor.u32 $0xD0000000, s2;
	s6 =	simm.s32 $0x108;
	_ =	swait.ge @!p0 [sflag:s8], $0x0  }
0x24: {  	s3 =	sadd.s32 $0x88, s3;
	s6 =	simm.s32 @!p1 $0x1082;
	[sflag:s4] =	ssyncset.s32 $0xFFFFF086  }
0x25: {  	[simem:s6], [sflag:s4] =	dma.local [hbm:s3], $0xF7A  }
0x26: {  	[smem:$0x3F96] =	sst s1;
	(tag) =	ssettag s2;
	_ =	strace s9  }
0x27: {  	s1 =	sld [smem:$0x3FA6]  }
0x28: {  	s2 =	sld [smem:$0x3FA7]  }
0x29: {  	s4 =	sld [smem:$0x3FA9]  }
0x2a: {  	p0 =	seq.s32 s5, $0x0;
	s5 =	sld [smem:$0x3FAA]  }
0x2b: {  	s6 =	sld [smem:$0x3FAB]  }
0x2c: {  	s7 =	sld [smem:$0x3FAC]  }
0x2d: {  	s3 =	simm.s32 $0x108;
	s8 =	sld [smem:$0x3FAD]  }
0x2e: {  	s3 =	simm.s32 @!p0 $0x1082;
	s9 =	sld [smem:$0x3FAE]  }
0x2f: {  	lr =	sadd.s32 s0, s3;
	s0 =	sld [smem:$0x3FA5]  }
0x30: {  	s3 =	sld [smem:$0x3FA8]  }
0x31: {  	[smem:$0x3FB1] =	sst s10  }
0x32: {  	s10 =	sld [smem:$0x3FAF];
	_ =	sdelay $0x3  }
0x33: {  	p0 =	seq.s32 s10, $0x1;
	s10 =	sld [smem:$0x3FB1];
	_ =	sdelay $0x3  }
0x34: {  	[smem:$0x3FB1] =	sst s10  }
0x35: {  	s10 =	sld [smem:$0x3FB0];
	_ =	sdelay $0x3  }
0x36: {  	p1 =	seq.s32 s10, $0x1;
	s10 =	sld [smem:$0x3FB1];
	_ =	sdelay $0x3  }
0x37: {  	[smem:$0x3FB1] =	sst s10  }
0x38: {  	s10 =	sld [smem:$0x3FB2]  }
0x39: {  	_ = 	snop;
	(pc) =	sbr.ind lr, $3  }
0x3a: {  	_ = 	snop  }
0x3b: {  	_ = 	snop  }
0x3c: {  	p2 =	seq.s32 s10, $0x1;
	s10 =	sld [smem:$0x3FB1]  }
0x3d: {  	_ =	shalt  }
0x3e: {  	_ =	shalt  }
0x3f: {  	_ =	shalt  }
0x40: {  	_ =	shalt  }
0x41: {  	_ =	shalt  }
0x42: {  	_ =	shalt  }
0x43: {  	_ =	shalt  }
0x44: {  	_ =	shalt  }
0x45: {  	_ =	shalt  }
0x46: {  	_ =	shalt  }
0x47: {  	_ =	shalt  }
0x48: {  	_ =	shalt  }
0x49: {  	_ =	shalt  }
0x4a: {  	_ =	shalt  }
0x4b: {  	_ =	shalt  }
0x4c: {  	_ =	shalt  }
0x4d: {  	_ =	shalt  }
0x4e: {  	_ =	shalt  }
0x4f: {  	_ =	shalt  }
0x50: {  	_ =	shalt  }
0x51: {  	_ =	shalt  }
0x52: {  	_ =	shalt  }
0x53: {  	_ =	shalt  }
0x54: {  	_ =	shalt  }
0x55: {  	_ =	shalt  }
0x56: {  	_ =	shalt  }
0x57: {  	_ =	shalt  }
0x58: {  	_ =	shalt  }
0x59: {  	_ =	shalt  }
0x5a: {  	_ =	shalt  }
0x5b: {  	_ =	shalt  }
0x5c: {  	_ =	shalt  }
0x5d: {  	_ =	shalt  }
0x5e: {  	_ =	shalt  }
0x5f: {  	_ =	shalt  }
0x60: {  	_ =	shalt  }
0x61: {  	_ =	shalt  }
0x62: {  	_ =	shalt  }
0x63: {  	_ =	shalt  }
0x64: {  	_ =	shalt  }
0x65: {  	_ =	shalt  }
0x66: {  	_ =	shalt  }
0x67: {  	_ =	shalt  }
0x68: {  	_ =	shalt  }
0x69: {  	_ =	shalt  }
0x6a: {  	_ =	shalt  }
0x6b: {  	_ =	shalt  }
0x6c: {  	_ =	shalt  }
0x6d: {  	_ =	shalt  }
0x6e: {  	_ =	shalt  }
0x6f: {  	_ =	shalt  }
0x70: {  	_ =	shalt  }
0x71: {  	_ =	shalt  }
0x72: {  	_ =	shalt  }
0x73: {  	_ =	shalt  }
0x74: {  	_ =	shalt  }
0x75: {  	_ =	shalt  }
0x76: {  	_ =	shalt  }
0x77: {  	_ =	shalt  }
0x78: {  	_ =	shalt  }
0x79: {  	_ =	shalt  }
0x7a: {  	_ =	shalt  }
0x7b: {  	_ =	shalt  }
0x7c: {  	_ =	shalt  }
0x7d: {  	_ =	shalt  }
0x7e: {  	_ =	shalt  }
0x7f: {  	_ =	shalt  }
0x80: {  	_ =	shalt  }
0x81: {  	_ =	shalt  }
0x82: {  	_ =	shalt  }
0x83: {  	_ =	shalt  }
0x84: {  	_ =	shalt  }
0x85: {  	_ =	shalt  }
0x86: {  	_ =	shalt  }
0x87: {  	_ =	shalt  }
.Lfunc_end0:
.L_simem_size_0:
called_computation.2_lowered:
.L_overlay_start_0:
0x88: {  	s2 =	sld [smem:$0x3FD9]  }
0x89: {  	s3 =	sld [smem:$0x3FFE];
	_ =	sdelay $0x1  }
0x8a: {  	s1 =	srdreg.scid  }
0x8b: {  	s0 =	sand.u32 $0x1, s1  }
0x8c: {  	s17 =	sshll.u32 s0, $0xA;
	s2 =	sadd.s32 s3, s2  }
0x8d: {  	s2 =	sadd.s32 s2, s17  }
0x8e: {  	[smem:$0x3FBD] =	sst s2  }
0x8f: {  	_ = 	snop  }
0x90: {  	(tm) =	ssettm $0x1  }
0x91: {  	s18 =	sld [smem:$0x3FFB];
	_ =	sdelay $0x3  }
0x92: {  	_ =	strace s18  }
0x93: {  	s2 =	sld [smem:$0x3FFC];
	_ =	sdelay $0x3  }
0x94: {  	_ =	strace s2  }
0x95: {  	s2 =	sld [smem:$0x3FFD];
	_ =	sdelay $0x3  }
0x96: {  	_ =	strace s2  }
0x97: {  	_ =	strace $0x8FFFFFFF  }
0x98: {  	s19 =	sld [smem:$0x3FDB];
	_ =	sdelay $0x1  }
0x99: {  	s20 =	simm.s32 $_scs_section_size  }
0x9a: {  	s4 =	simm.s32 $_size__tile_overlayer_lowered;
	s5 =	simm.s32 $_tile_overlayer_lowered  }
0x9b: {  	s6 =	simm.s32 $0x1BFF;
	s21 =	sshll.u32 s5, $0x1;
	s3 =	sadd.s32 s20, s19  }
0x9c: {  	s22 =	simm.s32 $0x0;
	s4 =	sshll.u32 s4, $0x1;
	s5 =	sadd.s32 s21, s3  }
0x9d: {  	[timem:s22], [sflag:s6] =	dma.local [hbm:s5], s4  }
0x9e: {  	_ =	swait.ge [sflag:s6], s4  }
0x9f: {  	s4 =	ssub.s32 $0x0, s4;
	[sflag:s6] =	ssyncset.done $0x0  }
0xa0: {  	[sflag:s6] =	ssyncadd.s32 s4;
	_ =	sdelay $0x1  }
0xa1: {  	s23 =	simm.s32 $0x1B8B  }
0xa2: {  	_ =	swait.ge [sflag:s23], $0x1  }
0xa3: {  	[sflag:s23] =	ssyncset.done $0x0  }
0xa4: {  	[sflag:s23] =	ssyncadd.s32 $0xFFFFFFFF  }
0xa5: {  	s4 =	sld [smem:$0x0]  }
0xa6: {  	s5 =	sand.u32 $0xFFFFFFFE, s1  }
0xa7: {  	p0 =	sne.s32 s1, s5  }
0xa8: {  	s5 =	sshll.u32 @p0 s5, $0xE  }
0xa9: {  	s5 =	sadd.s32 @p0 $0x11B8D, s5;
	s6 =	sshll.u32 @p0 s4, $0x11  }
0xaa: {  	s5 =	sor.u32 @p0 s6, s5  }
0xab: {  	[sflag:s5] =	ssyncadd.remote.s32 @p0 $0x1;
	_ =	sdelay $0x1  }
0xac: {  	s5 =	simm.s32 @p0 $0x1B8D  }
0xad: {  	_ =	swait.eq @p0 [sflag:s5], $0x1  }
0xae: {  	[sflag:s5] =	ssyncadd.s32 @p0 $0xFFFFFFFF  }
0xaf: {  	s6 =	sshll.u32 @!p0 s1, $0xE  }
0xb0: {  	s6 =	sor.u32 @!p0 $0x4000, s6;
	s5 =	simm.s32 @!p0 $0x1B8D  }
0xb1: {  	s4 =	sshll.u32 @!p0 s4, $0x11;
	s6 =	sadd.s32 @!p0 $0x11B8D, s6;
	_ =	swait.eq @!p0 [sflag:s5], $0x1  }
0xb2: {  	s4 =	sor.u32 @!p0 s4, s6;
	[sflag:s5] =	ssyncadd.s32 @!p0 $0xFFFFFFFF  }
0xb3: {  	s25 =	simm.s32 $0x1B8E;
	s24 =	sld [smem:$0x3FFE];
	[sflag:s4] =	ssyncadd.remote.s32 @!p0 $0x1  }
0xb4: {  	s26 =	simm.s32 $execute0_lowered;
	[smem:$0x3FD2] =	sst s25  }
0xb5: {  	s5 =	sshll.u32 s26, $0x1;
	_ =	strace $0x8000004C;
	[dreg:$0x1] =	wrdreg $0xFFFFFFFF  }
0xb6: {  	s28 =	simm.s32 $_size_execute0_lowered;
	s3 =	sadd.s32 s3, s5;
	[dreg:$0x0] =	wrdreg $0x0  }
0xb7: {  	s5 =	sshll.u32 s28, $0x1;
	[dreg:$0x2] =	wrdreg s3  }
0xb8: {  	[dreg:$0x3] =	wrdreg s5  }
0xb9: {  	[dreg:$0x4] =	wrdreg $0xC0  }
0xba: {  	_ =	task [dreg:s22], $0x5FFFF  }
0xbb: {  	[dreg:$0x1] =	wrdreg $0xFFFFFFFF  }
0xbc: {  	[dreg:$0x0] =	wrdreg $0x60  }
0xbd: {  	[dreg:$0x2] =	wrdreg s24  }
0xbe: {  	[dreg:$0x3] =	wrdreg $0xC0000  }
0xbf: {  	[dreg:$0x4] =	wrdreg $0xD  }
0xc0: {  	_ =	task.clear_ibuf [dreg:s22], $0x5FFFF;
	_ =	strace $0x9000004C  }
0xc1: {  	s29 =	simm.s32 $0xD;
	_ =	strace $0x8000004E  }
0xc2: {  	_ =	swait.ge [sflag:s29], $0x1  }
0xc3: {  	[sflag:s29] =	ssyncadd.s32 $0xFFFFFFFF  }
0xc4: {  	_ =	strace $0x9000004E  }
0xc5: {  	_ =	sfence  }
0xc6: {  	s30 =	sld [smem:$0x0];
	_ =	sdelay $0x2  }
0xc7: {  	s31 =	sshll.u32 s1, $0xD;
	s1 =	sshrl.u32 s1, $0x2  }
0xc8: {  	s4 =	sand.u32 $0x4000, s31;
	s1 =	sadd.s32 s1, s30  }
0xc9: {  	s0 =	sor.u32 s4, s0;
	s1 =	sshll.u32 s1, $0x11  }
0xca: {  	s0 =	sor.u32 s1, s0  }
0xcb: {  	s0 =	sadd.s32 $0x8F2B, s0  }
0xcc: {  	[sflag:s0] =	ssyncadd.remote.s32 $0x1  }
0xcd: {  	_ =	sfence.sel $0xFFFF  }
0xce: {  	[dreg:$0x0] =	wrdreg $0xFFFFFFFF;
	(pc) =	sbr.abs _section_cstart, $3  }
0xcf: {  	[dreg:$0x1] =	wrdreg $0xFFFFFFFF  }
0xd0: {  	_ =	task.clear_ibuf [dreg:s22], $0x2FFFF;
	_ =	strace $0x9FFFFFFF  }
0xd1: {  	(tm) =	ssettm $0x7FFFFFFF  }
tec
execute0_lowered:
.L_overlay_start_1:
0x0: {  	(tag) =	ssettag $0x1  }
0x1: {  	s4 =	rddreg [dreg:$0x0]  }
0x2: {  	s2 =	rddreg [dreg:$0x1]  }
0x3: {  	s1 =	stileid.u32;
	s3 =	simm.s32 $0x0;
	s6 =	srdreg.scid  }
0x4: {  	s13 =	simm.s32 $0x1000;
	s14 =	simm.s32 $0x50;
	s15 =	simm.s32 $0x2000  }
0x5: {  	s16 =	simm.s32 $0x7000;
	s17 =	simm.s32 $0x6;
	s18 =	simm.s32 $0x8  }
0x6: {  	s19 =	simm.s32 $0x5;
	s20 =	simm.s32 $0x7;
	s5 =	smul.u32 $0x2800, s1  }
0x7: {  	s21 =	simm.s32 $0x0;
	[smem:$0x7FF] =	sst s3;
	s26 =	smul.u32 $0x50000, s1  }
0x8: {  	s6 =	sand.u32 $0x1, s6;
	s8 =	sshll.u32 s1, $0x9;
	s30 =	smul.u32 $0x7D00, s1  }
0x9: {  	s31 =	sshll.u32 s1, $0x6;
	_ =	strace $0x8000004D;
	s7 =	sshll.u32 s6, $0xD  }
0xa: {  	s9 =	smul.u32 $0x7D000, s6;
	s6 =	ssub.s32 $0x2, s6;
	s5 =	sadd.s32 s5, s4  }
0xb: {  	s7 =	sor.u32 s8, s7;
	s28 =	sshrl.u32 s6, $0x1;
	s29 =	sshrl.u32 s26, $0x2  }
.Ltmp0:
0xc: {  	s7 =	sadd.s32 s7, s4;
	s9 =	sadd.s32 s9, s4;
	(pc) =	sbr.rel .LBB2_1-.Ltmp0, $4  }
0xd: {  	s10 =	ssub.s32 s6, s28;
	s11 =	sadd.s32 s29, s2;
	s4 =	sadd.s32 $0xB800, s5  }
0xe: {  	s5 =	sor.u32 $0x1C09, s31;
	s6 =	sadd.s32 $0x247400, s7;
	s12 =	sadd.s32 s30, s9  }
0xf: {  	s7 =	sadd.s32 $0x243400, s7;
	s8 =	smax.u32 s10, $0x1;
	s9 =	sadd.s32 $0x44F400, s12  }
0x10: {  	s11 =	sshrl.u32 s11, $0x3;
	s10 =	sadd.s32 $0x549400, s12;
	s12 =	simm.s32 $0x9  }
.LBB2_8:
0x11: {  	_ =	swait.ge [sflag:s17], $0x2800  }
0x12: {  	[sflag:s17] =	ssyncset.done $0x0  }
0x13: {  	[sflag:s17] =	ssyncadd.s32 $0xFFFFD800  }
0x14: {  	_ =	swait.ge [sflag:s18], $0x2800  }
0x15: {  	[sflag:s18] =	ssyncset.done $0x0  }
0x16: {  	s21 =	sadd.s32 $0x1, s21;
	[sflag:s18] =	ssyncadd.s32 $0xFFFFD800  }
0x17: {  	p0 =	sne.s32 s21, s8;
	_ =	swait.ge [sflag:s19], $0x2800  }
.Ltmp1:
0x18: {  	[sflag:s19] =	ssyncset.done $0x0;
	(pc) =	sbr.rel @!p0 .LBB2_9-.Ltmp1, $4  }
0x19: {  	[sflag:s19] =	ssyncadd.s32 $0xFFFFD800  }
0x1a: {  	_ =	swait.ge [sflag:s20], $0x2800  }
0x1b: {  	[sflag:s20] =	ssyncset.done $0x0  }
0x1c: {  	[sflag:s20] =	ssyncadd.s32 $0xFFFFD800  }
.LBB2_1:
0x1d: {  	[spmem:s11], [sflag:s5] =	dma.local [hbm:s4], $0x2800  }
0x1e: {  	_ =	swait.ge [sflag:s12], $0x2800  }
0x1f: {  	[sflag:s12] =	ssyncset.done $0x0  }
0x20: {  	[sflag:s12] =	ssyncadd.s32 $0xFFFFD800  }
0x21: {  	[tilespmem:s3], [sflag:$0x9] =	stream.linear.gather [hbm4b:s6+s3], $0xC80, $0x38;
	v63 =	vld [tilespmem:$0x0]  }
0x22: {  	_ =	swait.ge [sflag:s12], $0xC80  }
0x23: {  	[sflag:s12] =	ssyncset.done $0x0  }
0x24: {  	[sflag:s12] =	ssyncadd.s32 $0xFFFFF380  }
0x25: {  	[tilespmem:s13], [sflag:$0x9] =	stream.linear.gather [hbm4b:s7+s3], $0xC80, $0x38;
	v63 =	vld [tilespmem:$0x0]  }
0x26: {  	_ =	swait.ge [sflag:s12], $0xC80  }
0x27: {  	[sflag:s12] =	ssyncset.done $0x0  }
.Ltmp2:
0x28: {  	[sflag:s12] =	ssyncadd.s32 $0xFFFFF380;
	(pc) =	sbr.rel .LBB2_2-.Ltmp2, $4  }
0x29: {  	s22 =	simm.s32 $0x80;
	s23 =	simm.s32 $0x1080;
	[bflag:$0x0] =	sbarrier.arrive $0xFFFF  }
0x2a: {  	[tilespmem:s15], [sflag:$0x1] =	stream.indirect.gather [spmem:s2], $0x80, s3, s14, $0xb8;
	v63 =	vld [tilespmem:$0x0]  }
0x2b: {  	s24 =	smov.u32 s10;
	s25 =	smov.u32 s9;
	s26 =	simm.s32 $0x0  }
0x2c: {  	[tilespmem:s16], [sflag:$0x3] =	stream.indirect.gather [spmem:s2], $0x80, s13, s14, $0xb8;
	v63 =	vld [tilespmem:$0x0]  }
.LBB2_3:
0x2d: {  	s29 =	simm.s32 $0x1  }
.LBB2_6:
0x2e: {  	s30 =	smul.u32 $0x2800, s29;
	_ =	sdelay $0x1  }
0x2f: {  	s0 =	sadd.s32 $0x1, s29;
	s31 =	sadd.s32 $0x2000, s30  }
0x30: {  	[tilespmem:s31], [sflag:s0] =	stream.indirect.gather [spmem:s2], $0x80, s22, s14, $0xb8;
	v63 =	vld [tilespmem:$0x0]  }
0x31: {  	s30 =	sadd.s32 $0x7000, s30;
	s31 =	sadd.s32 $0x3, s29  }
0x32: {  	[tilespmem:s30], [sflag:s31] =	stream.indirect.gather [spmem:s2], $0x80, s23, s14, $0xb8;
	v63 =	vld [tilespmem:$0x0]  }
.LBB2_7:
0x33: {  	s0 =	sadd.s32 $0x1, s28  }
0x34: {  	_ =	swait.ge [sflag:s0], $0x2800  }
0x35: {  	[sflag:s0] =	ssyncset.done $0x0  }
0x36: {  	s30 =	sadd.s32 $0x3, s28;
	[sflag:s0] =	ssyncadd.s32 $0xFFFFD800  }
0x37: {  	s29 =	smul.u32 $0x2800, s28;
	s26 =	sadd.s32 $0x1, s26;
	_ =	swait.ge [sflag:s30], $0x2800  }
0x38: {  	s31 =	sadd.s32 $0x5, s28;
	p0 =	sne.s32 s26, $0x19;
	[sflag:s30] =	ssyncset.done $0x0  }
.Ltmp3:
0x39: {  	[sflag:s30] =	ssyncadd.s32 $0xFFFFD800;
	s30 =	sadd.s32 $0x2000, s29;
	(pc) =	sbr.rel @!p0 .LBB2_8-.Ltmp3, $4  }
0x3a: {  	[hbm4b:s25+s3] =	stream.linear.scatter [tilespmem:s30], [sflag:s31], $0x2800, $0x38;
	v63 =	vld [tilespmem:$0x0]  }
0x3b: {  	s22 =	sadd.s32 $0x80, s22;
	s30 =	sadd.s32 $0x7000, s29;
	s31 =	sadd.s32 $0x7, s28  }
0x3c: {  	[hbm4b:s24+s3] =	stream.linear.scatter [tilespmem:s30], [sflag:s31], $0x2800, $0x38;
	v63 =	vld [tilespmem:$0x0]  }
0x3d: {  	s23 =	sadd.s32 $0x80, s23;
	s25 =	sadd.s32 $0x500, s25;
	s24 =	sadd.s32 $0x500, s24  }
.LBB2_2:
0x3e: {  	p0 =	seq.s32 s26, $0x0  }
.Ltmp4:
0x3f: {  	_ = 	snop;
	(pc) =	sbr.rel @p0 .LBB2_3-.Ltmp4, $2  }
0x40: {  	_ =	sdelay $0x2  }
0x41: {  	s28 =	sand.u32 $0x1, s26  }
0x42: {  	p0 =	seq.s32 s26, $0x18  }
.Ltmp5:
0x43: {  	_ = 	snop;
	(pc) =	sbr.rel @p0 .LBB2_7-.Ltmp5, $1  }
0x44: {  	_ =	sdelay $0x3  }
0x45: {  	s29 =	sxor.u32 $0x1, s28  }
0x46: {  	s30 =	sadd.s32 $0x5, s29  }
0x47: {  	_ =	swait.ge [sflag:s30], $0x2800  }
.Ltmp6:
0x48: {  	[sflag:s30] =	ssyncset.done $0x0;
	(pc) =	sbr.rel .LBB2_6-.Ltmp6, $4  }
0x49: {  	s31 =	sadd.s32 $0x7, s29;
	[sflag:s30] =	ssyncadd.s32 $0xFFFFD800  }
0x4a: {  	_ =	swait.ge [sflag:s31], $0x2800  }
0x4b: {  	[sflag:s31] =	ssyncset.done $0x0  }
0x4c: {  	[sflag:s31] =	ssyncadd.s32 $0xFFFFD800  }
.LBB2_9:
0x4d: {  	_ =	sfence.sel $0x180000  }
0x4e: {  	[bflag:$0x0] =	sbarrier.arrive $0xFFFF  }
0x4f: {  	_ =	strace $0x9000004D  }
0x50: {  	[bflag:$0x2] =	sbarrier.arrive $0xFFFF  }
0x51: {  	p0 =	sne.s32 s1, $0x0;
	s0 =	rddreg [dreg:$0x2]  }
0x52: {  	s0 =	sadd.s32 @!p0 $0x100000, s0  }
0x53: {  	[sflag:s0] =	ssyncadd.tile.s32 @!p0 $0x1;
	_ =	shalt  }
.Lfunc_end2:
_tile_overlayer_lowered:
.L_overlay_start_2:
0x54: {  	(tag) =	ssettag $0x2  }
0x55: {  	s0 =	rddreg [dreg:$0x0];
	s2 =	stileid.u32  }
0x56: {  	s1 =	rddreg [dreg:$0x1];
	p0 =	sne.s32 s2, $0x0  }
0x57: {  	s3 =	rddreg [dreg:$0x2];
	[bflag:$0x3] =	sbarrier.arrive $0xFFFF;
	s2 =	simm.s32 @!p0 $0x1C09  }
0x58: {  	[timem:s3], [sflag:s2] =	dma.local @!p0 [hbm:s0], s1  }
0x59: {  	s0 =	simm.s32 @!p0 $0x9  }
0x5a: {  	_ =	swait.ge @!p0 [sflag:s0], s1  }
0x5b: {  	s1 =	ssub.s32 @!p0 $0x0, s1;
	[sflag:s0] =	ssyncset.done @!p0 $0x0  }
0x5c: {  	[sflag:s0] =	ssyncadd.s32 @!p0 s1  }
0x5d: {  	[bflag:$0x3] =	sbarrier.arrive $0xFFFF  }
0x5e: {  	_ =	shalt  }

// kernel: kernel.24.cloned.1.call-start
scs
__scs_entry_jumppad:
0x0: {  	(pc) =	sbr.rel $0x88, $3  }
0x1: {  	(tag) =	ssettag $0x0;
	lr =	simm.s32 $0x1  }
0x2: {  	[smem:$0x3F96] =	sst lr;
	_ =	strace $0xD0000000  }
0x3: {  	_ = 	snop  }
0x4: {  	_ = 	snop  }
0x5: {  	_ = 	snop  }
0x6: {  	_ = 	snop  }
0x7: {  	_ = 	snop  }
__scs_overlays_trampoline_lowered:
0x8: {  	[smem:$0x3FA5] =	sst s0  }
0x9: {  	[smem:$0x3FA6] =	sst s1  }
0xa: {  	[smem:$0x3FA7] =	sst s2  }
0xb: {  	[smem:$0x3FA8] =	sst s3  }
0xc: {  	[smem:$0x3FA9] =	sst s4  }
0xd: {  	[smem:$0x3FAA] =	sst s5  }
0xe: {  	[smem:$0x3FAB] =	sst s6  }
0xf: {  	[smem:$0x3FAC] =	sst s7  }
0x10: {  	[smem:$0x3FAD] =	sst s8  }
0x11: {  	[smem:$0x3FAE] =	sst s9;
	s0 =	simm.s32 @!p0 $0x0  }
0x12: {  	s1 =	sld [smem:$0x3F94];
	s0 =	simm.s32 @p0 $0x1  }
0x13: {  	[smem:$0x3FAF] =	sst s0;
	s0 =	simm.s32 @!p1 $0x0  }
0x14: {  	s2 =	sld [smem:$0x3F93];
	s0 =	simm.s32 @p1 $0x1  }
0x15: {  	[smem:$0x3FB0] =	sst s0;
	s0 =	simm.s32 @!p2 $0x0  }
0x16: {  	s3 =	sld [smem:$0x3FDB];
	s0 =	simm.s32 @p2 $0x1  }
0x17: {  	s4 =	simm.s32 $0x1BF5;
	[smem:$0x3FB2] =	sst s0  }
0x18: {  	s0 =	sld [smem:$0x3F95];
	_ =	swait.ge [sflag:s4], $0x0  }
0x19: {  	s7 =	sld [smem:$0x3F96]  }
0x1a: {  	s8 =	sadd.s32 $0xFFFFE003, lr  }
0x1b: {  	s9 =	sadd.s32 $0xFFFFFEF7, lr;
	s5 =	simm.s32 $0xFFFFFFFF;
	p2 =	slt.u32 s8, $0xFFFFF086  }
0x1c: {  	p1 =	slt.u32 s9, $0xF7A;
	s5 =	simm.s32 @!p2 $0x0  }
0x1d: {  	s5 =	simm.s32 @p1 $0x1;
	p0 =	seq.s32 s7, s2  }
0x1e: {  	s7 =	smul.u32 @!p0 $0xF7A, s2;
	p2 =	seq.s32 @!p0 s5, $0x0  }
0x1f: {  	s9 =	smul.u32 $0xF7A, s1;
	s8 =	simm.s32 @!p0 $0x1BF5;
	p2 =	por !p2, p0  }
0x20: {  	[sflag:s8] =	ssyncset.s32 @!p0 $0xFFFFF086;
	s6 =	sadd.s32 @!p0 s3, s7;
	s7 =	simm.s32 @!p0 $0x108  }
0x21: {  	s3 =	sadd.s32 s3, s9;
	s6 =	sadd.s32 @!p0 $0x88, s6;
	s7 =	simm.s32 @p2 $0x1082  }
0x22: {  	[simem:s7], [sflag:s8] =	dma.local @!p0 [hbm:s6], $0xF7A  }
0x23: {  	s9 =	sor.u32 $0xD0000000, s2;
	s6 =	simm.s32 $0x108;
	_ =	swait.ge @!p0 [sflag:s8], $0x0  }
0x24: {  	s3 =	sadd.s32 $0x88, s3;
	s6 =	simm.s32 @!p1 $0x1082;
	[sflag:s4] =	ssyncset.s32 $0xFFFFF086  }
0x25: {  	[simem:s6], [sflag:s4] =	dma.local [hbm:s3], $0xF7A  }
0x26: {  	[smem:$0x3F96] =	sst s1;
	(tag) =	ssettag s2;
	_ =	strace s9  }
0x27: {  	s1 =	sld [smem:$0x3FA6]  }
0x28: {  	s2 =	sld [smem:$0x3FA7]  }
0x29: {  	s4 =	sld [smem:$0x3FA9]  }
0x2a: {  	p0 =	seq.s32 s5, $0x0;
	s5 =	sld [smem:$0x3FAA]  }
0x2b: {  	s6 =	sld [smem:$0x3FAB]  }
0x2c: {  	s7 =	sld [smem:$0x3FAC]  }
0x2d: {  	s3 =	simm.s32 $0x108;
	s8 =	sld [smem:$0x3FAD]  }
0x2e: {  	s3 =	simm.s32 @!p0 $0x1082;
	s9 =	sld [smem:$0x3FAE]  }
0x2f: {  	lr =	sadd.s32 s0, s3;
	s0 =	sld [smem:$0x3FA5]  }
0x30: {  	s3 =	sld [smem:$0x3FA8]  }
0x31: {  	[smem:$0x3FB1] =	sst s10  }
0x32: {  	s10 =	sld [smem:$0x3FAF];
	_ =	sdelay $0x3  }
0x33: {  	p0 =	seq.s32 s10, $0x1;
	s10 =	sld [smem:$0x3FB1];
	_ =	sdelay $0x3  }
0x34: {  	[smem:$0x3FB1] =	sst s10  }
0x35: {  	s10 =	sld [smem:$0x3FB0];
	_ =	sdelay $0x3  }
0x36: {  	p1 =	seq.s32 s10, $0x1;
	s10 =	sld [smem:$0x3FB1];
	_ =	sdelay $0x3  }
0x37: {  	[smem:$0x3FB1] =	sst s10  }
0x38: {  	s10 =	sld [smem:$0x3FB2]  }
0x39: {  	_ = 	snop;
	(pc) =	sbr.ind lr, $3  }
0x3a: {  	_ = 	snop  }
0x3b: {  	_ = 	snop  }
0x3c: {  	p2 =	seq.s32 s10, $0x1;
	s10 =	sld [smem:$0x3FB1]  }
0x3d: {  	_ =	shalt  }
0x3e: {  	_ =	shalt  }
0x3f: {  	_ =	shalt  }
0x40: {  	_ =	shalt  }
0x41: {  	_ =	shalt  }
0x42: {  	_ =	shalt  }
0x43: {  	_ =	shalt  }
0x44: {  	_ =	shalt  }
0x45: {  	_ =	shalt  }
0x46: {  	_ =	shalt  }
0x47: {  	_ =	shalt  }
0x48: {  	_ =	shalt  }
0x49: {  	_ =	shalt  }
0x4a: {  	_ =	shalt  }
0x4b: {  	_ =	shalt  }
0x4c: {  	_ =	shalt  }
0x4d: {  	_ =	shalt  }
0x4e: {  	_ =	shalt  }
0x4f: {  	_ =	shalt  }
0x50: {  	_ =	shalt  }
0x51: {  	_ =	shalt  }
0x52: {  	_ =	shalt  }
0x53: {  	_ =	shalt  }
0x54: {  	_ =	shalt  }
0x55: {  	_ =	shalt  }
0x56: {  	_ =	shalt  }
0x57: {  	_ =	shalt  }
0x58: {  	_ =	shalt  }
0x59: {  	_ =	shalt  }
0x5a: {  	_ =	shalt  }
0x5b: {  	_ =	shalt  }
0x5c: {  	_ =	shalt  }
0x5d: {  	_ =	shalt  }
0x5e: {  	_ =	shalt  }
0x5f: {  	_ =	shalt  }
0x60: {  	_ =	shalt  }
0x61: {  	_ =	shalt  }
0x62: {  	_ =	shalt  }
0x63: {  	_ =	shalt  }
0x64: {  	_ =	shalt  }
0x65: {  	_ =	shalt  }
0x66: {  	_ =	shalt  }
0x67: {  	_ =	shalt  }
0x68: {  	_ =	shalt  }
0x69: {  	_ =	shalt  }
0x6a: {  	_ =	shalt  }
0x6b: {  	_ =	shalt  }
0x6c: {  	_ =	shalt  }
0x6d: {  	_ =	shalt  }
0x6e: {  	_ =	shalt  }
0x6f: {  	_ =	shalt  }
0x70: {  	_ =	shalt  }
0x71: {  	_ =	shalt  }
0x72: {  	_ =	shalt  }
0x73: {  	_ =	shalt  }
0x74: {  	_ =	shalt  }
0x75: {  	_ =	shalt  }
0x76: {  	_ =	shalt  }
0x77: {  	_ =	shalt  }
0x78: {  	_ =	shalt  }
0x79: {  	_ =	shalt  }
0x7a: {  	_ =	shalt  }
0x7b: {  	_ =	shalt  }
0x7c: {  	_ =	shalt  }
0x7d: {  	_ =	shalt  }
0x7e: {  	_ =	shalt  }
0x7f: {  	_ =	shalt  }
0x80: {  	_ =	shalt  }
0x81: {  	_ =	shalt  }
0x82: {  	_ =	shalt  }
0x83: {  	_ =	shalt  }
0x84: {  	_ =	shalt  }
0x85: {  	_ =	shalt  }
0x86: {  	_ =	shalt  }
0x87: {  	_ =	shalt  }
.Lfunc_end0:
.L_simem_size_0:
called_computation.3_lowered:
.L_overlay_start_0:
0x88: {  	s2 =	sld [smem:$0x3FD9]  }
0x89: {  	s3 =	sld [smem:$0x3FFE];
	_ =	sdelay $0x1  }
0x8a: {  	s1 =	srdreg.scid  }
0x8b: {  	s0 =	sand.u32 $0x1, s1  }
0x8c: {  	s17 =	sshll.u32 s0, $0xA;
	s2 =	sadd.s32 s3, s2  }
0x8d: {  	s2 =	sadd.s32 s2, s17  }
0x8e: {  	[smem:$0x3FBD] =	sst s2  }
0x8f: {  	_ = 	snop  }
0x90: {  	(tm) =	ssettm $0x1  }
0x91: {  	s18 =	sld [smem:$0x3FFB];
	_ =	sdelay $0x3  }
0x92: {  	_ =	strace s18  }
0x93: {  	s2 =	sld [smem:$0x3FFC];
	_ =	sdelay $0x3  }
0x94: {  	_ =	strace s2  }
0x95: {  	s2 =	sld [smem:$0x3FFD];
	_ =	sdelay $0x3  }
0x96: {  	_ =	strace s2  }
0x97: {  	_ =	strace $0x8FFFFFFF  }
0x98: {  	s19 =	sld [smem:$0x3FDB];
	_ =	sdelay $0x1  }
0x99: {  	s20 =	simm.s32 $_scs_section_size  }
0x9a: {  	s4 =	simm.s32 $_size__tile_overlayer_lowered;
	s5 =	simm.s32 $_tile_overlayer_lowered  }
0x9b: {  	s6 =	simm.s32 $0x1BFF;
	s21 =	sshll.u32 s5, $0x1;
	s3 =	sadd.s32 s20, s19  }
0x9c: {  	s22 =	simm.s32 $0x0;
	s4 =	sshll.u32 s4, $0x1;
	s5 =	sadd.s32 s21, s3  }
0x9d: {  	[timem:s22], [sflag:s6] =	dma.local [hbm:s5], s4  }
0x9e: {  	_ =	swait.ge [sflag:s6], s4  }
0x9f: {  	s4 =	ssub.s32 $0x0, s4;
	[sflag:s6] =	ssyncset.done $0x0  }
0xa0: {  	[sflag:s6] =	ssyncadd.s32 s4;
	_ =	sdelay $0x1  }
0xa1: {  	s23 =	simm.s32 $0x1B8B  }
0xa2: {  	_ =	swait.ge [sflag:s23], $0x1  }
0xa3: {  	[sflag:s23] =	ssyncset.done $0x0  }
0xa4: {  	[sflag:s23] =	ssyncadd.s32 $0xFFFFFFFF  }
0xa5: {  	s4 =	sld [smem:$0x0]  }
0xa6: {  	s5 =	sand.u32 $0xFFFFFFFE, s1  }
0xa7: {  	p0 =	sne.s32 s1, s5  }
0xa8: {  	s5 =	sshll.u32 @p0 s5, $0xE  }
0xa9: {  	s5 =	sadd.s32 @p0 $0x11B8D, s5;
	s6 =	sshll.u32 @p0 s4, $0x11  }
0xaa: {  	s5 =	sor.u32 @p0 s6, s5  }
0xab: {  	[sflag:s5] =	ssyncadd.remote.s32 @p0 $0x1;
	_ =	sdelay $0x1  }
0xac: {  	s5 =	simm.s32 @p0 $0x1B8D  }
0xad: {  	_ =	swait.eq @p0 [sflag:s5], $0x1  }
0xae: {  	[sflag:s5] =	ssyncadd.s32 @p0 $0xFFFFFFFF  }
0xaf: {  	s6 =	sshll.u32 @!p0 s1, $0xE  }
0xb0: {  	s6 =	sor.u32 @!p0 $0x4000, s6;
	s5 =	simm.s32 @!p0 $0x1B8D  }
0xb1: {  	s4 =	sshll.u32 @!p0 s4, $0x11;
	s6 =	sadd.s32 @!p0 $0x11B8D, s6;
	_ =	swait.eq @!p0 [sflag:s5], $0x1  }
0xb2: {  	s4 =	sor.u32 @!p0 s4, s6;
	[sflag:s5] =	ssyncadd.s32 @!p0 $0xFFFFFFFF  }
0xb3: {  	s25 =	simm.s32 $0x1B8E;
	s24 =	sld [smem:$0x3FFE];
	[sflag:s4] =	ssyncadd.remote.s32 @!p0 $0x1  }
0xb4: {  	s26 =	simm.s32 $execute0_lowered;
	[smem:$0x3FD2] =	sst s25  }
0xb5: {  	s5 =	sshll.u32 s26, $0x1;
	_ =	strace $0x8000004F;
	[dreg:$0x1] =	wrdreg $0xFFFFFFFF  }
0xb6: {  	s28 =	simm.s32 $_size_execute0_lowered;
	s3 =	sadd.s32 s3, s5;
	[dreg:$0x0] =	wrdreg $0x0  }
0xb7: {  	s5 =	sshll.u32 s28, $0x1;
	[dreg:$0x2] =	wrdreg s3  }
0xb8: {  	[dreg:$0x3] =	wrdreg s5  }
0xb9: {  	[dreg:$0x4] =	wrdreg $0xC0  }
0xba: {  	_ =	task [dreg:s22], $0x5FFFF  }
0xbb: {  	[dreg:$0x1] =	wrdreg $0xFFFFFFFF  }
0xbc: {  	[dreg:$0x0] =	wrdreg $0x60  }
0xbd: {  	[dreg:$0x2] =	wrdreg s24  }
0xbe: {  	[dreg:$0x3] =	wrdreg $0xC0000  }
0xbf: {  	[dreg:$0x4] =	wrdreg $0x9  }
0xc0: {  	_ =	task.clear_ibuf [dreg:s22], $0x5FFFF;
	_ =	strace $0x9000004F  }
0xc1: {  	s29 =	simm.s32 $0x9;
	_ =	strace $0x80000051  }
0xc2: {  	_ =	swait.ge [sflag:s29], $0x1  }
0xc3: {  	[sflag:s29] =	ssyncadd.s32 $0xFFFFFFFF  }
0xc4: {  	_ =	strace $0x90000051  }
0xc5: {  	_ =	sfence  }
0xc6: {  	s30 =	sld [smem:$0x0];
	_ =	sdelay $0x2  }
0xc7: {  	s31 =	sshll.u32 s1, $0xD;
	s1 =	sshrl.u32 s1, $0x2  }
0xc8: {  	s4 =	sand.u32 $0x4000, s31;
	s1 =	sadd.s32 s1, s30  }
0xc9: {  	s0 =	sor.u32 s4, s0;
	s1 =	sshll.u32 s1, $0x11  }
0xca: {  	s0 =	sor.u32 s1, s0  }
0xcb: {  	s0 =	sadd.s32 $0x8F2B, s0  }
0xcc: {  	[sflag:s0] =	ssyncadd.remote.s32 $0x1  }
0xcd: {  	_ =	sfence.sel $0xFFFF  }
0xce: {  	[dreg:$0x0] =	wrdreg $0xFFFFFFFF;
	(pc) =	sbr.abs _section_cstart, $3  }
0xcf: {  	[dreg:$0x1] =	wrdreg $0xFFFFFFFF  }
0xd0: {  	_ =	task.clear_ibuf [dreg:s22], $0x2FFFF;
	_ =	strace $0x9FFFFFFF  }
0xd1: {  	(tm) =	ssettm $0x7FFFFFFF  }
tec
execute0_lowered:
.L_overlay_start_1:
0x0: {  	(tag) =	ssettag $0x1  }
0x1: {  	s4 =	rddreg [dreg:$0x0]  }
0x2: {  	s2 =	rddreg [dreg:$0x1]  }
0x3: {  	s1 =	stileid.u32;
	s3 =	simm.s32 $0x0;
	s6 =	srdreg.scid  }
0x4: {  	s13 =	simm.s32 $0x1000;
	s14 =	simm.s32 $0x50;
	s15 =	simm.s32 $0x2000  }
0x5: {  	s16 =	simm.s32 $0x7000;
	s17 =	simm.s32 $0x6;
	s18 =	simm.s32 $0x8  }
0x6: {  	s19 =	simm.s32 $0x5;
	s20 =	simm.s32 $0x7;
	s5 =	smul.u32 $0x2800, s1  }
0x7: {  	s21 =	simm.s32 $0x0;
	[smem:$0x7FF] =	sst s3;
	s26 =	smul.u32 $0x50000, s1  }
0x8: {  	s6 =	sand.u32 $0x1, s6;
	s8 =	sshll.u32 s1, $0x9;
	s30 =	smul.u32 $0x7D00, s1  }
0x9: {  	s31 =	sshll.u32 s1, $0x6;
	_ =	strace $0x80000050;
	s7 =	sshll.u32 s6, $0xD  }
0xa: {  	s9 =	smul.u32 $0x7D000, s6;
	s6 =	ssub.s32 $0x2, s6;
	s5 =	sadd.s32 s5, s4  }
0xb: {  	s7 =	sor.u32 s8, s7;
	s28 =	sshrl.u32 s6, $0x1;
	s29 =	sshrl.u32 s26, $0x2  }
.Ltmp0:
0xc: {  	s7 =	sadd.s32 s7, s4;
	s9 =	sadd.s32 s9, s4;
	(pc) =	sbr.rel .LBB2_1-.Ltmp0, $4  }
0xd: {  	s10 =	ssub.s32 s6, s28;
	s11 =	sadd.s32 s29, s2;
	s4 =	sadd.s32 $0xB800, s5  }
0xe: {  	s5 =	sor.u32 $0x1C09, s31;
	s6 =	sadd.s32 $0x24F400, s7;
	s12 =	sadd.s32 s30, s9  }
0xf: {  	s7 =	sadd.s32 $0x24B400, s7;
	s8 =	smax.u32 s10, $0x1;
	s9 =	sadd.s32 $0x643400, s12  }
0x10: {  	s11 =	sshrl.u32 s11, $0x3;
	s10 =	sadd.s32 $0x73D400, s12;
	s12 =	simm.s32 $0x9  }
.LBB2_8:
0x11: {  	_ =	swait.ge [sflag:s17], $0x2800  }
0x12: {  	[sflag:s17] =	ssyncset.done $0x0  }
0x13: {  	[sflag:s17] =	ssyncadd.s32 $0xFFFFD800  }
0x14: {  	_ =	swait.ge [sflag:s18], $0x2800  }
0x15: {  	[sflag:s18] =	ssyncset.done $0x0  }
0x16: {  	s21 =	sadd.s32 $0x1, s21;
	[sflag:s18] =	ssyncadd.s32 $0xFFFFD800  }
0x17: {  	p0 =	sne.s32 s21, s8;
	_ =	swait.ge [sflag:s19], $0x2800  }
.Ltmp1:
0x18: {  	[sflag:s19] =	ssyncset.done $0x0;
	(pc) =	sbr.rel @!p0 .LBB2_9-.Ltmp1, $4  }
0x19: {  	[sflag:s19] =	ssyncadd.s32 $0xFFFFD800  }
0x1a: {  	_ =	swait.ge [sflag:s20], $0x2800  }
0x1b: {  	[sflag:s20] =	ssyncset.done $0x0  }
0x1c: {  	[sflag:s20] =	ssyncadd.s32 $0xFFFFD800  }
.LBB2_1:
0x1d: {  	[spmem:s11], [sflag:s5] =	dma.local [hbm:s4], $0x2800  }
0x1e: {  	_ =	swait.ge [sflag:s12], $0x2800  }
0x1f: {  	[sflag:s12] =	ssyncset.done $0x0  }
0x20: {  	[sflag:s12] =	ssyncadd.s32 $0xFFFFD800  }
0x21: {  	[tilespmem:s3], [sflag:$0x9] =	stream.linear.gather [hbm4b:s6+s3], $0xC80, $0x38;
	v63 =	vld [tilespmem:$0x0]  }
0x22: {  	_ =	swait.ge [sflag:s12], $0xC80  }
0x23: {  	[sflag:s12] =	ssyncset.done $0x0  }
0x24: {  	[sflag:s12] =	ssyncadd.s32 $0xFFFFF380  }
0x25: {  	[tilespmem:s13], [sflag:$0x9] =	stream.linear.gather [hbm4b:s7+s3], $0xC80, $0x38;
	v63 =	vld [tilespmem:$0x0]  }
0x26: {  	_ =	swait.ge [sflag:s12], $0xC80  }
0x27: {  	[sflag:s12] =	ssyncset.done $0x0  }
.Ltmp2:
0x28: {  	[sflag:s12] =	ssyncadd.s32 $0xFFFFF380;
	(pc) =	sbr.rel .LBB2_2-.Ltmp2, $4  }
0x29: {  	s22 =	simm.s32 $0x80;
	s23 =	simm.s32 $0x1080;
	[bflag:$0x0] =	sbarrier.arrive $0xFFFF  }
0x2a: {  	[tilespmem:s15], [sflag:$0x1] =	stream.indirect.gather [spmem:s2], $0x80, s3, s14, $0xb8;
	v63 =	vld [tilespmem:$0x0]  }
0x2b: {  	s24 =	smov.u32 s10;
	s25 =	smov.u32 s9;
	s26 =	simm.s32 $0x0  }
0x2c: {  	[tilespmem:s16], [sflag:$0x3] =	stream.indirect.gather [spmem:s2], $0x80, s13, s14, $0xb8;
	v63 =	vld [tilespmem:$0x0]  }
.LBB2_3:
0x2d: {  	s29 =	simm.s32 $0x1  }
.LBB2_6:
0x2e: {  	s30 =	smul.u32 $0x2800, s29;
	_ =	sdelay $0x1  }
0x2f: {  	s0 =	sadd.s32 $0x1, s29;
	s31 =	sadd.s32 $0x2000, s30  }
0x30: {  	[tilespmem:s31], [sflag:s0] =	stream.indirect.gather [spmem:s2], $0x80, s22, s14, $0xb8;
	v63 =	vld [tilespmem:$0x0]  }
0x31: {  	s30 =	sadd.s32 $0x7000, s30;
	s31 =	sadd.s32 $0x3, s29  }
0x32: {  	[tilespmem:s30], [sflag:s31] =	stream.indirect.gather [spmem:s2], $0x80, s23, s14, $0xb8;
	v63 =	vld [tilespmem:$0x0]  }
.LBB2_7:
0x33: {  	s0 =	sadd.s32 $0x1, s28  }
0x34: {  	_ =	swait.ge [sflag:s0], $0x2800  }
0x35: {  	[sflag:s0] =	ssyncset.done $0x0  }
0x36: {  	s30 =	sadd.s32 $0x3, s28;
	[sflag:s0] =	ssyncadd.s32 $0xFFFFD800  }
0x37: {  	s29 =	smul.u32 $0x2800, s28;
	s26 =	sadd.s32 $0x1, s26;
	_ =	swait.ge [sflag:s30], $0x2800  }
0x38: {  	s31 =	sadd.s32 $0x5, s28;
	p0 =	sne.s32 s26, $0x19;
	[sflag:s30] =	ssyncset.done $0x0  }
.Ltmp3:
0x39: {  	[sflag:s30] =	ssyncadd.s32 $0xFFFFD800;
	s30 =	sadd.s32 $0x2000, s29;
	(pc) =	sbr.rel @!p0 .LBB2_8-.Ltmp3, $4  }
0x3a: {  	[hbm4b:s25+s3] =	stream.linear.scatter [tilespmem:s30], [sflag:s31], $0x2800, $0x38;
	v63 =	vld [tilespmem:$0x0]  }
0x3b: {  	s22 =	sadd.s32 $0x80, s22;
	s30 =	sadd.s32 $0x7000, s29;
	s31 =	sadd.s32 $0x7, s28  }
0x3c: {  	[hbm4b:s24+s3] =	stream.linear.scatter [tilespmem:s30], [sflag:s31], $0x2800, $0x38;
	v63 =	vld [tilespmem:$0x0]  }
0x3d: {  	s23 =	sadd.s32 $0x80, s23;
	s25 =	sadd.s32 $0x500, s25;
	s24 =	sadd.s32 $0x500, s24  }
.LBB2_2:
0x3e: {  	p0 =	seq.s32 s26, $0x0  }
.Ltmp4:
0x3f: {  	_ = 	snop;
	(pc) =	sbr.rel @p0 .LBB2_3-.Ltmp4, $2  }
0x40: {  	_ =	sdelay $0x2  }
0x41: {  	s28 =	sand.u32 $0x1, s26  }
0x42: {  	p0 =	seq.s32 s26, $0x18  }
.Ltmp5:
0x43: {  	_ = 	snop;
	(pc) =	sbr.rel @p0 .LBB2_7-.Ltmp5, $1  }
0x44: {  	_ =	sdelay $0x3  }
0x45: {  	s29 =	sxor.u32 $0x1, s28  }
0x46: {  	s30 =	sadd.s32 $0x5, s29  }
0x47: {  	_ =	swait.ge [sflag:s30], $0x2800  }
.Ltmp6:
0x48: {  	[sflag:s30] =	ssyncset.done $0x0;
	(pc) =	sbr.rel .LBB2_6-.Ltmp6, $4  }
0x49: {  	s31 =	sadd.s32 $0x7, s29;
	[sflag:s30] =	ssyncadd.s32 $0xFFFFD800  }
0x4a: {  	_ =	swait.ge [sflag:s31], $0x2800  }
0x4b: {  	[sflag:s31] =	ssyncset.done $0x0  }
0x4c: {  	[sflag:s31] =	ssyncadd.s32 $0xFFFFD800  }
.LBB2_9:
0x4d: {  	_ =	sfence.sel $0x180000  }
0x4e: {  	[bflag:$0x0] =	sbarrier.arrive $0xFFFF  }
0x4f: {  	_ =	strace $0x90000050  }
0x50: {  	[bflag:$0x2] =	sbarrier.arrive $0xFFFF  }
0x51: {  	p0 =	sne.s32 s1, $0x0;
	s0 =	rddreg [dreg:$0x2]  }
0x52: {  	s0 =	sadd.s32 @!p0 $0x100000, s0  }
0x53: {  	[sflag:s0] =	ssyncadd.tile.s32 @!p0 $0x1;
	_ =	shalt  }
.Lfunc_end2:
_tile_overlayer_lowered:
.L_overlay_start_2:
0x54: {  	(tag) =	ssettag $0x2  }
0x55: {  	s0 =	rddreg [dreg:$0x0];
	s2 =	stileid.u32  }
0x56: {  	s1 =	rddreg [dreg:$0x1];
	p0 =	sne.s32 s2, $0x0  }
0x57: {  	s3 =	rddreg [dreg:$0x2];
	[bflag:$0x3] =	sbarrier.arrive $0xFFFF;
	s2 =	simm.s32 @!p0 $0x1C09  }
0x58: {  	[timem:s3], [sflag:s2] =	dma.local @!p0 [hbm:s0], s1  }
0x59: {  	s0 =	simm.s32 @!p0 $0x9  }
0x5a: {  	_ =	swait.ge @!p0 [sflag:s0], s1  }
0x5b: {  	s1 =	ssub.s32 @!p0 $0x0, s1;
	[sflag:s0] =	ssyncset.done @!p0 $0x0  }
0x5c: {  	[sflag:s0] =	ssyncadd.s32 @!p0 s1  }
0x5d: {  	[bflag:$0x3] =	sbarrier.arrive $0xFFFF  }
0x5e: {  	_ =	shalt  }

// kernel: kernel.27.cloned.1.call-start
scs
__scs_entry_jumppad:
0x0: {  	(pc) =	sbr.rel $0x88, $3  }
0x1: {  	(tag) =	ssettag $0x0;
	lr =	simm.s32 $0x1  }
0x2: {  	[smem:$0x3F96] =	sst lr;
	_ =	strace $0xD0000000  }
0x3: {  	_ = 	snop  }
0x4: {  	_ = 	snop  }
0x5: {  	_ = 	snop  }
0x6: {  	_ = 	snop  }
0x7: {  	_ = 	snop  }
__scs_overlays_trampoline_lowered:
0x8: {  	[smem:$0x3FA5] =	sst s0  }
0x9: {  	[smem:$0x3FA6] =	sst s1  }
0xa: {  	[smem:$0x3FA7] =	sst s2  }
0xb: {  	[smem:$0x3FA8] =	sst s3  }
0xc: {  	[smem:$0x3FA9] =	sst s4  }
0xd: {  	[smem:$0x3FAA] =	sst s5  }
0xe: {  	[smem:$0x3FAB] =	sst s6  }
0xf: {  	[smem:$0x3FAC] =	sst s7  }
0x10: {  	[smem:$0x3FAD] =	sst s8  }
0x11: {  	[smem:$0x3FAE] =	sst s9;
	s0 =	simm.s32 @!p0 $0x0  }
0x12: {  	s1 =	sld [smem:$0x3F94];
	s0 =	simm.s32 @p0 $0x1  }
0x13: {  	[smem:$0x3FAF] =	sst s0;
	s0 =	simm.s32 @!p1 $0x0  }
0x14: {  	s2 =	sld [smem:$0x3F93];
	s0 =	simm.s32 @p1 $0x1  }
0x15: {  	[smem:$0x3FB0] =	sst s0;
	s0 =	simm.s32 @!p2 $0x0  }
0x16: {  	s3 =	sld [smem:$0x3FDB];
	s0 =	simm.s32 @p2 $0x1  }
0x17: {  	s4 =	simm.s32 $0x1BF5;
	[smem:$0x3FB2] =	sst s0  }
0x18: {  	s0 =	sld [smem:$0x3F95];
	_ =	swait.ge [sflag:s4], $0x0  }
0x19: {  	s7 =	sld [smem:$0x3F96]  }
0x1a: {  	s8 =	sadd.s32 $0xFFFFE003, lr  }
0x1b: {  	s9 =	sadd.s32 $0xFFFFFEF7, lr;
	s5 =	simm.s32 $0xFFFFFFFF;
	p2 =	slt.u32 s8, $0xFFFFF086  }
0x1c: {  	p1 =	slt.u32 s9, $0xF7A;
	s5 =	simm.s32 @!p2 $0x0  }
0x1d: {  	s5 =	simm.s32 @p1 $0x1;
	p0 =	seq.s32 s7, s2  }
0x1e: {  	s7 =	smul.u32 @!p0 $0xF7A, s2;
	p2 =	seq.s32 @!p0 s5, $0x0  }
0x1f: {  	s9 =	smul.u32 $0xF7A, s1;
	s8 =	simm.s32 @!p0 $0x1BF5;
	p2 =	por !p2, p0  }
0x20: {  	[sflag:s8] =	ssyncset.s32 @!p0 $0xFFFFF086;
	s6 =	sadd.s32 @!p0 s3, s7;
	s7 =	simm.s32 @!p0 $0x108  }
0x21: {  	s3 =	sadd.s32 s3, s9;
	s6 =	sadd.s32 @!p0 $0x88, s6;
	s7 =	simm.s32 @p2 $0x1082  }
0x22: {  	[simem:s7], [sflag:s8] =	dma.local @!p0 [hbm:s6], $0xF7A  }
0x23: {  	s9 =	sor.u32 $0xD0000000, s2;
	s6 =	simm.s32 $0x108;
	_ =	swait.ge @!p0 [sflag:s8], $0x0  }
0x24: {  	s3 =	sadd.s32 $0x88, s3;
	s6 =	simm.s32 @!p1 $0x1082;
	[sflag:s4] =	ssyncset.s32 $0xFFFFF086  }
0x25: {  	[simem:s6], [sflag:s4] =	dma.local [hbm:s3], $0xF7A  }
0x26: {  	[smem:$0x3F96] =	sst s1;
	(tag) =	ssettag s2;
	_ =	strace s9  }
0x27: {  	s1 =	sld [smem:$0x3FA6]  }
0x28: {  	s2 =	sld [smem:$0x3FA7]  }
0x29: {  	s4 =	sld [smem:$0x3FA9]  }
0x2a: {  	p0 =	seq.s32 s5, $0x0;
	s5 =	sld [smem:$0x3FAA]  }
0x2b: {  	s6 =	sld [smem:$0x3FAB]  }
0x2c: {  	s7 =	sld [smem:$0x3FAC]  }
0x2d: {  	s3 =	simm.s32 $0x108;
	s8 =	sld [smem:$0x3FAD]  }
0x2e: {  	s3 =	simm.s32 @!p0 $0x1082;
	s9 =	sld [smem:$0x3FAE]  }
0x2f: {  	lr =	sadd.s32 s0, s3;
	s0 =	sld [smem:$0x3FA5]  }
0x30: {  	s3 =	sld [smem:$0x3FA8]  }
0x31: {  	[smem:$0x3FB1] =	sst s10  }
0x32: {  	s10 =	sld [smem:$0x3FAF];
	_ =	sdelay $0x3  }
0x33: {  	p0 =	seq.s32 s10, $0x1;
	s10 =	sld [smem:$0x3FB1];
	_ =	sdelay $0x3  }
0x34: {  	[smem:$0x3FB1] =	sst s10  }
0x35: {  	s10 =	sld [smem:$0x3FB0];
	_ =	sdelay $0x3  }
0x36: {  	p1 =	seq.s32 s10, $0x1;
	s10 =	sld [smem:$0x3FB1];
	_ =	sdelay $0x3  }
0x37: {  	[smem:$0x3FB1] =	sst s10  }
0x38: {  	s10 =	sld [smem:$0x3FB2]  }
0x39: {  	_ = 	snop;
	(pc) =	sbr.ind lr, $3  }
0x3a: {  	_ = 	snop  }
0x3b: {  	_ = 	snop  }
0x3c: {  	p2 =	seq.s32 s10, $0x1;
	s10 =	sld [smem:$0x3FB1]  }
0x3d: {  	_ =	shalt  }
0x3e: {  	_ =	shalt  }
0x3f: {  	_ =	shalt  }
0x40: {  	_ =	shalt  }
0x41: {  	_ =	shalt  }
0x42: {  	_ =	shalt  }
0x43: {  	_ =	shalt  }
0x44: {  	_ =	shalt  }
0x45: {  	_ =	shalt  }
0x46: {  	_ =	shalt  }
0x47: {  	_ =	shalt  }
0x48: {  	_ =	shalt  }
0x49: {  	_ =	shalt  }
0x4a: {  	_ =	shalt  }
0x4b: {  	_ =	shalt  }
0x4c: {  	_ =	shalt  }
0x4d: {  	_ =	shalt  }
0x4e: {  	_ =	shalt  }
0x4f: {  	_ =	shalt  }
0x50: {  	_ =	shalt  }
0x51: {  	_ =	shalt  }
0x52: {  	_ =	shalt  }
0x53: {  	_ =	shalt  }
0x54: {  	_ =	shalt  }
0x55: {  	_ =	shalt  }
0x56: {  	_ =	shalt  }
0x57: {  	_ =	shalt  }
0x58: {  	_ =	shalt  }
0x59: {  	_ =	shalt  }
0x5a: {  	_ =	shalt  }
0x5b: {  	_ =	shalt  }
0x5c: {  	_ =	shalt  }
0x5d: {  	_ =	shalt  }
0x5e: {  	_ =	shalt  }
0x5f: {  	_ =	shalt  }
0x60: {  	_ =	shalt  }
0x61: {  	_ =	shalt  }
0x62: {  	_ =	shalt  }
0x63: {  	_ =	shalt  }
0x64: {  	_ =	shalt  }
0x65: {  	_ =	shalt  }
0x66: {  	_ =	shalt  }
0x67: {  	_ =	shalt  }
0x68: {  	_ =	shalt  }
0x69: {  	_ =	shalt  }
0x6a: {  	_ =	shalt  }
0x6b: {  	_ =	shalt  }
0x6c: {  	_ =	shalt  }
0x6d: {  	_ =	shalt  }
0x6e: {  	_ =	shalt  }
0x6f: {  	_ =	shalt  }
0x70: {  	_ =	shalt  }
0x71: {  	_ =	shalt  }
0x72: {  	_ =	shalt  }
0x73: {  	_ =	shalt  }
0x74: {  	_ =	shalt  }
0x75: {  	_ =	shalt  }
0x76: {  	_ =	shalt  }
0x77: {  	_ =	shalt  }
0x78: {  	_ =	shalt  }
0x79: {  	_ =	shalt  }
0x7a: {  	_ =	shalt  }
0x7b: {  	_ =	shalt  }
0x7c: {  	_ =	shalt  }
0x7d: {  	_ =	shalt  }
0x7e: {  	_ =	shalt  }
0x7f: {  	_ =	shalt  }
0x80: {  	_ =	shalt  }
0x81: {  	_ =	shalt  }
0x82: {  	_ =	shalt  }
0x83: {  	_ =	shalt  }
0x84: {  	_ =	shalt  }
0x85: {  	_ =	shalt  }
0x86: {  	_ =	shalt  }
0x87: {  	_ =	shalt  }
.Lfunc_end0:
.L_simem_size_0:
called_computation.4_lowered:
.L_overlay_start_0:
0x88: {  	s2 =	sld [smem:$0x3FD9]  }
0x89: {  	s3 =	sld [smem:$0x3FFE];
	_ =	sdelay $0x1  }
0x8a: {  	s1 =	srdreg.scid  }
0x8b: {  	s0 =	sand.u32 $0x1, s1  }
0x8c: {  	s15 =	sshll.u32 s0, $0xA;
	s2 =	sadd.s32 s3, s2  }
0x8d: {  	s2 =	sadd.s32 s2, s15  }
0x8e: {  	[smem:$0x3FBD] =	sst s2  }
0x8f: {  	_ = 	snop  }
0x90: {  	s2 =	sld [smem:$0x3FD0];
	_ =	sdelay $0x2  }
0x91: {  	s16 =	simm.s32 $0xE;
	s4 =	simm.s32 $0x10  }
0x92: {  	[smem:s4], [sflag:s16] =	dma.local [hbm:s2], $0x1  }
0x93: {  	_ =	swait.eq [sflag:s16], $0x1  }
0x94: {  	[sflag:s16] =	ssyncset.done $0x0  }
0x95: {  	[sflag:s16] =	ssyncadd.s32 $0xFFFFFFFF  }
0x96: {  	s17 =	sld [smem:$0x11];
	(tm) =	ssettm $0x1  }
0x97: {  	s18 =	sld [smem:$0x3FFB];
	_ =	sdelay $0x3  }
0x98: {  	_ =	strace s18  }
0x99: {  	s2 =	sld [smem:$0x3FFC];
	_ =	sdelay $0x3  }
0x9a: {  	_ =	strace s2  }
0x9b: {  	s2 =	sld [smem:$0x3FFD];
	_ =	sdelay $0x3  }
0x9c: {  	_ =	strace s2  }
0x9d: {  	_ =	strace $0x8FFFFFFF  }
0x9e: {  	s19 =	sld [smem:$0x3FDB];
	_ =	sdelay $0x1  }
0x9f: {  	s20 =	simm.s32 $_scs_section_size  }
0xa0: {  	s5 =	simm.s32 $_size__tile_overlayer_lowered;
	s6 =	simm.s32 $_tile_overlayer_lowered  }
0xa1: {  	s7 =	simm.s32 $0x1BFF;
	s21 =	sshll.u32 s6, $0x1;
	s4 =	sadd.s32 s20, s19  }
0xa2: {  	s22 =	simm.s32 $0x0;
	s5 =	sshll.u32 s5, $0x1;
	s6 =	sadd.s32 s21, s4  }
0xa3: {  	[timem:s22], [sflag:s7] =	dma.local [hbm:s6], s5  }
0xa4: {  	_ =	swait.ge [sflag:s7], s5  }
0xa5: {  	s5 =	ssub.s32 $0x0, s5;
	[sflag:s7] =	ssyncset.done $0x0  }
0xa6: {  	[sflag:s7] =	ssyncadd.s32 s5;
	_ =	sdelay $0x1  }
0xa7: {  	s23 =	simm.s32 $0x1B8B  }
0xa8: {  	_ =	swait.ge [sflag:s23], $0x1  }
0xa9: {  	[sflag:s23] =	ssyncset.done $0x0  }
0xaa: {  	[sflag:s23] =	ssyncadd.s32 $0xFFFFFFFF  }
0xab: {  	s5 =	sld [smem:$0x0]  }
0xac: {  	s6 =	sand.u32 $0xFFFFFFFE, s1  }
0xad: {  	p0 =	sne.s32 s1, s6  }
0xae: {  	s6 =	sshll.u32 @p0 s6, $0xE  }
0xaf: {  	s6 =	sadd.s32 @p0 $0x11B8D, s6;
	s7 =	sshll.u32 @p0 s5, $0x11  }
0xb0: {  	s6 =	sor.u32 @p0 s7, s6  }
0xb1: {  	[sflag:s6] =	ssyncadd.remote.s32 @p0 $0x1;
	_ =	sdelay $0x1  }
0xb2: {  	s6 =	simm.s32 @p0 $0x1B8D  }
0xb3: {  	_ =	swait.eq @p0 [sflag:s6], $0x1  }
0xb4: {  	[sflag:s6] =	ssyncadd.s32 @p0 $0xFFFFFFFF  }
0xb5: {  	s7 =	sshll.u32 @!p0 s1, $0xE  }
0xb6: {  	s7 =	sor.u32 @!p0 $0x4000, s7;
	s6 =	simm.s32 @!p0 $0x1B8D  }
0xb7: {  	s5 =	sshll.u32 @!p0 s5, $0x11;
	s7 =	sadd.s32 @!p0 $0x11B8D, s7;
	_ =	swait.eq @!p0 [sflag:s6], $0x1  }
0xb8: {  	s5 =	sor.u32 @!p0 s5, s7;
	[sflag:s6] =	ssyncadd.s32 @!p0 $0xFFFFFFFF  }
0xb9: {  	s25 =	simm.s32 $0x1B8E;
	s24 =	sld [smem:$0x3FFE];
	[sflag:s5] =	ssyncadd.remote.s32 @!p0 $0x1  }
0xba: {  	s26 =	simm.s32 $execute0_lowered;
	[smem:$0x3FD2] =	sst s25  }
0xbb: {  	s6 =	sshll.u32 s26, $0x1;
	_ =	strace $0x80000052;
	[dreg:$0x1] =	wrdreg $0xFFFFFFFF  }
0xbc: {  	s28 =	simm.s32 $_size_execute0_lowered;
	s4 =	sadd.s32 s4, s6;
	[dreg:$0x0] =	wrdreg $0x0  }
0xbd: {  	s6 =	sshll.u32 s28, $0x1;
	[dreg:$0x2] =	wrdreg s4  }
0xbe: {  	[dreg:$0x3] =	wrdreg s6  }
0xbf: {  	[dreg:$0x4] =	wrdreg $0xC0  }
0xc0: {  	_ =	task [dreg:s22], $0x5FFFF  }
0xc1: {  	[dreg:$0x1] =	wrdreg $0xFFFFFFFF  }
0xc2: {  	[dreg:$0x0] =	wrdreg $0x60  }
0xc3: {  	[dreg:$0x2] =	wrdreg s24  }
0xc4: {  	[dreg:$0x3] =	wrdreg s17  }
0xc5: {  	[dreg:$0x4] =	wrdreg $0xC0000  }
0xc6: {  	[dreg:$0x5] =	wrdreg $0xA  }
0xc7: {  	_ =	task.clear_ibuf [dreg:s22], $0x6FFFF;
	_ =	strace $0x90000052  }
0xc8: {  	s29 =	simm.s32 $0xA;
	_ =	strace $0x80000054  }
0xc9: {  	_ =	swait.ge [sflag:s29], $0x1  }
0xca: {  	[sflag:s29] =	ssyncadd.s32 $0xFFFFFFFF  }
0xcb: {  	_ =	strace $0x90000054  }
0xcc: {  	_ =	sfence  }
0xcd: {  	s30 =	sld [smem:$0x0];
	_ =	sdelay $0x2  }
0xce: {  	s31 =	sshll.u32 s1, $0xD;
	s1 =	sshrl.u32 s1, $0x2  }
0xcf: {  	s4 =	sand.u32 $0x4000, s31;
	s1 =	sadd.s32 s1, s30  }
0xd0: {  	s0 =	sor.u32 s4, s0;
	s1 =	sshll.u32 s1, $0x11  }
0xd1: {  	s0 =	sor.u32 s1, s0  }
0xd2: {  	s0 =	sadd.s32 $0x8F2B, s0  }
0xd3: {  	[sflag:s0] =	ssyncadd.remote.s32 $0x1  }
0xd4: {  	_ =	sfence.sel $0xFFFF  }
0xd5: {  	[dreg:$0x0] =	wrdreg $0xFFFFFFFF;
	(pc) =	sbr.abs _section_cstart, $3  }
0xd6: {  	[dreg:$0x1] =	wrdreg $0xFFFFFFFF  }
0xd7: {  	_ =	task.clear_ibuf [dreg:s22], $0x2FFFF;
	_ =	strace $0x9FFFFFFF  }
0xd8: {  	(tm) =	ssettm $0x7FFFFFFF  }
0xd9: {  	_ =	shalt  }
tec
execute0_lowered:
.L_overlay_start_1:
0x0: {  	(tag) =	ssettag $0x1  }
0x1: {  	s4 =	rddreg [dreg:$0x0]  }
0x2: {  	s8 =	rddreg [dreg:$0x1]  }
0x3: {  	s2 =	rddreg [dreg:$0x2];
	s3 =	simm.s32 $0x0  }
0x4: {  	s1 =	stileid.u32;
	s5 =	srdreg.scid;
	s15 =	simm.s32 $0x2000  }
0x5: {  	s16 =	simm.s32 $0x7000;
	s17 =	simm.s32 $0x6;
	s18 =	simm.s32 $0x8  }
0x6: {  	s19 =	simm.s32 $0x5;
	s20 =	simm.s32 $0x7;
	s6 =	smul.u32 $0x2800, s1  }
0x7: {  	s21 =	simm.s32 $0x0;
	[smem:$0x7FF] =	sst s3;
	s26 =	smul.u32 $0x50000, s1  }
0x8: {  	s5 =	sand.u32 $0x1, s5;
	s9 =	sshll.u32 s1, $0x9;
	s14 =	smul.u32 $0x7D00, s1  }
0x9: {  	s29 =	sshll.u32 s1, $0x6;
	s7 =	sshll.u32 s5, $0xD;
	s10 =	smul.u32 $0x7D000, s5  }
0xa: {  	_ =	strace $0x80000053;
	s5 =	ssub.s32 $0x2, s5;
	s7 =	sor.u32 s9, s7  }
0xb: {  	s6 =	sadd.s32 s6, s4;
	s28 =	sshrl.u32 s5, $0x1;
	s9 =	sshrl.u32 s26, $0x2  }
0xc: {  	s7 =	sadd.s32 s7, s4;
	s11 =	sadd.s32 s10, s4;
	s12 =	ssub.s32 s5, s28  }
.Ltmp0:
0xd: {  	s13 =	sadd.s32 s9, s2;
	s4 =	sadd.s32 $0xB800, s6;
	(pc) =	sbr.rel .LBB2_1-.Ltmp0, $4  }
0xe: {  	s5 =	sor.u32 $0x1C09, s29;
	s30 =	sadd.s32 s10, s8;
	s6 =	sadd.s32 $0x257400, s7  }
0xf: {  	s7 =	sadd.s32 $0x253400, s7;
	s8 =	smax.u32 s12, $0x1;
	s9 =	sadd.s32 s14, s30  }
0x10: {  	s31 =	sadd.s32 s14, s11;
	s11 =	sshrl.u32 s13, $0x3;
	s12 =	simm.s32 $0x9  }
0x11: {  	s13 =	simm.s32 $0x1000;
	s14 =	simm.s32 $0x50;
	s10 =	sadd.s32 $0x837400, s31  }
.LBB2_8:
0x12: {  	_ =	swait.ge [sflag:s17], $0x2800  }
0x13: {  	[sflag:s17] =	ssyncset.done $0x0  }
0x14: {  	[sflag:s17] =	ssyncadd.s32 $0xFFFFD800  }
0x15: {  	_ =	swait.ge [sflag:s18], $0x2800  }
0x16: {  	[sflag:s18] =	ssyncset.done $0x0  }
0x17: {  	s21 =	sadd.s32 $0x1, s21;
	[sflag:s18] =	ssyncadd.s32 $0xFFFFD800  }
0x18: {  	p0 =	sne.s32 s21, s8;
	_ =	swait.ge [sflag:s19], $0x2800  }
.Ltmp1:
0x19: {  	[sflag:s19] =	ssyncset.done $0x0;
	(pc) =	sbr.rel @!p0 .LBB2_9-.Ltmp1, $4  }
0x1a: {  	[sflag:s19] =	ssyncadd.s32 $0xFFFFD800  }
0x1b: {  	_ =	swait.ge [sflag:s20], $0x2800  }
0x1c: {  	[sflag:s20] =	ssyncset.done $0x0  }
0x1d: {  	[sflag:s20] =	ssyncadd.s32 $0xFFFFD800  }
.LBB2_1:
0x1e: {  	[spmem:s11], [sflag:s5] =	dma.local [hbm:s4], $0x2800  }
0x1f: {  	_ =	swait.ge [sflag:s12], $0x2800  }
0x20: {  	[sflag:s12] =	ssyncset.done $0x0  }
0x21: {  	[sflag:s12] =	ssyncadd.s32 $0xFFFFD800  }
0x22: {  	[tilespmem:s3], [sflag:$0x9] =	stream.linear.gather [hbm4b:s6+s3], $0xC80, $0x38;
	v63 =	vld [tilespmem:$0x0]  }
0x23: {  	_ =	swait.ge [sflag:s12], $0xC80  }
0x24: {  	[sflag:s12] =	ssyncset.done $0x0  }
0x25: {  	[sflag:s12] =	ssyncadd.s32 $0xFFFFF380  }
0x26: {  	[tilespmem:s13], [sflag:$0x9] =	stream.linear.gather [hbm4b:s7+s3], $0xC80, $0x38;
	v63 =	vld [tilespmem:$0x0]  }
0x27: {  	_ =	swait.ge [sflag:s12], $0xC80  }
0x28: {  	[sflag:s12] =	ssyncset.done $0x0  }
.Ltmp2:
0x29: {  	[sflag:s12] =	ssyncadd.s32 $0xFFFFF380;
	(pc) =	sbr.rel .LBB2_2-.Ltmp2, $4  }
0x2a: {  	s22 =	simm.s32 $0x80;
	s23 =	simm.s32 $0x1080;
	[bflag:$0x0] =	sbarrier.arrive $0xFFFF  }
0x2b: {  	[tilespmem:s15], [sflag:$0x1] =	stream.indirect.gather [spmem:s2], $0x80, s3, s14, $0xb8;
	v63 =	vld [tilespmem:$0x0]  }
0x2c: {  	s24 =	smov.u32 s10;
	s25 =	smov.u32 s9;
	s26 =	simm.s32 $0x0  }
0x2d: {  	[tilespmem:s16], [sflag:$0x3] =	stream.indirect.gather [spmem:s2], $0x80, s13, s14, $0xb8;
	v63 =	vld [tilespmem:$0x0]  }
.LBB2_3:
0x2e: {  	s29 =	simm.s32 $0x1  }
.LBB2_6:
0x2f: {  	s30 =	smul.u32 $0x2800, s29;
	_ =	sdelay $0x1  }
0x30: {  	s0 =	sadd.s32 $0x1, s29;
	s31 =	sadd.s32 $0x2000, s30  }
0x31: {  	[tilespmem:s31], [sflag:s0] =	stream.indirect.gather [spmem:s2], $0x80, s22, s14, $0xb8;
	v63 =	vld [tilespmem:$0x0]  }
0x32: {  	s30 =	sadd.s32 $0x7000, s30;
	s31 =	sadd.s32 $0x3, s29  }
0x33: {  	[tilespmem:s30], [sflag:s31] =	stream.indirect.gather [spmem:s2], $0x80, s23, s14, $0xb8;
	v63 =	vld [tilespmem:$0x0]  }
.LBB2_7:
0x34: {  	s0 =	sadd.s32 $0x1, s28  }
0x35: {  	_ =	swait.ge [sflag:s0], $0x2800  }
0x36: {  	[sflag:s0] =	ssyncset.done $0x0  }
0x37: {  	s30 =	sadd.s32 $0x3, s28;
	[sflag:s0] =	ssyncadd.s32 $0xFFFFD800  }
0x38: {  	s29 =	smul.u32 $0x2800, s28;
	s26 =	sadd.s32 $0x1, s26;
	_ =	swait.ge [sflag:s30], $0x2800  }
0x39: {  	s31 =	sadd.s32 $0x5, s28;
	p0 =	sne.s32 s26, $0x19;
	[sflag:s30] =	ssyncset.done $0x0  }
.Ltmp3:
0x3a: {  	[sflag:s30] =	ssyncadd.s32 $0xFFFFD800;
	s30 =	sadd.s32 $0x2000, s29;
	(pc) =	sbr.rel @!p0 .LBB2_8-.Ltmp3, $4  }
0x3b: {  	[hbm4b:s25+s3] =	stream.linear.scatter [tilespmem:s30], [sflag:s31], $0x2800, $0x38;
	v63 =	vld [tilespmem:$0x0]  }
0x3c: {  	s22 =	sadd.s32 $0x80, s22;
	s30 =	sadd.s32 $0x7000, s29;
	s31 =	sadd.s32 $0x7, s28  }
0x3d: {  	[hbm4b:s24+s3] =	stream.linear.scatter [tilespmem:s30], [sflag:s31], $0x2800, $0x38;
	v63 =	vld [tilespmem:$0x0]  }
0x3e: {  	s23 =	sadd.s32 $0x80, s23;
	s25 =	sadd.s32 $0x500, s25;
	s24 =	sadd.s32 $0x500, s24  }
.LBB2_2:
0x3f: {  	p0 =	seq.s32 s26, $0x0  }
.Ltmp4:
0x40: {  	_ = 	snop;
	(pc) =	sbr.rel @p0 .LBB2_3-.Ltmp4, $2  }
0x41: {  	_ =	sdelay $0x2  }
0x42: {  	s28 =	sand.u32 $0x1, s26  }
0x43: {  	p0 =	seq.s32 s26, $0x18  }
.Ltmp5:
0x44: {  	_ = 	snop;
	(pc) =	sbr.rel @p0 .LBB2_7-.Ltmp5, $1  }
0x45: {  	_ =	sdelay $0x3  }
0x46: {  	s29 =	sxor.u32 $0x1, s28  }
0x47: {  	s30 =	sadd.s32 $0x5, s29  }
0x48: {  	_ =	swait.ge [sflag:s30], $0x2800  }
.Ltmp6:
0x49: {  	[sflag:s30] =	ssyncset.done $0x0;
	(pc) =	sbr.rel .LBB2_6-.Ltmp6, $4  }
0x4a: {  	s31 =	sadd.s32 $0x7, s29;
	[sflag:s30] =	ssyncadd.s32 $0xFFFFD800  }
0x4b: {  	_ =	swait.ge [sflag:s31], $0x2800  }
0x4c: {  	[sflag:s31] =	ssyncset.done $0x0  }
0x4d: {  	[sflag:s31] =	ssyncadd.s32 $0xFFFFD800  }
.LBB2_9:
0x4e: {  	_ =	sfence.sel $0x180000  }
0x4f: {  	[bflag:$0x0] =	sbarrier.arrive $0xFFFF  }
0x50: {  	_ =	strace $0x90000053  }
0x51: {  	[bflag:$0x2] =	sbarrier.arrive $0xFFFF  }
0x52: {  	p0 =	sne.s32 s1, $0x0;
	s0 =	rddreg [dreg:$0x3]  }
0x53: {  	s0 =	sadd.s32 @!p0 $0x100000, s0  }
0x54: {  	[sflag:s0] =	ssyncadd.tile.s32 @!p0 $0x1;
	_ =	shalt  }
.Lfunc_end2:
_tile_overlayer_lowered:
.L_overlay_start_2:
0x55: {  	(tag) =	ssettag $0x2  }
0x56: {  	s0 =	rddreg [dreg:$0x0];
	s2 =	stileid.u32  }
0x57: {  	s1 =	rddreg [dreg:$0x1];
	p0 =	sne.s32 s2, $0x0  }
0x58: {  	s3 =	rddreg [dreg:$0x2];
	[bflag:$0x3] =	sbarrier.arrive $0xFFFF;
	s2 =	simm.s32 @!p0 $0x1C09  }
0x59: {  	[timem:s3], [sflag:s2] =	dma.local @!p0 [hbm:s0], s1  }
0x5a: {  	s0 =	simm.s32 @!p0 $0x9  }
0x5b: {  	_ =	swait.ge @!p0 [sflag:s0], s1  }
0x5c: {  	s1 =	ssub.s32 @!p0 $0x0, s1;
	[sflag:s0] =	ssyncset.done @!p0 $0x0  }
0x5d: {  	[sflag:s0] =	ssyncadd.s32 @!p0 s1  }
0x5e: {  	[bflag:$0x3] =	sbarrier.arrive $0xFFFF  }
0x5f: {  	_ =	shalt  }

// kernel: kernel.30.cloned.1.call-start
scs
__scs_entry_jumppad:
0x0: {  	(pc) =	sbr.rel $0x88, $3  }
0x1: {  	(tag) =	ssettag $0x0;
	lr =	simm.s32 $0x1  }
0x2: {  	[smem:$0x3F96] =	sst lr;
	_ =	strace $0xD0000000  }
0x3: {  	_ = 	snop  }
0x4: {  	_ = 	snop  }
0x5: {  	_ = 	snop  }
0x6: {  	_ = 	snop  }
0x7: {  	_ = 	snop  }
__scs_overlays_trampoline_lowered:
0x8: {  	[smem:$0x3FA5] =	sst s0  }
0x9: {  	[smem:$0x3FA6] =	sst s1  }
0xa: {  	[smem:$0x3FA7] =	sst s2  }
0xb: {  	[smem:$0x3FA8] =	sst s3  }
0xc: {  	[smem:$0x3FA9] =	sst s4  }
0xd: {  	[smem:$0x3FAA] =	sst s5  }
0xe: {  	[smem:$0x3FAB] =	sst s6  }
0xf: {  	[smem:$0x3FAC] =	sst s7  }
0x10: {  	[smem:$0x3FAD] =	sst s8  }
0x11: {  	[smem:$0x3FAE] =	sst s9;
	s0 =	simm.s32 @!p0 $0x0  }
0x12: {  	s1 =	sld [smem:$0x3F94];
	s0 =	simm.s32 @p0 $0x1  }
0x13: {  	[smem:$0x3FAF] =	sst s0;
	s0 =	simm.s32 @!p1 $0x0  }
0x14: {  	s2 =	sld [smem:$0x3F93];
	s0 =	simm.s32 @p1 $0x1  }
0x15: {  	[smem:$0x3FB0] =	sst s0;
	s0 =	simm.s32 @!p2 $0x0  }
0x16: {  	s3 =	sld [smem:$0x3FDB];
	s0 =	simm.s32 @p2 $0x1  }
0x17: {  	s4 =	simm.s32 $0x1BF5;
	[smem:$0x3FB2] =	sst s0  }
0x18: {  	s0 =	sld [smem:$0x3F95];
	_ =	swait.ge [sflag:s4], $0x0  }
0x19: {  	s7 =	sld [smem:$0x3F96]  }
0x1a: {  	s8 =	sadd.s32 $0xFFFFE003, lr  }
0x1b: {  	s9 =	sadd.s32 $0xFFFFFEF7, lr;
	s5 =	simm.s32 $0xFFFFFFFF;
	p2 =	slt.u32 s8, $0xFFFFF086  }
0x1c: {  	p1 =	slt.u32 s9, $0xF7A;
	s5 =	simm.s32 @!p2 $0x0  }
0x1d: {  	s5 =	simm.s32 @p1 $0x1;
	p0 =	seq.s32 s7, s2  }
0x1e: {  	s7 =	smul.u32 @!p0 $0xF7A, s2;
	p2 =	seq.s32 @!p0 s5, $0x0  }
0x1f: {  	s9 =	smul.u32 $0xF7A, s1;
	s8 =	simm.s32 @!p0 $0x1BF5;
	p2 =	por !p2, p0  }
0x20: {  	[sflag:s8] =	ssyncset.s32 @!p0 $0xFFFFF086;
	s6 =	sadd.s32 @!p0 s3, s7;
	s7 =	simm.s32 @!p0 $0x108  }
0x21: {  	s3 =	sadd.s32 s3, s9;
	s6 =	sadd.s32 @!p0 $0x88, s6;
	s7 =	simm.s32 @p2 $0x1082  }
0x22: {  	[simem:s7], [sflag:s8] =	dma.local @!p0 [hbm:s6], $0xF7A  }
0x23: {  	s9 =	sor.u32 $0xD0000000, s2;
	s6 =	simm.s32 $0x108;
	_ =	swait.ge @!p0 [sflag:s8], $0x0  }
0x24: {  	s3 =	sadd.s32 $0x88, s3;
	s6 =	simm.s32 @!p1 $0x1082;
	[sflag:s4] =	ssyncset.s32 $0xFFFFF086  }
0x25: {  	[simem:s6], [sflag:s4] =	dma.local [hbm:s3], $0xF7A  }
0x26: {  	[smem:$0x3F96] =	sst s1;
	(tag) =	ssettag s2;
	_ =	strace s9  }
0x27: {  	s1 =	sld [smem:$0x3FA6]  }
0x28: {  	s2 =	sld [smem:$0x3FA7]  }
0x29: {  	s4 =	sld [smem:$0x3FA9]  }
0x2a: {  	p0 =	seq.s32 s5, $0x0;
	s5 =	sld [smem:$0x3FAA]  }
0x2b: {  	s6 =	sld [smem:$0x3FAB]  }
0x2c: {  	s7 =	sld [smem:$0x3FAC]  }
0x2d: {  	s3 =	simm.s32 $0x108;
	s8 =	sld [smem:$0x3FAD]  }
0x2e: {  	s3 =	simm.s32 @!p0 $0x1082;
	s9 =	sld [smem:$0x3FAE]  }
0x2f: {  	lr =	sadd.s32 s0, s3;
	s0 =	sld [smem:$0x3FA5]  }
0x30: {  	s3 =	sld [smem:$0x3FA8]  }
0x31: {  	[smem:$0x3FB1] =	sst s10  }
0x32: {  	s10 =	sld [smem:$0x3FAF];
	_ =	sdelay $0x3  }
0x33: {  	p0 =	seq.s32 s10, $0x1;
	s10 =	sld [smem:$0x3FB1];
	_ =	sdelay $0x3  }
0x34: {  	[smem:$0x3FB1] =	sst s10  }
0x35: {  	s10 =	sld [smem:$0x3FB0];
	_ =	sdelay $0x3  }
0x36: {  	p1 =	seq.s32 s10, $0x1;
	s10 =	sld [smem:$0x3FB1];
	_ =	sdelay $0x3  }
0x37: {  	[smem:$0x3FB1] =	sst s10  }
0x38: {  	s10 =	sld [smem:$0x3FB2]  }
0x39: {  	_ = 	snop;
	(pc) =	sbr.ind lr, $3  }
0x3a: {  	_ = 	snop  }
0x3b: {  	_ = 	snop  }
0x3c: {  	p2 =	seq.s32 s10, $0x1;
	s10 =	sld [smem:$0x3FB1]  }
0x3d: {  	_ =	shalt  }
0x3e: {  	_ =	shalt  }
0x3f: {  	_ =	shalt  }
0x40: {  	_ =	shalt  }
0x41: {  	_ =	shalt  }
0x42: {  	_ =	shalt  }
0x43: {  	_ =	shalt  }
0x44: {  	_ =	shalt  }
0x45: {  	_ =	shalt  }
0x46: {  	_ =	shalt  }
0x47: {  	_ =	shalt  }
0x48: {  	_ =	shalt  }
0x49: {  	_ =	shalt  }
0x4a: {  	_ =	shalt  }
0x4b: {  	_ =	shalt  }
0x4c: {  	_ =	shalt  }
0x4d: {  	_ =	shalt  }
0x4e: {  	_ =	shalt  }
0x4f: {  	_ =	shalt  }
0x50: {  	_ =	shalt  }
0x51: {  	_ =	shalt  }
0x52: {  	_ =	shalt  }
0x53: {  	_ =	shalt  }
0x54: {  	_ =	shalt  }
0x55: {  	_ =	shalt  }
0x56: {  	_ =	shalt  }
0x57: {  	_ =	shalt  }
0x58: {  	_ =	shalt  }
0x59: {  	_ =	shalt  }
0x5a: {  	_ =	shalt  }
0x5b: {  	_ =	shalt  }
0x5c: {  	_ =	shalt  }
0x5d: {  	_ =	shalt  }
0x5e: {  	_ =	shalt  }
0x5f: {  	_ =	shalt  }
0x60: {  	_ =	shalt  }
0x61: {  	_ =	shalt  }
0x62: {  	_ =	shalt  }
0x63: {  	_ =	shalt  }
0x64: {  	_ =	shalt  }
0x65: {  	_ =	shalt  }
0x66: {  	_ =	shalt  }
0x67: {  	_ =	shalt  }
0x68: {  	_ =	shalt  }
0x69: {  	_ =	shalt  }
0x6a: {  	_ =	shalt  }
0x6b: {  	_ =	shalt  }
0x6c: {  	_ =	shalt  }
0x6d: {  	_ =	shalt  }
0x6e: {  	_ =	shalt  }
0x6f: {  	_ =	shalt  }
0x70: {  	_ =	shalt  }
0x71: {  	_ =	shalt  }
0x72: {  	_ =	shalt  }
0x73: {  	_ =	shalt  }
0x74: {  	_ =	shalt  }
0x75: {  	_ =	shalt  }
0x76: {  	_ =	shalt  }
0x77: {  	_ =	shalt  }
0x78: {  	_ =	shalt  }
0x79: {  	_ =	shalt  }
0x7a: {  	_ =	shalt  }
0x7b: {  	_ =	shalt  }
0x7c: {  	_ =	shalt  }
0x7d: {  	_ =	shalt  }
0x7e: {  	_ =	shalt  }
0x7f: {  	_ =	shalt  }
0x80: {  	_ =	shalt  }
0x81: {  	_ =	shalt  }
0x82: {  	_ =	shalt  }
0x83: {  	_ =	shalt  }
0x84: {  	_ =	shalt  }
0x85: {  	_ =	shalt  }
0x86: {  	_ =	shalt  }
0x87: {  	_ =	shalt  }
.Lfunc_end0:
.L_simem_size_0:
called_computation.5_lowered:
.L_overlay_start_0:
0x88: {  	s2 =	sld [smem:$0x3FD9]  }
0x89: {  	s3 =	sld [smem:$0x3FFE];
	_ =	sdelay $0x1  }
0x8a: {  	s1 =	srdreg.scid  }
0x8b: {  	s0 =	sand.u32 $0x1, s1  }
0x8c: {  	s15 =	sshll.u32 s0, $0xA;
	s2 =	sadd.s32 s3, s2  }
0x8d: {  	s2 =	sadd.s32 s2, s15  }
0x8e: {  	[smem:$0x3FBD] =	sst s2  }
0x8f: {  	_ = 	snop  }
0x90: {  	s2 =	sld [smem:$0x3FD0];
	_ =	sdelay $0x2  }
0x91: {  	s16 =	simm.s32 $0xE;
	s4 =	simm.s32 $0x10  }
0x92: {  	[smem:s4], [sflag:s16] =	dma.local [hbm:s2], $0x1  }
0x93: {  	_ =	swait.eq [sflag:s16], $0x1  }
0x94: {  	[sflag:s16] =	ssyncset.done $0x0  }
0x95: {  	[sflag:s16] =	ssyncadd.s32 $0xFFFFFFFF  }
0x96: {  	s17 =	sld [smem:$0x10];
	(tm) =	ssettm $0x1  }
0x97: {  	s18 =	sld [smem:$0x3FFB];
	_ =	sdelay $0x3  }
0x98: {  	_ =	strace s18  }
0x99: {  	s2 =	sld [smem:$0x3FFC];
	_ =	sdelay $0x3  }
0x9a: {  	_ =	strace s2  }
0x9b: {  	s2 =	sld [smem:$0x3FFD];
	_ =	sdelay $0x3  }
0x9c: {  	_ =	strace s2  }
0x9d: {  	_ =	strace $0x8FFFFFFF  }
0x9e: {  	s19 =	sld [smem:$0x3FDB];
	_ =	sdelay $0x1  }
0x9f: {  	s20 =	simm.s32 $_scs_section_size  }
0xa0: {  	s5 =	simm.s32 $_size__tile_overlayer_lowered;
	s6 =	simm.s32 $_tile_overlayer_lowered  }
0xa1: {  	s7 =	simm.s32 $0x1BFF;
	s21 =	sshll.u32 s6, $0x1;
	s4 =	sadd.s32 s20, s19  }
0xa2: {  	s22 =	simm.s32 $0x0;
	s5 =	sshll.u32 s5, $0x1;
	s6 =	sadd.s32 s21, s4  }
0xa3: {  	[timem:s22], [sflag:s7] =	dma.local [hbm:s6], s5  }
0xa4: {  	_ =	swait.ge [sflag:s7], s5  }
0xa5: {  	s5 =	ssub.s32 $0x0, s5;
	[sflag:s7] =	ssyncset.done $0x0  }
0xa6: {  	[sflag:s7] =	ssyncadd.s32 s5;
	_ =	sdelay $0x1  }
0xa7: {  	s23 =	simm.s32 $0x1B8B  }
0xa8: {  	_ =	swait.ge [sflag:s23], $0x1  }
0xa9: {  	[sflag:s23] =	ssyncset.done $0x0  }
0xaa: {  	[sflag:s23] =	ssyncadd.s32 $0xFFFFFFFF  }
0xab: {  	s5 =	sld [smem:$0x0]  }
0xac: {  	s6 =	sand.u32 $0xFFFFFFFE, s1  }
0xad: {  	p0 =	sne.s32 s1, s6  }
0xae: {  	s6 =	sshll.u32 @p0 s6, $0xE  }
0xaf: {  	s6 =	sadd.s32 @p0 $0x11B8D, s6;
	s7 =	sshll.u32 @p0 s5, $0x11  }
0xb0: {  	s6 =	sor.u32 @p0 s7, s6  }
0xb1: {  	[sflag:s6] =	ssyncadd.remote.s32 @p0 $0x1;
	_ =	sdelay $0x1  }
0xb2: {  	s6 =	simm.s32 @p0 $0x1B8D  }
0xb3: {  	_ =	swait.eq @p0 [sflag:s6], $0x1  }
0xb4: {  	[sflag:s6] =	ssyncadd.s32 @p0 $0xFFFFFFFF  }
0xb5: {  	s7 =	sshll.u32 @!p0 s1, $0xE  }
0xb6: {  	s7 =	sor.u32 @!p0 $0x4000, s7;
	s6 =	simm.s32 @!p0 $0x1B8D  }
0xb7: {  	s5 =	sshll.u32 @!p0 s5, $0x11;
	s7 =	sadd.s32 @!p0 $0x11B8D, s7;
	_ =	swait.eq @!p0 [sflag:s6], $0x1  }
0xb8: {  	s5 =	sor.u32 @!p0 s5, s7;
	[sflag:s6] =	ssyncadd.s32 @!p0 $0xFFFFFFFF  }
0xb9: {  	s25 =	simm.s32 $0x1B8E;
	s24 =	sld [smem:$0x3FFE];
	[sflag:s5] =	ssyncadd.remote.s32 @!p0 $0x1  }
0xba: {  	s26 =	simm.s32 $execute0_lowered;
	[smem:$0x3FD2] =	sst s25  }
0xbb: {  	s6 =	sshll.u32 s26, $0x1;
	_ =	strace $0x80000055;
	[dreg:$0x1] =	wrdreg $0xFFFFFFFF  }
0xbc: {  	s28 =	simm.s32 $_size_execute0_lowered;
	s4 =	sadd.s32 s4, s6;
	[dreg:$0x0] =	wrdreg $0x0  }
0xbd: {  	s6 =	sshll.u32 s28, $0x1;
	[dreg:$0x2] =	wrdreg s4  }
0xbe: {  	[dreg:$0x3] =	wrdreg s6  }
0xbf: {  	[dreg:$0x4] =	wrdreg $0xC0  }
0xc0: {  	_ =	task [dreg:s22], $0x5FFFF  }
0xc1: {  	[dreg:$0x1] =	wrdreg $0xFFFFFFFF  }
0xc2: {  	[dreg:$0x0] =	wrdreg $0x60  }
0xc3: {  	[dreg:$0x2] =	wrdreg s24  }
0xc4: {  	[dreg:$0x3] =	wrdreg s17  }
0xc5: {  	[dreg:$0x4] =	wrdreg $0x52000  }
0xc6: {  	[dreg:$0x5] =	wrdreg $0xB  }
0xc7: {  	_ =	task.clear_ibuf [dreg:s22], $0x6FFFF;
	_ =	strace $0x90000055  }
0xc8: {  	s29 =	simm.s32 $0xB;
	_ =	strace $0x80000057  }
0xc9: {  	_ =	swait.ge [sflag:s29], $0x1  }
0xca: {  	[sflag:s29] =	ssyncadd.s32 $0xFFFFFFFF  }
0xcb: {  	_ =	strace $0x90000057  }
0xcc: {  	_ =	sfence  }
0xcd: {  	s30 =	sld [smem:$0x0];
	_ =	sdelay $0x2  }
0xce: {  	s31 =	sshll.u32 s1, $0xD;
	s1 =	sshrl.u32 s1, $0x2  }
0xcf: {  	s4 =	sand.u32 $0x4000, s31;
	s1 =	sadd.s32 s1, s30  }
0xd0: {  	s0 =	sor.u32 s4, s0;
	s1 =	sshll.u32 s1, $0x11  }
0xd1: {  	s0 =	sor.u32 s1, s0  }
0xd2: {  	s0 =	sadd.s32 $0x8F2B, s0  }
0xd3: {  	[sflag:s0] =	ssyncadd.remote.s32 $0x1  }
0xd4: {  	_ =	sfence.sel $0xFFFF  }
0xd5: {  	[dreg:$0x0] =	wrdreg $0xFFFFFFFF;
	(pc) =	sbr.abs _section_cstart, $3  }
0xd6: {  	[dreg:$0x1] =	wrdreg $0xFFFFFFFF  }
0xd7: {  	_ =	task.clear_ibuf [dreg:s22], $0x2FFFF;
	_ =	strace $0x9FFFFFFF  }
0xd8: {  	(tm) =	ssettm $0x7FFFFFFF  }
0xd9: {  	_ =	shalt  }
tec
execute0_lowered:
.L_overlay_start_1:
0x0: {  	(tag) =	ssettag $0x1  }
0x1: {  	s7 =	rddreg [dreg:$0x0]  }
0x2: {  	s1 =	rddreg [dreg:$0x1]  }
0x3: {  	s3 =	rddreg [dreg:$0x2];
	s4 =	simm.s32 $0x0  }
0x4: {  	s0 =	stileid.u32;
	s5 =	srdreg.scid;
	s19 =	simm.s32 $0x50  }
0x5: {  	s20 =	simm.s32 $0x8;
	s21 =	simm.s32 $0xA;
	s22 =	simm.s32 $0x7  }
0x6: {  	s23 =	simm.s32 $0x9;
	[smem:$0x7FF] =	sst s4;
	s24 =	smul.u32 $0x2800, s0  }
0x7: {  	s8 =	sand.u32 $0x1, s5;
	s5 =	sadd.s32 $0x93B400, s7;
	s10 =	smul.u32 $0x50000, s0  }
0x8: {  	s6 =	sadd.s32 $0x931400, s7;
	s28 =	smul.u32 $0xBB800, s0;
	s29 =	sshll.u32 s0, $0x6  }
0x9: {  	_ =	strace $0x80000056;
	s9 =	smul.u32 $0x28000, s8;
	s26 =	ssub.s32 $0x2, s8  }
0xa: {  	s14 =	smul.u32 $0xBB8000, s8;
	s11 =	sadd.s32 s24, s7;
	s12 =	sshrl.u32 s26, $0x1  }
0xb: {  	s10 =	sshrl.u32 s10, $0x2;
	s13 =	sadd.s32 s9, s7;
	s15 =	ssub.s32 s26, s12  }
0xc: {  	s16 =	sadd.s32 s10, s3;
	s7 =	sadd.s32 $0x33800, s11;
	s8 =	sadd.s32 s24, s9  }
.Ltmp0:
0xd: {  	s9 =	sor.u32 $0x1C0B, s29;
	s14 =	sadd.s32 s28, s14;
	(pc) =	sbr.rel .LBB2_1-.Ltmp0, $4  }
0xe: {  	s30 =	sshrl.u32 s8, $0x3;
	s31 =	sshrl.u32 s14, $0x3;
	s25 =	sadd.s32 $0x5B800, s13  }
0xf: {  	s13 =	smax.u32 s15, $0x1;
	s14 =	sadd.s32 $0x2800, s14;
	s15 =	sshrl.u32 s16, $0x3  }
0x10: {  	s16 =	simm.s32 $0xB;
	s10 =	sadd.s32 s1, s30;
	s11 =	sadd.s32 s6, s30  }
0x11: {  	s12 =	sadd.s32 s5, s31;
	s24 =	sadd.s32 s24, s25;
	s25 =	simm.s32 $0x0  }
.LBB2_8:
0x12: {  	_ =	swait.ge [sflag:s20], $0x2800  }
0x13: {  	[sflag:s20] =	ssyncset.done $0x0  }
0x14: {  	[sflag:s20] =	ssyncadd.s32 $0xFFFFD800  }
0x15: {  	_ =	swait.ge [sflag:s21], $0x2800  }
0x16: {  	[sflag:s21] =	ssyncset.done $0x0  }
0x17: {  	[sflag:s21] =	ssyncadd.s32 $0xFFFFD800  }
0x18: {  	_ =	swait.ge [sflag:s22], $0x2800  }
0x19: {  	[sflag:s22] =	ssyncset.done $0x0  }
0x1a: {  	[sflag:s22] =	ssyncadd.s32 $0xFFFFD800  }
0x1b: {  	_ =	swait.ge [sflag:s23], $0x2800  }
0x1c: {  	s25 =	sadd.s32 $0x1, s25;
	[sflag:s23] =	ssyncset.done $0x0  }
0x1d: {  	p0 =	sne.s32 s25, s13;
	[sflag:s23] =	ssyncadd.s32 $0xFFFFD800  }
.Ltmp1:
0x1e: {  	[bflag:$0x0] =	sbarrier.arrive $0xFFFF;
	(pc) =	sbr.rel @!p0 .LBB2_9-.Ltmp1, $4  }
0x1f: {  	[hbm:s24], [sflag:s9] =	dma.local [spmem:s15], $0x2800  }
0x20: {  	_ =	swait.ge [sflag:s16], $0x2800  }
0x21: {  	[sflag:s16] =	ssyncset.done $0x0  }
0x22: {  	[sflag:s16] =	ssyncadd.s32 $0xFFFFD800  }
.LBB2_1:
0x23: {  	[spmem:s15], [sflag:s9] =	dma.local [hbm:s7], $0x2800  }
0x24: {  	_ =	swait.ge [sflag:s16], $0x2800  }
0x25: {  	[sflag:s16] =	ssyncset.done $0x0  }
0x26: {  	[sflag:s16] =	ssyncadd.s32 $0xFFFFD800  }
0x27: {  	[bflag:$0x0] =	sbarrier.arrive $0xFFFF  }
0x28: {  	[tilespmem:s4], [sflag:$0x3] =	stream.linear.gather [hbm4b:s10+s4], $0x80, $0x38;
	[tilespmem:$0x19200] =	vst v63  }
.Ltmp2:
0x29: {  	_ = 	snop;
	(pc) =	sbr.rel .LBB2_2-.Ltmp2, $4  }
0x2a: {  	s0 =	simm.s32 $0x100;
	s31 =	simm.s32 $0x200  }
0x2b: {  	[tilespmem:s0], [sflag:$0x5] =	stream.linear.gather [hbm4b:s11+s4], $0x80, $0x38;
	[tilespmem:$0x19200] =	vst v63  }
0x2c: {  	s26 =	simm.s32 $0x80;
	s28 =	smov.u32 s14;
	s29 =	simm.s32 $0x0  }
0x2d: {  	[tilespmem:s31], [sflag:$0x1] =	stream.linear.gather [hbm4b:s12+s4], $0x2800, $0x38;
	[tilespmem:$0x19200] =	vst v63  }
.LBB2_3:
0x2e: {  	s31 =	simm.s32 $0x1  }
.LBB2_6:
0x2f: {  	s0 =	sand.u32 $0x7C00, s26  }
0x30: {  	s2 =	sand.u32 $0x380, s26;
	s0 =	sadd.s32 s8, s0  }
0x31: {  	s0 =	sor.u32 s2, s0  }
0x32: {  	s17 =	sadd.s32 $0x3, s31;
	s0 =	sshrl.u32 s0, $0x3  }
0x33: {  	s2 =	sshll.u32 s31, $0x7;
	s18 =	sadd.s32 s1, s0;
	s0 =	sadd.s32 s6, s0  }
0x34: {  	[tilespmem:s2], [sflag:s17] =	stream.linear.gather [hbm4b:s18+s4], $0x80, $0x38;
	[tilespmem:$0x19200] =	vst v63  }
0x35: {  	s2 =	sor.u32 $0x100, s2;
	s17 =	sadd.s32 $0x5, s31;
	s18 =	smul.u32 $0xA000, s31  }
0x36: {  	[tilespmem:s2], [sflag:s17] =	stream.linear.gather [hbm4b:s0+s4], $0x80, $0x38;
	[tilespmem:$0x19200] =	vst v63  }
0x37: {  	s17 =	sshrl.u32 s18, $0x2;
	s18 =	sshrl.u32 s28, $0x3  }
0x38: {  	s31 =	sadd.s32 $0x1, s31;
	s0 =	sor.u32 $0x200, s17;
	s2 =	sadd.s32 s5, s18  }
0x39: {  	[tilespmem:s0], [sflag:s31] =	stream.linear.gather [hbm4b:s2+s4], $0x2800, $0x38;
	[tilespmem:$0x19200] =	vst v63  }
.LBB2_7:
0x3a: {  	s0 =	sadd.s32 $0x3, s30  }
0x3b: {  	_ =	swait.ge [sflag:s0], $0x80  }
0x3c: {  	[sflag:s0] =	ssyncset.done $0x0  }
0x3d: {  	s17 =	sadd.s32 $0x5, s30;
	[sflag:s0] =	ssyncadd.s32 $0xFFFFFF80  }
0x3e: {  	_ =	swait.ge [sflag:s17], $0x80  }
0x3f: {  	s18 =	sadd.s32 $0x1, s30;
	s2 =	smul.u32 $0xA000, s30;
	[sflag:s17] =	ssyncset.done $0x0  }
0x40: {  	s31 =	sadd.s32 $0x7, s30;
	s26 =	sadd.s32 $0x80, s26;
	[sflag:s17] =	ssyncadd.s32 $0xFFFFFF80  }
0x41: {  	s28 =	sadd.s32 $0x2800, s28;
	p0 =	sne.s32 s26, $0x2600;
	_ =	swait.ge [sflag:s18], $0x2800  }
.Ltmp3:
0x42: {  	s2 =	sshrl.u32 s2, $0x2;
	[sflag:s18] =	ssyncset.done $0x0;
	(pc) =	sbr.rel @!p0 .LBB2_8-.Ltmp3, $4  }
0x43: {  	s2 =	sor.u32 $0x200, s2;
	s17 =	sshll.u32 s30, $0x7;
	[sflag:s18] =	ssyncadd.s32 $0xFFFFD800  }
0x44: {  	[spmem:s3] =	stream.indirect.scatter.add.f32 [tilespmem:s2], [sflag:s31], $0x80, s17, s19, $0xb8;
	[tilespmem:$0x19200] =	vst v63  }
0x45: {  	s29 =	sadd.s32 $0x1, s29;
	s18 =	sor.u32 $0x100, s17;
	s31 =	sadd.s32 $0x9, s30  }
0x46: {  	[spmem:s3] =	stream.indirect.scatter.add.f32 [tilespmem:s2], [sflag:s31], $0x80, s18, s19, $0xb8;
	[tilespmem:$0x19200] =	vst v63  }
.LBB2_2:
0x47: {  	p0 =	seq.s32 s29, $0x0  }
.Ltmp4:
0x48: {  	_ = 	snop;
	(pc) =	sbr.rel @p0 .LBB2_3-.Ltmp4, $2  }
0x49: {  	_ =	sdelay $0x2  }
0x4a: {  	s30 =	sand.u32 $0x1, s29  }
0x4b: {  	p0 =	seq.s32 s29, $0x4A  }
.Ltmp5:
0x4c: {  	_ = 	snop;
	(pc) =	sbr.rel @p0 .LBB2_7-.Ltmp5, $1  }
0x4d: {  	_ =	sdelay $0x3  }
0x4e: {  	s31 =	sxor.u32 $0x1, s30  }
0x4f: {  	s0 =	sadd.s32 $0x7, s31  }
0x50: {  	_ =	swait.ge [sflag:s0], $0x2800  }
.Ltmp6:
0x51: {  	[sflag:s0] =	ssyncset.done $0x0;
	(pc) =	sbr.rel .LBB2_6-.Ltmp6, $4  }
0x52: {  	s18 =	sadd.s32 $0x9, s31;
	[sflag:s0] =	ssyncadd.s32 $0xFFFFD800  }
0x53: {  	_ =	swait.ge [sflag:s18], $0x2800  }
0x54: {  	[sflag:s18] =	ssyncset.done $0x0  }
0x55: {  	[sflag:s18] =	ssyncadd.s32 $0xFFFFD800  }
.LBB2_9:
0x56: {  	_ =	sfence.sel $0x180000  }
0x57: {  	[bflag:$0x0] =	sbarrier.arrive $0xFFFF  }
0x58: {  	_ =	strace $0x90000056  }
0x59: {  	s0 =	stileid.u32;
	[bflag:$0x2] =	sbarrier.arrive $0xFFFF  }
0x5a: {  	p0 =	sne.s32 s0, $0x0;
	s0 =	rddreg [dreg:$0x3]  }
0x5b: {  	s0 =	sadd.s32 @!p0 $0x100000, s0  }
0x5c: {  	[sflag:s0] =	ssyncadd.tile.s32 @!p0 $0x1;
	_ =	shalt  }
.Lfunc_end2:
_tile_overlayer_lowered:
.L_overlay_start_2:
0x5d: {  	(tag) =	ssettag $0x2  }
0x5e: {  	s0 =	rddreg [dreg:$0x0];
	s2 =	stileid.u32  }
0x5f: {  	s1 =	rddreg [dreg:$0x1];
	p0 =	sne.s32 s2, $0x0  }
0x60: {  	s3 =	rddreg [dreg:$0x2];
	[bflag:$0x3] =	sbarrier.arrive $0xFFFF;
	s2 =	simm.s32 @!p0 $0x1C0B  }
0x61: {  	[timem:s3], [sflag:s2] =	dma.local @!p0 [hbm:s0], s1  }
0x62: {  	s0 =	simm.s32 @!p0 $0xB  }
0x63: {  	_ =	swait.ge @!p0 [sflag:s0], s1  }
0x64: {  	s1 =	ssub.s32 @!p0 $0x0, s1;
	[sflag:s0] =	ssyncset.done @!p0 $0x0  }
0x65: {  	[sflag:s0] =	ssyncadd.s32 @!p0 s1  }
0x66: {  	[bflag:$0x3] =	sbarrier.arrive $0xFFFF  }
0x67: {  	_ =	shalt  }

// kernel: kernel.33.cloned.1.call-start
scs
__scs_entry_jumppad:
0x0: {  	(pc) =	sbr.rel $0x88, $3  }
0x1: {  	(tag) =	ssettag $0x0;
	lr =	simm.s32 $0x1  }
0x2: {  	[smem:$0x3F96] =	sst lr;
	_ =	strace $0xD0000000  }
0x3: {  	_ = 	snop  }
0x4: {  	_ = 	snop  }
0x5: {  	_ = 	snop  }
0x6: {  	_ = 	snop  }
0x7: {  	_ = 	snop  }
__scs_overlays_trampoline_lowered:
0x8: {  	[smem:$0x3FA5] =	sst s0  }
0x9: {  	[smem:$0x3FA6] =	sst s1  }
0xa: {  	[smem:$0x3FA7] =	sst s2  }
0xb: {  	[smem:$0x3FA8] =	sst s3  }
0xc: {  	[smem:$0x3FA9] =	sst s4  }
0xd: {  	[smem:$0x3FAA] =	sst s5  }
0xe: {  	[smem:$0x3FAB] =	sst s6  }
0xf: {  	[smem:$0x3FAC] =	sst s7  }
0x10: {  	[smem:$0x3FAD] =	sst s8  }
0x11: {  	[smem:$0x3FAE] =	sst s9;
	s0 =	simm.s32 @!p0 $0x0  }
0x12: {  	s1 =	sld [smem:$0x3F94];
	s0 =	simm.s32 @p0 $0x1  }
0x13: {  	[smem:$0x3FAF] =	sst s0;
	s0 =	simm.s32 @!p1 $0x0  }
0x14: {  	s2 =	sld [smem:$0x3F93];
	s0 =	simm.s32 @p1 $0x1  }
0x15: {  	[smem:$0x3FB0] =	sst s0;
	s0 =	simm.s32 @!p2 $0x0  }
0x16: {  	s3 =	sld [smem:$0x3FDB];
	s0 =	simm.s32 @p2 $0x1  }
0x17: {  	s4 =	simm.s32 $0x1BF5;
	[smem:$0x3FB2] =	sst s0  }
0x18: {  	s0 =	sld [smem:$0x3F95];
	_ =	swait.ge [sflag:s4], $0x0  }
0x19: {  	s7 =	sld [smem:$0x3F96]  }
0x1a: {  	s8 =	sadd.s32 $0xFFFFE003, lr  }
0x1b: {  	s9 =	sadd.s32 $0xFFFFFEF7, lr;
	s5 =	simm.s32 $0xFFFFFFFF;
	p2 =	slt.u32 s8, $0xFFFFF086  }
0x1c: {  	p1 =	slt.u32 s9, $0xF7A;
	s5 =	simm.s32 @!p2 $0x0  }
0x1d: {  	s5 =	simm.s32 @p1 $0x1;
	p0 =	seq.s32 s7, s2  }
0x1e: {  	s7 =	smul.u32 @!p0 $0xF7A, s2;
	p2 =	seq.s32 @!p0 s5, $0x0  }
0x1f: {  	s9 =	smul.u32 $0xF7A, s1;
	s8 =	simm.s32 @!p0 $0x1BF5;
	p2 =	por !p2, p0  }
0x20: {  	[sflag:s8] =	ssyncset.s32 @!p0 $0xFFFFF086;
	s6 =	sadd.s32 @!p0 s3, s7;
	s7 =	simm.s32 @!p0 $0x108  }
0x21: {  	s3 =	sadd.s32 s3, s9;
	s6 =	sadd.s32 @!p0 $0x88, s6;
	s7 =	simm.s32 @p2 $0x1082  }
0x22: {  	[simem:s7], [sflag:s8] =	dma.local @!p0 [hbm:s6], $0xF7A  }
0x23: {  	s9 =	sor.u32 $0xD0000000, s2;
	s6 =	simm.s32 $0x108;
	_ =	swait.ge @!p0 [sflag:s8], $0x0  }
0x24: {  	s3 =	sadd.s32 $0x88, s3;
	s6 =	simm.s32 @!p1 $0x1082;
	[sflag:s4] =	ssyncset.s32 $0xFFFFF086  }
0x25: {  	[simem:s6], [sflag:s4] =	dma.local [hbm:s3], $0xF7A  }
0x26: {  	[smem:$0x3F96] =	sst s1;
	(tag) =	ssettag s2;
	_ =	strace s9  }
0x27: {  	s1 =	sld [smem:$0x3FA6]  }
0x28: {  	s2 =	sld [smem:$0x3FA7]  }
0x29: {  	s4 =	sld [smem:$0x3FA9]  }
0x2a: {  	p0 =	seq.s32 s5, $0x0;
	s5 =	sld [smem:$0x3FAA]  }
0x2b: {  	s6 =	sld [smem:$0x3FAB]  }
0x2c: {  	s7 =	sld [smem:$0x3FAC]  }
0x2d: {  	s3 =	simm.s32 $0x108;
	s8 =	sld [smem:$0x3FAD]  }
0x2e: {  	s3 =	simm.s32 @!p0 $0x1082;
	s9 =	sld [smem:$0x3FAE]  }
0x2f: {  	lr =	sadd.s32 s0, s3;
	s0 =	sld [smem:$0x3FA5]  }
0x30: {  	s3 =	sld [smem:$0x3FA8]  }
0x31: {  	[smem:$0x3FB1] =	sst s10  }
0x32: {  	s10 =	sld [smem:$0x3FAF];
	_ =	sdelay $0x3  }
0x33: {  	p0 =	seq.s32 s10, $0x1;
	s10 =	sld [smem:$0x3FB1];
	_ =	sdelay $0x3  }
0x34: {  	[smem:$0x3FB1] =	sst s10  }
0x35: {  	s10 =	sld [smem:$0x3FB0];
	_ =	sdelay $0x3  }
0x36: {  	p1 =	seq.s32 s10, $0x1;
	s10 =	sld [smem:$0x3FB1];
	_ =	sdelay $0x3  }
0x37: {  	[smem:$0x3FB1] =	sst s10  }
0x38: {  	s10 =	sld [smem:$0x3FB2]  }
0x39: {  	_ = 	snop;
	(pc) =	sbr.ind lr, $3  }
0x3a: {  	_ = 	snop  }
0x3b: {  	_ = 	snop  }
0x3c: {  	p2 =	seq.s32 s10, $0x1;
	s10 =	sld [smem:$0x3FB1]  }
0x3d: {  	_ =	shalt  }
0x3e: {  	_ =	shalt  }
0x3f: {  	_ =	shalt  }
0x40: {  	_ =	shalt  }
0x41: {  	_ =	shalt  }
0x42: {  	_ =	shalt  }
0x43: {  	_ =	shalt  }
0x44: {  	_ =	shalt  }
0x45: {  	_ =	shalt  }
0x46: {  	_ =	shalt  }
0x47: {  	_ =	shalt  }
0x48: {  	_ =	shalt  }
0x49: {  	_ =	shalt  }
0x4a: {  	_ =	shalt  }
0x4b: {  	_ =	shalt  }
0x4c: {  	_ =	shalt  }
0x4d: {  	_ =	shalt  }
0x4e: {  	_ =	shalt  }
0x4f: {  	_ =	shalt  }
0x50: {  	_ =	shalt  }
0x51: {  	_ =	shalt  }
0x52: {  	_ =	shalt  }
0x53: {  	_ =	shalt  }
0x54: {  	_ =	shalt  }
0x55: {  	_ =	shalt  }
0x56: {  	_ =	shalt  }
0x57: {  	_ =	shalt  }
0x58: {  	_ =	shalt  }
0x59: {  	_ =	shalt  }
0x5a: {  	_ =	shalt  }
0x5b: {  	_ =	shalt  }
0x5c: {  	_ =	shalt  }
0x5d: {  	_ =	shalt  }
0x5e: {  	_ =	shalt  }
0x5f: {  	_ =	shalt  }
0x60: {  	_ =	shalt  }
0x61: {  	_ =	shalt  }
0x62: {  	_ =	shalt  }
0x63: {  	_ =	shalt  }
0x64: {  	_ =	shalt  }
0x65: {  	_ =	shalt  }
0x66: {  	_ =	shalt  }
0x67: {  	_ =	shalt  }
0x68: {  	_ =	shalt  }
0x69: {  	_ =	shalt  }
0x6a: {  	_ =	shalt  }
0x6b: {  	_ =	shalt  }
0x6c: {  	_ =	shalt  }
0x6d: {  	_ =	shalt  }
0x6e: {  	_ =	shalt  }
0x6f: {  	_ =	shalt  }
0x70: {  	_ =	shalt  }
0x71: {  	_ =	shalt  }
0x72: {  	_ =	shalt  }
0x73: {  	_ =	shalt  }
0x74: {  	_ =	shalt  }
0x75: {  	_ =	shalt  }
0x76: {  	_ =	shalt  }
0x77: {  	_ =	shalt  }
0x78: {  	_ =	shalt  }
0x79: {  	_ =	shalt  }
0x7a: {  	_ =	shalt  }
0x7b: {  	_ =	shalt  }
0x7c: {  	_ =	shalt  }
0x7d: {  	_ =	shalt  }
0x7e: {  	_ =	shalt  }
0x7f: {  	_ =	shalt  }
0x80: {  	_ =	shalt  }
0x81: {  	_ =	shalt  }
0x82: {  	_ =	shalt  }
0x83: {  	_ =	shalt  }
0x84: {  	_ =	shalt  }
0x85: {  	_ =	shalt  }
0x86: {  	_ =	shalt  }
0x87: {  	_ =	shalt  }
.Lfunc_end0:
.L_simem_size_0:
called_computation.6_lowered:
.L_overlay_start_0:
0x88: {  	s2 =	sld [smem:$0x3FD9]  }
0x89: {  	s3 =	sld [smem:$0x3FFE];
	_ =	sdelay $0x1  }
0x8a: {  	s1 =	srdreg.scid  }
0x8b: {  	s0 =	sand.u32 $0x1, s1  }
0x8c: {  	s17 =	sshll.u32 s0, $0xA;
	s2 =	sadd.s32 s3, s2  }
0x8d: {  	s2 =	sadd.s32 s2, s17  }
0x8e: {  	[smem:$0x3FBD] =	sst s2  }
0x8f: {  	_ = 	snop  }
0x90: {  	(tm) =	ssettm $0x1  }
0x91: {  	s18 =	sld [smem:$0x3FFB];
	_ =	sdelay $0x3  }
0x92: {  	_ =	strace s18  }
0x93: {  	s2 =	sld [smem:$0x3FFC];
	_ =	sdelay $0x3  }
0x94: {  	_ =	strace s2  }
0x95: {  	s2 =	sld [smem:$0x3FFD];
	_ =	sdelay $0x3  }
0x96: {  	_ =	strace s2  }
0x97: {  	_ =	strace $0x8FFFFFFF  }
0x98: {  	s19 =	sld [smem:$0x3FDB];
	_ =	sdelay $0x1  }
0x99: {  	s20 =	simm.s32 $_scs_section_size  }
0x9a: {  	s4 =	simm.s32 $_size__tile_overlayer_lowered;
	s5 =	simm.s32 $_tile_overlayer_lowered  }
0x9b: {  	s6 =	simm.s32 $0x1BFF;
	s21 =	sshll.u32 s5, $0x1;
	s3 =	sadd.s32 s20, s19  }
0x9c: {  	s22 =	simm.s32 $0x0;
	s4 =	sshll.u32 s4, $0x1;
	s5 =	sadd.s32 s21, s3  }
0x9d: {  	[timem:s22], [sflag:s6] =	dma.local [hbm:s5], s4  }
0x9e: {  	_ =	swait.ge [sflag:s6], s4  }
0x9f: {  	s4 =	ssub.s32 $0x0, s4;
	[sflag:s6] =	ssyncset.done $0x0  }
0xa0: {  	[sflag:s6] =	ssyncadd.s32 s4;
	_ =	sdelay $0x1  }
0xa1: {  	s23 =	simm.s32 $0x1B8B  }
0xa2: {  	_ =	swait.ge [sflag:s23], $0x1  }
0xa3: {  	[sflag:s23] =	ssyncset.done $0x0  }
0xa4: {  	[sflag:s23] =	ssyncadd.s32 $0xFFFFFFFF  }
0xa5: {  	s4 =	sld [smem:$0x0]  }
0xa6: {  	s5 =	sand.u32 $0xFFFFFFFE, s1  }
0xa7: {  	p0 =	sne.s32 s1, s5  }
0xa8: {  	s5 =	sshll.u32 @p0 s5, $0xE  }
0xa9: {  	s5 =	sadd.s32 @p0 $0x11B8D, s5;
	s6 =	sshll.u32 @p0 s4, $0x11  }
0xaa: {  	s5 =	sor.u32 @p0 s6, s5  }
0xab: {  	[sflag:s5] =	ssyncadd.remote.s32 @p0 $0x1;
	_ =	sdelay $0x1  }
0xac: {  	s5 =	simm.s32 @p0 $0x1B8D  }
0xad: {  	_ =	swait.eq @p0 [sflag:s5], $0x1  }
0xae: {  	[sflag:s5] =	ssyncadd.s32 @p0 $0xFFFFFFFF  }
0xaf: {  	s6 =	sshll.u32 @!p0 s1, $0xE  }
0xb0: {  	s6 =	sor.u32 @!p0 $0x4000, s6;
	s5 =	simm.s32 @!p0 $0x1B8D  }
0xb1: {  	s4 =	sshll.u32 @!p0 s4, $0x11;
	s6 =	sadd.s32 @!p0 $0x11B8D, s6;
	_ =	swait.eq @!p0 [sflag:s5], $0x1  }
0xb2: {  	s4 =	sor.u32 @!p0 s4, s6;
	[sflag:s5] =	ssyncadd.s32 @!p0 $0xFFFFFFFF  }
0xb3: {  	s25 =	simm.s32 $0x1B8E;
	s24 =	sld [smem:$0x3FFE];
	[sflag:s4] =	ssyncadd.remote.s32 @!p0 $0x1  }
0xb4: {  	s26 =	simm.s32 $execute0_lowered;
	[smem:$0x3FD2] =	sst s25  }
0xb5: {  	s5 =	sshll.u32 s26, $0x1;
	_ =	strace $0x80000058;
	[dreg:$0x1] =	wrdreg $0xFFFFFFFF  }
0xb6: {  	s28 =	simm.s32 $_size_execute0_lowered;
	s3 =	sadd.s32 s3, s5;
	[dreg:$0x0] =	wrdreg $0x0  }
0xb7: {  	s5 =	sshll.u32 s28, $0x1;
	[dreg:$0x2] =	wrdreg s3  }
0xb8: {  	[dreg:$0x3] =	wrdreg s5  }
0xb9: {  	[dreg:$0x4] =	wrdreg $0xC0  }
0xba: {  	_ =	task [dreg:s22], $0x5FFFF  }
0xbb: {  	[dreg:$0x1] =	wrdreg $0xFFFFFFFF  }
0xbc: {  	[dreg:$0x0] =	wrdreg $0x60  }
0xbd: {  	[dreg:$0x2] =	wrdreg s24  }
0xbe: {  	[dreg:$0x3] =	wrdreg $0x52000  }
0xbf: {  	[dreg:$0x4] =	wrdreg $0x9  }
0xc0: {  	_ =	task.clear_ibuf [dreg:s22], $0x5FFFF;
	_ =	strace $0x90000058  }
0xc1: {  	s29 =	simm.s32 $0x9;
	_ =	strace $0x8000005A  }
0xc2: {  	_ =	swait.ge [sflag:s29], $0x1  }
0xc3: {  	[sflag:s29] =	ssyncadd.s32 $0xFFFFFFFF  }
0xc4: {  	_ =	strace $0x9000005A  }
0xc5: {  	_ =	sfence  }
0xc6: {  	s30 =	sld [smem:$0x0];
	_ =	sdelay $0x2  }
0xc7: {  	s31 =	sshll.u32 s1, $0xD;
	s1 =	sshrl.u32 s1, $0x2  }
0xc8: {  	s4 =	sand.u32 $0x4000, s31;
	s1 =	sadd.s32 s1, s30  }
0xc9: {  	s0 =	sor.u32 s4, s0;
	s1 =	sshll.u32 s1, $0x11  }
0xca: {  	s0 =	sor.u32 s1, s0  }
0xcb: {  	s0 =	sadd.s32 $0x8F2B, s0  }
0xcc: {  	[sflag:s0] =	ssyncadd.remote.s32 $0x1  }
0xcd: {  	_ =	sfence.sel $0xFFFF  }
0xce: {  	[dreg:$0x0] =	wrdreg $0xFFFFFFFF;
	(pc) =	sbr.abs _section_cstart, $3  }
0xcf: {  	[dreg:$0x1] =	wrdreg $0xFFFFFFFF  }
0xd0: {  	_ =	task.clear_ibuf [dreg:s22], $0x2FFFF;
	_ =	strace $0x9FFFFFFF  }
0xd1: {  	(tm) =	ssettm $0x7FFFFFFF  }
tec
execute0_lowered:
.L_overlay_start_1:
0x0: {  	(tag) =	ssettag $0x1  }
0x1: {  	s7 =	rddreg [dreg:$0x0]  }
0x2: {  	s2 =	rddreg [dreg:$0x1];
	s3 =	simm.s32 $0x0  }
0x3: {  	s0 =	stileid.u32;
	s4 =	srdreg.scid;
	s19 =	simm.s32 $0x50  }
0x4: {  	s20 =	simm.s32 $0x7;
	s21 =	simm.s32 $0x9;
	s24 =	smul.u32 $0x2800, s0  }
0x5: {  	s22 =	simm.s32 $0x8;
	s23 =	simm.s32 $0xA;
	s10 =	smul.u32 $0x50000, s0  }
0x6: {  	[smem:$0x7FF] =	sst s3;
	s8 =	sand.u32 $0x1, s4;
	s26 =	smul.u32 $0x1C00, s0  }
0x7: {  	s4 =	sadd.s32 $0x25B400, s7;
	s5 =	sadd.s32 $0x3800, s7;
	s28 =	smul.u32 $0x7D000, s0  }
0x8: {  	s6 =	sadd.s32 $0xAB800, s7;
	s29 =	sshll.u32 s0, $0x6;
	s9 =	smul.u32 $0x28000, s8  }
0x9: {  	_ =	strace $0x80000059;
	s12 =	smul.u32 $0x1C000, s8;
	s25 =	ssub.s32 $0x2, s8  }
0xa: {  	s15 =	smul.u32 $0x7D0000, s8;
	s11 =	sadd.s32 s24, s7;
	s14 =	sshrl.u32 s25, $0x1  }
0xb: {  	s10 =	sshrl.u32 s10, $0x2;
	s13 =	sadd.s32 s9, s7;
	s14 =	ssub.s32 s25, s14  }
0xc: {  	s16 =	sadd.s32 s10, s2;
	s7 =	sadd.s32 $0x33800, s11;
	s8 =	sadd.s32 s26, s12  }
.Ltmp0:
0xd: {  	s9 =	sor.u32 $0x1C0B, s29;
	s15 =	sadd.s32 s28, s15;
	(pc) =	sbr.rel .LBB2_1-.Ltmp0, $4  }
0xe: {  	s30 =	sshrl.u32 s8, $0x3;
	s31 =	sshrl.u32 s15, $0x3;
	s25 =	sadd.s32 $0xB2800, s13  }
0xf: {  	s13 =	smax.u32 s14, $0x1;
	s14 =	sadd.s32 $0x2800, s15;
	s15 =	sshrl.u32 s16, $0x3  }
0x10: {  	s16 =	simm.s32 $0xB;
	s10 =	sadd.s32 s5, s30;
	s11 =	sadd.s32 s6, s30  }
0x11: {  	s12 =	sadd.s32 s4, s31;
	s24 =	sadd.s32 s24, s25;
	s25 =	simm.s32 $0x0  }
.LBB2_8:
0x12: {  	_ =	swait.ge [sflag:s20], $0x2800  }
0x13: {  	[sflag:s20] =	ssyncset.done $0x0  }
0x14: {  	[sflag:s20] =	ssyncadd.s32 $0xFFFFD800  }
0x15: {  	_ =	swait.ge [sflag:s21], $0x2800  }
0x16: {  	[sflag:s21] =	ssyncset.done $0x0  }
0x17: {  	[sflag:s21] =	ssyncadd.s32 $0xFFFFD800  }
0x18: {  	_ =	swait.ge [sflag:s22], $0x2800  }
0x19: {  	[sflag:s22] =	ssyncset.done $0x0  }
0x1a: {  	[sflag:s22] =	ssyncadd.s32 $0xFFFFD800  }
0x1b: {  	_ =	swait.ge [sflag:s23], $0x2800  }
0x1c: {  	s25 =	sadd.s32 $0x1, s25;
	[sflag:s23] =	ssyncset.done $0x0  }
0x1d: {  	p0 =	sne.s32 s25, s13;
	[sflag:s23] =	ssyncadd.s32 $0xFFFFD800  }
.Ltmp1:
0x1e: {  	[bflag:$0x0] =	sbarrier.arrive $0xFFFF;
	(pc) =	sbr.rel @!p0 .LBB2_9-.Ltmp1, $4  }
0x1f: {  	[hbm:s24], [sflag:s9] =	dma.local [spmem:s15], $0x2800  }
0x20: {  	_ =	swait.ge [sflag:s16], $0x2800  }
0x21: {  	[sflag:s16] =	ssyncset.done $0x0  }
0x22: {  	[sflag:s16] =	ssyncadd.s32 $0xFFFFD800  }
.LBB2_1:
0x23: {  	[spmem:s15], [sflag:s9] =	dma.local [hbm:s7], $0x2800  }
0x24: {  	_ =	swait.ge [sflag:s16], $0x2800  }
0x25: {  	[sflag:s16] =	ssyncset.done $0x0  }
0x26: {  	[sflag:s16] =	ssyncadd.s32 $0xFFFFD800  }
0x27: {  	[bflag:$0x0] =	sbarrier.arrive $0xFFFF  }
0x28: {  	[tilespmem:s3], [sflag:$0x3] =	stream.linear.gather [hbm4b:s10+s3], $0x80, $0x38;
	[tilespmem:$0x19200] =	vst v63  }
.Ltmp2:
0x29: {  	_ = 	snop;
	(pc) =	sbr.rel .LBB2_2-.Ltmp2, $4  }
0x2a: {  	s0 =	simm.s32 $0x100;
	s31 =	simm.s32 $0x200  }
0x2b: {  	[tilespmem:s0], [sflag:$0x5] =	stream.linear.gather [hbm4b:s11+s3], $0x80, $0x38;
	[tilespmem:$0x19200] =	vst v63  }
0x2c: {  	s26 =	simm.s32 $0x80;
	s28 =	smov.u32 s14;
	s29 =	simm.s32 $0x0  }
0x2d: {  	[tilespmem:s31], [sflag:$0x1] =	stream.linear.gather [hbm4b:s12+s3], $0x2800, $0x38;
	[tilespmem:$0x19200] =	vst v63  }
.LBB2_3:
0x2e: {  	s31 =	simm.s32 $0x1  }
.LBB2_6:
0x2f: {  	s0 =	sand.u32 $0x3C00, s26  }
0x30: {  	s1 =	sand.u32 $0x380, s26;
	s0 =	sadd.s32 s8, s0  }
0x31: {  	s0 =	sor.u32 s1, s0  }
0x32: {  	s17 =	sadd.s32 $0x3, s31;
	s0 =	sshrl.u32 s0, $0x3  }
0x33: {  	s1 =	sshll.u32 s31, $0x7;
	s18 =	sadd.s32 s5, s0;
	s0 =	sadd.s32 s6, s0  }
0x34: {  	[tilespmem:s1], [sflag:s17] =	stream.linear.gather [hbm4b:s18+s3], $0x80, $0x38;
	[tilespmem:$0x19200] =	vst v63  }
0x35: {  	s1 =	sor.u32 $0x100, s1;
	s17 =	sadd.s32 $0x5, s31;
	s18 =	smul.u32 $0xA000, s31  }
0x36: {  	[tilespmem:s1], [sflag:s17] =	stream.linear.gather [hbm4b:s0+s3], $0x80, $0x38;
	[tilespmem:$0x19200] =	vst v63  }
0x37: {  	s17 =	sshrl.u32 s18, $0x2;
	s18 =	sshrl.u32 s28, $0x3  }
0x38: {  	s31 =	sadd.s32 $0x1, s31;
	s0 =	sor.u32 $0x200, s17;
	s1 =	sadd.s32 s4, s18  }
0x39: {  	[tilespmem:s0], [sflag:s31] =	stream.linear.gather [hbm4b:s1+s3], $0x2800, $0x38;
	[tilespmem:$0x19200] =	vst v63  }
.LBB2_7:
0x3a: {  	s0 =	sadd.s32 $0x3, s30  }
0x3b: {  	_ =	swait.ge [sflag:s0], $0x80  }
0x3c: {  	[sflag:s0] =	ssyncset.done $0x0  }
0x3d: {  	s17 =	sadd.s32 $0x5, s30;
	[sflag:s0] =	ssyncadd.s32 $0xFFFFFF80  }
0x3e: {  	_ =	swait.ge [sflag:s17], $0x80  }
0x3f: {  	s18 =	sadd.s32 $0x1, s30;
	s1 =	smul.u32 $0xA000, s30;
	[sflag:s17] =	ssyncset.done $0x0  }
0x40: {  	s31 =	sadd.s32 $0x7, s30;
	s26 =	sadd.s32 $0x80, s26;
	[sflag:s17] =	ssyncadd.s32 $0xFFFFFF80  }
0x41: {  	s28 =	sadd.s32 $0x2800, s28;
	p0 =	sne.s32 s26, $0x1980;
	_ =	swait.ge [sflag:s18], $0x2800  }
.Ltmp3:
0x42: {  	s1 =	sshrl.u32 s1, $0x2;
	[sflag:s18] =	ssyncset.done $0x0;
	(pc) =	sbr.rel @!p0 .LBB2_8-.Ltmp3, $4  }
0x43: {  	s1 =	sor.u32 $0x200, s1;
	s17 =	sshll.u32 s30, $0x7;
	[sflag:s18] =	ssyncadd.s32 $0xFFFFD800  }
0x44: {  	[spmem:s2] =	stream.indirect.scatter.add.f32 [tilespmem:s1], [sflag:s31], $0x80, s17, s19, $0xb8;
	[tilespmem:$0x19200] =	vst v63  }
0x45: {  	s29 =	sadd.s32 $0x1, s29;
	s18 =	sor.u32 $0x100, s17;
	s31 =	sadd.s32 $0x9, s30  }
0x46: {  	[spmem:s2] =	stream.indirect.scatter.add.f32 [tilespmem:s1], [sflag:s31], $0x80, s18, s19, $0xb8;
	[tilespmem:$0x19200] =	vst v63  }
.LBB2_2:
0x47: {  	p0 =	seq.s32 s29, $0x0  }
.Ltmp4:
0x48: {  	_ = 	snop;
	(pc) =	sbr.rel @p0 .LBB2_3-.Ltmp4, $2  }
0x49: {  	_ =	sdelay $0x2  }
0x4a: {  	s30 =	sand.u32 $0x1, s29  }
0x4b: {  	p0 =	seq.s32 s29, $0x31  }
.Ltmp5:
0x4c: {  	_ = 	snop;
	(pc) =	sbr.rel @p0 .LBB2_7-.Ltmp5, $1  }
0x4d: {  	_ =	sdelay $0x3  }
0x4e: {  	s31 =	sxor.u32 $0x1, s30  }
0x4f: {  	s0 =	sadd.s32 $0x7, s31  }
0x50: {  	_ =	swait.ge [sflag:s0], $0x2800  }
.Ltmp6:
0x51: {  	[sflag:s0] =	ssyncset.done $0x0;
	(pc) =	sbr.rel .LBB2_6-.Ltmp6, $4  }
0x52: {  	s18 =	sadd.s32 $0x9, s31;
	[sflag:s0] =	ssyncadd.s32 $0xFFFFD800  }
0x53: {  	_ =	swait.ge [sflag:s18], $0x2800  }
0x54: {  	[sflag:s18] =	ssyncset.done $0x0  }
0x55: {  	[sflag:s18] =	ssyncadd.s32 $0xFFFFD800  }
.LBB2_9:
0x56: {  	_ =	sfence.sel $0x180000  }
0x57: {  	[bflag:$0x0] =	sbarrier.arrive $0xFFFF  }
0x58: {  	_ =	strace $0x90000059  }
0x59: {  	s0 =	stileid.u32;
	[bflag:$0x2] =	sbarrier.arrive $0xFFFF  }
0x5a: {  	p0 =	sne.s32 s0, $0x0;
	s0 =	rddreg [dreg:$0x2]  }
0x5b: {  	s0 =	sadd.s32 @!p0 $0x100000, s0  }
0x5c: {  	[sflag:s0] =	ssyncadd.tile.s32 @!p0 $0x1;
	_ =	shalt  }
.Lfunc_end2:
_tile_overlayer_lowered:
.L_overlay_start_2:
0x5d: {  	(tag) =	ssettag $0x2  }
0x5e: {  	s0 =	rddreg [dreg:$0x0];
	s2 =	stileid.u32  }
0x5f: {  	s1 =	rddreg [dreg:$0x1];
	p0 =	sne.s32 s2, $0x0  }
0x60: {  	s3 =	rddreg [dreg:$0x2];
	[bflag:$0x3] =	sbarrier.arrive $0xFFFF;
	s2 =	simm.s32 @!p0 $0x1C0B  }
0x61: {  	[timem:s3], [sflag:s2] =	dma.local @!p0 [hbm:s0], s1  }
0x62: {  	s0 =	simm.s32 @!p0 $0xB  }
0x63: {  	_ =	swait.ge @!p0 [sflag:s0], s1  }
0x64: {  	s1 =	ssub.s32 @!p0 $0x0, s1;
	[sflag:s0] =	ssyncset.done @!p0 $0x0  }
0x65: {  	[sflag:s0] =	ssyncadd.s32 @!p0 s1  }
0x66: {  	[bflag:$0x3] =	sbarrier.arrive $0xFFFF  }
0x67: {  	_ =	shalt  }

</sc_bundles>
